<compile_context>
chip_gen: v7x
topology: tpu7x:2x2x1
jax: 0.10.2.dev20260603
libtpu: 0.0.44.dev20260713+nightly
codegen_flags: <defaults>
</compile_context>

<pallas_src>
import jax
import jax.numpy as jnp
from jax import lax
from jax.experimental import pallas as pl
from jax.experimental.pallas import tpu as pltpu
from jax.experimental.pallas import tpu_sc as plsc

D_MODEL = 128
N_HEADS = 4
OUT_CH = 128
HC = N_HEADS * OUT_CH
WROW = HC + OUT_CH
ASRC0 = HC + 8

N_NODES = 40000
E_TOT = 680000
N_TILES = 16
E_PAD = 688128
ET = E_PAD // N_TILES
CH = 672
NV = CH // 16
R = 1920
NPASS = 11
STRIPE = R // N_TILES
LROWS = STRIPE + 8
DUMMYL = STRIPE
CBP = 4096
CB2 = 3072
G = 16


def _iota16():
    return lax.iota(jnp.int32, 16)



def _tc_body(x_ref, w_ref, asrc_ref, adst_ref, h_ref, ad_ref):
    hb = jnp.dot(x_ref[...], w_ref[...], preferred_element_type=jnp.float32)
    h_ref[:, :HC] = hb
    h_ref[:, HC:] = jnp.zeros((x_ref.shape[0], WROW - HC), jnp.float32)
    for hh in range(N_HEADS):
        blk = hb[:, hh * OUT_CH:(hh + 1) * OUT_CH]
        h_ref[:, ASRC0 + hh:ASRC0 + hh + 1] = jnp.sum(
            blk * asrc_ref[hh:hh + 1, :], axis=1, keepdims=True)
        ad_ref[:, hh:hh + 1] = jnp.sum(
            blk * adst_ref[hh:hh + 1, :], axis=1, keepdims=True)


def _tc_project(xf, W, att_src, att_dst):
    BM = 512
    grid = (N_NODES + BM - 1) // BM
    return pl.pallas_call(
        _tc_body,
        grid=(grid,),
        in_specs=[
            pl.BlockSpec((BM, D_MODEL), lambda i: (i, 0)),
            pl.BlockSpec((D_MODEL, HC), lambda i: (0, 0)),
            pl.BlockSpec((N_HEADS, OUT_CH), lambda i: (0, 0)),
            pl.BlockSpec((N_HEADS, OUT_CH), lambda i: (0, 0)),
        ],
        out_specs=[
            pl.BlockSpec((BM, WROW), lambda i: (i, 0)),
            pl.BlockSpec((BM, N_HEADS), lambda i: (i, 0)),
        ],
        out_shape=[
            jax.ShapeDtypeStruct((N_NODES, WROW), jnp.float32),
            jax.ShapeDtypeStruct((N_NODES, N_HEADS), jnp.float32),
        ],
    )(xf, W, att_src, att_dst)



def _sc_body(h_hbm, ad_hbm, src_hbm, dst_hbm, bias_hbm, out_hbm,
             sd_src, sd_dst, csrcP, crelP, lbufS, lbufR, csrc2, crel2,
             adch, hr0, hr1, accL, nout, biasb, ssrc, srel, sem0, sem1):
    cid = lax.axis_index("c")
    sid = lax.axis_index("s")
    it = _iota16()
    zero16f = jnp.zeros((16,), jnp.float32)
    zero16i = jnp.zeros((16,), jnp.int32)

    pltpu.sync_copy(bias_hbm, biasb)

    def pass_body(p, _):
        lo = p * (2 * R) + cid * R

        def _zacc(r, _):
            for q in range(WROW // 16):
                accL[r, pl.ds(q * 16, 16)] = zero16f
            return 0
        lax.fori_loop(0, LROWS, _zacc, 0)

        def _pfP(r, _):
            for q in range(128 // 16):
                csrcP[r, pl.ds(q * 16, 16)] = zero16i
                crelP[r, pl.ds(q * 16, 16)] = jnp.full((16,), R, jnp.int32)
            return 0
        lax.fori_loop(0, CBP // 128, _pfP, 0)

        def chunk_body(ci, k):
            eoff = sid * ET + ci * CH
            pltpu.sync_copy(src_hbm.at[pl.ds(eoff, CH)], sd_src)
            pltpu.sync_copy(dst_hbm.at[pl.ds(eoff, CH)], sd_dst)

            def vreg_body(vi, k):
                dv = sd_dst[pl.ds(vi * 16, 16)]
                sv = sd_src[pl.ds(vi * 16, 16)]
                rel = dv - lo
                m = (rel >= 0) & (rel < R)
                mi = m.astype(jnp.int32)
                pos = k + plsc.cumsum(mi) - 1
                m = m & (pos < CBP)
                plsc.store_scatter(csrcP, [pos >> 7, pos & 127], sv, mask=m)
                plsc.store_scatter(crelP, [pos >> 7, pos & 127], rel, mask=m)
                return k + jnp.sum(mi)

            return lax.fori_loop(0, NV, vreg_body, k)

        lax.fori_loop(0, ET // CH, chunk_body, jnp.int32(0))

        pltpu.sync_copy(csrcP, ssrc.at[sid])
        pltpu.sync_copy(crelP, srel.at[sid])
        pltpu.sync_copy(
            ad_hbm.at[pl.ds((lo + sid * STRIPE) * N_HEADS,
                            LROWS * N_HEADS)], adch)
        plsc.subcore_barrier()

        def _pf2(i, _):
            csrc2[pl.ds(i * 16, 16)] = zero16i
            crel2[pl.ds(i * 16, 16)] = jnp.full((16,), DUMMYL, jnp.int32)
            return 0
        lax.fori_loop(0, CB2 // 16, _pf2, 0)

        slo = sid * STRIPE

        def t_body(tp, k2):
            def c_body(c, k2):
                pltpu.sync_copy(ssrc.at[tp, pl.ds(c * 8, 8)], lbufS)
                pltpu.sync_copy(srel.at[tp, pl.ds(c * 8, 8)], lbufR)

                def v_body(v, k2):
                    row = v >> 3
                    colb = (v & 7) * 16
                    relv = lbufR[row, pl.ds(colb, 16)]
                    sv = lbufS[row, pl.ds(colb, 16)]
                    rloc = relv - slo
                    m = (rloc >= 0) & (rloc < STRIPE)
                    mi = m.astype(jnp.int32)
                    pos = k2 + plsc.cumsum(mi) - 1
                    m = m & (pos < CB2)
                    plsc.store_scatter(csrc2, [pos], sv, mask=m)
                    plsc.store_scatter(crel2, [pos], rloc, mask=m)
                    return k2 + jnp.sum(mi)

                return lax.fori_loop(0, 64, v_body, k2)
            return lax.fori_loop(0, CBP // 1024, c_body, k2)

        k2 = lax.fori_loop(0, N_TILES, t_body, jnp.int32(0))
        k2 = jnp.minimum(k2, CB2)

        ng = (k2 + G - 1) // G
        bufs = (hr0, hr1)
        sems = (sem0, sem1)

        def _start(g, buf, sem):
            pltpu.async_copy(h_hbm.at[csrc2.at[pl.ds(g * G, G)]], buf, sem)

        def _process(g, hrows):
            def scale_acc(e, _):
                es = jnp.full((16,), e, jnp.int32)
                rel = plsc.load_gather(crel2, [g * G + es])
                s = plsc.load_gather(hrows, [es, ASRC0 + (it & 3)])
                d = plsc.load_gather(adch, [rel * N_HEADS + (it & 3)])
                a = s + d
                pv = jnp.exp(jnp.maximum(a, 0.2 * a))
                hrows[e, pl.ds(HC, 16)] = pv
                plsc.addupdate_scatter(accL, [rel, HC + it], pv)
                for hh in range(N_HEADS):
                    sp = plsc.load_gather(
                        hrows, [es, jnp.full((16,), HC + hh, jnp.int32)])
                    for q in range(OUT_CH // 16):
                        col = hh * OUT_CH + q * 16
                        v = hrows[e, pl.ds(col, 16)] * sp
                        plsc.addupdate_scatter(accL, [rel, col + it], v)
                return 0
            lax.fori_loop(0, G, scale_acc, 0)

        for b in range(2):
            @pl.when(b < ng)
            def _(b=b):
                _start(b, bufs[b], sems[b])

        def gp_body(gp, _):
            for b in range(2):
                g = gp * 2 + b

                @pl.when(g < ng)
                def _(g=g, b=b):
                    pltpu.make_async_copy(
                        h_hbm.at[csrc2.at[pl.ds(g * G, G)]],
                        bufs[b], sems[b]).wait()
                    _process(g, bufs[b])

                    @pl.when(g + 2 < ng)
                    def _():
                        _start(g + 2, bufs[b], sems[b])
            return 0
        lax.fori_loop(0, (ng + 1) // 2, gp_body, 0)

        def norm_body(t, _):
            base = lo + slo + t * 8

            @pl.when(base < N_NODES)
            def _():
                def row_body(j, _):
                    jr = t * 8 + j
                    js = jnp.full((16,), jr, jnp.int32)
                    sp = []
                    for hh in range(N_HEADS):
                        denom = plsc.load_gather(
                            accL, [js, jnp.full((16,), HC + hh, jnp.int32)])
                        sp.append(1.0 / (denom + 1e-16))
                    for q in range(OUT_CH // 16):
                        acc_v = accL[jr, pl.ds(q * 16, 16)] * sp[0]
                        for hh in range(1, N_HEADS):
                            acc_v = acc_v + (
                                accL[jr, pl.ds(hh * OUT_CH + q * 16, 16)]
                                * sp[hh])
                        nout[j, pl.ds(q * 16, 16)] = (
                            acc_v * 0.25 + biasb[pl.ds(q * 16, 16)])
                    return 0
                lax.fori_loop(0, 8, row_body, 0)

                pltpu.sync_copy(nout, out_hbm.at[pl.ds(base, 8)])
            return 0
        lax.fori_loop(0, STRIPE // 8, norm_body, 0)
        plsc.subcore_barrier()
        return 0

    lax.fori_loop(0, NPASS, pass_body, 0)


def _sc_aggregate(h, ad, src, dst, bias):
    mesh = plsc.VectorSubcoreMesh(core_axis_name="c", subcore_axis_name="s")
    f32 = jnp.float32
    i32 = jnp.int32
    kern = pl.kernel(
        _sc_body,
        out_type=jax.ShapeDtypeStruct((N_NODES, OUT_CH), f32),
        mesh=mesh,
        compiler_params=pltpu.CompilerParams(needs_layout_passes=False),
        scratch_types=[
            pltpu.VMEM((CH,), i32),
            pltpu.VMEM((CH,), i32),
            pltpu.VMEM((CBP // 128, 128), i32),
            pltpu.VMEM((CBP // 128, 128), i32),
            pltpu.VMEM((8, 128), i32),
            pltpu.VMEM((8, 128), i32),
            pltpu.VMEM((CB2,), i32),
            pltpu.VMEM((CB2,), i32),
            pltpu.VMEM((LROWS * N_HEADS,), f32),
            pltpu.VMEM((G, WROW), f32),
            pltpu.VMEM((G, WROW), f32),
            pltpu.VMEM((LROWS, WROW), f32),
            pltpu.VMEM((8, OUT_CH), f32),
            pltpu.VMEM((OUT_CH,), f32),
            pltpu.VMEM_SHARED((N_TILES, CBP // 128, 128), i32),
            pltpu.VMEM_SHARED((N_TILES, CBP // 128, 128), i32),
            pltpu.SemaphoreType.DMA,
            pltpu.SemaphoreType.DMA,
        ],
    )
    return kern(h, ad, src, dst, bias)



def kernel(x, edge_index, W, att_src, att_dst, bias):
    b, s, n, f = x.shape
    xf = x.reshape(b * s * n, f)

    ei = edge_index.astype(jnp.int32)
    offs = jnp.arange(b * s, dtype=jnp.int32) * n
    src_r = (ei[0][None, :] + offs[:, None]).reshape(-1)
    dst_r = (ei[1][None, :] + offs[:, None]).reshape(-1)
    loop = jnp.arange(N_NODES, dtype=jnp.int32)
    pad = E_PAD - E_TOT
    src_all = jnp.concatenate(
        [src_r, loop, jnp.zeros((pad,), jnp.int32)])
    dst_all = jnp.concatenate(
        [dst_r, loop, jnp.full((pad,), jnp.int32(1 << 20))])
    src_all = src_all.reshape(ET, N_TILES).T.reshape(-1)
    dst_all = dst_all.reshape(ET, N_TILES).T.reshape(-1)

    h, ad = _tc_project(xf, W, att_src, att_dst)
    ad1 = jnp.pad(ad.reshape(-1),
                  (0, (NPASS * 2 * R + LROWS - N_NODES) * N_HEADS))
    out = _sc_aggregate(h, ad1, src_all, dst_all, bias)
    return out.reshape(b, s, n, OUT_CH)

# --- scband reference (transcript-rebuilt; emitter-appended) ---
"""Pipeline reference for scband-gatlayer-90915867722295 (READ-ONLY COPY).

The authoritative reference and input builder live on the scoring server;
editing this copy changes nothing except your own understanding.
"""

import jax, jax.numpy as jnp
import numpy as np

D_MODEL = 128
N_HEADS = 4
OUT_CH = 128  # out_channels = d_model, concat=False -> mean over heads


def setup_inputs(seed: int = 0) -> dict:
    key = jax.random.key(seed)
    k1, k2, k3, k4, k5, k6 = jax.random.split(key, 6)
    b, s, n = 2, 2, 10000
    E = 160000
    x = jax.random.normal(k1, (b, s, n, D_MODEL), dtype=jnp.float32)
    edge_index = jax.random.randint(k2, (2, E), 0, n, dtype=jnp.int64)
    # GATConv params: lin (no bias), att_src, att_dst, bias (concat=False -> size out_channels)
    glorot = 1.0 / np.sqrt(D_MODEL)
    W = jax.random.uniform(k3, (D_MODEL, N_HEADS * OUT_CH), dtype=jnp.float32, minval=-glorot, maxval=glorot)
    ga = 1.0 / np.sqrt(OUT_CH)
    att_src = jax.random.uniform(k4, (N_HEADS, OUT_CH), dtype=jnp.float32, minval=-ga, maxval=ga)
    att_dst = jax.random.uniform(k5, (N_HEADS, OUT_CH), dtype=jnp.float32, minval=-ga, maxval=ga)
    bias = jnp.zeros((OUT_CH,), dtype=jnp.float32)
    return {"x": x, "edge_index": edge_index, "W": W, "att_src": att_src, "att_dst": att_dst, "bias": bias}


def _gat_forward(x, edge_index, W, att_src, att_dst, bias):
    b, s, n, f = x.shape
    rep = b * s
    N = rep * n
    xf = x.reshape(N, f)
    # Batch.from_data_list: replicate edge_index with node offsets
    E = edge_index.shape[1]
    offsets = (jnp.arange(rep, dtype=edge_index.dtype) * n)
    ei = edge_index[None, :, :] + offsets[:, None, None]  # [rep, 2, E]
    ei = jnp.transpose(ei, (1, 0, 2)).reshape(2, rep * E)
    # GATConv adds self-loops by default
    loop = jnp.arange(N, dtype=edge_index.dtype)
    src = jnp.concatenate([ei[0], loop])
    dst = jnp.concatenate([ei[1], loop])
    H, C = att_src.shape
    h = (xf @ W).reshape(N, H, C)
    a_src = (h * att_src[None, :, :]).sum(-1)  # [N, H]
    a_dst = (h * att_dst[None, :, :]).sum(-1)  # [N, H]
    alpha = a_src[src] + a_dst[dst]  # [Etot, H]
    alpha = jax.nn.leaky_relu(alpha, negative_slope=0.2)
    # segment softmax over destination nodes (per head)
    amax = jax.ops.segment_max(alpha, dst, num_segments=N)
    alpha = jnp.exp(alpha - amax[dst])
    asum = jax.ops.segment_sum(alpha, dst, num_segments=N)
    alpha = alpha / (asum[dst] + 1e-16)
    # dropout on alpha is identity in eval mode
    msg = h[src] * alpha[:, :, None]
    out = jax.ops.segment_sum(msg, dst, num_segments=N)  # [N, H, C]
    out = out.mean(axis=1) + bias  # concat=False -> mean over heads, then bias
    return out.reshape(b, s, n, C)


def reference(x, edge_index, W, att_src, att_dst, bias):
    return _gat_forward(x, edge_index, W, att_src, att_dst, bias)

if __name__ == "__main__":
    import jax
    _d = setup_inputs()
    print(jax.jit(kernel)(*tuple(_d.values())))

</pallas_src>

<mosaic_0001>
#map = affine_map<(d0, d1) -> (0, 0)>
#map1 = affine_map<(d0, d1) -> (0)>
module attributes {stable_mosaic.version = 14 : i64} {
  func.func @_sc_body(%arg0: i32, %arg1: i32, %arg2: memref<40000x640xf32, #tpu.memory_space<hbm>>, %arg3: memref<169472xf32, #tpu.memory_space<hbm>>, %arg4: memref<688128xi32, #tpu.memory_space<hbm>>, %arg5: memref<688128xi32, #tpu.memory_space<hbm>>, %arg6: memref<128xf32, #tpu.memory_space<hbm>>, %arg7: memref<40000x128xf32, #tpu.memory_space<hbm>>, %arg8: memref<672xi32, #tpu.memory_space<vmem>>, %arg9: memref<672xi32, #tpu.memory_space<vmem>>, %arg10: memref<32x128xi32, #tpu.memory_space<vmem>>, %arg11: memref<32x128xi32, #tpu.memory_space<vmem>>, %arg12: memref<8x128xi32, #tpu.memory_space<vmem>>, %arg13: memref<8x128xi32, #tpu.memory_space<vmem>>, %arg14: memref<3072xi32, #tpu.memory_space<vmem>>, %arg15: memref<3072xi32, #tpu.memory_space<vmem>>, %arg16: memref<512xf32, #tpu.memory_space<vmem>>, %arg17: memref<16x640xf32, #tpu.memory_space<vmem>>, %arg18: memref<16x640xf32, #tpu.memory_space<vmem>>, %arg19: memref<128x640xf32, #tpu.memory_space<vmem>>, %arg20: memref<8x128xf32, #tpu.memory_space<vmem>>, %arg21: memref<128xf32, #tpu.memory_space<vmem>>, %arg22: memref<16x32x128xi32, #tpu.memory_space<vmem_shared>>, %arg23: memref<16x32x128xi32, #tpu.memory_space<vmem_shared>>, %arg24: memref<!tpu.dma_semaphore, #tpu.memory_space<semaphore_mem>>, %arg25: memref<!tpu.dma_semaphore, #tpu.memory_space<semaphore_mem>>) attributes {dimension_semantics = [#tpu.dimension_semantics<core_parallel>, #tpu.dimension_semantics<subcore_parallel>], iteration_bounds = array<i64: 2, 16>, scalar_prefetch = 0 : i64, scratch_operands = 18 : i64, tpu.core_type = #tpu.core_type<sc_vector_subcore>, window_params = [{transform_indices = #map}, {transform_indices = #map1}, {transform_indices = #map1}, {transform_indices = #map1}, {transform_indices = #map1}, {transform_indices = #map}]} {
    %iota3A = tpu.iota {dimensions = array<i32: 0>} : vector<16xi32>
    %broadcast_in_dim3A = arith.constant 0.000000e+00 : f32
    %broadcast_in_dim3A_0 = vector.broadcast %broadcast_in_dim3A : f32 to vector<16xf32>
    %broadcast_in_dim3A_1 = arith.constant 0 : i32
    %broadcast_in_dim3A_2 = vector.broadcast %broadcast_in_dim3A_1 : i32 to vector<16xi32>
    "tpu.region"() ({
      %run_scoped3A = tpu.sem_alloc : memref<!tpu.dma_semaphore, #tpu.memory_space<semaphore_mem>>
      tpu.enqueue_dma source(%arg6 : memref<128xf32, #tpu.memory_space<hbm>>) target(%arg21 : memref<128xf32, #tpu.memory_space<vmem>>) target_semaphore(%run_scoped3A : memref<!tpu.dma_semaphore, #tpu.memory_space<semaphore_mem>>)
      tpu.wait_dma2 semaphore(%run_scoped3A : memref<!tpu.dma_semaphore, #tpu.memory_space<semaphore_mem>>) src(%arg6 : memref<128xf32, #tpu.memory_space<hbm>>) dst(%arg21 : memref<128xf32, #tpu.memory_space<vmem>>)
      tpu.yield
    }) : () -> ()
    %scan3A = arith.constant 0 : i32
    %scan3A_3 = arith.constant 0 : i32
    %scan3A_4 = arith.constant 11 : i32
    %scan3A_5 = arith.addi %scan3A_3, %scan3A_4 : i32
    %scan3A_6 = arith.constant 1 : i32
    %scan3A_7 = scf.for %scan3A_9 = %scan3A_3 to %scan3A_5 step %scan3A_6 iter_args(%scan3A_10 = %scan3A) -> (i32)  : i32 {
      %mul3A = arith.constant 3840 : i32
      %mul3A_11 = arith.muli %scan3A_9, %mul3A : i32
      %mul3A_12 = arith.constant 1920 : i32
      %mul3A_13 = arith.muli %arg0, %mul3A_12 : i32
      %add3A = arith.addi %mul3A_11, %mul3A_13 : i32
      %scan3A_14 = arith.constant 0 : i32
      %scan3A_15 = arith.constant 0 : i32
      %scan3A_16 = arith.constant 128 : i32
      %scan3A_17 = arith.addi %scan3A_15, %scan3A_16 : i32
      %scan3A_18 = arith.constant 1 : i32
      %scan3A_19 = scf.for %scan3A_130 = %scan3A_15 to %scan3A_17 step %scan3A_18 iter_args(%scan3A_131 = %scan3A_14) -> (i32)  : i32 {
        %swap3A = arith.index_cast %scan3A_130 : i32 to index
        %swap3A_132 = arith.constant 0 : index
        %swap3A_133 = tpu.vector_load %arg19[%swap3A, %swap3A_132] {strides = array<i32>} : memref<128x640xf32, #tpu.memory_space<vmem>>, vector<16xf32>,
        tpu.vector_store %arg19[%swap3A, %swap3A_132], %broadcast_in_dim3A_0 {strides = array<i32>} : memref<128x640xf32, #tpu.memory_space<vmem>>, vector<16xf32>,
        %swap3A_134 = arith.index_cast %scan3A_130 : i32 to index
        %swap3A_135 = arith.constant 16 : index
        %swap3A_136 = tpu.vector_load %arg19[%swap3A_134, %swap3A_135] {strides = array<i32>} : memref<128x640xf32, #tpu.memory_space<vmem>>, vector<16xf32>,
        tpu.vector_store %arg19[%swap3A_134, %swap3A_135], %broadcast_in_dim3A_0 {strides = array<i32>} : memref<128x640xf32, #tpu.memory_space<vmem>>, vector<16xf32>,
        %swap3A_137 = arith.index_cast %scan3A_130 : i32 to index
        %swap3A_138 = arith.constant 32 : index
        %swap3A_139 = tpu.vector_load %arg19[%swap3A_137, %swap3A_138] {strides = array<i32>} : memref<128x640xf32, #tpu.memory_space<vmem>>, vector<16xf32>,
        tpu.vector_store %arg19[%swap3A_137, %swap3A_138], %broadcast_in_dim3A_0 {strides = array<i32>} : memref<128x640xf32, #tpu.memory_space<vmem>>, vector<16xf32>,
        %swap3A_140 = arith.index_cast %scan3A_130 : i32 to index
        %swap3A_141 = arith.constant 48 : index
        %swap3A_142 = tpu.vector_load %arg19[%swap3A_140, %swap3A_141] {strides = array<i32>} : memref<128x640xf32, #tpu.memory_space<vmem>>, vector<16xf32>,
        tpu.vector_store %arg19[%swap3A_140, %swap3A_141], %broadcast_in_dim3A_0 {strides = array<i32>} : memref<128x640xf32, #tpu.memory_space<vmem>>, vector<16xf32>,
        %swap3A_143 = arith.index_cast %scan3A_130 : i32 to index
        %swap3A_144 = arith.constant 64 : index
        %swap3A_145 = tpu.vector_load %arg19[%swap3A_143, %swap3A_144] {strides = array<i32>} : memref<128x640xf32, #tpu.memory_space<vmem>>, vector<16xf32>,
        tpu.vector_store %arg19[%swap3A_143, %swap3A_144], %broadcast_in_dim3A_0 {strides = array<i32>} : memref<128x640xf32, #tpu.memory_space<vmem>>, vector<16xf32>,
        %swap3A_146 = arith.index_cast %scan3A_130 : i32 to index
        %swap3A_147 = arith.constant 80 : index
        %swap3A_148 = tpu.vector_load %arg19[%swap3A_146, %swap3A_147] {strides = array<i32>} : memref<128x640xf32, #tpu.memory_space<vmem>>, vector<16xf32>,
        tpu.vector_store %arg19[%swap3A_146, %swap3A_147], %broadcast_in_dim3A_0 {strides = array<i32>} : memref<128x640xf32, #tpu.memory_space<vmem>>, vector<16xf32>,
        %swap3A_149 = arith.index_cast %scan3A_130 : i32 to index
        %swap3A_150 = arith.constant 96 : index
        %swap3A_151 = tpu.vector_load %arg19[%swap3A_149, %swap3A_150] {strides = array<i32>} : memref<128x640xf32, #tpu.memory_space<vmem>>, vector<16xf32>,
        tpu.vector_store %arg19[%swap3A_149, %swap3A_150], %broadcast_in_dim3A_0 {strides = array<i32>} : memref<128x640xf32, #tpu.memory_space<vmem>>, vector<16xf32>,
        %swap3A_152 = arith.index_cast %scan3A_130 : i32 to index
        %swap3A_153 = arith.constant 112 : index
        %swap3A_154 = tpu.vector_load %arg19[%swap3A_152, %swap3A_153] {strides = array<i32>} : memref<128x640xf32, #tpu.memory_space<vmem>>, vector<16xf32>,
        tpu.vector_store %arg19[%swap3A_152, %swap3A_153], %broadcast_in_dim3A_0 {strides = array<i32>} : memref<128x640xf32, #tpu.memory_space<vmem>>, vector<16xf32>,
        %swap3A_155 = arith.index_cast %scan3A_130 : i32 to index
        %swap3A_156 = arith.constant 128 : index
        %swap3A_157 = tpu.vector_load %arg19[%swap3A_155, %swap3A_156] {strides = array<i32>} : memref<128x640xf32, #tpu.memory_space<vmem>>, vector<16xf32>,
        tpu.vector_store %arg19[%swap3A_155, %swap3A_156], %broadcast_in_dim3A_0 {strides = array<i32>} : memref<128x640xf32, #tpu.memory_space<vmem>>, vector<16xf32>,
        %swap3A_158 = arith.index_cast %scan3A_130 : i32 to index
        %swap3A_159 = arith.constant 144 : index
        %swap3A_160 = tpu.vector_load %arg19[%swap3A_158, %swap3A_159] {strides = array<i32>} : memref<128x640xf32, #tpu.memory_space<vmem>>, vector<16xf32>,
        tpu.vector_store %arg19[%swap3A_158, %swap3A_159], %broadcast_in_dim3A_0 {strides = array<i32>} : memref<128x640xf32, #tpu.memory_space<vmem>>, vector<16xf32>,
        %swap3A_161 = arith.index_cast %scan3A_130 : i32 to index
        %swap3A_162 = arith.constant 160 : index
        %swap3A_163 = tpu.vector_load %arg19[%swap3A_161, %swap3A_162] {strides = array<i32>} : memref<128x640xf32, #tpu.memory_space<vmem>>, vector<16xf32>,
        tpu.vector_store %arg19[%swap3A_161, %swap3A_162], %broadcast_in_dim3A_0 {strides = array<i32>} : memref<128x640xf32, #tpu.memory_space<vmem>>, vector<16xf32>,
        %swap3A_164 = arith.index_cast %scan3A_130 : i32 to index
        %swap3A_165 = arith.constant 176 : index
        %swap3A_166 = tpu.vector_load %arg19[%swap3A_164, %swap3A_165] {strides = array<i32>} : memref<128x640xf32, #tpu.memory_space<vmem>>, vector<16xf32>,
        tpu.vector_store %arg19[%swap3A_164, %swap3A_165], %broadcast_in_dim3A_0 {strides = array<i32>} : memref<128x640xf32, #tpu.memory_space<vmem>>, vector<16xf32>,
        %swap3A_167 = arith.index_cast %scan3A_130 : i32 to index
        %swap3A_168 = arith.constant 192 : index
        %swap3A_169 = tpu.vector_load %arg19[%swap3A_167, %swap3A_168] {strides = array<i32>} : memref<128x640xf32, #tpu.memory_space<vmem>>, vector<16xf32>,
        tpu.vector_store %arg19[%swap3A_167, %swap3A_168], %broadcast_in_dim3A_0 {strides = array<i32>} : memref<128x640xf32, #tpu.memory_space<vmem>>, vector<16xf32>,
        %swap3A_170 = arith.index_cast %scan3A_130 : i32 to index
        %swap3A_171 = arith.constant 208 : index
        %swap3A_172 = tpu.vector_load %arg19[%swap3A_170, %swap3A_171] {strides = array<i32>} : memref<128x640xf32, #tpu.memory_space<vmem>>, vector<16xf32>,
        tpu.vector_store %arg19[%swap3A_170, %swap3A_171], %broadcast_in_dim3A_0 {strides = array<i32>} : memref<128x640xf32, #tpu.memory_space<vmem>>, vector<16xf32>,
        %swap3A_173 = arith.index_cast %scan3A_130 : i32 to index
        %swap3A_174 = arith.constant 224 : index
        %swap3A_175 = tpu.vector_load %arg19[%swap3A_173, %swap3A_174] {strides = array<i32>} : memref<128x640xf32, #tpu.memory_space<vmem>>, vector<16xf32>,
        tpu.vector_store %arg19[%swap3A_173, %swap3A_174], %broadcast_in_dim3A_0 {strides = array<i32>} : memref<128x640xf32, #tpu.memory_space<vmem>>, vector<16xf32>,
        %swap3A_176 = arith.index_cast %scan3A_130 : i32 to index
        %swap3A_177 = arith.constant 240 : index
        %swap3A_178 = tpu.vector_load %arg19[%swap3A_176, %swap3A_177] {strides = array<i32>} : memref<128x640xf32, #tpu.memory_space<vmem>>, vector<16xf32>,
        tpu.vector_store %arg19[%swap3A_176, %swap3A_177], %broadcast_in_dim3A_0 {strides = array<i32>} : memref<128x640xf32, #tpu.memory_space<vmem>>, vector<16xf32>,
        %swap3A_179 = arith.index_cast %scan3A_130 : i32 to index
        %swap3A_180 = arith.constant 256 : index
        %swap3A_181 = tpu.vector_load %arg19[%swap3A_179, %swap3A_180] {strides = array<i32>} : memref<128x640xf32, #tpu.memory_space<vmem>>, vector<16xf32>,
        tpu.vector_store %arg19[%swap3A_179, %swap3A_180], %broadcast_in_dim3A_0 {strides = array<i32>} : memref<128x640xf32, #tpu.memory_space<vmem>>, vector<16xf32>,
        %swap3A_182 = arith.index_cast %scan3A_130 : i32 to index
        %swap3A_183 = arith.constant 272 : index
        %swap3A_184 = tpu.vector_load %arg19[%swap3A_182, %swap3A_183] {strides = array<i32>} : memref<128x640xf32, #tpu.memory_space<vmem>>, vector<16xf32>,
        tpu.vector_store %arg19[%swap3A_182, %swap3A_183], %broadcast_in_dim3A_0 {strides = array<i32>} : memref<128x640xf32, #tpu.memory_space<vmem>>, vector<16xf32>,
        %swap3A_185 = arith.index_cast %scan3A_130 : i32 to index
        %swap3A_186 = arith.constant 288 : index
        %swap3A_187 = tpu.vector_load %arg19[%swap3A_185, %swap3A_186] {strides = array<i32>} : memref<128x640xf32, #tpu.memory_space<vmem>>, vector<16xf32>,
        tpu.vector_store %arg19[%swap3A_185, %swap3A_186], %broadcast_in_dim3A_0 {strides = array<i32>} : memref<128x640xf32, #tpu.memory_space<vmem>>, vector<16xf32>,
        %swap3A_188 = arith.index_cast %scan3A_130 : i32 to index
        %swap3A_189 = arith.constant 304 : index
        %swap3A_190 = tpu.vector_load %arg19[%swap3A_188, %swap3A_189] {strides = array<i32>} : memref<128x640xf32, #tpu.memory_space<vmem>>, vector<16xf32>,
        tpu.vector_store %arg19[%swap3A_188, %swap3A_189], %broadcast_in_dim3A_0 {strides = array<i32>} : memref<128x640xf32, #tpu.memory_space<vmem>>, vector<16xf32>,
        %swap3A_191 = arith.index_cast %scan3A_130 : i32 to index
        %swap3A_192 = arith.constant 320 : index
        %swap3A_193 = tpu.vector_load %arg19[%swap3A_191, %swap3A_192] {strides = array<i32>} : memref<128x640xf32, #tpu.memory_space<vmem>>, vector<16xf32>,
        tpu.vector_store %arg19[%swap3A_191, %swap3A_192], %broadcast_in_dim3A_0 {strides = array<i32>} : memref<128x640xf32, #tpu.memory_space<vmem>>, vector<16xf32>,
        %swap3A_194 = arith.index_cast %scan3A_130 : i32 to index
        %swap3A_195 = arith.constant 336 : index
        %swap3A_196 = tpu.vector_load %arg19[%swap3A_194, %swap3A_195] {strides = array<i32>} : memref<128x640xf32, #tpu.memory_space<vmem>>, vector<16xf32>,
        tpu.vector_store %arg19[%swap3A_194, %swap3A_195], %broadcast_in_dim3A_0 {strides = array<i32>} : memref<128x640xf32, #tpu.memory_space<vmem>>, vector<16xf32>,
        %swap3A_197 = arith.index_cast %scan3A_130 : i32 to index
        %swap3A_198 = arith.constant 352 : index
        %swap3A_199 = tpu.vector_load %arg19[%swap3A_197, %swap3A_198] {strides = array<i32>} : memref<128x640xf32, #tpu.memory_space<vmem>>, vector<16xf32>,
        tpu.vector_store %arg19[%swap3A_197, %swap3A_198], %broadcast_in_dim3A_0 {strides = array<i32>} : memref<128x640xf32, #tpu.memory_space<vmem>>, vector<16xf32>,
        %swap3A_200 = arith.index_cast %scan3A_130 : i32 to index
        %swap3A_201 = arith.constant 368 : index
        %swap3A_202 = tpu.vector_load %arg19[%swap3A_200, %swap3A_201] {strides = array<i32>} : memref<128x640xf32, #tpu.memory_space<vmem>>, vector<16xf32>,
        tpu.vector_store %arg19[%swap3A_200, %swap3A_201], %broadcast_in_dim3A_0 {strides = array<i32>} : memref<128x640xf32, #tpu.memory_space<vmem>>, vector<16xf32>,
        %swap3A_203 = arith.index_cast %scan3A_130 : i32 to index
        %swap3A_204 = arith.constant 384 : index
        %swap3A_205 = tpu.vector_load %arg19[%swap3A_203, %swap3A_204] {strides = array<i32>} : memref<128x640xf32, #tpu.memory_space<vmem>>, vector<16xf32>,
        tpu.vector_store %arg19[%swap3A_203, %swap3A_204], %broadcast_in_dim3A_0 {strides = array<i32>} : memref<128x640xf32, #tpu.memory_space<vmem>>, vector<16xf32>,
        %swap3A_206 = arith.index_cast %scan3A_130 : i32 to index
        %swap3A_207 = arith.constant 400 : index
        %swap3A_208 = tpu.vector_load %arg19[%swap3A_206, %swap3A_207] {strides = array<i32>} : memref<128x640xf32, #tpu.memory_space<vmem>>, vector<16xf32>,
        tpu.vector_store %arg19[%swap3A_206, %swap3A_207], %broadcast_in_dim3A_0 {strides = array<i32>} : memref<128x640xf32, #tpu.memory_space<vmem>>, vector<16xf32>,
        %swap3A_209 = arith.index_cast %scan3A_130 : i32 to index
        %swap3A_210 = arith.constant 416 : index
        %swap3A_211 = tpu.vector_load %arg19[%swap3A_209, %swap3A_210] {strides = array<i32>} : memref<128x640xf32, #tpu.memory_space<vmem>>, vector<16xf32>,
        tpu.vector_store %arg19[%swap3A_209, %swap3A_210], %broadcast_in_dim3A_0 {strides = array<i32>} : memref<128x640xf32, #tpu.memory_space<vmem>>, vector<16xf32>,
        %swap3A_212 = arith.index_cast %scan3A_130 : i32 to index
        %swap3A_213 = arith.constant 432 : index
        %swap3A_214 = tpu.vector_load %arg19[%swap3A_212, %swap3A_213] {strides = array<i32>} : memref<128x640xf32, #tpu.memory_space<vmem>>, vector<16xf32>,
        tpu.vector_store %arg19[%swap3A_212, %swap3A_213], %broadcast_in_dim3A_0 {strides = array<i32>} : memref<128x640xf32, #tpu.memory_space<vmem>>, vector<16xf32>,
        %swap3A_215 = arith.index_cast %scan3A_130 : i32 to index
        %swap3A_216 = arith.constant 448 : index
        %swap3A_217 = tpu.vector_load %arg19[%swap3A_215, %swap3A_216] {strides = array<i32>} : memref<128x640xf32, #tpu.memory_space<vmem>>, vector<16xf32>,
        tpu.vector_store %arg19[%swap3A_215, %swap3A_216], %broadcast_in_dim3A_0 {strides = array<i32>} : memref<128x640xf32, #tpu.memory_space<vmem>>, vector<16xf32>,
        %swap3A_218 = arith.index_cast %scan3A_130 : i32 to index
        %swap3A_219 = arith.constant 464 : index
        %swap3A_220 = tpu.vector_load %arg19[%swap3A_218, %swap3A_219] {strides = array<i32>} : memref<128x640xf32, #tpu.memory_space<vmem>>, vector<16xf32>,
        tpu.vector_store %arg19[%swap3A_218, %swap3A_219], %broadcast_in_dim3A_0 {strides = array<i32>} : memref<128x640xf32, #tpu.memory_space<vmem>>, vector<16xf32>,
        %swap3A_221 = arith.index_cast %scan3A_130 : i32 to index
        %swap3A_222 = arith.constant 480 : index
        %swap3A_223 = tpu.vector_load %arg19[%swap3A_221, %swap3A_222] {strides = array<i32>} : memref<128x640xf32, #tpu.memory_space<vmem>>, vector<16xf32>,
        tpu.vector_store %arg19[%swap3A_221, %swap3A_222], %broadcast_in_dim3A_0 {strides = array<i32>} : memref<128x640xf32, #tpu.memory_space<vmem>>, vector<16xf32>,
        %swap3A_224 = arith.index_cast %scan3A_130 : i32 to index
        %swap3A_225 = arith.constant 496 : index
        %swap3A_226 = tpu.vector_load %arg19[%swap3A_224, %swap3A_225] {strides = array<i32>} : memref<128x640xf32, #tpu.memory_space<vmem>>, vector<16xf32>,
        tpu.vector_store %arg19[%swap3A_224, %swap3A_225], %broadcast_in_dim3A_0 {strides = array<i32>} : memref<128x640xf32, #tpu.memory_space<vmem>>, vector<16xf32>,
        %swap3A_227 = arith.index_cast %scan3A_130 : i32 to index
        %swap3A_228 = arith.constant 512 : index
        %swap3A_229 = tpu.vector_load %arg19[%swap3A_227, %swap3A_228] {strides = array<i32>} : memref<128x640xf32, #tpu.memory_space<vmem>>, vector<16xf32>,
        tpu.vector_store %arg19[%swap3A_227, %swap3A_228], %broadcast_in_dim3A_0 {strides = array<i32>} : memref<128x640xf32, #tpu.memory_space<vmem>>, vector<16xf32>,
        %swap3A_230 = arith.index_cast %scan3A_130 : i32 to index
        %swap3A_231 = arith.constant 528 : index
        %swap3A_232 = tpu.vector_load %arg19[%swap3A_230, %swap3A_231] {strides = array<i32>} : memref<128x640xf32, #tpu.memory_space<vmem>>, vector<16xf32>,
        tpu.vector_store %arg19[%swap3A_230, %swap3A_231], %broadcast_in_dim3A_0 {strides = array<i32>} : memref<128x640xf32, #tpu.memory_space<vmem>>, vector<16xf32>,
        %swap3A_233 = arith.index_cast %scan3A_130 : i32 to index
        %swap3A_234 = arith.constant 544 : index
        %swap3A_235 = tpu.vector_load %arg19[%swap3A_233, %swap3A_234] {strides = array<i32>} : memref<128x640xf32, #tpu.memory_space<vmem>>, vector<16xf32>,
        tpu.vector_store %arg19[%swap3A_233, %swap3A_234], %broadcast_in_dim3A_0 {strides = array<i32>} : memref<128x640xf32, #tpu.memory_space<vmem>>, vector<16xf32>,
        %swap3A_236 = arith.index_cast %scan3A_130 : i32 to index
        %swap3A_237 = arith.constant 560 : index
        %swap3A_238 = tpu.vector_load %arg19[%swap3A_236, %swap3A_237] {strides = array<i32>} : memref<128x640xf32, #tpu.memory_space<vmem>>, vector<16xf32>,
        tpu.vector_store %arg19[%swap3A_236, %swap3A_237], %broadcast_in_dim3A_0 {strides = array<i32>} : memref<128x640xf32, #tpu.memory_space<vmem>>, vector<16xf32>,
        %swap3A_239 = arith.index_cast %scan3A_130 : i32 to index
        %swap3A_240 = arith.constant 576 : index
        %swap3A_241 = tpu.vector_load %arg19[%swap3A_239, %swap3A_240] {strides = array<i32>} : memref<128x640xf32, #tpu.memory_space<vmem>>, vector<16xf32>,
        tpu.vector_store %arg19[%swap3A_239, %swap3A_240], %broadcast_in_dim3A_0 {strides = array<i32>} : memref<128x640xf32, #tpu.memory_space<vmem>>, vector<16xf32>,
        %swap3A_242 = arith.index_cast %scan3A_130 : i32 to index
        %swap3A_243 = arith.constant 592 : index
        %swap3A_244 = tpu.vector_load %arg19[%swap3A_242, %swap3A_243] {strides = array<i32>} : memref<128x640xf32, #tpu.memory_space<vmem>>, vector<16xf32>,
        tpu.vector_store %arg19[%swap3A_242, %swap3A_243], %broadcast_in_dim3A_0 {strides = array<i32>} : memref<128x640xf32, #tpu.memory_space<vmem>>, vector<16xf32>,
        %swap3A_245 = arith.index_cast %scan3A_130 : i32 to index
        %swap3A_246 = arith.constant 608 : index
        %swap3A_247 = tpu.vector_load %arg19[%swap3A_245, %swap3A_246] {strides = array<i32>} : memref<128x640xf32, #tpu.memory_space<vmem>>, vector<16xf32>,
        tpu.vector_store %arg19[%swap3A_245, %swap3A_246], %broadcast_in_dim3A_0 {strides = array<i32>} : memref<128x640xf32, #tpu.memory_space<vmem>>, vector<16xf32>,
        %swap3A_248 = arith.index_cast %scan3A_130 : i32 to index
        %swap3A_249 = arith.constant 624 : index
        %swap3A_250 = tpu.vector_load %arg19[%swap3A_248, %swap3A_249] {strides = array<i32>} : memref<128x640xf32, #tpu.memory_space<vmem>>, vector<16xf32>,
        tpu.vector_store %arg19[%swap3A_248, %swap3A_249], %broadcast_in_dim3A_0 {strides = array<i32>} : memref<128x640xf32, #tpu.memory_space<vmem>>, vector<16xf32>,
        %scan3A_251 = arith.constant 0 : i32
        scf.yield %scan3A_251 : i32
      }
      %scan3A_20 = arith.constant 128 : i32
      %scan3A_21 = arith.constant 0 : i32
      %scan3A_22 = arith.constant 0 : i32
      %scan3A_23 = arith.constant 32 : i32
      %scan3A_24 = arith.addi %scan3A_22, %scan3A_23 : i32
      %scan3A_25 = arith.constant 1 : i32
      %scan3A_26 = scf.for %scan3A_130 = %scan3A_22 to %scan3A_24 step %scan3A_25 iter_args(%scan3A_131 = %scan3A_21) -> (i32)  : i32 {
        %swap3A = arith.index_cast %scan3A_130 : i32 to index
        %swap3A_132 = arith.constant 0 : index
        %swap3A_133 = tpu.vector_load %arg10[%swap3A, %swap3A_132] {strides = array<i32>} : memref<32x128xi32, #tpu.memory_space<vmem>>, vector<16xi32>,
        tpu.vector_store %arg10[%swap3A, %swap3A_132], %broadcast_in_dim3A_2 {strides = array<i32>} : memref<32x128xi32, #tpu.memory_space<vmem>>, vector<16xi32>,
        %broadcast_in_dim3A_134 = arith.constant 1920 : i32
        %broadcast_in_dim3A_135 = vector.broadcast %broadcast_in_dim3A_134 : i32 to vector<16xi32>
        %swap3A_136 = arith.index_cast %scan3A_130 : i32 to index
        %swap3A_137 = arith.constant 0 : index
        %swap3A_138 = tpu.vector_load %arg11[%swap3A_136, %swap3A_137] {strides = array<i32>} : memref<32x128xi32, #tpu.memory_space<vmem>>, vector<16xi32>,
        tpu.vector_store %arg11[%swap3A_136, %swap3A_137], %broadcast_in_dim3A_135 {strides = array<i32>} : memref<32x128xi32, #tpu.memory_space<vmem>>, vector<16xi32>,
        %swap3A_139 = arith.index_cast %scan3A_130 : i32 to index
        %swap3A_140 = arith.constant 16 : index
        %swap3A_141 = tpu.vector_load %arg10[%swap3A_139, %swap3A_140] {strides = array<i32>} : memref<32x128xi32, #tpu.memory_space<vmem>>, vector<16xi32>,
        tpu.vector_store %arg10[%swap3A_139, %swap3A_140], %broadcast_in_dim3A_2 {strides = array<i32>} : memref<32x128xi32, #tpu.memory_space<vmem>>, vector<16xi32>,
        %broadcast_in_dim3A_142 = arith.constant 1920 : i32
        %broadcast_in_dim3A_143 = vector.broadcast %broadcast_in_dim3A_142 : i32 to vector<16xi32>
        %swap3A_144 = arith.index_cast %scan3A_130 : i32 to index
        %swap3A_145 = arith.constant 16 : index
        %swap3A_146 = tpu.vector_load %arg11[%swap3A_144, %swap3A_145] {strides = array<i32>} : memref<32x128xi32, #tpu.memory_space<vmem>>, vector<16xi32>,
        tpu.vector_store %arg11[%swap3A_144, %swap3A_145], %broadcast_in_dim3A_143 {strides = array<i32>} : memref<32x128xi32, #tpu.memory_space<vmem>>, vector<16xi32>,
        %swap3A_147 = arith.index_cast %scan3A_130 : i32 to index
        %swap3A_148 = arith.constant 32 : index
        %swap3A_149 = tpu.vector_load %arg10[%swap3A_147, %swap3A_148] {strides = array<i32>} : memref<32x128xi32, #tpu.memory_space<vmem>>, vector<16xi32>,
        tpu.vector_store %arg10[%swap3A_147, %swap3A_148], %broadcast_in_dim3A_2 {strides = array<i32>} : memref<32x128xi32, #tpu.memory_space<vmem>>, vector<16xi32>,
        %broadcast_in_dim3A_150 = arith.constant 1920 : i32
        %broadcast_in_dim3A_151 = vector.broadcast %broadcast_in_dim3A_150 : i32 to vector<16xi32>
        %swap3A_152 = arith.index_cast %scan3A_130 : i32 to index
        %swap3A_153 = arith.constant 32 : index
        %swap3A_154 = tpu.vector_load %arg11[%swap3A_152, %swap3A_153] {strides = array<i32>} : memref<32x128xi32, #tpu.memory_space<vmem>>, vector<16xi32>,
        tpu.vector_store %arg11[%swap3A_152, %swap3A_153], %broadcast_in_dim3A_151 {strides = array<i32>} : memref<32x128xi32, #tpu.memory_space<vmem>>, vector<16xi32>,
        %swap3A_155 = arith.index_cast %scan3A_130 : i32 to index
        %swap3A_156 = arith.constant 48 : index
        %swap3A_157 = tpu.vector_load %arg10[%swap3A_155, %swap3A_156] {strides = array<i32>} : memref<32x128xi32, #tpu.memory_space<vmem>>, vector<16xi32>,
        tpu.vector_store %arg10[%swap3A_155, %swap3A_156], %broadcast_in_dim3A_2 {strides = array<i32>} : memref<32x128xi32, #tpu.memory_space<vmem>>, vector<16xi32>,
        %broadcast_in_dim3A_158 = arith.constant 1920 : i32
        %broadcast_in_dim3A_159 = vector.broadcast %broadcast_in_dim3A_158 : i32 to vector<16xi32>
        %swap3A_160 = arith.index_cast %scan3A_130 : i32 to index
        %swap3A_161 = arith.constant 48 : index
        %swap3A_162 = tpu.vector_load %arg11[%swap3A_160, %swap3A_161] {strides = array<i32>} : memref<32x128xi32, #tpu.memory_space<vmem>>, vector<16xi32>,
        tpu.vector_store %arg11[%swap3A_160, %swap3A_161], %broadcast_in_dim3A_159 {strides = array<i32>} : memref<32x128xi32, #tpu.memory_space<vmem>>, vector<16xi32>,
        %swap3A_163 = arith.index_cast %scan3A_130 : i32 to index
        %swap3A_164 = arith.constant 64 : index
        %swap3A_165 = tpu.vector_load %arg10[%swap3A_163, %swap3A_164] {strides = array<i32>} : memref<32x128xi32, #tpu.memory_space<vmem>>, vector<16xi32>,
        tpu.vector_store %arg10[%swap3A_163, %swap3A_164], %broadcast_in_dim3A_2 {strides = array<i32>} : memref<32x128xi32, #tpu.memory_space<vmem>>, vector<16xi32>,
        %broadcast_in_dim3A_166 = arith.constant 1920 : i32
        %broadcast_in_dim3A_167 = vector.broadcast %broadcast_in_dim3A_166 : i32 to vector<16xi32>
        %swap3A_168 = arith.index_cast %scan3A_130 : i32 to index
        %swap3A_169 = arith.constant 64 : index
        %swap3A_170 = tpu.vector_load %arg11[%swap3A_168, %swap3A_169] {strides = array<i32>} : memref<32x128xi32, #tpu.memory_space<vmem>>, vector<16xi32>,
        tpu.vector_store %arg11[%swap3A_168, %swap3A_169], %broadcast_in_dim3A_167 {strides = array<i32>} : memref<32x128xi32, #tpu.memory_space<vmem>>, vector<16xi32>,
        %swap3A_171 = arith.index_cast %scan3A_130 : i32 to index
        %swap3A_172 = arith.constant 80 : index
        %swap3A_173 = tpu.vector_load %arg10[%swap3A_171, %swap3A_172] {strides = array<i32>} : memref<32x128xi32, #tpu.memory_space<vmem>>, vector<16xi32>,
        tpu.vector_store %arg10[%swap3A_171, %swap3A_172], %broadcast_in_dim3A_2 {strides = array<i32>} : memref<32x128xi32, #tpu.memory_space<vmem>>, vector<16xi32>,
        %broadcast_in_dim3A_174 = arith.constant 1920 : i32
        %broadcast_in_dim3A_175 = vector.broadcast %broadcast_in_dim3A_174 : i32 to vector<16xi32>
        %swap3A_176 = arith.index_cast %scan3A_130 : i32 to index
        %swap3A_177 = arith.constant 80 : index
        %swap3A_178 = tpu.vector_load %arg11[%swap3A_176, %swap3A_177] {strides = array<i32>} : memref<32x128xi32, #tpu.memory_space<vmem>>, vector<16xi32>,
        tpu.vector_store %arg11[%swap3A_176, %swap3A_177], %broadcast_in_dim3A_175 {strides = array<i32>} : memref<32x128xi32, #tpu.memory_space<vmem>>, vector<16xi32>,
        %swap3A_179 = arith.index_cast %scan3A_130 : i32 to index
        %swap3A_180 = arith.constant 96 : index
        %swap3A_181 = tpu.vector_load %arg10[%swap3A_179, %swap3A_180] {strides = array<i32>} : memref<32x128xi32, #tpu.memory_space<vmem>>, vector<16xi32>,
        tpu.vector_store %arg10[%swap3A_179, %swap3A_180], %broadcast_in_dim3A_2 {strides = array<i32>} : memref<32x128xi32, #tpu.memory_space<vmem>>, vector<16xi32>,
        %broadcast_in_dim3A_182 = arith.constant 1920 : i32
        %broadcast_in_dim3A_183 = vector.broadcast %broadcast_in_dim3A_182 : i32 to vector<16xi32>
        %swap3A_184 = arith.index_cast %scan3A_130 : i32 to index
        %swap3A_185 = arith.constant 96 : index
        %swap3A_186 = tpu.vector_load %arg11[%swap3A_184, %swap3A_185] {strides = array<i32>} : memref<32x128xi32, #tpu.memory_space<vmem>>, vector<16xi32>,
        tpu.vector_store %arg11[%swap3A_184, %swap3A_185], %broadcast_in_dim3A_183 {strides = array<i32>} : memref<32x128xi32, #tpu.memory_space<vmem>>, vector<16xi32>,
        %swap3A_187 = arith.index_cast %scan3A_130 : i32 to index
        %swap3A_188 = arith.constant 112 : index
        %swap3A_189 = tpu.vector_load %arg10[%swap3A_187, %swap3A_188] {strides = array<i32>} : memref<32x128xi32, #tpu.memory_space<vmem>>, vector<16xi32>,
        tpu.vector_store %arg10[%swap3A_187, %swap3A_188], %broadcast_in_dim3A_2 {strides = array<i32>} : memref<32x128xi32, #tpu.memory_space<vmem>>, vector<16xi32>,
        %broadcast_in_dim3A_190 = arith.constant 1920 : i32
        %broadcast_in_dim3A_191 = vector.broadcast %broadcast_in_dim3A_190 : i32 to vector<16xi32>
        %swap3A_192 = arith.index_cast %scan3A_130 : i32 to index
        %swap3A_193 = arith.constant 112 : index
        %swap3A_194 = tpu.vector_load %arg11[%swap3A_192, %swap3A_193] {strides = array<i32>} : memref<32x128xi32, #tpu.memory_space<vmem>>, vector<16xi32>,
        tpu.vector_store %arg11[%swap3A_192, %swap3A_193], %broadcast_in_dim3A_191 {strides = array<i32>} : memref<32x128xi32, #tpu.memory_space<vmem>>, vector<16xi32>,
        %scan3A_195 = arith.constant 0 : i32
        scf.yield %scan3A_195 : i32
      }
      %scan3A_27 = arith.constant 32 : i32
      %scan3A_28 = arith.constant 0 : i32
      %scan3A_29 = arith.constant 0 : i32
      %scan3A_30 = arith.constant 64 : i32
      %scan3A_31 = arith.addi %scan3A_29, %scan3A_30 : i32
      %scan3A_32 = arith.constant 1 : i32
      %scan3A_33 = scf.for %scan3A_130 = %scan3A_29 to %scan3A_31 step %scan3A_32 iter_args(%scan3A_131 = %scan3A_28) -> (i32)  : i32 {
        %mul3A_132 = arith.constant 43008 : i32
        %mul3A_133 = arith.muli %arg1, %mul3A_132 : i32
        %mul3A_134 = arith.constant 672 : i32
        %mul3A_135 = arith.muli %scan3A_130, %mul3A_134 : i32
        %add3A_136 = arith.addi %mul3A_133, %mul3A_135 : i32
        "tpu.region"() ({
          %run_scoped3A = tpu.sem_alloc : memref<!tpu.dma_semaphore, #tpu.memory_space<semaphore_mem>>
          %dma_start3A = tpu.memref_slice %arg4[%add3A_136] : memref<688128xi32, #tpu.memory_space<hbm>> -> memref<672xi32, #tpu.memory_space<hbm>>
          %dma_start3A_143 = tpu.memref_slice %arg4[%add3A_136] : memref<688128xi32, #tpu.memory_space<hbm>> -> memref<672xi32, #tpu.memory_space<hbm>>
          tpu.enqueue_dma source(%dma_start3A_143 : memref<672xi32, #tpu.memory_space<hbm>>) target(%arg8 : memref<672xi32, #tpu.memory_space<vmem>>) target_semaphore(%run_scoped3A : memref<!tpu.dma_semaphore, #tpu.memory_space<semaphore_mem>>)
          %dma_wait3A = tpu.memref_slice %arg4[%add3A_136] : memref<688128xi32, #tpu.memory_space<hbm>> -> memref<672xi32, #tpu.memory_space<hbm>>
          %dma_wait3A_144 = tpu.memref_slice %arg4[%add3A_136] : memref<688128xi32, #tpu.memory_space<hbm>> -> memref<672xi32, #tpu.memory_space<hbm>>
          tpu.wait_dma2 semaphore(%run_scoped3A : memref<!tpu.dma_semaphore, #tpu.memory_space<semaphore_mem>>) src(%dma_wait3A_144 : memref<672xi32, #tpu.memory_space<hbm>>) dst(%arg8 : memref<672xi32, #tpu.memory_space<vmem>>)
          tpu.yield
        }) : () -> ()
        "tpu.region"() ({
          %run_scoped3A = tpu.sem_alloc : memref<!tpu.dma_semaphore, #tpu.memory_space<semaphore_mem>>
          %dma_start3A = tpu.memref_slice %arg5[%add3A_136] : memref<688128xi32, #tpu.memory_space<hbm>> -> memref<672xi32, #tpu.memory_space<hbm>>
          %dma_start3A_143 = tpu.memref_slice %arg5[%add3A_136] : memref<688128xi32, #tpu.memory_space<hbm>> -> memref<672xi32, #tpu.memory_space<hbm>>
          tpu.enqueue_dma source(%dma_start3A_143 : memref<672xi32, #tpu.memory_space<hbm>>) target(%arg9 : memref<672xi32, #tpu.memory_space<vmem>>) target_semaphore(%run_scoped3A : memref<!tpu.dma_semaphore, #tpu.memory_space<semaphore_mem>>)
          %dma_wait3A = tpu.memref_slice %arg5[%add3A_136] : memref<688128xi32, #tpu.memory_space<hbm>> -> memref<672xi32, #tpu.memory_space<hbm>>
          %dma_wait3A_144 = tpu.memref_slice %arg5[%add3A_136] : memref<688128xi32, #tpu.memory_space<hbm>> -> memref<672xi32, #tpu.memory_space<hbm>>
          tpu.wait_dma2 semaphore(%run_scoped3A : memref<!tpu.dma_semaphore, #tpu.memory_space<semaphore_mem>>) src(%dma_wait3A_144 : memref<672xi32, #tpu.memory_space<hbm>>) dst(%arg9 : memref<672xi32, #tpu.memory_space<vmem>>)
          tpu.yield
        }) : () -> ()
        %scan3A_137 = arith.constant 0 : i32
        %scan3A_138 = arith.constant 42 : i32
        %scan3A_139 = arith.addi %scan3A_137, %scan3A_138 : i32
        %scan3A_140 = arith.constant 1 : i32
        %scan3A_141 = scf.for %scan3A_143 = %scan3A_137 to %scan3A_139 step %scan3A_140 iter_args(%scan3A_144 = %scan3A_131) -> (i32)  : i32 {
          %mul3A_145 = arith.constant 16 : i32
          %mul3A_146 = arith.muli %scan3A_143, %mul3A_145 : i32
          %get3A = arith.index_cast %mul3A_146 : i32 to index
          %get3A_147 = tpu.vector_load %arg9[%get3A] {strides = array<i32>} : memref<672xi32, #tpu.memory_space<vmem>>, vector<16xi32>,
          %mul3A_148 = arith.constant 16 : i32
          %mul3A_149 = arith.muli %scan3A_143, %mul3A_148 : i32
          %get3A_150 = arith.index_cast %mul3A_149 : i32 to index
          %get3A_151 = tpu.vector_load %arg8[%get3A_150] {strides = array<i32>} : memref<672xi32, #tpu.memory_space<vmem>>, vector<16xi32>,
          %sub3A_152 = vector.broadcast %add3A : i32 to vector<16xi32>
          %sub3A_153 = arith.subi %get3A_147, %sub3A_152 : vector<16xi32>
          %ge3A = arith.constant 0 : i32
          %ge3A_154 = vector.broadcast %ge3A : i32 to vector<16xi32>
          %ge3A_155 = arith.cmpi sge, %sub3A_153, %ge3A_154 : vector<16xi32>
          %lt3A = arith.constant 1920 : i32
          %lt3A_156 = vector.broadcast %lt3A : i32 to vector<16xi32>
          %lt3A_157 = arith.cmpi slt, %sub3A_153, %lt3A_156 : vector<16xi32>
          %and3A_158 = arith.andi %ge3A_155, %lt3A_157 : vector<16xi1>
          %convert_element_type3A_159 = arith.extui %and3A_158 : vector<16xi1> to vector<16xi32>
          %broadcast_in_dim3A_160 = arith.constant true
          %broadcast_in_dim3A_161 = vector.broadcast %broadcast_in_dim3A_160 : i1 to vector<16xi1>
          %masked_cumsum3A = tpu.scan <sum>, %convert_element_type3A_159 masked %broadcast_in_dim3A_161 : vector<16xi32>, vector<16xi1> -> vector<16xi32>
          %add3A_162 = vector.broadcast %scan3A_144 : i32 to vector<16xi32>
          %add3A_163 = arith.addi %add3A_162, %masked_cumsum3A : vector<16xi32>
          %sub3A_164 = arith.constant 1 : i32
          %sub3A_165 = vector.broadcast %sub3A_164 : i32 to vector<16xi32>
          %sub3A_166 = arith.subi %add3A_163, %sub3A_165 : vector<16xi32>
          %lt3A_167 = arith.constant 4096 : i32
          %lt3A_168 = vector.broadcast %lt3A_167 : i32 to vector<16xi32>
          %lt3A_169 = arith.cmpi slt, %sub3A_166, %lt3A_168 : vector<16xi32>
          %and3A_170 = arith.andi %and3A_158, %lt3A_169 : vector<16xi1>
          %shift_right_arithmetic3A = arith.constant 7 : i32
          %shift_right_arithmetic3A_171 = vector.broadcast %shift_right_arithmetic3A : i32 to vector<16xi32>
          %shift_right_arithmetic3A_172 = arith.shrsi %sub3A_166, %shift_right_arithmetic3A_171 : vector<16xi32>
          %and3A_173 = arith.constant 127 : i32
          %and3A_174 = vector.broadcast %and3A_173 : i32 to vector<16xi32>
          %and3A_175 = arith.andi %sub3A_166, %and3A_174 : vector<16xi32>
          tpu.vector_store_idx %arg10[%shift_right_arithmetic3A_172, %and3A_175], %get3A_151 masked %and3A_170 : memref<32x128xi32, #tpu.memory_space<vmem>>[vector<16xi32>, vector<16xi32>], vector<16xi32>, vector<16xi1>
          %shift_right_arithmetic3A_176 = arith.constant 7 : i32
          %shift_right_arithmetic3A_177 = vector.broadcast %shift_right_arithmetic3A_176 : i32 to vector<16xi32>
          %shift_right_arithmetic3A_178 = arith.shrsi %sub3A_166, %shift_right_arithmetic3A_177 : vector<16xi32>
          %and3A_179 = arith.constant 127 : i32
          %and3A_180 = vector.broadcast %and3A_179 : i32 to vector<16xi32>
          %and3A_181 = arith.andi %sub3A_166, %and3A_180 : vector<16xi32>
          tpu.vector_store_idx %arg11[%shift_right_arithmetic3A_178, %and3A_181], %sub3A_153 masked %and3A_170 : memref<32x128xi32, #tpu.memory_space<vmem>>[vector<16xi32>, vector<16xi32>], vector<16xi32>, vector<16xi1>
          %reduce_sum3A = arith.constant true
          %reduce_sum3A_182 = vector.broadcast %reduce_sum3A : i1 to vector<16xi1>
          %reduce_sum3A_183 = tpu.scan <sum>, %convert_element_type3A_159 masked %reduce_sum3A_182 : vector<16xi32>, vector<16xi1> -> vector<16xi32>
          %reduce_sum3A_184 = vector.extract %reduce_sum3A_183[15] : i32 from vector<16xi32>
          %add3A_185 = arith.addi %scan3A_144, %reduce_sum3A_184 : i32
          scf.yield %add3A_185 : i32
        }
        %scan3A_142 = arith.constant 42 : i32
        scf.yield %scan3A_141 : i32
      }
      %scan3A_34 = arith.constant 64 : i32
      "tpu.region"() ({
        %run_scoped3A = tpu.sem_alloc : memref<!tpu.dma_semaphore, #tpu.memory_space<semaphore_mem>>
        %dma_start3A = arith.constant 0 : i32
        %dma_start3A_130 = arith.constant 0 : i32
        %dma_start3A_131 = tpu.memref_slice %arg22[%arg1, %dma_start3A, %dma_start3A_130] : memref<16x32x128xi32, #tpu.memory_space<vmem_shared>> -> memref<1x32x128xi32, #tpu.memory_space<vmem_shared>>
        %dma_start3A_132 = tpu.memref_squeeze %dma_start3A_131 : memref<1x32x128xi32, #tpu.memory_space<vmem_shared>> -> memref<32x128xi32, #tpu.memory_space<vmem_shared>>
        %dma_start3A_133 = arith.constant 0 : i32
        %dma_start3A_134 = arith.constant 0 : i32
        %dma_start3A_135 = tpu.memref_slice %arg22[%arg1, %dma_start3A_133, %dma_start3A_134] : memref<16x32x128xi32, #tpu.memory_space<vmem_shared>> -> memref<1x32x128xi32, #tpu.memory_space<vmem_shared>>
        %dma_start3A_136 = tpu.memref_squeeze %dma_start3A_135 : memref<1x32x128xi32, #tpu.memory_space<vmem_shared>> -> memref<32x128xi32, #tpu.memory_space<vmem_shared>>
        tpu.enqueue_dma source(%arg10 : memref<32x128xi32, #tpu.memory_space<vmem>>) target(%dma_start3A_136 : memref<32x128xi32, #tpu.memory_space<vmem_shared>>) target_semaphore(%run_scoped3A : memref<!tpu.dma_semaphore, #tpu.memory_space<semaphore_mem>>)
        %dma_wait3A = arith.constant 0 : i32
        %dma_wait3A_137 = arith.constant 0 : i32
        %dma_wait3A_138 = tpu.memref_slice %arg22[%arg1, %dma_wait3A, %dma_wait3A_137] : memref<16x32x128xi32, #tpu.memory_space<vmem_shared>> -> memref<1x32x128xi32, #tpu.memory_space<vmem_shared>>
        %dma_wait3A_139 = tpu.memref_squeeze %dma_wait3A_138 : memref<1x32x128xi32, #tpu.memory_space<vmem_shared>> -> memref<32x128xi32, #tpu.memory_space<vmem_shared>>
        %dma_wait3A_140 = arith.constant 0 : i32
        %dma_wait3A_141 = arith.constant 0 : i32
        %dma_wait3A_142 = tpu.memref_slice %arg22[%arg1, %dma_wait3A_140, %dma_wait3A_141] : memref<16x32x128xi32, #tpu.memory_space<vmem_shared>> -> memref<1x32x128xi32, #tpu.memory_space<vmem_shared>>
        %dma_wait3A_143 = tpu.memref_squeeze %dma_wait3A_142 : memref<1x32x128xi32, #tpu.memory_space<vmem_shared>> -> memref<32x128xi32, #tpu.memory_space<vmem_shared>>
        tpu.wait_dma2 semaphore(%run_scoped3A : memref<!tpu.dma_semaphore, #tpu.memory_space<semaphore_mem>>) src(%arg10 : memref<32x128xi32, #tpu.memory_space<vmem>>) dst(%dma_wait3A_143 : memref<32x128xi32, #tpu.memory_space<vmem_shared>>)
        tpu.yield
      }) : () -> ()
      "tpu.region"() ({
        %run_scoped3A = tpu.sem_alloc : memref<!tpu.dma_semaphore, #tpu.memory_space<semaphore_mem>>
        %dma_start3A = arith.constant 0 : i32
        %dma_start3A_130 = arith.constant 0 : i32
        %dma_start3A_131 = tpu.memref_slice %arg23[%arg1, %dma_start3A, %dma_start3A_130] : memref<16x32x128xi32, #tpu.memory_space<vmem_shared>> -> memref<1x32x128xi32, #tpu.memory_space<vmem_shared>>
        %dma_start3A_132 = tpu.memref_squeeze %dma_start3A_131 : memref<1x32x128xi32, #tpu.memory_space<vmem_shared>> -> memref<32x128xi32, #tpu.memory_space<vmem_shared>>
        %dma_start3A_133 = arith.constant 0 : i32
        %dma_start3A_134 = arith.constant 0 : i32
        %dma_start3A_135 = tpu.memref_slice %arg23[%arg1, %dma_start3A_133, %dma_start3A_134] : memref<16x32x128xi32, #tpu.memory_space<vmem_shared>> -> memref<1x32x128xi32, #tpu.memory_space<vmem_shared>>
        %dma_start3A_136 = tpu.memref_squeeze %dma_start3A_135 : memref<1x32x128xi32, #tpu.memory_space<vmem_shared>> -> memref<32x128xi32, #tpu.memory_space<vmem_shared>>
        tpu.enqueue_dma source(%arg11 : memref<32x128xi32, #tpu.memory_space<vmem>>) target(%dma_start3A_136 : memref<32x128xi32, #tpu.memory_space<vmem_shared>>) target_semaphore(%run_scoped3A : memref<!tpu.dma_semaphore, #tpu.memory_space<semaphore_mem>>)
        %dma_wait3A = arith.constant 0 : i32
        %dma_wait3A_137 = arith.constant 0 : i32
        %dma_wait3A_138 = tpu.memref_slice %arg23[%arg1, %dma_wait3A, %dma_wait3A_137] : memref<16x32x128xi32, #tpu.memory_space<vmem_shared>> -> memref<1x32x128xi32, #tpu.memory_space<vmem_shared>>
        %dma_wait3A_139 = tpu.memref_squeeze %dma_wait3A_138 : memref<1x32x128xi32, #tpu.memory_space<vmem_shared>> -> memref<32x128xi32, #tpu.memory_space<vmem_shared>>
        %dma_wait3A_140 = arith.constant 0 : i32
        %dma_wait3A_141 = arith.constant 0 : i32
        %dma_wait3A_142 = tpu.memref_slice %arg23[%arg1, %dma_wait3A_140, %dma_wait3A_141] : memref<16x32x128xi32, #tpu.memory_space<vmem_shared>> -> memref<1x32x128xi32, #tpu.memory_space<vmem_shared>>
        %dma_wait3A_143 = tpu.memref_squeeze %dma_wait3A_142 : memref<1x32x128xi32, #tpu.memory_space<vmem_shared>> -> memref<32x128xi32, #tpu.memory_space<vmem_shared>>
        tpu.wait_dma2 semaphore(%run_scoped3A : memref<!tpu.dma_semaphore, #tpu.memory_space<semaphore_mem>>) src(%arg11 : memref<32x128xi32, #tpu.memory_space<vmem>>) dst(%dma_wait3A_143 : memref<32x128xi32, #tpu.memory_space<vmem_shared>>)
        tpu.yield
      }) : () -> ()
      %mul3A_35 = arith.constant 120 : i32
      %mul3A_36 = arith.muli %arg1, %mul3A_35 : i32
      %add3A_37 = arith.addi %add3A, %mul3A_36 : i32
      %mul3A_38 = arith.constant 4 : i32
      %mul3A_39 = arith.muli %add3A_37, %mul3A_38 : i32
      "tpu.region"() ({
        %run_scoped3A = tpu.sem_alloc : memref<!tpu.dma_semaphore, #tpu.memory_space<semaphore_mem>>
        %dma_start3A = tpu.memref_slice %arg3[%mul3A_39] : memref<169472xf32, #tpu.memory_space<hbm>> -> memref<512xf32, #tpu.memory_space<hbm>>
        %dma_start3A_130 = tpu.memref_slice %arg3[%mul3A_39] : memref<169472xf32, #tpu.memory_space<hbm>> -> memref<512xf32, #tpu.memory_space<hbm>>
        tpu.enqueue_dma source(%dma_start3A_130 : memref<512xf32, #tpu.memory_space<hbm>>) target(%arg16 : memref<512xf32, #tpu.memory_space<vmem>>) target_semaphore(%run_scoped3A : memref<!tpu.dma_semaphore, #tpu.memory_space<semaphore_mem>>)
        %dma_wait3A = tpu.memref_slice %arg3[%mul3A_39] : memref<169472xf32, #tpu.memory_space<hbm>> -> memref<512xf32, #tpu.memory_space<hbm>>
        %dma_wait3A_131 = tpu.memref_slice %arg3[%mul3A_39] : memref<169472xf32, #tpu.memory_space<hbm>> -> memref<512xf32, #tpu.memory_space<hbm>>
        tpu.wait_dma2 semaphore(%run_scoped3A : memref<!tpu.dma_semaphore, #tpu.memory_space<semaphore_mem>>) src(%dma_wait3A_131 : memref<512xf32, #tpu.memory_space<hbm>>) dst(%arg16 : memref<512xf32, #tpu.memory_space<vmem>>)
        tpu.yield
      }) : () -> ()
      %barrier3A = arith.constant 0 : index
      tpu.barrier barrier_id(%barrier3A)
      %scan3A_40 = arith.constant 0 : i32
      %scan3A_41 = arith.constant 0 : i32
      %scan3A_42 = arith.constant 192 : i32
      %scan3A_43 = arith.addi %scan3A_41, %scan3A_42 : i32
      %scan3A_44 = arith.constant 1 : i32
      %scan3A_45 = scf.for %scan3A_130 = %scan3A_41 to %scan3A_43 step %scan3A_44 iter_args(%scan3A_131 = %scan3A_40) -> (i32)  : i32 {
        %mul3A_132 = arith.constant 16 : i32
        %mul3A_133 = arith.muli %scan3A_130, %mul3A_132 : i32
        %swap3A = arith.index_cast %mul3A_133 : i32 to index
        %swap3A_134 = tpu.vector_load %arg14[%swap3A] {strides = array<i32>} : memref<3072xi32, #tpu.memory_space<vmem>>, vector<16xi32>,
        tpu.vector_store %arg14[%swap3A], %broadcast_in_dim3A_2 {strides = array<i32>} : memref<3072xi32, #tpu.memory_space<vmem>>, vector<16xi32>,
        %broadcast_in_dim3A_135 = arith.constant 120 : i32
        %broadcast_in_dim3A_136 = vector.broadcast %broadcast_in_dim3A_135 : i32 to vector<16xi32>
        %mul3A_137 = arith.constant 16 : i32
        %mul3A_138 = arith.muli %scan3A_130, %mul3A_137 : i32
        %swap3A_139 = arith.index_cast %mul3A_138 : i32 to index
        %swap3A_140 = tpu.vector_load %arg15[%swap3A_139] {strides = array<i32>} : memref<3072xi32, #tpu.memory_space<vmem>>, vector<16xi32>,
        tpu.vector_store %arg15[%swap3A_139], %broadcast_in_dim3A_136 {strides = array<i32>} : memref<3072xi32, #tpu.memory_space<vmem>>, vector<16xi32>,
        %scan3A_141 = arith.constant 0 : i32
        scf.yield %scan3A_141 : i32
      }
      %scan3A_46 = arith.constant 192 : i32
      %mul3A_47 = arith.constant 120 : i32
      %mul3A_48 = arith.muli %arg1, %mul3A_47 : i32
      %scan3A_49 = arith.constant 0 : i32
      %scan3A_50 = arith.constant 0 : i32
      %scan3A_51 = arith.constant 16 : i32
      %scan3A_52 = arith.addi %scan3A_50, %scan3A_51 : i32
      %scan3A_53 = arith.constant 1 : i32
      %scan3A_54 = scf.for %scan3A_130 = %scan3A_50 to %scan3A_52 step %scan3A_53 iter_args(%scan3A_131 = %scan3A_49) -> (i32)  : i32 {
        %scan3A_132 = arith.constant 0 : i32
        %scan3A_133 = arith.constant 4 : i32
        %scan3A_134 = arith.addi %scan3A_132, %scan3A_133 : i32
        %scan3A_135 = arith.constant 1 : i32
        %scan3A_136 = scf.for %scan3A_138 = %scan3A_132 to %scan3A_134 step %scan3A_135 iter_args(%scan3A_139 = %scan3A_131) -> (i32)  : i32 {
          %mul3A_140 = arith.constant 8 : i32
          %mul3A_141 = arith.muli %scan3A_138, %mul3A_140 : i32
          "tpu.region"() ({
            %run_scoped3A = tpu.sem_alloc : memref<!tpu.dma_semaphore, #tpu.memory_space<semaphore_mem>>
            %dma_start3A = arith.constant 0 : i32
            %dma_start3A_150 = tpu.memref_slice %arg22[%scan3A_130, %mul3A_141, %dma_start3A] : memref<16x32x128xi32, #tpu.memory_space<vmem_shared>> -> memref<1x8x128xi32, #tpu.memory_space<vmem_shared>>
            %dma_start3A_151 = tpu.memref_squeeze %dma_start3A_150 : memref<1x8x128xi32, #tpu.memory_space<vmem_shared>> -> memref<8x128xi32, #tpu.memory_space<vmem_shared>>
            %dma_start3A_152 = arith.constant 0 : i32
            %dma_start3A_153 = tpu.memref_slice %arg22[%scan3A_130, %mul3A_141, %dma_start3A_152] : memref<16x32x128xi32, #tpu.memory_space<vmem_shared>> -> memref<1x8x128xi32, #tpu.memory_space<vmem_shared>>
            %dma_start3A_154 = tpu.memref_squeeze %dma_start3A_153 : memref<1x8x128xi32, #tpu.memory_space<vmem_shared>> -> memref<8x128xi32, #tpu.memory_space<vmem_shared>>
            tpu.enqueue_dma source(%dma_start3A_154 : memref<8x128xi32, #tpu.memory_space<vmem_shared>>) target(%arg12 : memref<8x128xi32, #tpu.memory_space<vmem>>) target_semaphore(%run_scoped3A : memref<!tpu.dma_semaphore, #tpu.memory_space<semaphore_mem>>)
            %dma_wait3A = arith.constant 0 : i32
            %dma_wait3A_155 = tpu.memref_slice %arg22[%scan3A_130, %mul3A_141, %dma_wait3A] : memref<16x32x128xi32, #tpu.memory_space<vmem_shared>> -> memref<1x8x128xi32, #tpu.memory_space<vmem_shared>>
            %dma_wait3A_156 = tpu.memref_squeeze %dma_wait3A_155 : memref<1x8x128xi32, #tpu.memory_space<vmem_shared>> -> memref<8x128xi32, #tpu.memory_space<vmem_shared>>
            %dma_wait3A_157 = arith.constant 0 : i32
            %dma_wait3A_158 = tpu.memref_slice %arg22[%scan3A_130, %mul3A_141, %dma_wait3A_157] : memref<16x32x128xi32, #tpu.memory_space<vmem_shared>> -> memref<1x8x128xi32, #tpu.memory_space<vmem_shared>>
            %dma_wait3A_159 = tpu.memref_squeeze %dma_wait3A_158 : memref<1x8x128xi32, #tpu.memory_space<vmem_shared>> -> memref<8x128xi32, #tpu.memory_space<vmem_shared>>
            tpu.wait_dma2 semaphore(%run_scoped3A : memref<!tpu.dma_semaphore, #tpu.memory_space<semaphore_mem>>) src(%dma_wait3A_159 : memref<8x128xi32, #tpu.memory_space<vmem_shared>>) dst(%arg12 : memref<8x128xi32, #tpu.memory_space<vmem>>)
            tpu.yield
          }) : () -> ()
          %mul3A_142 = arith.constant 8 : i32
          %mul3A_143 = arith.muli %scan3A_138, %mul3A_142 : i32
          "tpu.region"() ({
            %run_scoped3A = tpu.sem_alloc : memref<!tpu.dma_semaphore, #tpu.memory_space<semaphore_mem>>
            %dma_start3A = arith.constant 0 : i32
            %dma_start3A_150 = tpu.memref_slice %arg23[%scan3A_130, %mul3A_143, %dma_start3A] : memref<16x32x128xi32, #tpu.memory_space<vmem_shared>> -> memref<1x8x128xi32, #tpu.memory_space<vmem_shared>>
            %dma_start3A_151 = tpu.memref_squeeze %dma_start3A_150 : memref<1x8x128xi32, #tpu.memory_space<vmem_shared>> -> memref<8x128xi32, #tpu.memory_space<vmem_shared>>
            %dma_start3A_152 = arith.constant 0 : i32
            %dma_start3A_153 = tpu.memref_slice %arg23[%scan3A_130, %mul3A_143, %dma_start3A_152] : memref<16x32x128xi32, #tpu.memory_space<vmem_shared>> -> memref<1x8x128xi32, #tpu.memory_space<vmem_shared>>
            %dma_start3A_154 = tpu.memref_squeeze %dma_start3A_153 : memref<1x8x128xi32, #tpu.memory_space<vmem_shared>> -> memref<8x128xi32, #tpu.memory_space<vmem_shared>>
            tpu.enqueue_dma source(%dma_start3A_154 : memref<8x128xi32, #tpu.memory_space<vmem_shared>>) target(%arg13 : memref<8x128xi32, #tpu.memory_space<vmem>>) target_semaphore(%run_scoped3A : memref<!tpu.dma_semaphore, #tpu.memory_space<semaphore_mem>>)
            %dma_wait3A = arith.constant 0 : i32
            %dma_wait3A_155 = tpu.memref_slice %arg23[%scan3A_130, %mul3A_143, %dma_wait3A] : memref<16x32x128xi32, #tpu.memory_space<vmem_shared>> -> memref<1x8x128xi32, #tpu.memory_space<vmem_shared>>
            %dma_wait3A_156 = tpu.memref_squeeze %dma_wait3A_155 : memref<1x8x128xi32, #tpu.memory_space<vmem_shared>> -> memref<8x128xi32, #tpu.memory_space<vmem_shared>>
            %dma_wait3A_157 = arith.constant 0 : i32
            %dma_wait3A_158 = tpu.memref_slice %arg23[%scan3A_130, %mul3A_143, %dma_wait3A_157] : memref<16x32x128xi32, #tpu.memory_space<vmem_shared>> -> memref<1x8x128xi32, #tpu.memory_space<vmem_shared>>
            %dma_wait3A_159 = tpu.memref_squeeze %dma_wait3A_158 : memref<1x8x128xi32, #tpu.memory_space<vmem_shared>> -> memref<8x128xi32, #tpu.memory_space<vmem_shared>>
            tpu.wait_dma2 semaphore(%run_scoped3A : memref<!tpu.dma_semaphore, #tpu.memory_space<semaphore_mem>>) src(%dma_wait3A_159 : memref<8x128xi32, #tpu.memory_space<vmem_shared>>) dst(%arg13 : memref<8x128xi32, #tpu.memory_space<vmem>>)
            tpu.yield
          }) : () -> ()
          %scan3A_144 = arith.constant 0 : i32
          %scan3A_145 = arith.constant 64 : i32
          %scan3A_146 = arith.addi %scan3A_144, %scan3A_145 : i32
          %scan3A_147 = arith.constant 1 : i32
          %scan3A_148 = scf.for %scan3A_150 = %scan3A_144 to %scan3A_146 step %scan3A_147 iter_args(%scan3A_151 = %scan3A_139) -> (i32)  : i32 {
            %shift_right_arithmetic3A = arith.constant 3 : i32
            %shift_right_arithmetic3A_152 = arith.shrsi %scan3A_150, %shift_right_arithmetic3A : i32
            %and3A_153 = arith.constant 7 : i32
            %and3A_154 = arith.andi %scan3A_150, %and3A_153 : i32
            %mul3A_155 = arith.constant 16 : i32
            %mul3A_156 = arith.muli %and3A_154, %mul3A_155 : i32
            %get3A = arith.index_cast %shift_right_arithmetic3A_152 : i32 to index
            %get3A_157 = arith.index_cast %mul3A_156 : i32 to index
            %get3A_158 = tpu.vector_load %arg13[%get3A, %get3A_157] {strides = array<i32>} : memref<8x128xi32, #tpu.memory_space<vmem>>, vector<16xi32>,
            %get3A_159 = arith.index_cast %shift_right_arithmetic3A_152 : i32 to index
            %get3A_160 = arith.index_cast %mul3A_156 : i32 to index
            %get3A_161 = tpu.vector_load %arg12[%get3A_159, %get3A_160] {strides = array<i32>} : memref<8x128xi32, #tpu.memory_space<vmem>>, vector<16xi32>,
            %sub3A_162 = vector.broadcast %mul3A_48 : i32 to vector<16xi32>
            %sub3A_163 = arith.subi %get3A_158, %sub3A_162 : vector<16xi32>
            %ge3A = arith.constant 0 : i32
            %ge3A_164 = vector.broadcast %ge3A : i32 to vector<16xi32>
            %ge3A_165 = arith.cmpi sge, %sub3A_163, %ge3A_164 : vector<16xi32>
            %lt3A = arith.constant 120 : i32
            %lt3A_166 = vector.broadcast %lt3A : i32 to vector<16xi32>
            %lt3A_167 = arith.cmpi slt, %sub3A_163, %lt3A_166 : vector<16xi32>
            %and3A_168 = arith.andi %ge3A_165, %lt3A_167 : vector<16xi1>
            %convert_element_type3A_169 = arith.extui %and3A_168 : vector<16xi1> to vector<16xi32>
            %broadcast_in_dim3A_170 = arith.constant true
            %broadcast_in_dim3A_171 = vector.broadcast %broadcast_in_dim3A_170 : i1 to vector<16xi1>
            %masked_cumsum3A = tpu.scan <sum>, %convert_element_type3A_169 masked %broadcast_in_dim3A_171 : vector<16xi32>, vector<16xi1> -> vector<16xi32>
            %add3A_172 = vector.broadcast %scan3A_151 : i32 to vector<16xi32>
            %add3A_173 = arith.addi %add3A_172, %masked_cumsum3A : vector<16xi32>
            %sub3A_174 = arith.constant 1 : i32
            %sub3A_175 = vector.broadcast %sub3A_174 : i32 to vector<16xi32>
            %sub3A_176 = arith.subi %add3A_173, %sub3A_175 : vector<16xi32>
            %lt3A_177 = arith.constant 3072 : i32
            %lt3A_178 = vector.broadcast %lt3A_177 : i32 to vector<16xi32>
            %lt3A_179 = arith.cmpi slt, %sub3A_176, %lt3A_178 : vector<16xi32>
            %and3A_180 = arith.andi %and3A_168, %lt3A_179 : vector<16xi1>
            tpu.vector_store_idx %arg14[%sub3A_176], %get3A_161 masked %and3A_180 : memref<3072xi32, #tpu.memory_space<vmem>>[vector<16xi32>], vector<16xi32>, vector<16xi1>
            tpu.vector_store_idx %arg15[%sub3A_176], %sub3A_163 masked %and3A_180 : memref<3072xi32, #tpu.memory_space<vmem>>[vector<16xi32>], vector<16xi32>, vector<16xi1>
            %reduce_sum3A = arith.constant true
            %reduce_sum3A_181 = vector.broadcast %reduce_sum3A : i1 to vector<16xi1>
            %reduce_sum3A_182 = tpu.scan <sum>, %convert_element_type3A_169 masked %reduce_sum3A_181 : vector<16xi32>, vector<16xi1> -> vector<16xi32>
            %reduce_sum3A_183 = vector.extract %reduce_sum3A_182[15] : i32 from vector<16xi32>
            %add3A_184 = arith.addi %scan3A_151, %reduce_sum3A_183 : i32
            scf.yield %add3A_184 : i32
          }
          %scan3A_149 = arith.constant 64 : i32
          scf.yield %scan3A_148 : i32
        }
        %scan3A_137 = arith.constant 4 : i32
        scf.yield %scan3A_136 : i32
      }
      %scan3A_55 = arith.constant 16 : i32
      %min3A = arith.constant 3072 : i32
      %min3A_56 = arith.minsi %scan3A_54, %min3A : i32
      %add3A_57 = arith.constant 16 : i32
      %add3A_58 = arith.addi %min3A_56, %add3A_57 : i32
      %sub3A = arith.constant 1 : i32
      %sub3A_59 = arith.subi %add3A_58, %sub3A : i32
      %jit3A = arith.constant 16 : i32
      %div3A = arith.divsi %sub3A_59, %jit3A : i32
      %sign3A = arith.constant 0 : i32
      %sign3A_60 = arith.cmpi sgt, %sub3A_59, %sign3A : i32
      %sign3A_61 = arith.extui %sign3A_60 : i1 to i32
      %sign3A_62 = arith.constant 0 : i32
      %sign3A_63 = arith.cmpi slt, %sub3A_59, %sign3A_62 : i32
      %sign3A_64 = arith.extui %sign3A_63 : i1 to i32
      %sign3A_65 = arith.subi %sign3A_61, %sign3A_64 : i32
      %sign3A_66 = arith.constant 0 : i32
      %sign3A_67 = arith.cmpi sgt, %jit3A, %sign3A_66 : i32
      %sign3A_68 = arith.extui %sign3A_67 : i1 to i32
      %sign3A_69 = arith.constant 0 : i32
      %sign3A_70 = arith.cmpi slt, %jit3A, %sign3A_69 : i32
      %sign3A_71 = arith.extui %sign3A_70 : i1 to i32
      %sign3A_72 = arith.subi %sign3A_68, %sign3A_71 : i32
      %ne3A = arith.cmpi ne, %sign3A_65, %sign3A_72 : i32
      %rem3A = arith.remsi %sub3A_59, %jit3A : i32
      %ne3A_73 = arith.constant 0 : i32
      %ne3A_74 = arith.cmpi ne, %rem3A, %ne3A_73 : i32
      %and3A = arith.andi %ne3A, %ne3A_74 : i1
      %sub3A_75 = arith.constant 1 : i32
      %sub3A_76 = arith.subi %div3A, %sub3A_75 : i32
      %select_n3A = arith.select %and3A, %sub3A_76, %div3A : i32
      %gt3A = arith.constant 0 : i32
      %gt3A_77 = arith.cmpi sgt, %select_n3A, %gt3A : i32
      %convert_element_type3A = arith.extui %gt3A_77 : i1 to i32
      %cond3A = arith.constant 0 : i32
      %cond3A_78 = arith.cmpi ne, %convert_element_type3A, %cond3A : i32
      scf.if %cond3A_78 {
        %dma_start3A = arith.constant 0 : i32
        %dma_start3A_130 = tpu.memref_slice %arg14[%dma_start3A] : memref<3072xi32, #tpu.memory_space<vmem>> -> memref<16xi32, #tpu.memory_space<vmem>>
        %dma_start3A_131 = arith.constant 0 : i32
        %dma_start3A_132 = arith.constant 0 : i32
        %dma_start3A_133 = tpu.memref_slice %arg2[%dma_start3A_131, %dma_start3A_132] : memref<40000x640xf32, #tpu.memory_space<hbm>> -> memref<40000x640xf32, #tpu.memory_space<hbm>>
        tpu.enqueue_indirect_dma source(%dma_start3A_133 : memref<40000x640xf32, #tpu.memory_space<hbm>>) target(%arg17 : memref<16x640xf32, #tpu.memory_space<vmem>>) offsets(%dma_start3A_130 : memref<16xi32, #tpu.memory_space<vmem>>) semaphore(%arg24 : memref<!tpu.dma_semaphore, #tpu.memory_space<semaphore_mem>>)
      } else {
      }
      %gt3A_79 = arith.constant 1 : i32
      %gt3A_80 = arith.cmpi sgt, %select_n3A, %gt3A_79 : i32
      %convert_element_type3A_81 = arith.extui %gt3A_80 : i1 to i32
      %cond3A_82 = arith.constant 0 : i32
      %cond3A_83 = arith.cmpi ne, %convert_element_type3A_81, %cond3A_82 : i32
      scf.if %cond3A_83 {
        %dma_start3A = arith.constant 16 : i32
        %dma_start3A_130 = tpu.memref_slice %arg14[%dma_start3A] : memref<3072xi32, #tpu.memory_space<vmem>> -> memref<16xi32, #tpu.memory_space<vmem>>
        %dma_start3A_131 = arith.constant 0 : i32
        %dma_start3A_132 = arith.constant 0 : i32
        %dma_start3A_133 = tpu.memref_slice %arg2[%dma_start3A_131, %dma_start3A_132] : memref<40000x640xf32, #tpu.memory_space<hbm>> -> memref<40000x640xf32, #tpu.memory_space<hbm>>
        tpu.enqueue_indirect_dma source(%dma_start3A_133 : memref<40000x640xf32, #tpu.memory_space<hbm>>) target(%arg18 : memref<16x640xf32, #tpu.memory_space<vmem>>) offsets(%dma_start3A_130 : memref<16xi32, #tpu.memory_space<vmem>>) semaphore(%arg25 : memref<!tpu.dma_semaphore, #tpu.memory_space<semaphore_mem>>)
      } else {
      }
      %add3A_84 = arith.constant 1 : i32
      %add3A_85 = arith.addi %select_n3A, %add3A_84 : i32
      %jit3A_86 = arith.constant 2 : i32
      %div3A_87 = arith.divsi %add3A_85, %jit3A_86 : i32
      %sign3A_88 = arith.constant 0 : i32
      %sign3A_89 = arith.cmpi sgt, %add3A_85, %sign3A_88 : i32
      %sign3A_90 = arith.extui %sign3A_89 : i1 to i32
      %sign3A_91 = arith.constant 0 : i32
      %sign3A_92 = arith.cmpi slt, %add3A_85, %sign3A_91 : i32
      %sign3A_93 = arith.extui %sign3A_92 : i1 to i32
      %sign3A_94 = arith.subi %sign3A_90, %sign3A_93 : i32
      %sign3A_95 = arith.constant 0 : i32
      %sign3A_96 = arith.cmpi sgt, %jit3A_86, %sign3A_95 : i32
      %sign3A_97 = arith.extui %sign3A_96 : i1 to i32
      %sign3A_98 = arith.constant 0 : i32
      %sign3A_99 = arith.cmpi slt, %jit3A_86, %sign3A_98 : i32
      %sign3A_100 = arith.extui %sign3A_99 : i1 to i32
      %sign3A_101 = arith.subi %sign3A_97, %sign3A_100 : i32
      %ne3A_102 = arith.cmpi ne, %sign3A_94, %sign3A_101 : i32
      %rem3A_103 = arith.remsi %add3A_85, %jit3A_86 : i32
      %ne3A_104 = arith.constant 0 : i32
      %ne3A_105 = arith.cmpi ne, %rem3A_103, %ne3A_104 : i32
      %and3A_106 = arith.andi %ne3A_102, %ne3A_105 : i1
      %sub3A_107 = arith.constant 1 : i32
      %sub3A_108 = arith.subi %div3A_87, %sub3A_107 : i32
      %select_n3A_109 = arith.select %and3A_106, %sub3A_108, %div3A_87 : i32
      %while3A = arith.constant 0 : i32
      %while3A_110 = arith.constant 0 : i32
      %while3A_111 = arith.subi %select_n3A_109, %while3A : i32
      %while3A_112 = arith.addi %while3A, %while3A_111 : i32
      %while3A_113 = arith.constant 1 : i32
      %while3A_114 = arith.divsi %while3A_111, %while3A_113 : i32
      %while3A_115 = arith.muli %while3A_114, %while3A_113 : i32
      %while3A_116 = arith.addi %while3A, %while3A_115 : i32
      %while3A_117 = arith.constant 1 : i32
      %while3A_118 = scf.for %while3A_130 = %while3A to %while3A_116 step %while3A_117 iter_args(%while3A_131 = %while3A_110) -> (i32)  : i32 {
        %mul3A_132 = arith.constant 2 : i32
        %mul3A_133 = arith.muli %while3A_130, %mul3A_132 : i32
        %add3A_134 = arith.constant 0 : i32
        %add3A_135 = arith.addi %mul3A_133, %add3A_134 : i32
        %lt3A = arith.cmpi slt, %add3A_135, %select_n3A : i32
        %convert_element_type3A_136 = arith.extui %lt3A : i1 to i32
        %cond3A_137 = arith.constant 0 : i32
        %cond3A_138 = arith.cmpi ne, %convert_element_type3A_136, %cond3A_137 : i32
        scf.if %cond3A_138 {
          %mul3A_148 = arith.constant 16 : i32
          %mul3A_149 = arith.muli %add3A_135, %mul3A_148 : i32
          %dma_wait3A = tpu.memref_slice %arg14[%mul3A_149] : memref<3072xi32, #tpu.memory_space<vmem>> -> memref<16xi32, #tpu.memory_space<vmem>>
          %dma_wait3A_150 = arith.constant 0 : i32
          %dma_wait3A_151 = arith.constant 0 : i32
          %dma_wait3A_152 = tpu.memref_slice %arg2[%dma_wait3A_150, %dma_wait3A_151] : memref<40000x640xf32, #tpu.memory_space<hbm>> -> memref<40000x640xf32, #tpu.memory_space<hbm>>
          tpu.wait_indirect_dma semaphore(%arg24 : memref<!tpu.dma_semaphore, #tpu.memory_space<semaphore_mem>>) src(%dma_wait3A_152 : memref<40000x640xf32, #tpu.memory_space<hbm>>) dst(%arg17 : memref<16x640xf32, #tpu.memory_space<vmem>>)
          %scan3A_153 = arith.constant 0 : i32
          %scan3A_154 = arith.constant 0 : i32
          %scan3A_155 = arith.constant 16 : i32
          %scan3A_156 = arith.addi %scan3A_154, %scan3A_155 : i32
          %scan3A_157 = arith.constant 1 : i32
          %scan3A_158 = scf.for %scan3A_166 = %scan3A_154 to %scan3A_156 step %scan3A_157 iter_args(%scan3A_167 = %scan3A_153) -> (i32)  : i32 {
            %broadcast_in_dim3A_168 = vector.broadcast %scan3A_166 : i32 to vector<16xi32>
            %mul3A_169 = arith.constant 16 : i32
            %mul3A_170 = arith.muli %add3A_135, %mul3A_169 : i32
            %add3A_171 = vector.broadcast %mul3A_170 : i32 to vector<16xi32>
            %add3A_172 = arith.addi %add3A_171, %broadcast_in_dim3A_168 : vector<16xi32>
            %gather3A = tpu.vector_load_idx %arg15[%add3A_172] : memref<3072xi32, #tpu.memory_space<vmem>>[vector<16xi32>], vector<16xi32>,
            %and3A_173 = arith.constant 3 : i32
            %and3A_174 = vector.broadcast %and3A_173 : i32 to vector<16xi32>
            %and3A_175 = arith.andi %iota3A, %and3A_174 : vector<16xi32>
            %add3A_176 = arith.constant 520 : i32
            %add3A_177 = vector.broadcast %add3A_176 : i32 to vector<16xi32>
            %add3A_178 = arith.addi %add3A_177, %and3A_175 : vector<16xi32>
            %gather3A_179 = tpu.vector_load_idx %arg17[%broadcast_in_dim3A_168, %add3A_178] : memref<16x640xf32, #tpu.memory_space<vmem>>[vector<16xi32>, vector<16xi32>], vector<16xf32>,
            %mul3A_180 = arith.constant 4 : i32
            %mul3A_181 = vector.broadcast %mul3A_180 : i32 to vector<16xi32>
            %mul3A_182 = arith.muli %gather3A, %mul3A_181 : vector<16xi32>
            %and3A_183 = arith.constant 3 : i32
            %and3A_184 = vector.broadcast %and3A_183 : i32 to vector<16xi32>
            %and3A_185 = arith.andi %iota3A, %and3A_184 : vector<16xi32>
            %add3A_186 = arith.addi %mul3A_182, %and3A_185 : vector<16xi32>
            %gather3A_187 = tpu.vector_load_idx %arg16[%add3A_186] : memref<512xf32, #tpu.memory_space<vmem>>[vector<16xi32>], vector<16xf32>,
            %add3A_188 = arith.addf %gather3A_179, %gather3A_187 : vector<16xf32>
            %mul3A_189 = arith.constant 2.000000e-01 : f32
            %mul3A_190 = vector.broadcast %mul3A_189 : f32 to vector<16xf32>
            %mul3A_191 = arith.mulf %mul3A_190, %add3A_188 : vector<16xf32>
            %max3A = arith.maximumf %add3A_188, %mul3A_191 : vector<16xf32>
            %exp3A = math.exp %max3A : vector<16xf32>
            %swap3A = arith.index_cast %scan3A_166 : i32 to index
            %swap3A_192 = arith.constant 512 : index
            %swap3A_193 = tpu.vector_load %arg17[%swap3A, %swap3A_192] {strides = array<i32>} : memref<16x640xf32, #tpu.memory_space<vmem>>, vector<16xf32>,
            tpu.vector_store %arg17[%swap3A, %swap3A_192], %exp3A {strides = array<i32>} : memref<16x640xf32, #tpu.memory_space<vmem>>, vector<16xf32>,
            %add3A_194 = arith.constant 512 : i32
            %add3A_195 = vector.broadcast %add3A_194 : i32 to vector<16xi32>
            %add3A_196 = arith.addi %add3A_195, %iota3A : vector<16xi32>
            tpu.vector_store_idx %arg19[%gather3A, %add3A_196], %exp3A {add = true} : memref<128x640xf32, #tpu.memory_space<vmem>>[vector<16xi32>, vector<16xi32>], vector<16xf32>,
            %broadcast_in_dim3A_197 = arith.constant 512 : i32
            %broadcast_in_dim3A_198 = vector.broadcast %broadcast_in_dim3A_197 : i32 to vector<16xi32>
            %gather3A_199 = tpu.vector_load_idx %arg17[%broadcast_in_dim3A_168, %broadcast_in_dim3A_198] : memref<16x640xf32, #tpu.memory_space<vmem>>[vector<16xi32>, vector<16xi32>], vector<16xf32>,
            %get3A = arith.index_cast %scan3A_166 : i32 to index
            %get3A_200 = arith.constant 0 : index
            %get3A_201 = tpu.vector_load %arg17[%get3A, %get3A_200] {strides = array<i32>} : memref<16x640xf32, #tpu.memory_space<vmem>>, vector<16xf32>,
            %mul3A_202 = arith.mulf %get3A_201, %gather3A_199 : vector<16xf32>
            %add3A_203 = arith.constant 0 : i32
            %add3A_204 = vector.broadcast %add3A_203 : i32 to vector<16xi32>
            %add3A_205 = arith.addi %add3A_204, %iota3A : vector<16xi32>
            tpu.vector_store_idx %arg19[%gather3A, %add3A_205], %mul3A_202 {add = true} : memref<128x640xf32, #tpu.memory_space<vmem>>[vector<16xi32>, vector<16xi32>], vector<16xf32>,
            %get3A_206 = arith.index_cast %scan3A_166 : i32 to index
            %get3A_207 = arith.constant 16 : index
            %get3A_208 = tpu.vector_load %arg17[%get3A_206, %get3A_207] {strides = array<i32>} : memref<16x640xf32, #tpu.memory_space<vmem>>, vector<16xf32>,
            %mul3A_209 = arith.mulf %get3A_208, %gather3A_199 : vector<16xf32>
            %add3A_210 = arith.constant 16 : i32
            %add3A_211 = vector.broadcast %add3A_210 : i32 to vector<16xi32>
            %add3A_212 = arith.addi %add3A_211, %iota3A : vector<16xi32>
            tpu.vector_store_idx %arg19[%gather3A, %add3A_212], %mul3A_209 {add = true} : memref<128x640xf32, #tpu.memory_space<vmem>>[vector<16xi32>, vector<16xi32>], vector<16xf32>,
            %get3A_213 = arith.index_cast %scan3A_166 : i32 to index
            %get3A_214 = arith.constant 32 : index
            %get3A_215 = tpu.vector_load %arg17[%get3A_213, %get3A_214] {strides = array<i32>} : memref<16x640xf32, #tpu.memory_space<vmem>>, vector<16xf32>,
            %mul3A_216 = arith.mulf %get3A_215, %gather3A_199 : vector<16xf32>
            %add3A_217 = arith.constant 32 : i32
            %add3A_218 = vector.broadcast %add3A_217 : i32 to vector<16xi32>
            %add3A_219 = arith.addi %add3A_218, %iota3A : vector<16xi32>
            tpu.vector_store_idx %arg19[%gather3A, %add3A_219], %mul3A_216 {add = true} : memref<128x640xf32, #tpu.memory_space<vmem>>[vector<16xi32>, vector<16xi32>], vector<16xf32>,
            %get3A_220 = arith.index_cast %scan3A_166 : i32 to index
            %get3A_221 = arith.constant 48 : index
            %get3A_222 = tpu.vector_load %arg17[%get3A_220, %get3A_221] {strides = array<i32>} : memref<16x640xf32, #tpu.memory_space<vmem>>, vector<16xf32>,
            %mul3A_223 = arith.mulf %get3A_222, %gather3A_199 : vector<16xf32>
            %add3A_224 = arith.constant 48 : i32
            %add3A_225 = vector.broadcast %add3A_224 : i32 to vector<16xi32>
            %add3A_226 = arith.addi %add3A_225, %iota3A : vector<16xi32>
            tpu.vector_store_idx %arg19[%gather3A, %add3A_226], %mul3A_223 {add = true} : memref<128x640xf32, #tpu.memory_space<vmem>>[vector<16xi32>, vector<16xi32>], vector<16xf32>,
            %get3A_227 = arith.index_cast %scan3A_166 : i32 to index
            %get3A_228 = arith.constant 64 : index
            %get3A_229 = tpu.vector_load %arg17[%get3A_227, %get3A_228] {strides = array<i32>} : memref<16x640xf32, #tpu.memory_space<vmem>>, vector<16xf32>,
            %mul3A_230 = arith.mulf %get3A_229, %gather3A_199 : vector<16xf32>
            %add3A_231 = arith.constant 64 : i32
            %add3A_232 = vector.broadcast %add3A_231 : i32 to vector<16xi32>
            %add3A_233 = arith.addi %add3A_232, %iota3A : vector<16xi32>
            tpu.vector_store_idx %arg19[%gather3A, %add3A_233], %mul3A_230 {add = true} : memref<128x640xf32, #tpu.memory_space<vmem>>[vector<16xi32>, vector<16xi32>], vector<16xf32>,
            %get3A_234 = arith.index_cast %scan3A_166 : i32 to index
            %get3A_235 = arith.constant 80 : index
            %get3A_236 = tpu.vector_load %arg17[%get3A_234, %get3A_235] {strides = array<i32>} : memref<16x640xf32, #tpu.memory_space<vmem>>, vector<16xf32>,
            %mul3A_237 = arith.mulf %get3A_236, %gather3A_199 : vector<16xf32>
            %add3A_238 = arith.constant 80 : i32
            %add3A_239 = vector.broadcast %add3A_238 : i32 to vector<16xi32>
            %add3A_240 = arith.addi %add3A_239, %iota3A : vector<16xi32>
            tpu.vector_store_idx %arg19[%gather3A, %add3A_240], %mul3A_237 {add = true} : memref<128x640xf32, #tpu.memory_space<vmem>>[vector<16xi32>, vector<16xi32>], vector<16xf32>,
            %get3A_241 = arith.index_cast %scan3A_166 : i32 to index
            %get3A_242 = arith.constant 96 : index
            %get3A_243 = tpu.vector_load %arg17[%get3A_241, %get3A_242] {strides = array<i32>} : memref<16x640xf32, #tpu.memory_space<vmem>>, vector<16xf32>,
            %mul3A_244 = arith.mulf %get3A_243, %gather3A_199 : vector<16xf32>
            %add3A_245 = arith.constant 96 : i32
            %add3A_246 = vector.broadcast %add3A_245 : i32 to vector<16xi32>
            %add3A_247 = arith.addi %add3A_246, %iota3A : vector<16xi32>
            tpu.vector_store_idx %arg19[%gather3A, %add3A_247], %mul3A_244 {add = true} : memref<128x640xf32, #tpu.memory_space<vmem>>[vector<16xi32>, vector<16xi32>], vector<16xf32>,
            %get3A_248 = arith.index_cast %scan3A_166 : i32 to index
            %get3A_249 = arith.constant 112 : index
            %get3A_250 = tpu.vector_load %arg17[%get3A_248, %get3A_249] {strides = array<i32>} : memref<16x640xf32, #tpu.memory_space<vmem>>, vector<16xf32>,
            %mul3A_251 = arith.mulf %get3A_250, %gather3A_199 : vector<16xf32>
            %add3A_252 = arith.constant 112 : i32
            %add3A_253 = vector.broadcast %add3A_252 : i32 to vector<16xi32>
            %add3A_254 = arith.addi %add3A_253, %iota3A : vector<16xi32>
            tpu.vector_store_idx %arg19[%gather3A, %add3A_254], %mul3A_251 {add = true} : memref<128x640xf32, #tpu.memory_space<vmem>>[vector<16xi32>, vector<16xi32>], vector<16xf32>,
            %broadcast_in_dim3A_255 = arith.constant 513 : i32
            %broadcast_in_dim3A_256 = vector.broadcast %broadcast_in_dim3A_255 : i32 to vector<16xi32>
            %gather3A_257 = tpu.vector_load_idx %arg17[%broadcast_in_dim3A_168, %broadcast_in_dim3A_256] : memref<16x640xf32, #tpu.memory_space<vmem>>[vector<16xi32>, vector<16xi32>], vector<16xf32>,
            %get3A_258 = arith.index_cast %scan3A_166 : i32 to index
            %get3A_259 = arith.constant 128 : index
            %get3A_260 = tpu.vector_load %arg17[%get3A_258, %get3A_259] {strides = array<i32>} : memref<16x640xf32, #tpu.memory_space<vmem>>, vector<16xf32>,
            %mul3A_261 = arith.mulf %get3A_260, %gather3A_257 : vector<16xf32>
            %add3A_262 = arith.constant 128 : i32
            %add3A_263 = vector.broadcast %add3A_262 : i32 to vector<16xi32>
            %add3A_264 = arith.addi %add3A_263, %iota3A : vector<16xi32>
            tpu.vector_store_idx %arg19[%gather3A, %add3A_264], %mul3A_261 {add = true} : memref<128x640xf32, #tpu.memory_space<vmem>>[vector<16xi32>, vector<16xi32>], vector<16xf32>,
            %get3A_265 = arith.index_cast %scan3A_166 : i32 to index
            %get3A_266 = arith.constant 144 : index
            %get3A_267 = tpu.vector_load %arg17[%get3A_265, %get3A_266] {strides = array<i32>} : memref<16x640xf32, #tpu.memory_space<vmem>>, vector<16xf32>,
            %mul3A_268 = arith.mulf %get3A_267, %gather3A_257 : vector<16xf32>
            %add3A_269 = arith.constant 144 : i32
            %add3A_270 = vector.broadcast %add3A_269 : i32 to vector<16xi32>
            %add3A_271 = arith.addi %add3A_270, %iota3A : vector<16xi32>
            tpu.vector_store_idx %arg19[%gather3A, %add3A_271], %mul3A_268 {add = true} : memref<128x640xf32, #tpu.memory_space<vmem>>[vector<16xi32>, vector<16xi32>], vector<16xf32>,
            %get3A_272 = arith.index_cast %scan3A_166 : i32 to index
            %get3A_273 = arith.constant 160 : index
            %get3A_274 = tpu.vector_load %arg17[%get3A_272, %get3A_273] {strides = array<i32>} : memref<16x640xf32, #tpu.memory_space<vmem>>, vector<16xf32>,
            %mul3A_275 = arith.mulf %get3A_274, %gather3A_257 : vector<16xf32>
            %add3A_276 = arith.constant 160 : i32
            %add3A_277 = vector.broadcast %add3A_276 : i32 to vector<16xi32>
            %add3A_278 = arith.addi %add3A_277, %iota3A : vector<16xi32>
            tpu.vector_store_idx %arg19[%gather3A, %add3A_278], %mul3A_275 {add = true} : memref<128x640xf32, #tpu.memory_space<vmem>>[vector<16xi32>, vector<16xi32>], vector<16xf32>,
            %get3A_279 = arith.index_cast %scan3A_166 : i32 to index
            %get3A_280 = arith.constant 176 : index
            %get3A_281 = tpu.vector_load %arg17[%get3A_279, %get3A_280] {strides = array<i32>} : memref<16x640xf32, #tpu.memory_space<vmem>>, vector<16xf32>,
            %mul3A_282 = arith.mulf %get3A_281, %gather3A_257 : vector<16xf32>
            %add3A_283 = arith.constant 176 : i32
            %add3A_284 = vector.broadcast %add3A_283 : i32 to vector<16xi32>
            %add3A_285 = arith.addi %add3A_284, %iota3A : vector<16xi32>
            tpu.vector_store_idx %arg19[%gather3A, %add3A_285], %mul3A_282 {add = true} : memref<128x640xf32, #tpu.memory_space<vmem>>[vector<16xi32>, vector<16xi32>], vector<16xf32>,
            %get3A_286 = arith.index_cast %scan3A_166 : i32 to index
            %get3A_287 = arith.constant 192 : index
            %get3A_288 = tpu.vector_load %arg17[%get3A_286, %get3A_287] {strides = array<i32>} : memref<16x640xf32, #tpu.memory_space<vmem>>, vector<16xf32>,
            %mul3A_289 = arith.mulf %get3A_288, %gather3A_257 : vector<16xf32>
            %add3A_290 = arith.constant 192 : i32
            %add3A_291 = vector.broadcast %add3A_290 : i32 to vector<16xi32>
            %add3A_292 = arith.addi %add3A_291, %iota3A : vector<16xi32>
            tpu.vector_store_idx %arg19[%gather3A, %add3A_292], %mul3A_289 {add = true} : memref<128x640xf32, #tpu.memory_space<vmem>>[vector<16xi32>, vector<16xi32>], vector<16xf32>,
            %get3A_293 = arith.index_cast %scan3A_166 : i32 to index
            %get3A_294 = arith.constant 208 : index
            %get3A_295 = tpu.vector_load %arg17[%get3A_293, %get3A_294] {strides = array<i32>} : memref<16x640xf32, #tpu.memory_space<vmem>>, vector<16xf32>,
            %mul3A_296 = arith.mulf %get3A_295, %gather3A_257 : vector<16xf32>
            %add3A_297 = arith.constant 208 : i32
            %add3A_298 = vector.broadcast %add3A_297 : i32 to vector<16xi32>
            %add3A_299 = arith.addi %add3A_298, %iota3A : vector<16xi32>
            tpu.vector_store_idx %arg19[%gather3A, %add3A_299], %mul3A_296 {add = true} : memref<128x640xf32, #tpu.memory_space<vmem>>[vector<16xi32>, vector<16xi32>], vector<16xf32>,
            %get3A_300 = arith.index_cast %scan3A_166 : i32 to index
            %get3A_301 = arith.constant 224 : index
            %get3A_302 = tpu.vector_load %arg17[%get3A_300, %get3A_301] {strides = array<i32>} : memref<16x640xf32, #tpu.memory_space<vmem>>, vector<16xf32>,
            %mul3A_303 = arith.mulf %get3A_302, %gather3A_257 : vector<16xf32>
            %add3A_304 = arith.constant 224 : i32
            %add3A_305 = vector.broadcast %add3A_304 : i32 to vector<16xi32>
            %add3A_306 = arith.addi %add3A_305, %iota3A : vector<16xi32>
            tpu.vector_store_idx %arg19[%gather3A, %add3A_306], %mul3A_303 {add = true} : memref<128x640xf32, #tpu.memory_space<vmem>>[vector<16xi32>, vector<16xi32>], vector<16xf32>,
            %get3A_307 = arith.index_cast %scan3A_166 : i32 to index
            %get3A_308 = arith.constant 240 : index
            %get3A_309 = tpu.vector_load %arg17[%get3A_307, %get3A_308] {strides = array<i32>} : memref<16x640xf32, #tpu.memory_space<vmem>>, vector<16xf32>,
            %mul3A_310 = arith.mulf %get3A_309, %gather3A_257 : vector<16xf32>
            %add3A_311 = arith.constant 240 : i32
            %add3A_312 = vector.broadcast %add3A_311 : i32 to vector<16xi32>
            %add3A_313 = arith.addi %add3A_312, %iota3A : vector<16xi32>
            tpu.vector_store_idx %arg19[%gather3A, %add3A_313], %mul3A_310 {add = true} : memref<128x640xf32, #tpu.memory_space<vmem>>[vector<16xi32>, vector<16xi32>], vector<16xf32>,
            %broadcast_in_dim3A_314 = arith.constant 514 : i32
            %broadcast_in_dim3A_315 = vector.broadcast %broadcast_in_dim3A_314 : i32 to vector<16xi32>
            %gather3A_316 = tpu.vector_load_idx %arg17[%broadcast_in_dim3A_168, %broadcast_in_dim3A_315] : memref<16x640xf32, #tpu.memory_space<vmem>>[vector<16xi32>, vector<16xi32>], vector<16xf32>,
            %get3A_317 = arith.index_cast %scan3A_166 : i32 to index
            %get3A_318 = arith.constant 256 : index
            %get3A_319 = tpu.vector_load %arg17[%get3A_317, %get3A_318] {strides = array<i32>} : memref<16x640xf32, #tpu.memory_space<vmem>>, vector<16xf32>,
            %mul3A_320 = arith.mulf %get3A_319, %gather3A_316 : vector<16xf32>
            %add3A_321 = arith.constant 256 : i32
            %add3A_322 = vector.broadcast %add3A_321 : i32 to vector<16xi32>
            %add3A_323 = arith.addi %add3A_322, %iota3A : vector<16xi32>
            tpu.vector_store_idx %arg19[%gather3A, %add3A_323], %mul3A_320 {add = true} : memref<128x640xf32, #tpu.memory_space<vmem>>[vector<16xi32>, vector<16xi32>], vector<16xf32>,
            %get3A_324 = arith.index_cast %scan3A_166 : i32 to index
            %get3A_325 = arith.constant 272 : index
            %get3A_326 = tpu.vector_load %arg17[%get3A_324, %get3A_325] {strides = array<i32>} : memref<16x640xf32, #tpu.memory_space<vmem>>, vector<16xf32>,
            %mul3A_327 = arith.mulf %get3A_326, %gather3A_316 : vector<16xf32>
            %add3A_328 = arith.constant 272 : i32
            %add3A_329 = vector.broadcast %add3A_328 : i32 to vector<16xi32>
            %add3A_330 = arith.addi %add3A_329, %iota3A : vector<16xi32>
            tpu.vector_store_idx %arg19[%gather3A, %add3A_330], %mul3A_327 {add = true} : memref<128x640xf32, #tpu.memory_space<vmem>>[vector<16xi32>, vector<16xi32>], vector<16xf32>,
            %get3A_331 = arith.index_cast %scan3A_166 : i32 to index
            %get3A_332 = arith.constant 288 : index
            %get3A_333 = tpu.vector_load %arg17[%get3A_331, %get3A_332] {strides = array<i32>} : memref<16x640xf32, #tpu.memory_space<vmem>>, vector<16xf32>,
            %mul3A_334 = arith.mulf %get3A_333, %gather3A_316 : vector<16xf32>
            %add3A_335 = arith.constant 288 : i32
            %add3A_336 = vector.broadcast %add3A_335 : i32 to vector<16xi32>
            %add3A_337 = arith.addi %add3A_336, %iota3A : vector<16xi32>
            tpu.vector_store_idx %arg19[%gather3A, %add3A_337], %mul3A_334 {add = true} : memref<128x640xf32, #tpu.memory_space<vmem>>[vector<16xi32>, vector<16xi32>], vector<16xf32>,
            %get3A_338 = arith.index_cast %scan3A_166 : i32 to index
            %get3A_339 = arith.constant 304 : index
            %get3A_340 = tpu.vector_load %arg17[%get3A_338, %get3A_339] {strides = array<i32>} : memref<16x640xf32, #tpu.memory_space<vmem>>, vector<16xf32>,
            %mul3A_341 = arith.mulf %get3A_340, %gather3A_316 : vector<16xf32>
            %add3A_342 = arith.constant 304 : i32
            %add3A_343 = vector.broadcast %add3A_342 : i32 to vector<16xi32>
            %add3A_344 = arith.addi %add3A_343, %iota3A : vector<16xi32>
            tpu.vector_store_idx %arg19[%gather3A, %add3A_344], %mul3A_341 {add = true} : memref<128x640xf32, #tpu.memory_space<vmem>>[vector<16xi32>, vector<16xi32>], vector<16xf32>,
            %get3A_345 = arith.index_cast %scan3A_166 : i32 to index
            %get3A_346 = arith.constant 320 : index
            %get3A_347 = tpu.vector_load %arg17[%get3A_345, %get3A_346] {strides = array<i32>} : memref<16x640xf32, #tpu.memory_space<vmem>>, vector<16xf32>,
            %mul3A_348 = arith.mulf %get3A_347, %gather3A_316 : vector<16xf32>
            %add3A_349 = arith.constant 320 : i32
            %add3A_350 = vector.broadcast %add3A_349 : i32 to vector<16xi32>
            %add3A_351 = arith.addi %add3A_350, %iota3A : vector<16xi32>
            tpu.vector_store_idx %arg19[%gather3A, %add3A_351], %mul3A_348 {add = true} : memref<128x640xf32, #tpu.memory_space<vmem>>[vector<16xi32>, vector<16xi32>], vector<16xf32>,
            %get3A_352 = arith.index_cast %scan3A_166 : i32 to index
            %get3A_353 = arith.constant 336 : index
            %get3A_354 = tpu.vector_load %arg17[%get3A_352, %get3A_353] {strides = array<i32>} : memref<16x640xf32, #tpu.memory_space<vmem>>, vector<16xf32>,
            %mul3A_355 = arith.mulf %get3A_354, %gather3A_316 : vector<16xf32>
            %add3A_356 = arith.constant 336 : i32
            %add3A_357 = vector.broadcast %add3A_356 : i32 to vector<16xi32>
            %add3A_358 = arith.addi %add3A_357, %iota3A : vector<16xi32>
            tpu.vector_store_idx %arg19[%gather3A, %add3A_358], %mul3A_355 {add = true} : memref<128x640xf32, #tpu.memory_space<vmem>>[vector<16xi32>, vector<16xi32>], vector<16xf32>,
            %get3A_359 = arith.index_cast %scan3A_166 : i32 to index
            %get3A_360 = arith.constant 352 : index
            %get3A_361 = tpu.vector_load %arg17[%get3A_359, %get3A_360] {strides = array<i32>} : memref<16x640xf32, #tpu.memory_space<vmem>>, vector<16xf32>,
            %mul3A_362 = arith.mulf %get3A_361, %gather3A_316 : vector<16xf32>
            %add3A_363 = arith.constant 352 : i32
            %add3A_364 = vector.broadcast %add3A_363 : i32 to vector<16xi32>
            %add3A_365 = arith.addi %add3A_364, %iota3A : vector<16xi32>
            tpu.vector_store_idx %arg19[%gather3A, %add3A_365], %mul3A_362 {add = true} : memref<128x640xf32, #tpu.memory_space<vmem>>[vector<16xi32>, vector<16xi32>], vector<16xf32>,
            %get3A_366 = arith.index_cast %scan3A_166 : i32 to index
            %get3A_367 = arith.constant 368 : index
            %get3A_368 = tpu.vector_load %arg17[%get3A_366, %get3A_367] {strides = array<i32>} : memref<16x640xf32, #tpu.memory_space<vmem>>, vector<16xf32>,
            %mul3A_369 = arith.mulf %get3A_368, %gather3A_316 : vector<16xf32>
            %add3A_370 = arith.constant 368 : i32
            %add3A_371 = vector.broadcast %add3A_370 : i32 to vector<16xi32>
            %add3A_372 = arith.addi %add3A_371, %iota3A : vector<16xi32>
            tpu.vector_store_idx %arg19[%gather3A, %add3A_372], %mul3A_369 {add = true} : memref<128x640xf32, #tpu.memory_space<vmem>>[vector<16xi32>, vector<16xi32>], vector<16xf32>,
            %broadcast_in_dim3A_373 = arith.constant 515 : i32
            %broadcast_in_dim3A_374 = vector.broadcast %broadcast_in_dim3A_373 : i32 to vector<16xi32>
            %gather3A_375 = tpu.vector_load_idx %arg17[%broadcast_in_dim3A_168, %broadcast_in_dim3A_374] : memref<16x640xf32, #tpu.memory_space<vmem>>[vector<16xi32>, vector<16xi32>], vector<16xf32>,
            %get3A_376 = arith.index_cast %scan3A_166 : i32 to index
            %get3A_377 = arith.constant 384 : index
            %get3A_378 = tpu.vector_load %arg17[%get3A_376, %get3A_377] {strides = array<i32>} : memref<16x640xf32, #tpu.memory_space<vmem>>, vector<16xf32>,
            %mul3A_379 = arith.mulf %get3A_378, %gather3A_375 : vector<16xf32>
            %add3A_380 = arith.constant 384 : i32
            %add3A_381 = vector.broadcast %add3A_380 : i32 to vector<16xi32>
            %add3A_382 = arith.addi %add3A_381, %iota3A : vector<16xi32>
            tpu.vector_store_idx %arg19[%gather3A, %add3A_382], %mul3A_379 {add = true} : memref<128x640xf32, #tpu.memory_space<vmem>>[vector<16xi32>, vector<16xi32>], vector<16xf32>,
            %get3A_383 = arith.index_cast %scan3A_166 : i32 to index
            %get3A_384 = arith.constant 400 : index
            %get3A_385 = tpu.vector_load %arg17[%get3A_383, %get3A_384] {strides = array<i32>} : memref<16x640xf32, #tpu.memory_space<vmem>>, vector<16xf32>,
            %mul3A_386 = arith.mulf %get3A_385, %gather3A_375 : vector<16xf32>
            %add3A_387 = arith.constant 400 : i32
            %add3A_388 = vector.broadcast %add3A_387 : i32 to vector<16xi32>
            %add3A_389 = arith.addi %add3A_388, %iota3A : vector<16xi32>
            tpu.vector_store_idx %arg19[%gather3A, %add3A_389], %mul3A_386 {add = true} : memref<128x640xf32, #tpu.memory_space<vmem>>[vector<16xi32>, vector<16xi32>], vector<16xf32>,
            %get3A_390 = arith.index_cast %scan3A_166 : i32 to index
            %get3A_391 = arith.constant 416 : index
            %get3A_392 = tpu.vector_load %arg17[%get3A_390, %get3A_391] {strides = array<i32>} : memref<16x640xf32, #tpu.memory_space<vmem>>, vector<16xf32>,
            %mul3A_393 = arith.mulf %get3A_392, %gather3A_375 : vector<16xf32>
            %add3A_394 = arith.constant 416 : i32
            %add3A_395 = vector.broadcast %add3A_394 : i32 to vector<16xi32>
            %add3A_396 = arith.addi %add3A_395, %iota3A : vector<16xi32>
            tpu.vector_store_idx %arg19[%gather3A, %add3A_396], %mul3A_393 {add = true} : memref<128x640xf32, #tpu.memory_space<vmem>>[vector<16xi32>, vector<16xi32>], vector<16xf32>,
            %get3A_397 = arith.index_cast %scan3A_166 : i32 to index
            %get3A_398 = arith.constant 432 : index
            %get3A_399 = tpu.vector_load %arg17[%get3A_397, %get3A_398] {strides = array<i32>} : memref<16x640xf32, #tpu.memory_space<vmem>>, vector<16xf32>,
            %mul3A_400 = arith.mulf %get3A_399, %gather3A_375 : vector<16xf32>
            %add3A_401 = arith.constant 432 : i32
            %add3A_402 = vector.broadcast %add3A_401 : i32 to vector<16xi32>
            %add3A_403 = arith.addi %add3A_402, %iota3A : vector<16xi32>
            tpu.vector_store_idx %arg19[%gather3A, %add3A_403], %mul3A_400 {add = true} : memref<128x640xf32, #tpu.memory_space<vmem>>[vector<16xi32>, vector<16xi32>], vector<16xf32>,
            %get3A_404 = arith.index_cast %scan3A_166 : i32 to index
            %get3A_405 = arith.constant 448 : index
            %get3A_406 = tpu.vector_load %arg17[%get3A_404, %get3A_405] {strides = array<i32>} : memref<16x640xf32, #tpu.memory_space<vmem>>, vector<16xf32>,
            %mul3A_407 = arith.mulf %get3A_406, %gather3A_375 : vector<16xf32>
            %add3A_408 = arith.constant 448 : i32
            %add3A_409 = vector.broadcast %add3A_408 : i32 to vector<16xi32>
            %add3A_410 = arith.addi %add3A_409, %iota3A : vector<16xi32>
            tpu.vector_store_idx %arg19[%gather3A, %add3A_410], %mul3A_407 {add = true} : memref<128x640xf32, #tpu.memory_space<vmem>>[vector<16xi32>, vector<16xi32>], vector<16xf32>,
            %get3A_411 = arith.index_cast %scan3A_166 : i32 to index
            %get3A_412 = arith.constant 464 : index
            %get3A_413 = tpu.vector_load %arg17[%get3A_411, %get3A_412] {strides = array<i32>} : memref<16x640xf32, #tpu.memory_space<vmem>>, vector<16xf32>,
            %mul3A_414 = arith.mulf %get3A_413, %gather3A_375 : vector<16xf32>
            %add3A_415 = arith.constant 464 : i32
            %add3A_416 = vector.broadcast %add3A_415 : i32 to vector<16xi32>
            %add3A_417 = arith.addi %add3A_416, %iota3A : vector<16xi32>
            tpu.vector_store_idx %arg19[%gather3A, %add3A_417], %mul3A_414 {add = true} : memref<128x640xf32, #tpu.memory_space<vmem>>[vector<16xi32>, vector<16xi32>], vector<16xf32>,
            %get3A_418 = arith.index_cast %scan3A_166 : i32 to index
            %get3A_419 = arith.constant 480 : index
            %get3A_420 = tpu.vector_load %arg17[%get3A_418, %get3A_419] {strides = array<i32>} : memref<16x640xf32, #tpu.memory_space<vmem>>, vector<16xf32>,
            %mul3A_421 = arith.mulf %get3A_420, %gather3A_375 : vector<16xf32>
            %add3A_422 = arith.constant 480 : i32
            %add3A_423 = vector.broadcast %add3A_422 : i32 to vector<16xi32>
            %add3A_424 = arith.addi %add3A_423, %iota3A : vector<16xi32>
            tpu.vector_store_idx %arg19[%gather3A, %add3A_424], %mul3A_421 {add = true} : memref<128x640xf32, #tpu.memory_space<vmem>>[vector<16xi32>, vector<16xi32>], vector<16xf32>,
            %get3A_425 = arith.index_cast %scan3A_166 : i32 to index
            %get3A_426 = arith.constant 496 : index
            %get3A_427 = tpu.vector_load %arg17[%get3A_425, %get3A_426] {strides = array<i32>} : memref<16x640xf32, #tpu.memory_space<vmem>>, vector<16xf32>,
            %mul3A_428 = arith.mulf %get3A_427, %gather3A_375 : vector<16xf32>
            %add3A_429 = arith.constant 496 : i32
            %add3A_430 = vector.broadcast %add3A_429 : i32 to vector<16xi32>
            %add3A_431 = arith.addi %add3A_430, %iota3A : vector<16xi32>
            tpu.vector_store_idx %arg19[%gather3A, %add3A_431], %mul3A_428 {add = true} : memref<128x640xf32, #tpu.memory_space<vmem>>[vector<16xi32>, vector<16xi32>], vector<16xf32>,
            %scan3A_432 = arith.constant 0 : i32
            scf.yield %scan3A_432 : i32
          }
          %scan3A_159 = arith.constant 16 : i32
          %add3A_160 = arith.constant 2 : i32
          %add3A_161 = arith.addi %add3A_135, %add3A_160 : i32
          %lt3A_162 = arith.cmpi slt, %add3A_161, %select_n3A : i32
          %convert_element_type3A_163 = arith.extui %lt3A_162 : i1 to i32
          %cond3A_164 = arith.constant 0 : i32
          %cond3A_165 = arith.cmpi ne, %convert_element_type3A_163, %cond3A_164 : i32
          scf.if %cond3A_165 {
            %add3A_166 = arith.constant 2 : i32
            %add3A_167 = arith.addi %add3A_135, %add3A_166 : i32
            %mul3A_168 = arith.constant 16 : i32
            %mul3A_169 = arith.muli %add3A_167, %mul3A_168 : i32
            %dma_start3A = tpu.memref_slice %arg14[%mul3A_169] : memref<3072xi32, #tpu.memory_space<vmem>> -> memref<16xi32, #tpu.memory_space<vmem>>
            %dma_start3A_170 = arith.constant 0 : i32
            %dma_start3A_171 = arith.constant 0 : i32
            %dma_start3A_172 = tpu.memref_slice %arg2[%dma_start3A_170, %dma_start3A_171] : memref<40000x640xf32, #tpu.memory_space<hbm>> -> memref<40000x640xf32, #tpu.memory_space<hbm>>
            tpu.enqueue_indirect_dma source(%dma_start3A_172 : memref<40000x640xf32, #tpu.memory_space<hbm>>) target(%arg17 : memref<16x640xf32, #tpu.memory_space<vmem>>) offsets(%dma_start3A : memref<16xi32, #tpu.memory_space<vmem>>) semaphore(%arg24 : memref<!tpu.dma_semaphore, #tpu.memory_space<semaphore_mem>>)
          } else {
          }
        } else {
        }
        %mul3A_139 = arith.constant 2 : i32
        %mul3A_140 = arith.muli %while3A_130, %mul3A_139 : i32
        %add3A_141 = arith.constant 1 : i32
        %add3A_142 = arith.addi %mul3A_140, %add3A_141 : i32
        %lt3A_143 = arith.cmpi slt, %add3A_142, %select_n3A : i32
        %convert_element_type3A_144 = arith.extui %lt3A_143 : i1 to i32
        %cond3A_145 = arith.constant 0 : i32
        %cond3A_146 = arith.cmpi ne, %convert_element_type3A_144, %cond3A_145 : i32
        scf.if %cond3A_146 {
          %mul3A_148 = arith.constant 16 : i32
          %mul3A_149 = arith.muli %add3A_142, %mul3A_148 : i32
          %dma_wait3A = tpu.memref_slice %arg14[%mul3A_149] : memref<3072xi32, #tpu.memory_space<vmem>> -> memref<16xi32, #tpu.memory_space<vmem>>
          %dma_wait3A_150 = arith.constant 0 : i32
          %dma_wait3A_151 = arith.constant 0 : i32
          %dma_wait3A_152 = tpu.memref_slice %arg2[%dma_wait3A_150, %dma_wait3A_151] : memref<40000x640xf32, #tpu.memory_space<hbm>> -> memref<40000x640xf32, #tpu.memory_space<hbm>>
          tpu.wait_indirect_dma semaphore(%arg25 : memref<!tpu.dma_semaphore, #tpu.memory_space<semaphore_mem>>) src(%dma_wait3A_152 : memref<40000x640xf32, #tpu.memory_space<hbm>>) dst(%arg18 : memref<16x640xf32, #tpu.memory_space<vmem>>)
          %scan3A_153 = arith.constant 0 : i32
          %scan3A_154 = arith.constant 0 : i32
          %scan3A_155 = arith.constant 16 : i32
          %scan3A_156 = arith.addi %scan3A_154, %scan3A_155 : i32
          %scan3A_157 = arith.constant 1 : i32
          %scan3A_158 = scf.for %scan3A_166 = %scan3A_154 to %scan3A_156 step %scan3A_157 iter_args(%scan3A_167 = %scan3A_153) -> (i32)  : i32 {
            %broadcast_in_dim3A_168 = vector.broadcast %scan3A_166 : i32 to vector<16xi32>
            %mul3A_169 = arith.constant 16 : i32
            %mul3A_170 = arith.muli %add3A_142, %mul3A_169 : i32
            %add3A_171 = vector.broadcast %mul3A_170 : i32 to vector<16xi32>
            %add3A_172 = arith.addi %add3A_171, %broadcast_in_dim3A_168 : vector<16xi32>
            %gather3A = tpu.vector_load_idx %arg15[%add3A_172] : memref<3072xi32, #tpu.memory_space<vmem>>[vector<16xi32>], vector<16xi32>,
            %and3A_173 = arith.constant 3 : i32
            %and3A_174 = vector.broadcast %and3A_173 : i32 to vector<16xi32>
            %and3A_175 = arith.andi %iota3A, %and3A_174 : vector<16xi32>
            %add3A_176 = arith.constant 520 : i32
            %add3A_177 = vector.broadcast %add3A_176 : i32 to vector<16xi32>
            %add3A_178 = arith.addi %add3A_177, %and3A_175 : vector<16xi32>
            %gather3A_179 = tpu.vector_load_idx %arg18[%broadcast_in_dim3A_168, %add3A_178] : memref<16x640xf32, #tpu.memory_space<vmem>>[vector<16xi32>, vector<16xi32>], vector<16xf32>,
            %mul3A_180 = arith.constant 4 : i32
            %mul3A_181 = vector.broadcast %mul3A_180 : i32 to vector<16xi32>
            %mul3A_182 = arith.muli %gather3A, %mul3A_181 : vector<16xi32>
            %and3A_183 = arith.constant 3 : i32
            %and3A_184 = vector.broadcast %and3A_183 : i32 to vector<16xi32>
            %and3A_185 = arith.andi %iota3A, %and3A_184 : vector<16xi32>
            %add3A_186 = arith.addi %mul3A_182, %and3A_185 : vector<16xi32>
            %gather3A_187 = tpu.vector_load_idx %arg16[%add3A_186] : memref<512xf32, #tpu.memory_space<vmem>>[vector<16xi32>], vector<16xf32>,
            %add3A_188 = arith.addf %gather3A_179, %gather3A_187 : vector<16xf32>
            %mul3A_189 = arith.constant 2.000000e-01 : f32
            %mul3A_190 = vector.broadcast %mul3A_189 : f32 to vector<16xf32>
            %mul3A_191 = arith.mulf %mul3A_190, %add3A_188 : vector<16xf32>
            %max3A = arith.maximumf %add3A_188, %mul3A_191 : vector<16xf32>
            %exp3A = math.exp %max3A : vector<16xf32>
            %swap3A = arith.index_cast %scan3A_166 : i32 to index
            %swap3A_192 = arith.constant 512 : index
            %swap3A_193 = tpu.vector_load %arg18[%swap3A, %swap3A_192] {strides = array<i32>} : memref<16x640xf32, #tpu.memory_space<vmem>>, vector<16xf32>,
            tpu.vector_store %arg18[%swap3A, %swap3A_192], %exp3A {strides = array<i32>} : memref<16x640xf32, #tpu.memory_space<vmem>>, vector<16xf32>,
            %add3A_194 = arith.constant 512 : i32
            %add3A_195 = vector.broadcast %add3A_194 : i32 to vector<16xi32>
            %add3A_196 = arith.addi %add3A_195, %iota3A : vector<16xi32>
            tpu.vector_store_idx %arg19[%gather3A, %add3A_196], %exp3A {add = true} : memref<128x640xf32, #tpu.memory_space<vmem>>[vector<16xi32>, vector<16xi32>], vector<16xf32>,
            %broadcast_in_dim3A_197 = arith.constant 512 : i32
            %broadcast_in_dim3A_198 = vector.broadcast %broadcast_in_dim3A_197 : i32 to vector<16xi32>
            %gather3A_199 = tpu.vector_load_idx %arg18[%broadcast_in_dim3A_168, %broadcast_in_dim3A_198] : memref<16x640xf32, #tpu.memory_space<vmem>>[vector<16xi32>, vector<16xi32>], vector<16xf32>,
            %get3A = arith.index_cast %scan3A_166 : i32 to index
            %get3A_200 = arith.constant 0 : index
            %get3A_201 = tpu.vector_load %arg18[%get3A, %get3A_200] {strides = array<i32>} : memref<16x640xf32, #tpu.memory_space<vmem>>, vector<16xf32>,
            %mul3A_202 = arith.mulf %get3A_201, %gather3A_199 : vector<16xf32>
            %add3A_203 = arith.constant 0 : i32
            %add3A_204 = vector.broadcast %add3A_203 : i32 to vector<16xi32>
            %add3A_205 = arith.addi %add3A_204, %iota3A : vector<16xi32>
            tpu.vector_store_idx %arg19[%gather3A, %add3A_205], %mul3A_202 {add = true} : memref<128x640xf32, #tpu.memory_space<vmem>>[vector<16xi32>, vector<16xi32>], vector<16xf32>,
            %get3A_206 = arith.index_cast %scan3A_166 : i32 to index
            %get3A_207 = arith.constant 16 : index
            %get3A_208 = tpu.vector_load %arg18[%get3A_206, %get3A_207] {strides = array<i32>} : memref<16x640xf32, #tpu.memory_space<vmem>>, vector<16xf32>,
            %mul3A_209 = arith.mulf %get3A_208, %gather3A_199 : vector<16xf32>
            %add3A_210 = arith.constant 16 : i32
            %add3A_211 = vector.broadcast %add3A_210 : i32 to vector<16xi32>
            %add3A_212 = arith.addi %add3A_211, %iota3A : vector<16xi32>
            tpu.vector_store_idx %arg19[%gather3A, %add3A_212], %mul3A_209 {add = true} : memref<128x640xf32, #tpu.memory_space<vmem>>[vector<16xi32>, vector<16xi32>], vector<16xf32>,
            %get3A_213 = arith.index_cast %scan3A_166 : i32 to index
            %get3A_214 = arith.constant 32 : index
            %get3A_215 = tpu.vector_load %arg18[%get3A_213, %get3A_214] {strides = array<i32>} : memref<16x640xf32, #tpu.memory_space<vmem>>, vector<16xf32>,
            %mul3A_216 = arith.mulf %get3A_215, %gather3A_199 : vector<16xf32>
            %add3A_217 = arith.constant 32 : i32
            %add3A_218 = vector.broadcast %add3A_217 : i32 to vector<16xi32>
            %add3A_219 = arith.addi %add3A_218, %iota3A : vector<16xi32>
            tpu.vector_store_idx %arg19[%gather3A, %add3A_219], %mul3A_216 {add = true} : memref<128x640xf32, #tpu.memory_space<vmem>>[vector<16xi32>, vector<16xi32>], vector<16xf32>,
            %get3A_220 = arith.index_cast %scan3A_166 : i32 to index
            %get3A_221 = arith.constant 48 : index
            %get3A_222 = tpu.vector_load %arg18[%get3A_220, %get3A_221] {strides = array<i32>} : memref<16x640xf32, #tpu.memory_space<vmem>>, vector<16xf32>,
            %mul3A_223 = arith.mulf %get3A_222, %gather3A_199 : vector<16xf32>
            %add3A_224 = arith.constant 48 : i32
            %add3A_225 = vector.broadcast %add3A_224 : i32 to vector<16xi32>
            %add3A_226 = arith.addi %add3A_225, %iota3A : vector<16xi32>
            tpu.vector_store_idx %arg19[%gather3A, %add3A_226], %mul3A_223 {add = true} : memref<128x640xf32, #tpu.memory_space<vmem>>[vector<16xi32>, vector<16xi32>], vector<16xf32>,
            %get3A_227 = arith.index_cast %scan3A_166 : i32 to index
            %get3A_228 = arith.constant 64 : index
            %get3A_229 = tpu.vector_load %arg18[%get3A_227, %get3A_228] {strides = array<i32>} : memref<16x640xf32, #tpu.memory_space<vmem>>, vector<16xf32>,
            %mul3A_230 = arith.mulf %get3A_229, %gather3A_199 : vector<16xf32>
            %add3A_231 = arith.constant 64 : i32
            %add3A_232 = vector.broadcast %add3A_231 : i32 to vector<16xi32>
            %add3A_233 = arith.addi %add3A_232, %iota3A : vector<16xi32>
            tpu.vector_store_idx %arg19[%gather3A, %add3A_233], %mul3A_230 {add = true} : memref<128x640xf32, #tpu.memory_space<vmem>>[vector<16xi32>, vector<16xi32>], vector<16xf32>,
            %get3A_234 = arith.index_cast %scan3A_166 : i32 to index
            %get3A_235 = arith.constant 80 : index
            %get3A_236 = tpu.vector_load %arg18[%get3A_234, %get3A_235] {strides = array<i32>} : memref<16x640xf32, #tpu.memory_space<vmem>>, vector<16xf32>,
            %mul3A_237 = arith.mulf %get3A_236, %gather3A_199 : vector<16xf32>
            %add3A_238 = arith.constant 80 : i32
            %add3A_239 = vector.broadcast %add3A_238 : i32 to vector<16xi32>
            %add3A_240 = arith.addi %add3A_239, %iota3A : vector<16xi32>
            tpu.vector_store_idx %arg19[%gather3A, %add3A_240], %mul3A_237 {add = true} : memref<128x640xf32, #tpu.memory_space<vmem>>[vector<16xi32>, vector<16xi32>], vector<16xf32>,
            %get3A_241 = arith.index_cast %scan3A_166 : i32 to index
            %get3A_242 = arith.constant 96 : index
            %get3A_243 = tpu.vector_load %arg18[%get3A_241, %get3A_242] {strides = array<i32>} : memref<16x640xf32, #tpu.memory_space<vmem>>, vector<16xf32>,
            %mul3A_244 = arith.mulf %get3A_243, %gather3A_199 : vector<16xf32>
            %add3A_245 = arith.constant 96 : i32
            %add3A_246 = vector.broadcast %add3A_245 : i32 to vector<16xi32>
            %add3A_247 = arith.addi %add3A_246, %iota3A : vector<16xi32>
            tpu.vector_store_idx %arg19[%gather3A, %add3A_247], %mul3A_244 {add = true} : memref<128x640xf32, #tpu.memory_space<vmem>>[vector<16xi32>, vector<16xi32>], vector<16xf32>,
            %get3A_248 = arith.index_cast %scan3A_166 : i32 to index
            %get3A_249 = arith.constant 112 : index
            %get3A_250 = tpu.vector_load %arg18[%get3A_248, %get3A_249] {strides = array<i32>} : memref<16x640xf32, #tpu.memory_space<vmem>>, vector<16xf32>,
            %mul3A_251 = arith.mulf %get3A_250, %gather3A_199 : vector<16xf32>
            %add3A_252 = arith.constant 112 : i32
            %add3A_253 = vector.broadcast %add3A_252 : i32 to vector<16xi32>
            %add3A_254 = arith.addi %add3A_253, %iota3A : vector<16xi32>
            tpu.vector_store_idx %arg19[%gather3A, %add3A_254], %mul3A_251 {add = true} : memref<128x640xf32, #tpu.memory_space<vmem>>[vector<16xi32>, vector<16xi32>], vector<16xf32>,
            %broadcast_in_dim3A_255 = arith.constant 513 : i32
            %broadcast_in_dim3A_256 = vector.broadcast %broadcast_in_dim3A_255 : i32 to vector<16xi32>
            %gather3A_257 = tpu.vector_load_idx %arg18[%broadcast_in_dim3A_168, %broadcast_in_dim3A_256] : memref<16x640xf32, #tpu.memory_space<vmem>>[vector<16xi32>, vector<16xi32>], vector<16xf32>,
            %get3A_258 = arith.index_cast %scan3A_166 : i32 to index
            %get3A_259 = arith.constant 128 : index
            %get3A_260 = tpu.vector_load %arg18[%get3A_258, %get3A_259] {strides = array<i32>} : memref<16x640xf32, #tpu.memory_space<vmem>>, vector<16xf32>,
            %mul3A_261 = arith.mulf %get3A_260, %gather3A_257 : vector<16xf32>
            %add3A_262 = arith.constant 128 : i32
            %add3A_263 = vector.broadcast %add3A_262 : i32 to vector<16xi32>
            %add3A_264 = arith.addi %add3A_263, %iota3A : vector<16xi32>
            tpu.vector_store_idx %arg19[%gather3A, %add3A_264], %mul3A_261 {add = true} : memref<128x640xf32, #tpu.memory_space<vmem>>[vector<16xi32>, vector<16xi32>], vector<16xf32>,
            %get3A_265 = arith.index_cast %scan3A_166 : i32 to index
            %get3A_266 = arith.constant 144 : index
            %get3A_267 = tpu.vector_load %arg18[%get3A_265, %get3A_266] {strides = array<i32>} : memref<16x640xf32, #tpu.memory_space<vmem>>, vector<16xf32>,
            %mul3A_268 = arith.mulf %get3A_267, %gather3A_257 : vector<16xf32>
            %add3A_269 = arith.constant 144 : i32
            %add3A_270 = vector.broadcast %add3A_269 : i32 to vector<16xi32>
            %add3A_271 = arith.addi %add3A_270, %iota3A : vector<16xi32>
            tpu.vector_store_idx %arg19[%gather3A, %add3A_271], %mul3A_268 {add = true} : memref<128x640xf32, #tpu.memory_space<vmem>>[vector<16xi32>, vector<16xi32>], vector<16xf32>,
            %get3A_272 = arith.index_cast %scan3A_166 : i32 to index
            %get3A_273 = arith.constant 160 : index
            %get3A_274 = tpu.vector_load %arg18[%get3A_272, %get3A_273] {strides = array<i32>} : memref<16x640xf32, #tpu.memory_space<vmem>>, vector<16xf32>,
            %mul3A_275 = arith.mulf %get3A_274, %gather3A_257 : vector<16xf32>
            %add3A_276 = arith.constant 160 : i32
            %add3A_277 = vector.broadcast %add3A_276 : i32 to vector<16xi32>
            %add3A_278 = arith.addi %add3A_277, %iota3A : vector<16xi32>
            tpu.vector_store_idx %arg19[%gather3A, %add3A_278], %mul3A_275 {add = true} : memref<128x640xf32, #tpu.memory_space<vmem>>[vector<16xi32>, vector<16xi32>], vector<16xf32>,
            %get3A_279 = arith.index_cast %scan3A_166 : i32 to index
            %get3A_280 = arith.constant 176 : index
            %get3A_281 = tpu.vector_load %arg18[%get3A_279, %get3A_280] {strides = array<i32>} : memref<16x640xf32, #tpu.memory_space<vmem>>, vector<16xf32>,
            %mul3A_282 = arith.mulf %get3A_281, %gather3A_257 : vector<16xf32>
            %add3A_283 = arith.constant 176 : i32
            %add3A_284 = vector.broadcast %add3A_283 : i32 to vector<16xi32>
            %add3A_285 = arith.addi %add3A_284, %iota3A : vector<16xi32>
            tpu.vector_store_idx %arg19[%gather3A, %add3A_285], %mul3A_282 {add = true} : memref<128x640xf32, #tpu.memory_space<vmem>>[vector<16xi32>, vector<16xi32>], vector<16xf32>,
            %get3A_286 = arith.index_cast %scan3A_166 : i32 to index
            %get3A_287 = arith.constant 192 : index
            %get3A_288 = tpu.vector_load %arg18[%get3A_286, %get3A_287] {strides = array<i32>} : memref<16x640xf32, #tpu.memory_space<vmem>>, vector<16xf32>,
            %mul3A_289 = arith.mulf %get3A_288, %gather3A_257 : vector<16xf32>
            %add3A_290 = arith.constant 192 : i32
            %add3A_291 = vector.broadcast %add3A_290 : i32 to vector<16xi32>
            %add3A_292 = arith.addi %add3A_291, %iota3A : vector<16xi32>
            tpu.vector_store_idx %arg19[%gather3A, %add3A_292], %mul3A_289 {add = true} : memref<128x640xf32, #tpu.memory_space<vmem>>[vector<16xi32>, vector<16xi32>], vector<16xf32>,
            %get3A_293 = arith.index_cast %scan3A_166 : i32 to index
            %get3A_294 = arith.constant 208 : index
            %get3A_295 = tpu.vector_load %arg18[%get3A_293, %get3A_294] {strides = array<i32>} : memref<16x640xf32, #tpu.memory_space<vmem>>, vector<16xf32>,
            %mul3A_296 = arith.mulf %get3A_295, %gather3A_257 : vector<16xf32>
            %add3A_297 = arith.constant 208 : i32
            %add3A_298 = vector.broadcast %add3A_297 : i32 to vector<16xi32>
            %add3A_299 = arith.addi %add3A_298, %iota3A : vector<16xi32>
            tpu.vector_store_idx %arg19[%gather3A, %add3A_299], %mul3A_296 {add = true} : memref<128x640xf32, #tpu.memory_space<vmem>>[vector<16xi32>, vector<16xi32>], vector<16xf32>,
            %get3A_300 = arith.index_cast %scan3A_166 : i32 to index
            %get3A_301 = arith.constant 224 : index
            %get3A_302 = tpu.vector_load %arg18[%get3A_300, %get3A_301] {strides = array<i32>} : memref<16x640xf32, #tpu.memory_space<vmem>>, vector<16xf32>,
            %mul3A_303 = arith.mulf %get3A_302, %gather3A_257 : vector<16xf32>
            %add3A_304 = arith.constant 224 : i32
            %add3A_305 = vector.broadcast %add3A_304 : i32 to vector<16xi32>
            %add3A_306 = arith.addi %add3A_305, %iota3A : vector<16xi32>
            tpu.vector_store_idx %arg19[%gather3A, %add3A_306], %mul3A_303 {add = true} : memref<128x640xf32, #tpu.memory_space<vmem>>[vector<16xi32>, vector<16xi32>], vector<16xf32>,
            %get3A_307 = arith.index_cast %scan3A_166 : i32 to index
            %get3A_308 = arith.constant 240 : index
            %get3A_309 = tpu.vector_load %arg18[%get3A_307, %get3A_308] {strides = array<i32>} : memref<16x640xf32, #tpu.memory_space<vmem>>, vector<16xf32>,
            %mul3A_310 = arith.mulf %get3A_309, %gather3A_257 : vector<16xf32>
            %add3A_311 = arith.constant 240 : i32
            %add3A_312 = vector.broadcast %add3A_311 : i32 to vector<16xi32>
            %add3A_313 = arith.addi %add3A_312, %iota3A : vector<16xi32>
            tpu.vector_store_idx %arg19[%gather3A, %add3A_313], %mul3A_310 {add = true} : memref<128x640xf32, #tpu.memory_space<vmem>>[vector<16xi32>, vector<16xi32>], vector<16xf32>,
            %broadcast_in_dim3A_314 = arith.constant 514 : i32
            %broadcast_in_dim3A_315 = vector.broadcast %broadcast_in_dim3A_314 : i32 to vector<16xi32>
            %gather3A_316 = tpu.vector_load_idx %arg18[%broadcast_in_dim3A_168, %broadcast_in_dim3A_315] : memref<16x640xf32, #tpu.memory_space<vmem>>[vector<16xi32>, vector<16xi32>], vector<16xf32>,
            %get3A_317 = arith.index_cast %scan3A_166 : i32 to index
            %get3A_318 = arith.constant 256 : index
            %get3A_319 = tpu.vector_load %arg18[%get3A_317, %get3A_318] {strides = array<i32>} : memref<16x640xf32, #tpu.memory_space<vmem>>, vector<16xf32>,
            %mul3A_320 = arith.mulf %get3A_319, %gather3A_316 : vector<16xf32>
            %add3A_321 = arith.constant 256 : i32
            %add3A_322 = vector.broadcast %add3A_321 : i32 to vector<16xi32>
            %add3A_323 = arith.addi %add3A_322, %iota3A : vector<16xi32>
            tpu.vector_store_idx %arg19[%gather3A, %add3A_323], %mul3A_320 {add = true} : memref<128x640xf32, #tpu.memory_space<vmem>>[vector<16xi32>, vector<16xi32>], vector<16xf32>,
            %get3A_324 = arith.index_cast %scan3A_166 : i32 to index
            %get3A_325 = arith.constant 272 : index
            %get3A_326 = tpu.vector_load %arg18[%get3A_324, %get3A_325] {strides = array<i32>} : memref<16x640xf32, #tpu.memory_space<vmem>>, vector<16xf32>,
            %mul3A_327 = arith.mulf %get3A_326, %gather3A_316 : vector<16xf32>
            %add3A_328 = arith.constant 272 : i32
            %add3A_329 = vector.broadcast %add3A_328 : i32 to vector<16xi32>
            %add3A_330 = arith.addi %add3A_329, %iota3A : vector<16xi32>
            tpu.vector_store_idx %arg19[%gather3A, %add3A_330], %mul3A_327 {add = true} : memref<128x640xf32, #tpu.memory_space<vmem>>[vector<16xi32>, vector<16xi32>], vector<16xf32>,
            %get3A_331 = arith.index_cast %scan3A_166 : i32 to index
            %get3A_332 = arith.constant 288 : index
            %get3A_333 = tpu.vector_load %arg18[%get3A_331, %get3A_332] {strides = array<i32>} : memref<16x640xf32, #tpu.memory_space<vmem>>, vector<16xf32>,
            %mul3A_334 = arith.mulf %get3A_333, %gather3A_316 : vector<16xf32>
            %add3A_335 = arith.constant 288 : i32
            %add3A_336 = vector.broadcast %add3A_335 : i32 to vector<16xi32>
            %add3A_337 = arith.addi %add3A_336, %iota3A : vector<16xi32>
            tpu.vector_store_idx %arg19[%gather3A, %add3A_337], %mul3A_334 {add = true} : memref<128x640xf32, #tpu.memory_space<vmem>>[vector<16xi32>, vector<16xi32>], vector<16xf32>,
            %get3A_338 = arith.index_cast %scan3A_166 : i32 to index
            %get3A_339 = arith.constant 304 : index
            %get3A_340 = tpu.vector_load %arg18[%get3A_338, %get3A_339] {strides = array<i32>} : memref<16x640xf32, #tpu.memory_space<vmem>>, vector<16xf32>,
            %mul3A_341 = arith.mulf %get3A_340, %gather3A_316 : vector<16xf32>
            %add3A_342 = arith.constant 304 : i32
            %add3A_343 = vector.broadcast %add3A_342 : i32 to vector<16xi32>
            %add3A_344 = arith.addi %add3A_343, %iota3A : vector<16xi32>
            tpu.vector_store_idx %arg19[%gather3A, %add3A_344], %mul3A_341 {add = true} : memref<128x640xf32, #tpu.memory_space<vmem>>[vector<16xi32>, vector<16xi32>], vector<16xf32>,
            %get3A_345 = arith.index_cast %scan3A_166 : i32 to index
            %get3A_346 = arith.constant 320 : index
            %get3A_347 = tpu.vector_load %arg18[%get3A_345, %get3A_346] {strides = array<i32>} : memref<16x640xf32, #tpu.memory_space<vmem>>, vector<16xf32>,
            %mul3A_348 = arith.mulf %get3A_347, %gather3A_316 : vector<16xf32>
            %add3A_349 = arith.constant 320 : i32
            %add3A_350 = vector.broadcast %add3A_349 : i32 to vector<16xi32>
            %add3A_351 = arith.addi %add3A_350, %iota3A : vector<16xi32>
            tpu.vector_store_idx %arg19[%gather3A, %add3A_351], %mul3A_348 {add = true} : memref<128x640xf32, #tpu.memory_space<vmem>>[vector<16xi32>, vector<16xi32>], vector<16xf32>,
            %get3A_352 = arith.index_cast %scan3A_166 : i32 to index
            %get3A_353 = arith.constant 336 : index
            %get3A_354 = tpu.vector_load %arg18[%get3A_352, %get3A_353] {strides = array<i32>} : memref<16x640xf32, #tpu.memory_space<vmem>>, vector<16xf32>,
            %mul3A_355 = arith.mulf %get3A_354, %gather3A_316 : vector<16xf32>
            %add3A_356 = arith.constant 336 : i32
            %add3A_357 = vector.broadcast %add3A_356 : i32 to vector<16xi32>
            %add3A_358 = arith.addi %add3A_357, %iota3A : vector<16xi32>
            tpu.vector_store_idx %arg19[%gather3A, %add3A_358], %mul3A_355 {add = true} : memref<128x640xf32, #tpu.memory_space<vmem>>[vector<16xi32>, vector<16xi32>], vector<16xf32>,
            %get3A_359 = arith.index_cast %scan3A_166 : i32 to index
            %get3A_360 = arith.constant 352 : index
            %get3A_361 = tpu.vector_load %arg18[%get3A_359, %get3A_360] {strides = array<i32>} : memref<16x640xf32, #tpu.memory_space<vmem>>, vector<16xf32>,
            %mul3A_362 = arith.mulf %get3A_361, %gather3A_316 : vector<16xf32>
            %add3A_363 = arith.constant 352 : i32
            %add3A_364 = vector.broadcast %add3A_363 : i32 to vector<16xi32>
            %add3A_365 = arith.addi %add3A_364, %iota3A : vector<16xi32>
            tpu.vector_store_idx %arg19[%gather3A, %add3A_365], %mul3A_362 {add = true} : memref<128x640xf32, #tpu.memory_space<vmem>>[vector<16xi32>, vector<16xi32>], vector<16xf32>,
            %get3A_366 = arith.index_cast %scan3A_166 : i32 to index
            %get3A_367 = arith.constant 368 : index
            %get3A_368 = tpu.vector_load %arg18[%get3A_366, %get3A_367] {strides = array<i32>} : memref<16x640xf32, #tpu.memory_space<vmem>>, vector<16xf32>,
            %mul3A_369 = arith.mulf %get3A_368, %gather3A_316 : vector<16xf32>
            %add3A_370 = arith.constant 368 : i32
            %add3A_371 = vector.broadcast %add3A_370 : i32 to vector<16xi32>
            %add3A_372 = arith.addi %add3A_371, %iota3A : vector<16xi32>
            tpu.vector_store_idx %arg19[%gather3A, %add3A_372], %mul3A_369 {add = true} : memref<128x640xf32, #tpu.memory_space<vmem>>[vector<16xi32>, vector<16xi32>], vector<16xf32>,
            %broadcast_in_dim3A_373 = arith.constant 515 : i32
            %broadcast_in_dim3A_374 = vector.broadcast %broadcast_in_dim3A_373 : i32 to vector<16xi32>
            %gather3A_375 = tpu.vector_load_idx %arg18[%broadcast_in_dim3A_168, %broadcast_in_dim3A_374] : memref<16x640xf32, #tpu.memory_space<vmem>>[vector<16xi32>, vector<16xi32>], vector<16xf32>,
            %get3A_376 = arith.index_cast %scan3A_166 : i32 to index
            %get3A_377 = arith.constant 384 : index
            %get3A_378 = tpu.vector_load %arg18[%get3A_376, %get3A_377] {strides = array<i32>} : memref<16x640xf32, #tpu.memory_space<vmem>>, vector<16xf32>,
            %mul3A_379 = arith.mulf %get3A_378, %gather3A_375 : vector<16xf32>
            %add3A_380 = arith.constant 384 : i32
            %add3A_381 = vector.broadcast %add3A_380 : i32 to vector<16xi32>
            %add3A_382 = arith.addi %add3A_381, %iota3A : vector<16xi32>
            tpu.vector_store_idx %arg19[%gather3A, %add3A_382], %mul3A_379 {add = true} : memref<128x640xf32, #tpu.memory_space<vmem>>[vector<16xi32>, vector<16xi32>], vector<16xf32>,
            %get3A_383 = arith.index_cast %scan3A_166 : i32 to index
            %get3A_384 = arith.constant 400 : index
            %get3A_385 = tpu.vector_load %arg18[%get3A_383, %get3A_384] {strides = array<i32>} : memref<16x640xf32, #tpu.memory_space<vmem>>, vector<16xf32>,
            %mul3A_386 = arith.mulf %get3A_385, %gather3A_375 : vector<16xf32>
            %add3A_387 = arith.constant 400 : i32
            %add3A_388 = vector.broadcast %add3A_387 : i32 to vector<16xi32>
            %add3A_389 = arith.addi %add3A_388, %iota3A : vector<16xi32>
            tpu.vector_store_idx %arg19[%gather3A, %add3A_389], %mul3A_386 {add = true} : memref<128x640xf32, #tpu.memory_space<vmem>>[vector<16xi32>, vector<16xi32>], vector<16xf32>,
            %get3A_390 = arith.index_cast %scan3A_166 : i32 to index
            %get3A_391 = arith.constant 416 : index
            %get3A_392 = tpu.vector_load %arg18[%get3A_390, %get3A_391] {strides = array<i32>} : memref<16x640xf32, #tpu.memory_space<vmem>>, vector<16xf32>,
            %mul3A_393 = arith.mulf %get3A_392, %gather3A_375 : vector<16xf32>
            %add3A_394 = arith.constant 416 : i32
            %add3A_395 = vector.broadcast %add3A_394 : i32 to vector<16xi32>
            %add3A_396 = arith.addi %add3A_395, %iota3A : vector<16xi32>
            tpu.vector_store_idx %arg19[%gather3A, %add3A_396], %mul3A_393 {add = true} : memref<128x640xf32, #tpu.memory_space<vmem>>[vector<16xi32>, vector<16xi32>], vector<16xf32>,
            %get3A_397 = arith.index_cast %scan3A_166 : i32 to index
            %get3A_398 = arith.constant 432 : index
            %get3A_399 = tpu.vector_load %arg18[%get3A_397, %get3A_398] {strides = array<i32>} : memref<16x640xf32, #tpu.memory_space<vmem>>, vector<16xf32>,
            %mul3A_400 = arith.mulf %get3A_399, %gather3A_375 : vector<16xf32>
            %add3A_401 = arith.constant 432 : i32
            %add3A_402 = vector.broadcast %add3A_401 : i32 to vector<16xi32>
            %add3A_403 = arith.addi %add3A_402, %iota3A : vector<16xi32>
            tpu.vector_store_idx %arg19[%gather3A, %add3A_403], %mul3A_400 {add = true} : memref<128x640xf32, #tpu.memory_space<vmem>>[vector<16xi32>, vector<16xi32>], vector<16xf32>,
            %get3A_404 = arith.index_cast %scan3A_166 : i32 to index
            %get3A_405 = arith.constant 448 : index
            %get3A_406 = tpu.vector_load %arg18[%get3A_404, %get3A_405] {strides = array<i32>} : memref<16x640xf32, #tpu.memory_space<vmem>>, vector<16xf32>,
            %mul3A_407 = arith.mulf %get3A_406, %gather3A_375 : vector<16xf32>
            %add3A_408 = arith.constant 448 : i32
            %add3A_409 = vector.broadcast %add3A_408 : i32 to vector<16xi32>
            %add3A_410 = arith.addi %add3A_409, %iota3A : vector<16xi32>
            tpu.vector_store_idx %arg19[%gather3A, %add3A_410], %mul3A_407 {add = true} : memref<128x640xf32, #tpu.memory_space<vmem>>[vector<16xi32>, vector<16xi32>], vector<16xf32>,
            %get3A_411 = arith.index_cast %scan3A_166 : i32 to index
            %get3A_412 = arith.constant 464 : index
            %get3A_413 = tpu.vector_load %arg18[%get3A_411, %get3A_412] {strides = array<i32>} : memref<16x640xf32, #tpu.memory_space<vmem>>, vector<16xf32>,
            %mul3A_414 = arith.mulf %get3A_413, %gather3A_375 : vector<16xf32>
            %add3A_415 = arith.constant 464 : i32
            %add3A_416 = vector.broadcast %add3A_415 : i32 to vector<16xi32>
            %add3A_417 = arith.addi %add3A_416, %iota3A : vector<16xi32>
            tpu.vector_store_idx %arg19[%gather3A, %add3A_417], %mul3A_414 {add = true} : memref<128x640xf32, #tpu.memory_space<vmem>>[vector<16xi32>, vector<16xi32>], vector<16xf32>,
            %get3A_418 = arith.index_cast %scan3A_166 : i32 to index
            %get3A_419 = arith.constant 480 : index
            %get3A_420 = tpu.vector_load %arg18[%get3A_418, %get3A_419] {strides = array<i32>} : memref<16x640xf32, #tpu.memory_space<vmem>>, vector<16xf32>,
            %mul3A_421 = arith.mulf %get3A_420, %gather3A_375 : vector<16xf32>
            %add3A_422 = arith.constant 480 : i32
            %add3A_423 = vector.broadcast %add3A_422 : i32 to vector<16xi32>
            %add3A_424 = arith.addi %add3A_423, %iota3A : vector<16xi32>
            tpu.vector_store_idx %arg19[%gather3A, %add3A_424], %mul3A_421 {add = true} : memref<128x640xf32, #tpu.memory_space<vmem>>[vector<16xi32>, vector<16xi32>], vector<16xf32>,
            %get3A_425 = arith.index_cast %scan3A_166 : i32 to index
            %get3A_426 = arith.constant 496 : index
            %get3A_427 = tpu.vector_load %arg18[%get3A_425, %get3A_426] {strides = array<i32>} : memref<16x640xf32, #tpu.memory_space<vmem>>, vector<16xf32>,
            %mul3A_428 = arith.mulf %get3A_427, %gather3A_375 : vector<16xf32>
            %add3A_429 = arith.constant 496 : i32
            %add3A_430 = vector.broadcast %add3A_429 : i32 to vector<16xi32>
            %add3A_431 = arith.addi %add3A_430, %iota3A : vector<16xi32>
            tpu.vector_store_idx %arg19[%gather3A, %add3A_431], %mul3A_428 {add = true} : memref<128x640xf32, #tpu.memory_space<vmem>>[vector<16xi32>, vector<16xi32>], vector<16xf32>,
            %scan3A_432 = arith.constant 0 : i32
            scf.yield %scan3A_432 : i32
          }
          %scan3A_159 = arith.constant 16 : i32
          %add3A_160 = arith.constant 2 : i32
          %add3A_161 = arith.addi %add3A_142, %add3A_160 : i32
          %lt3A_162 = arith.cmpi slt, %add3A_161, %select_n3A : i32
          %convert_element_type3A_163 = arith.extui %lt3A_162 : i1 to i32
          %cond3A_164 = arith.constant 0 : i32
          %cond3A_165 = arith.cmpi ne, %convert_element_type3A_163, %cond3A_164 : i32
          scf.if %cond3A_165 {
            %add3A_166 = arith.constant 2 : i32
            %add3A_167 = arith.addi %add3A_142, %add3A_166 : i32
            %mul3A_168 = arith.constant 16 : i32
            %mul3A_169 = arith.muli %add3A_167, %mul3A_168 : i32
            %dma_start3A = tpu.memref_slice %arg14[%mul3A_169] : memref<3072xi32, #tpu.memory_space<vmem>> -> memref<16xi32, #tpu.memory_space<vmem>>
            %dma_start3A_170 = arith.constant 0 : i32
            %dma_start3A_171 = arith.constant 0 : i32
            %dma_start3A_172 = tpu.memref_slice %arg2[%dma_start3A_170, %dma_start3A_171] : memref<40000x640xf32, #tpu.memory_space<hbm>> -> memref<40000x640xf32, #tpu.memory_space<hbm>>
            tpu.enqueue_indirect_dma source(%dma_start3A_172 : memref<40000x640xf32, #tpu.memory_space<hbm>>) target(%arg18 : memref<16x640xf32, #tpu.memory_space<vmem>>) offsets(%dma_start3A : memref<16xi32, #tpu.memory_space<vmem>>) semaphore(%arg25 : memref<!tpu.dma_semaphore, #tpu.memory_space<semaphore_mem>>)
          } else {
          }
        } else {
        }
        %while3A_147 = arith.constant 0 : i32
        scf.yield %while3A_147 : i32
      }
      %while3A_119 = arith.constant 1 : i32
      %while3A_120 = scf.for %while3A_130 = %while3A_116 to %while3A_112 step %while3A_119 iter_args(%while3A_131 = %while3A_118) -> (i32)  : i32 {
        %mul3A_132 = arith.constant 2 : i32
        %mul3A_133 = arith.muli %while3A_130, %mul3A_132 : i32
        %add3A_134 = arith.constant 0 : i32
        %add3A_135 = arith.addi %mul3A_133, %add3A_134 : i32
        %lt3A = arith.cmpi slt, %add3A_135, %select_n3A : i32
        %convert_element_type3A_136 = arith.extui %lt3A : i1 to i32
        %cond3A_137 = arith.constant 0 : i32
        %cond3A_138 = arith.cmpi ne, %convert_element_type3A_136, %cond3A_137 : i32
        scf.if %cond3A_138 {
          %mul3A_148 = arith.constant 16 : i32
          %mul3A_149 = arith.muli %add3A_135, %mul3A_148 : i32
          %dma_wait3A = tpu.memref_slice %arg14[%mul3A_149] : memref<3072xi32, #tpu.memory_space<vmem>> -> memref<16xi32, #tpu.memory_space<vmem>>
          %dma_wait3A_150 = arith.constant 0 : i32
          %dma_wait3A_151 = arith.constant 0 : i32
          %dma_wait3A_152 = tpu.memref_slice %arg2[%dma_wait3A_150, %dma_wait3A_151] : memref<40000x640xf32, #tpu.memory_space<hbm>> -> memref<40000x640xf32, #tpu.memory_space<hbm>>
          tpu.wait_indirect_dma semaphore(%arg24 : memref<!tpu.dma_semaphore, #tpu.memory_space<semaphore_mem>>) src(%dma_wait3A_152 : memref<40000x640xf32, #tpu.memory_space<hbm>>) dst(%arg17 : memref<16x640xf32, #tpu.memory_space<vmem>>)
          %scan3A_153 = arith.constant 0 : i32
          %scan3A_154 = arith.constant 0 : i32
          %scan3A_155 = arith.constant 16 : i32
          %scan3A_156 = arith.addi %scan3A_154, %scan3A_155 : i32
          %scan3A_157 = arith.constant 1 : i32
          %scan3A_158 = scf.for %scan3A_166 = %scan3A_154 to %scan3A_156 step %scan3A_157 iter_args(%scan3A_167 = %scan3A_153) -> (i32)  : i32 {
            %broadcast_in_dim3A_168 = vector.broadcast %scan3A_166 : i32 to vector<16xi32>
            %mul3A_169 = arith.constant 16 : i32
            %mul3A_170 = arith.muli %add3A_135, %mul3A_169 : i32
            %add3A_171 = vector.broadcast %mul3A_170 : i32 to vector<16xi32>
            %add3A_172 = arith.addi %add3A_171, %broadcast_in_dim3A_168 : vector<16xi32>
            %gather3A = tpu.vector_load_idx %arg15[%add3A_172] : memref<3072xi32, #tpu.memory_space<vmem>>[vector<16xi32>], vector<16xi32>,
            %and3A_173 = arith.constant 3 : i32
            %and3A_174 = vector.broadcast %and3A_173 : i32 to vector<16xi32>
            %and3A_175 = arith.andi %iota3A, %and3A_174 : vector<16xi32>
            %add3A_176 = arith.constant 520 : i32
            %add3A_177 = vector.broadcast %add3A_176 : i32 to vector<16xi32>
            %add3A_178 = arith.addi %add3A_177, %and3A_175 : vector<16xi32>
            %gather3A_179 = tpu.vector_load_idx %arg17[%broadcast_in_dim3A_168, %add3A_178] : memref<16x640xf32, #tpu.memory_space<vmem>>[vector<16xi32>, vector<16xi32>], vector<16xf32>,
            %mul3A_180 = arith.constant 4 : i32
            %mul3A_181 = vector.broadcast %mul3A_180 : i32 to vector<16xi32>
            %mul3A_182 = arith.muli %gather3A, %mul3A_181 : vector<16xi32>
            %and3A_183 = arith.constant 3 : i32
            %and3A_184 = vector.broadcast %and3A_183 : i32 to vector<16xi32>
            %and3A_185 = arith.andi %iota3A, %and3A_184 : vector<16xi32>
            %add3A_186 = arith.addi %mul3A_182, %and3A_185 : vector<16xi32>
            %gather3A_187 = tpu.vector_load_idx %arg16[%add3A_186] : memref<512xf32, #tpu.memory_space<vmem>>[vector<16xi32>], vector<16xf32>,
            %add3A_188 = arith.addf %gather3A_179, %gather3A_187 : vector<16xf32>
            %mul3A_189 = arith.constant 2.000000e-01 : f32
            %mul3A_190 = vector.broadcast %mul3A_189 : f32 to vector<16xf32>
            %mul3A_191 = arith.mulf %mul3A_190, %add3A_188 : vector<16xf32>
            %max3A = arith.maximumf %add3A_188, %mul3A_191 : vector<16xf32>
            %exp3A = math.exp %max3A : vector<16xf32>
            %swap3A = arith.index_cast %scan3A_166 : i32 to index
            %swap3A_192 = arith.constant 512 : index
            %swap3A_193 = tpu.vector_load %arg17[%swap3A, %swap3A_192] {strides = array<i32>} : memref<16x640xf32, #tpu.memory_space<vmem>>, vector<16xf32>,
            tpu.vector_store %arg17[%swap3A, %swap3A_192], %exp3A {strides = array<i32>} : memref<16x640xf32, #tpu.memory_space<vmem>>, vector<16xf32>,
            %add3A_194 = arith.constant 512 : i32
            %add3A_195 = vector.broadcast %add3A_194 : i32 to vector<16xi32>
            %add3A_196 = arith.addi %add3A_195, %iota3A : vector<16xi32>
            tpu.vector_store_idx %arg19[%gather3A, %add3A_196], %exp3A {add = true} : memref<128x640xf32, #tpu.memory_space<vmem>>[vector<16xi32>, vector<16xi32>], vector<16xf32>,
            %broadcast_in_dim3A_197 = arith.constant 512 : i32
            %broadcast_in_dim3A_198 = vector.broadcast %broadcast_in_dim3A_197 : i32 to vector<16xi32>
            %gather3A_199 = tpu.vector_load_idx %arg17[%broadcast_in_dim3A_168, %broadcast_in_dim3A_198] : memref<16x640xf32, #tpu.memory_space<vmem>>[vector<16xi32>, vector<16xi32>], vector<16xf32>,
            %get3A = arith.index_cast %scan3A_166 : i32 to index
            %get3A_200 = arith.constant 0 : index
            %get3A_201 = tpu.vector_load %arg17[%get3A, %get3A_200] {strides = array<i32>} : memref<16x640xf32, #tpu.memory_space<vmem>>, vector<16xf32>,
            %mul3A_202 = arith.mulf %get3A_201, %gather3A_199 : vector<16xf32>
            %add3A_203 = arith.constant 0 : i32
            %add3A_204 = vector.broadcast %add3A_203 : i32 to vector<16xi32>
            %add3A_205 = arith.addi %add3A_204, %iota3A : vector<16xi32>
            tpu.vector_store_idx %arg19[%gather3A, %add3A_205], %mul3A_202 {add = true} : memref<128x640xf32, #tpu.memory_space<vmem>>[vector<16xi32>, vector<16xi32>], vector<16xf32>,
            %get3A_206 = arith.index_cast %scan3A_166 : i32 to index
            %get3A_207 = arith.constant 16 : index
            %get3A_208 = tpu.vector_load %arg17[%get3A_206, %get3A_207] {strides = array<i32>} : memref<16x640xf32, #tpu.memory_space<vmem>>, vector<16xf32>,
            %mul3A_209 = arith.mulf %get3A_208, %gather3A_199 : vector<16xf32>
            %add3A_210 = arith.constant 16 : i32
            %add3A_211 = vector.broadcast %add3A_210 : i32 to vector<16xi32>
            %add3A_212 = arith.addi %add3A_211, %iota3A : vector<16xi32>
            tpu.vector_store_idx %arg19[%gather3A, %add3A_212], %mul3A_209 {add = true} : memref<128x640xf32, #tpu.memory_space<vmem>>[vector<16xi32>, vector<16xi32>], vector<16xf32>,
            %get3A_213 = arith.index_cast %scan3A_166 : i32 to index
            %get3A_214 = arith.constant 32 : index
            %get3A_215 = tpu.vector_load %arg17[%get3A_213, %get3A_214] {strides = array<i32>} : memref<16x640xf32, #tpu.memory_space<vmem>>, vector<16xf32>,
            %mul3A_216 = arith.mulf %get3A_215, %gather3A_199 : vector<16xf32>
            %add3A_217 = arith.constant 32 : i32
            %add3A_218 = vector.broadcast %add3A_217 : i32 to vector<16xi32>
            %add3A_219 = arith.addi %add3A_218, %iota3A : vector<16xi32>
            tpu.vector_store_idx %arg19[%gather3A, %add3A_219], %mul3A_216 {add = true} : memref<128x640xf32, #tpu.memory_space<vmem>>[vector<16xi32>, vector<16xi32>], vector<16xf32>,
            %get3A_220 = arith.index_cast %scan3A_166 : i32 to index
            %get3A_221 = arith.constant 48 : index
            %get3A_222 = tpu.vector_load %arg17[%get3A_220, %get3A_221] {strides = array<i32>} : memref<16x640xf32, #tpu.memory_space<vmem>>, vector<16xf32>,
            %mul3A_223 = arith.mulf %get3A_222, %gather3A_199 : vector<16xf32>
            %add3A_224 = arith.constant 48 : i32
            %add3A_225 = vector.broadcast %add3A_224 : i32 to vector<16xi32>
            %add3A_226 = arith.addi %add3A_225, %iota3A : vector<16xi32>
            tpu.vector_store_idx %arg19[%gather3A, %add3A_226], %mul3A_223 {add = true} : memref<128x640xf32, #tpu.memory_space<vmem>>[vector<16xi32>, vector<16xi32>], vector<16xf32>,
            %get3A_227 = arith.index_cast %scan3A_166 : i32 to index
            %get3A_228 = arith.constant 64 : index
            %get3A_229 = tpu.vector_load %arg17[%get3A_227, %get3A_228] {strides = array<i32>} : memref<16x640xf32, #tpu.memory_space<vmem>>, vector<16xf32>,
            %mul3A_230 = arith.mulf %get3A_229, %gather3A_199 : vector<16xf32>
            %add3A_231 = arith.constant 64 : i32
            %add3A_232 = vector.broadcast %add3A_231 : i32 to vector<16xi32>
            %add3A_233 = arith.addi %add3A_232, %iota3A : vector<16xi32>
            tpu.vector_store_idx %arg19[%gather3A, %add3A_233], %mul3A_230 {add = true} : memref<128x640xf32, #tpu.memory_space<vmem>>[vector<16xi32>, vector<16xi32>], vector<16xf32>,
            %get3A_234 = arith.index_cast %scan3A_166 : i32 to index
            %get3A_235 = arith.constant 80 : index
            %get3A_236 = tpu.vector_load %arg17[%get3A_234, %get3A_235] {strides = array<i32>} : memref<16x640xf32, #tpu.memory_space<vmem>>, vector<16xf32>,
            %mul3A_237 = arith.mulf %get3A_236, %gather3A_199 : vector<16xf32>
            %add3A_238 = arith.constant 80 : i32
            %add3A_239 = vector.broadcast %add3A_238 : i32 to vector<16xi32>
            %add3A_240 = arith.addi %add3A_239, %iota3A : vector<16xi32>
            tpu.vector_store_idx %arg19[%gather3A, %add3A_240], %mul3A_237 {add = true} : memref<128x640xf32, #tpu.memory_space<vmem>>[vector<16xi32>, vector<16xi32>], vector<16xf32>,
            %get3A_241 = arith.index_cast %scan3A_166 : i32 to index
            %get3A_242 = arith.constant 96 : index
            %get3A_243 = tpu.vector_load %arg17[%get3A_241, %get3A_242] {strides = array<i32>} : memref<16x640xf32, #tpu.memory_space<vmem>>, vector<16xf32>,
            %mul3A_244 = arith.mulf %get3A_243, %gather3A_199 : vector<16xf32>
            %add3A_245 = arith.constant 96 : i32
            %add3A_246 = vector.broadcast %add3A_245 : i32 to vector<16xi32>
            %add3A_247 = arith.addi %add3A_246, %iota3A : vector<16xi32>
            tpu.vector_store_idx %arg19[%gather3A, %add3A_247], %mul3A_244 {add = true} : memref<128x640xf32, #tpu.memory_space<vmem>>[vector<16xi32>, vector<16xi32>], vector<16xf32>,
            %get3A_248 = arith.index_cast %scan3A_166 : i32 to index
            %get3A_249 = arith.constant 112 : index
            %get3A_250 = tpu.vector_load %arg17[%get3A_248, %get3A_249] {strides = array<i32>} : memref<16x640xf32, #tpu.memory_space<vmem>>, vector<16xf32>,
            %mul3A_251 = arith.mulf %get3A_250, %gather3A_199 : vector<16xf32>
            %add3A_252 = arith.constant 112 : i32
            %add3A_253 = vector.broadcast %add3A_252 : i32 to vector<16xi32>
            %add3A_254 = arith.addi %add3A_253, %iota3A : vector<16xi32>
            tpu.vector_store_idx %arg19[%gather3A, %add3A_254], %mul3A_251 {add = true} : memref<128x640xf32, #tpu.memory_space<vmem>>[vector<16xi32>, vector<16xi32>], vector<16xf32>,
            %broadcast_in_dim3A_255 = arith.constant 513 : i32
            %broadcast_in_dim3A_256 = vector.broadcast %broadcast_in_dim3A_255 : i32 to vector<16xi32>
            %gather3A_257 = tpu.vector_load_idx %arg17[%broadcast_in_dim3A_168, %broadcast_in_dim3A_256] : memref<16x640xf32, #tpu.memory_space<vmem>>[vector<16xi32>, vector<16xi32>], vector<16xf32>,
            %get3A_258 = arith.index_cast %scan3A_166 : i32 to index
            %get3A_259 = arith.constant 128 : index
            %get3A_260 = tpu.vector_load %arg17[%get3A_258, %get3A_259] {strides = array<i32>} : memref<16x640xf32, #tpu.memory_space<vmem>>, vector<16xf32>,
            %mul3A_261 = arith.mulf %get3A_260, %gather3A_257 : vector<16xf32>
            %add3A_262 = arith.constant 128 : i32
            %add3A_263 = vector.broadcast %add3A_262 : i32 to vector<16xi32>
            %add3A_264 = arith.addi %add3A_263, %iota3A : vector<16xi32>
            tpu.vector_store_idx %arg19[%gather3A, %add3A_264], %mul3A_261 {add = true} : memref<128x640xf32, #tpu.memory_space<vmem>>[vector<16xi32>, vector<16xi32>], vector<16xf32>,
            %get3A_265 = arith.index_cast %scan3A_166 : i32 to index
            %get3A_266 = arith.constant 144 : index
            %get3A_267 = tpu.vector_load %arg17[%get3A_265, %get3A_266] {strides = array<i32>} : memref<16x640xf32, #tpu.memory_space<vmem>>, vector<16xf32>,
            %mul3A_268 = arith.mulf %get3A_267, %gather3A_257 : vector<16xf32>
            %add3A_269 = arith.constant 144 : i32
            %add3A_270 = vector.broadcast %add3A_269 : i32 to vector<16xi32>
            %add3A_271 = arith.addi %add3A_270, %iota3A : vector<16xi32>
            tpu.vector_store_idx %arg19[%gather3A, %add3A_271], %mul3A_268 {add = true} : memref<128x640xf32, #tpu.memory_space<vmem>>[vector<16xi32>, vector<16xi32>], vector<16xf32>,
            %get3A_272 = arith.index_cast %scan3A_166 : i32 to index
            %get3A_273 = arith.constant 160 : index
            %get3A_274 = tpu.vector_load %arg17[%get3A_272, %get3A_273] {strides = array<i32>} : memref<16x640xf32, #tpu.memory_space<vmem>>, vector<16xf32>,
            %mul3A_275 = arith.mulf %get3A_274, %gather3A_257 : vector<16xf32>
            %add3A_276 = arith.constant 160 : i32
            %add3A_277 = vector.broadcast %add3A_276 : i32 to vector<16xi32>
            %add3A_278 = arith.addi %add3A_277, %iota3A : vector<16xi32>
            tpu.vector_store_idx %arg19[%gather3A, %add3A_278], %mul3A_275 {add = true} : memref<128x640xf32, #tpu.memory_space<vmem>>[vector<16xi32>, vector<16xi32>], vector<16xf32>,
            %get3A_279 = arith.index_cast %scan3A_166 : i32 to index
            %get3A_280 = arith.constant 176 : index
            %get3A_281 = tpu.vector_load %arg17[%get3A_279, %get3A_280] {strides = array<i32>} : memref<16x640xf32, #tpu.memory_space<vmem>>, vector<16xf32>,
            %mul3A_282 = arith.mulf %get3A_281, %gather3A_257 : vector<16xf32>
            %add3A_283 = arith.constant 176 : i32
            %add3A_284 = vector.broadcast %add3A_283 : i32 to vector<16xi32>
            %add3A_285 = arith.addi %add3A_284, %iota3A : vector<16xi32>
            tpu.vector_store_idx %arg19[%gather3A, %add3A_285], %mul3A_282 {add = true} : memref<128x640xf32, #tpu.memory_space<vmem>>[vector<16xi32>, vector<16xi32>], vector<16xf32>,
            %get3A_286 = arith.index_cast %scan3A_166 : i32 to index
            %get3A_287 = arith.constant 192 : index
            %get3A_288 = tpu.vector_load %arg17[%get3A_286, %get3A_287] {strides = array<i32>} : memref<16x640xf32, #tpu.memory_space<vmem>>, vector<16xf32>,
            %mul3A_289 = arith.mulf %get3A_288, %gather3A_257 : vector<16xf32>
            %add3A_290 = arith.constant 192 : i32
            %add3A_291 = vector.broadcast %add3A_290 : i32 to vector<16xi32>
            %add3A_292 = arith.addi %add3A_291, %iota3A : vector<16xi32>
            tpu.vector_store_idx %arg19[%gather3A, %add3A_292], %mul3A_289 {add = true} : memref<128x640xf32, #tpu.memory_space<vmem>>[vector<16xi32>, vector<16xi32>], vector<16xf32>,
            %get3A_293 = arith.index_cast %scan3A_166 : i32 to index
            %get3A_294 = arith.constant 208 : index
            %get3A_295 = tpu.vector_load %arg17[%get3A_293, %get3A_294] {strides = array<i32>} : memref<16x640xf32, #tpu.memory_space<vmem>>, vector<16xf32>,
            %mul3A_296 = arith.mulf %get3A_295, %gather3A_257 : vector<16xf32>
            %add3A_297 = arith.constant 208 : i32
            %add3A_298 = vector.broadcast %add3A_297 : i32 to vector<16xi32>
            %add3A_299 = arith.addi %add3A_298, %iota3A : vector<16xi32>
            tpu.vector_store_idx %arg19[%gather3A, %add3A_299], %mul3A_296 {add = true} : memref<128x640xf32, #tpu.memory_space<vmem>>[vector<16xi32>, vector<16xi32>], vector<16xf32>,
            %get3A_300 = arith.index_cast %scan3A_166 : i32 to index
            %get3A_301 = arith.constant 224 : index
            %get3A_302 = tpu.vector_load %arg17[%get3A_300, %get3A_301] {strides = array<i32>} : memref<16x640xf32, #tpu.memory_space<vmem>>, vector<16xf32>,
            %mul3A_303 = arith.mulf %get3A_302, %gather3A_257 : vector<16xf32>
            %add3A_304 = arith.constant 224 : i32
            %add3A_305 = vector.broadcast %add3A_304 : i32 to vector<16xi32>
            %add3A_306 = arith.addi %add3A_305, %iota3A : vector<16xi32>
            tpu.vector_store_idx %arg19[%gather3A, %add3A_306], %mul3A_303 {add = true} : memref<128x640xf32, #tpu.memory_space<vmem>>[vector<16xi32>, vector<16xi32>], vector<16xf32>,
            %get3A_307 = arith.index_cast %scan3A_166 : i32 to index
            %get3A_308 = arith.constant 240 : index
            %get3A_309 = tpu.vector_load %arg17[%get3A_307, %get3A_308] {strides = array<i32>} : memref<16x640xf32, #tpu.memory_space<vmem>>, vector<16xf32>,
            %mul3A_310 = arith.mulf %get3A_309, %gather3A_257 : vector<16xf32>
            %add3A_311 = arith.constant 240 : i32
            %add3A_312 = vector.broadcast %add3A_311 : i32 to vector<16xi32>
            %add3A_313 = arith.addi %add3A_312, %iota3A : vector<16xi32>
            tpu.vector_store_idx %arg19[%gather3A, %add3A_313], %mul3A_310 {add = true} : memref<128x640xf32, #tpu.memory_space<vmem>>[vector<16xi32>, vector<16xi32>], vector<16xf32>,
            %broadcast_in_dim3A_314 = arith.constant 514 : i32
            %broadcast_in_dim3A_315 = vector.broadcast %broadcast_in_dim3A_314 : i32 to vector<16xi32>
            %gather3A_316 = tpu.vector_load_idx %arg17[%broadcast_in_dim3A_168, %broadcast_in_dim3A_315] : memref<16x640xf32, #tpu.memory_space<vmem>>[vector<16xi32>, vector<16xi32>], vector<16xf32>,
            %get3A_317 = arith.index_cast %scan3A_166 : i32 to index
            %get3A_318 = arith.constant 256 : index
            %get3A_319 = tpu.vector_load %arg17[%get3A_317, %get3A_318] {strides = array<i32>} : memref<16x640xf32, #tpu.memory_space<vmem>>, vector<16xf32>,
            %mul3A_320 = arith.mulf %get3A_319, %gather3A_316 : vector<16xf32>
            %add3A_321 = arith.constant 256 : i32
            %add3A_322 = vector.broadcast %add3A_321 : i32 to vector<16xi32>
            %add3A_323 = arith.addi %add3A_322, %iota3A : vector<16xi32>
            tpu.vector_store_idx %arg19[%gather3A, %add3A_323], %mul3A_320 {add = true} : memref<128x640xf32, #tpu.memory_space<vmem>>[vector<16xi32>, vector<16xi32>], vector<16xf32>,
            %get3A_324 = arith.index_cast %scan3A_166 : i32 to index
            %get3A_325 = arith.constant 272 : index
            %get3A_326 = tpu.vector_load %arg17[%get3A_324, %get3A_325] {strides = array<i32>} : memref<16x640xf32, #tpu.memory_space<vmem>>, vector<16xf32>,
            %mul3A_327 = arith.mulf %get3A_326, %gather3A_316 : vector<16xf32>
            %add3A_328 = arith.constant 272 : i32
            %add3A_329 = vector.broadcast %add3A_328 : i32 to vector<16xi32>
            %add3A_330 = arith.addi %add3A_329, %iota3A : vector<16xi32>
            tpu.vector_store_idx %arg19[%gather3A, %add3A_330], %mul3A_327 {add = true} : memref<128x640xf32, #tpu.memory_space<vmem>>[vector<16xi32>, vector<16xi32>], vector<16xf32>,
            %get3A_331 = arith.index_cast %scan3A_166 : i32 to index
            %get3A_332 = arith.constant 288 : index
            %get3A_333 = tpu.vector_load %arg17[%get3A_331, %get3A_332] {strides = array<i32>} : memref<16x640xf32, #tpu.memory_space<vmem>>, vector<16xf32>,
            %mul3A_334 = arith.mulf %get3A_333, %gather3A_316 : vector<16xf32>
            %add3A_335 = arith.constant 288 : i32
            %add3A_336 = vector.broadcast %add3A_335 : i32 to vector<16xi32>
            %add3A_337 = arith.addi %add3A_336, %iota3A : vector<16xi32>
            tpu.vector_store_idx %arg19[%gather3A, %add3A_337], %mul3A_334 {add = true} : memref<128x640xf32, #tpu.memory_space<vmem>>[vector<16xi32>, vector<16xi32>], vector<16xf32>,
            %get3A_338 = arith.index_cast %scan3A_166 : i32 to index
            %get3A_339 = arith.constant 304 : index
            %get3A_340 = tpu.vector_load %arg17[%get3A_338, %get3A_339] {strides = array<i32>} : memref<16x640xf32, #tpu.memory_space<vmem>>, vector<16xf32>,
            %mul3A_341 = arith.mulf %get3A_340, %gather3A_316 : vector<16xf32>
            %add3A_342 = arith.constant 304 : i32
            %add3A_343 = vector.broadcast %add3A_342 : i32 to vector<16xi32>
            %add3A_344 = arith.addi %add3A_343, %iota3A : vector<16xi32>
            tpu.vector_store_idx %arg19[%gather3A, %add3A_344], %mul3A_341 {add = true} : memref<128x640xf32, #tpu.memory_space<vmem>>[vector<16xi32>, vector<16xi32>], vector<16xf32>,
            %get3A_345 = arith.index_cast %scan3A_166 : i32 to index
            %get3A_346 = arith.constant 320 : index
            %get3A_347 = tpu.vector_load %arg17[%get3A_345, %get3A_346] {strides = array<i32>} : memref<16x640xf32, #tpu.memory_space<vmem>>, vector<16xf32>,
            %mul3A_348 = arith.mulf %get3A_347, %gather3A_316 : vector<16xf32>
            %add3A_349 = arith.constant 320 : i32
            %add3A_350 = vector.broadcast %add3A_349 : i32 to vector<16xi32>
            %add3A_351 = arith.addi %add3A_350, %iota3A : vector<16xi32>
            tpu.vector_store_idx %arg19[%gather3A, %add3A_351], %mul3A_348 {add = true} : memref<128x640xf32, #tpu.memory_space<vmem>>[vector<16xi32>, vector<16xi32>], vector<16xf32>,
            %get3A_352 = arith.index_cast %scan3A_166 : i32 to index
            %get3A_353 = arith.constant 336 : index
            %get3A_354 = tpu.vector_load %arg17[%get3A_352, %get3A_353] {strides = array<i32>} : memref<16x640xf32, #tpu.memory_space<vmem>>, vector<16xf32>,
            %mul3A_355 = arith.mulf %get3A_354, %gather3A_316 : vector<16xf32>
            %add3A_356 = arith.constant 336 : i32
            %add3A_357 = vector.broadcast %add3A_356 : i32 to vector<16xi32>
            %add3A_358 = arith.addi %add3A_357, %iota3A : vector<16xi32>
            tpu.vector_store_idx %arg19[%gather3A, %add3A_358], %mul3A_355 {add = true} : memref<128x640xf32, #tpu.memory_space<vmem>>[vector<16xi32>, vector<16xi32>], vector<16xf32>,
            %get3A_359 = arith.index_cast %scan3A_166 : i32 to index
            %get3A_360 = arith.constant 352 : index
            %get3A_361 = tpu.vector_load %arg17[%get3A_359, %get3A_360] {strides = array<i32>} : memref<16x640xf32, #tpu.memory_space<vmem>>, vector<16xf32>,
            %mul3A_362 = arith.mulf %get3A_361, %gather3A_316 : vector<16xf32>
            %add3A_363 = arith.constant 352 : i32
            %add3A_364 = vector.broadcast %add3A_363 : i32 to vector<16xi32>
            %add3A_365 = arith.addi %add3A_364, %iota3A : vector<16xi32>
            tpu.vector_store_idx %arg19[%gather3A, %add3A_365], %mul3A_362 {add = true} : memref<128x640xf32, #tpu.memory_space<vmem>>[vector<16xi32>, vector<16xi32>], vector<16xf32>,
            %get3A_366 = arith.index_cast %scan3A_166 : i32 to index
            %get3A_367 = arith.constant 368 : index
            %get3A_368 = tpu.vector_load %arg17[%get3A_366, %get3A_367] {strides = array<i32>} : memref<16x640xf32, #tpu.memory_space<vmem>>, vector<16xf32>,
            %mul3A_369 = arith.mulf %get3A_368, %gather3A_316 : vector<16xf32>
            %add3A_370 = arith.constant 368 : i32
            %add3A_371 = vector.broadcast %add3A_370 : i32 to vector<16xi32>
            %add3A_372 = arith.addi %add3A_371, %iota3A : vector<16xi32>
            tpu.vector_store_idx %arg19[%gather3A, %add3A_372], %mul3A_369 {add = true} : memref<128x640xf32, #tpu.memory_space<vmem>>[vector<16xi32>, vector<16xi32>], vector<16xf32>,
            %broadcast_in_dim3A_373 = arith.constant 515 : i32
            %broadcast_in_dim3A_374 = vector.broadcast %broadcast_in_dim3A_373 : i32 to vector<16xi32>
            %gather3A_375 = tpu.vector_load_idx %arg17[%broadcast_in_dim3A_168, %broadcast_in_dim3A_374] : memref<16x640xf32, #tpu.memory_space<vmem>>[vector<16xi32>, vector<16xi32>], vector<16xf32>,
            %get3A_376 = arith.index_cast %scan3A_166 : i32 to index
            %get3A_377 = arith.constant 384 : index
            %get3A_378 = tpu.vector_load %arg17[%get3A_376, %get3A_377] {strides = array<i32>} : memref<16x640xf32, #tpu.memory_space<vmem>>, vector<16xf32>,
            %mul3A_379 = arith.mulf %get3A_378, %gather3A_375 : vector<16xf32>
            %add3A_380 = arith.constant 384 : i32
            %add3A_381 = vector.broadcast %add3A_380 : i32 to vector<16xi32>
            %add3A_382 = arith.addi %add3A_381, %iota3A : vector<16xi32>
            tpu.vector_store_idx %arg19[%gather3A, %add3A_382], %mul3A_379 {add = true} : memref<128x640xf32, #tpu.memory_space<vmem>>[vector<16xi32>, vector<16xi32>], vector<16xf32>,
            %get3A_383 = arith.index_cast %scan3A_166 : i32 to index
            %get3A_384 = arith.constant 400 : index
            %get3A_385 = tpu.vector_load %arg17[%get3A_383, %get3A_384] {strides = array<i32>} : memref<16x640xf32, #tpu.memory_space<vmem>>, vector<16xf32>,
            %mul3A_386 = arith.mulf %get3A_385, %gather3A_375 : vector<16xf32>
            %add3A_387 = arith.constant 400 : i32
            %add3A_388 = vector.broadcast %add3A_387 : i32 to vector<16xi32>
            %add3A_389 = arith.addi %add3A_388, %iota3A : vector<16xi32>
            tpu.vector_store_idx %arg19[%gather3A, %add3A_389], %mul3A_386 {add = true} : memref<128x640xf32, #tpu.memory_space<vmem>>[vector<16xi32>, vector<16xi32>], vector<16xf32>,
            %get3A_390 = arith.index_cast %scan3A_166 : i32 to index
            %get3A_391 = arith.constant 416 : index
            %get3A_392 = tpu.vector_load %arg17[%get3A_390, %get3A_391] {strides = array<i32>} : memref<16x640xf32, #tpu.memory_space<vmem>>, vector<16xf32>,
            %mul3A_393 = arith.mulf %get3A_392, %gather3A_375 : vector<16xf32>
            %add3A_394 = arith.constant 416 : i32
            %add3A_395 = vector.broadcast %add3A_394 : i32 to vector<16xi32>
            %add3A_396 = arith.addi %add3A_395, %iota3A : vector<16xi32>
            tpu.vector_store_idx %arg19[%gather3A, %add3A_396], %mul3A_393 {add = true} : memref<128x640xf32, #tpu.memory_space<vmem>>[vector<16xi32>, vector<16xi32>], vector<16xf32>,
            %get3A_397 = arith.index_cast %scan3A_166 : i32 to index
            %get3A_398 = arith.constant 432 : index
            %get3A_399 = tpu.vector_load %arg17[%get3A_397, %get3A_398] {strides = array<i32>} : memref<16x640xf32, #tpu.memory_space<vmem>>, vector<16xf32>,
            %mul3A_400 = arith.mulf %get3A_399, %gather3A_375 : vector<16xf32>
            %add3A_401 = arith.constant 432 : i32
            %add3A_402 = vector.broadcast %add3A_401 : i32 to vector<16xi32>
            %add3A_403 = arith.addi %add3A_402, %iota3A : vector<16xi32>
            tpu.vector_store_idx %arg19[%gather3A, %add3A_403], %mul3A_400 {add = true} : memref<128x640xf32, #tpu.memory_space<vmem>>[vector<16xi32>, vector<16xi32>], vector<16xf32>,
            %get3A_404 = arith.index_cast %scan3A_166 : i32 to index
            %get3A_405 = arith.constant 448 : index
            %get3A_406 = tpu.vector_load %arg17[%get3A_404, %get3A_405] {strides = array<i32>} : memref<16x640xf32, #tpu.memory_space<vmem>>, vector<16xf32>,
            %mul3A_407 = arith.mulf %get3A_406, %gather3A_375 : vector<16xf32>
            %add3A_408 = arith.constant 448 : i32
            %add3A_409 = vector.broadcast %add3A_408 : i32 to vector<16xi32>
            %add3A_410 = arith.addi %add3A_409, %iota3A : vector<16xi32>
            tpu.vector_store_idx %arg19[%gather3A, %add3A_410], %mul3A_407 {add = true} : memref<128x640xf32, #tpu.memory_space<vmem>>[vector<16xi32>, vector<16xi32>], vector<16xf32>,
            %get3A_411 = arith.index_cast %scan3A_166 : i32 to index
            %get3A_412 = arith.constant 464 : index
            %get3A_413 = tpu.vector_load %arg17[%get3A_411, %get3A_412] {strides = array<i32>} : memref<16x640xf32, #tpu.memory_space<vmem>>, vector<16xf32>,
            %mul3A_414 = arith.mulf %get3A_413, %gather3A_375 : vector<16xf32>
            %add3A_415 = arith.constant 464 : i32
            %add3A_416 = vector.broadcast %add3A_415 : i32 to vector<16xi32>
            %add3A_417 = arith.addi %add3A_416, %iota3A : vector<16xi32>
            tpu.vector_store_idx %arg19[%gather3A, %add3A_417], %mul3A_414 {add = true} : memref<128x640xf32, #tpu.memory_space<vmem>>[vector<16xi32>, vector<16xi32>], vector<16xf32>,
            %get3A_418 = arith.index_cast %scan3A_166 : i32 to index
            %get3A_419 = arith.constant 480 : index
            %get3A_420 = tpu.vector_load %arg17[%get3A_418, %get3A_419] {strides = array<i32>} : memref<16x640xf32, #tpu.memory_space<vmem>>, vector<16xf32>,
            %mul3A_421 = arith.mulf %get3A_420, %gather3A_375 : vector<16xf32>
            %add3A_422 = arith.constant 480 : i32
            %add3A_423 = vector.broadcast %add3A_422 : i32 to vector<16xi32>
            %add3A_424 = arith.addi %add3A_423, %iota3A : vector<16xi32>
            tpu.vector_store_idx %arg19[%gather3A, %add3A_424], %mul3A_421 {add = true} : memref<128x640xf32, #tpu.memory_space<vmem>>[vector<16xi32>, vector<16xi32>], vector<16xf32>,
            %get3A_425 = arith.index_cast %scan3A_166 : i32 to index
            %get3A_426 = arith.constant 496 : index
            %get3A_427 = tpu.vector_load %arg17[%get3A_425, %get3A_426] {strides = array<i32>} : memref<16x640xf32, #tpu.memory_space<vmem>>, vector<16xf32>,
            %mul3A_428 = arith.mulf %get3A_427, %gather3A_375 : vector<16xf32>
            %add3A_429 = arith.constant 496 : i32
            %add3A_430 = vector.broadcast %add3A_429 : i32 to vector<16xi32>
            %add3A_431 = arith.addi %add3A_430, %iota3A : vector<16xi32>
            tpu.vector_store_idx %arg19[%gather3A, %add3A_431], %mul3A_428 {add = true} : memref<128x640xf32, #tpu.memory_space<vmem>>[vector<16xi32>, vector<16xi32>], vector<16xf32>,
            %scan3A_432 = arith.constant 0 : i32
            scf.yield %scan3A_432 : i32
          }
          %scan3A_159 = arith.constant 16 : i32
          %add3A_160 = arith.constant 2 : i32
          %add3A_161 = arith.addi %add3A_135, %add3A_160 : i32
          %lt3A_162 = arith.cmpi slt, %add3A_161, %select_n3A : i32
          %convert_element_type3A_163 = arith.extui %lt3A_162 : i1 to i32
          %cond3A_164 = arith.constant 0 : i32
          %cond3A_165 = arith.cmpi ne, %convert_element_type3A_163, %cond3A_164 : i32
          scf.if %cond3A_165 {
            %add3A_166 = arith.constant 2 : i32
            %add3A_167 = arith.addi %add3A_135, %add3A_166 : i32
            %mul3A_168 = arith.constant 16 : i32
            %mul3A_169 = arith.muli %add3A_167, %mul3A_168 : i32
            %dma_start3A = tpu.memref_slice %arg14[%mul3A_169] : memref<3072xi32, #tpu.memory_space<vmem>> -> memref<16xi32, #tpu.memory_space<vmem>>
            %dma_start3A_170 = arith.constant 0 : i32
            %dma_start3A_171 = arith.constant 0 : i32
            %dma_start3A_172 = tpu.memref_slice %arg2[%dma_start3A_170, %dma_start3A_171] : memref<40000x640xf32, #tpu.memory_space<hbm>> -> memref<40000x640xf32, #tpu.memory_space<hbm>>
            tpu.enqueue_indirect_dma source(%dma_start3A_172 : memref<40000x640xf32, #tpu.memory_space<hbm>>) target(%arg17 : memref<16x640xf32, #tpu.memory_space<vmem>>) offsets(%dma_start3A : memref<16xi32, #tpu.memory_space<vmem>>) semaphore(%arg24 : memref<!tpu.dma_semaphore, #tpu.memory_space<semaphore_mem>>)
          } else {
          }
        } else {
        }
        %mul3A_139 = arith.constant 2 : i32
        %mul3A_140 = arith.muli %while3A_130, %mul3A_139 : i32
        %add3A_141 = arith.constant 1 : i32
        %add3A_142 = arith.addi %mul3A_140, %add3A_141 : i32
        %lt3A_143 = arith.cmpi slt, %add3A_142, %select_n3A : i32
        %convert_element_type3A_144 = arith.extui %lt3A_143 : i1 to i32
        %cond3A_145 = arith.constant 0 : i32
        %cond3A_146 = arith.cmpi ne, %convert_element_type3A_144, %cond3A_145 : i32
        scf.if %cond3A_146 {
          %mul3A_148 = arith.constant 16 : i32
          %mul3A_149 = arith.muli %add3A_142, %mul3A_148 : i32
          %dma_wait3A = tpu.memref_slice %arg14[%mul3A_149] : memref<3072xi32, #tpu.memory_space<vmem>> -> memref<16xi32, #tpu.memory_space<vmem>>
          %dma_wait3A_150 = arith.constant 0 : i32
          %dma_wait3A_151 = arith.constant 0 : i32
          %dma_wait3A_152 = tpu.memref_slice %arg2[%dma_wait3A_150, %dma_wait3A_151] : memref<40000x640xf32, #tpu.memory_space<hbm>> -> memref<40000x640xf32, #tpu.memory_space<hbm>>
          tpu.wait_indirect_dma semaphore(%arg25 : memref<!tpu.dma_semaphore, #tpu.memory_space<semaphore_mem>>) src(%dma_wait3A_152 : memref<40000x640xf32, #tpu.memory_space<hbm>>) dst(%arg18 : memref<16x640xf32, #tpu.memory_space<vmem>>)
          %scan3A_153 = arith.constant 0 : i32
          %scan3A_154 = arith.constant 0 : i32
          %scan3A_155 = arith.constant 16 : i32
          %scan3A_156 = arith.addi %scan3A_154, %scan3A_155 : i32
          %scan3A_157 = arith.constant 1 : i32
          %scan3A_158 = scf.for %scan3A_166 = %scan3A_154 to %scan3A_156 step %scan3A_157 iter_args(%scan3A_167 = %scan3A_153) -> (i32)  : i32 {
            %broadcast_in_dim3A_168 = vector.broadcast %scan3A_166 : i32 to vector<16xi32>
            %mul3A_169 = arith.constant 16 : i32
            %mul3A_170 = arith.muli %add3A_142, %mul3A_169 : i32
            %add3A_171 = vector.broadcast %mul3A_170 : i32 to vector<16xi32>
            %add3A_172 = arith.addi %add3A_171, %broadcast_in_dim3A_168 : vector<16xi32>
            %gather3A = tpu.vector_load_idx %arg15[%add3A_172] : memref<3072xi32, #tpu.memory_space<vmem>>[vector<16xi32>], vector<16xi32>,
            %and3A_173 = arith.constant 3 : i32
            %and3A_174 = vector.broadcast %and3A_173 : i32 to vector<16xi32>
            %and3A_175 = arith.andi %iota3A, %and3A_174 : vector<16xi32>
            %add3A_176 = arith.constant 520 : i32
            %add3A_177 = vector.broadcast %add3A_176 : i32 to vector<16xi32>
            %add3A_178 = arith.addi %add3A_177, %and3A_175 : vector<16xi32>
            %gather3A_179 = tpu.vector_load_idx %arg18[%broadcast_in_dim3A_168, %add3A_178] : memref<16x640xf32, #tpu.memory_space<vmem>>[vector<16xi32>, vector<16xi32>], vector<16xf32>,
            %mul3A_180 = arith.constant 4 : i32
            %mul3A_181 = vector.broadcast %mul3A_180 : i32 to vector<16xi32>
            %mul3A_182 = arith.muli %gather3A, %mul3A_181 : vector<16xi32>
            %and3A_183 = arith.constant 3 : i32
            %and3A_184 = vector.broadcast %and3A_183 : i32 to vector<16xi32>
            %and3A_185 = arith.andi %iota3A, %and3A_184 : vector<16xi32>
            %add3A_186 = arith.addi %mul3A_182, %and3A_185 : vector<16xi32>
            %gather3A_187 = tpu.vector_load_idx %arg16[%add3A_186] : memref<512xf32, #tpu.memory_space<vmem>>[vector<16xi32>], vector<16xf32>,
            %add3A_188 = arith.addf %gather3A_179, %gather3A_187 : vector<16xf32>
            %mul3A_189 = arith.constant 2.000000e-01 : f32
            %mul3A_190 = vector.broadcast %mul3A_189 : f32 to vector<16xf32>
            %mul3A_191 = arith.mulf %mul3A_190, %add3A_188 : vector<16xf32>
            %max3A = arith.maximumf %add3A_188, %mul3A_191 : vector<16xf32>
            %exp3A = math.exp %max3A : vector<16xf32>
            %swap3A = arith.index_cast %scan3A_166 : i32 to index
            %swap3A_192 = arith.constant 512 : index
            %swap3A_193 = tpu.vector_load %arg18[%swap3A, %swap3A_192] {strides = array<i32>} : memref<16x640xf32, #tpu.memory_space<vmem>>, vector<16xf32>,
            tpu.vector_store %arg18[%swap3A, %swap3A_192], %exp3A {strides = array<i32>} : memref<16x640xf32, #tpu.memory_space<vmem>>, vector<16xf32>,
            %add3A_194 = arith.constant 512 : i32
            %add3A_195 = vector.broadcast %add3A_194 : i32 to vector<16xi32>
            %add3A_196 = arith.addi %add3A_195, %iota3A : vector<16xi32>
            tpu.vector_store_idx %arg19[%gather3A, %add3A_196], %exp3A {add = true} : memref<128x640xf32, #tpu.memory_space<vmem>>[vector<16xi32>, vector<16xi32>], vector<16xf32>,
            %broadcast_in_dim3A_197 = arith.constant 512 : i32
            %broadcast_in_dim3A_198 = vector.broadcast %broadcast_in_dim3A_197 : i32 to vector<16xi32>
            %gather3A_199 = tpu.vector_load_idx %arg18[%broadcast_in_dim3A_168, %broadcast_in_dim3A_198] : memref<16x640xf32, #tpu.memory_space<vmem>>[vector<16xi32>, vector<16xi32>], vector<16xf32>,
            %get3A = arith.index_cast %scan3A_166 : i32 to index
            %get3A_200 = arith.constant 0 : index
            %get3A_201 = tpu.vector_load %arg18[%get3A, %get3A_200] {strides = array<i32>} : memref<16x640xf32, #tpu.memory_space<vmem>>, vector<16xf32>,
            %mul3A_202 = arith.mulf %get3A_201, %gather3A_199 : vector<16xf32>
            %add3A_203 = arith.constant 0 : i32
            %add3A_204 = vector.broadcast %add3A_203 : i32 to vector<16xi32>
            %add3A_205 = arith.addi %add3A_204, %iota3A : vector<16xi32>
            tpu.vector_store_idx %arg19[%gather3A, %add3A_205], %mul3A_202 {add = true} : memref<128x640xf32, #tpu.memory_space<vmem>>[vector<16xi32>, vector<16xi32>], vector<16xf32>,
            %get3A_206 = arith.index_cast %scan3A_166 : i32 to index
            %get3A_207 = arith.constant 16 : index
            %get3A_208 = tpu.vector_load %arg18[%get3A_206, %get3A_207] {strides = array<i32>} : memref<16x640xf32, #tpu.memory_space<vmem>>, vector<16xf32>,
            %mul3A_209 = arith.mulf %get3A_208, %gather3A_199 : vector<16xf32>
            %add3A_210 = arith.constant 16 : i32
            %add3A_211 = vector.broadcast %add3A_210 : i32 to vector<16xi32>
            %add3A_212 = arith.addi %add3A_211, %iota3A : vector<16xi32>
            tpu.vector_store_idx %arg19[%gather3A, %add3A_212], %mul3A_209 {add = true} : memref<128x640xf32, #tpu.memory_space<vmem>>[vector<16xi32>, vector<16xi32>], vector<16xf32>,
            %get3A_213 = arith.index_cast %scan3A_166 : i32 to index
            %get3A_214 = arith.constant 32 : index
            %get3A_215 = tpu.vector_load %arg18[%get3A_213, %get3A_214] {strides = array<i32>} : memref<16x640xf32, #tpu.memory_space<vmem>>, vector<16xf32>,
            %mul3A_216 = arith.mulf %get3A_215, %gather3A_199 : vector<16xf32>
            %add3A_217 = arith.constant 32 : i32
            %add3A_218 = vector.broadcast %add3A_217 : i32 to vector<16xi32>
            %add3A_219 = arith.addi %add3A_218, %iota3A : vector<16xi32>
            tpu.vector_store_idx %arg19[%gather3A, %add3A_219], %mul3A_216 {add = true} : memref<128x640xf32, #tpu.memory_space<vmem>>[vector<16xi32>, vector<16xi32>], vector<16xf32>,
            %get3A_220 = arith.index_cast %scan3A_166 : i32 to index
            %get3A_221 = arith.constant 48 : index
            %get3A_222 = tpu.vector_load %arg18[%get3A_220, %get3A_221] {strides = array<i32>} : memref<16x640xf32, #tpu.memory_space<vmem>>, vector<16xf32>,
            %mul3A_223 = arith.mulf %get3A_222, %gather3A_199 : vector<16xf32>
            %add3A_224 = arith.constant 48 : i32
            %add3A_225 = vector.broadcast %add3A_224 : i32 to vector<16xi32>
            %add3A_226 = arith.addi %add3A_225, %iota3A : vector<16xi32>
            tpu.vector_store_idx %arg19[%gather3A, %add3A_226], %mul3A_223 {add = true} : memref<128x640xf32, #tpu.memory_space<vmem>>[vector<16xi32>, vector<16xi32>], vector<16xf32>,
            %get3A_227 = arith.index_cast %scan3A_166 : i32 to index
            %get3A_228 = arith.constant 64 : index
            %get3A_229 = tpu.vector_load %arg18[%get3A_227, %get3A_228] {strides = array<i32>} : memref<16x640xf32, #tpu.memory_space<vmem>>, vector<16xf32>,
            %mul3A_230 = arith.mulf %get3A_229, %gather3A_199 : vector<16xf32>
            %add3A_231 = arith.constant 64 : i32
            %add3A_232 = vector.broadcast %add3A_231 : i32 to vector<16xi32>
            %add3A_233 = arith.addi %add3A_232, %iota3A : vector<16xi32>
            tpu.vector_store_idx %arg19[%gather3A, %add3A_233], %mul3A_230 {add = true} : memref<128x640xf32, #tpu.memory_space<vmem>>[vector<16xi32>, vector<16xi32>], vector<16xf32>,
            %get3A_234 = arith.index_cast %scan3A_166 : i32 to index
            %get3A_235 = arith.constant 80 : index
            %get3A_236 = tpu.vector_load %arg18[%get3A_234, %get3A_235] {strides = array<i32>} : memref<16x640xf32, #tpu.memory_space<vmem>>, vector<16xf32>,
            %mul3A_237 = arith.mulf %get3A_236, %gather3A_199 : vector<16xf32>
            %add3A_238 = arith.constant 80 : i32
            %add3A_239 = vector.broadcast %add3A_238 : i32 to vector<16xi32>
            %add3A_240 = arith.addi %add3A_239, %iota3A : vector<16xi32>
            tpu.vector_store_idx %arg19[%gather3A, %add3A_240], %mul3A_237 {add = true} : memref<128x640xf32, #tpu.memory_space<vmem>>[vector<16xi32>, vector<16xi32>], vector<16xf32>,
            %get3A_241 = arith.index_cast %scan3A_166 : i32 to index
            %get3A_242 = arith.constant 96 : index
            %get3A_243 = tpu.vector_load %arg18[%get3A_241, %get3A_242] {strides = array<i32>} : memref<16x640xf32, #tpu.memory_space<vmem>>, vector<16xf32>,
            %mul3A_244 = arith.mulf %get3A_243, %gather3A_199 : vector<16xf32>
            %add3A_245 = arith.constant 96 : i32
            %add3A_246 = vector.broadcast %add3A_245 : i32 to vector<16xi32>
            %add3A_247 = arith.addi %add3A_246, %iota3A : vector<16xi32>
            tpu.vector_store_idx %arg19[%gather3A, %add3A_247], %mul3A_244 {add = true} : memref<128x640xf32, #tpu.memory_space<vmem>>[vector<16xi32>, vector<16xi32>], vector<16xf32>,
            %get3A_248 = arith.index_cast %scan3A_166 : i32 to index
            %get3A_249 = arith.constant 112 : index
            %get3A_250 = tpu.vector_load %arg18[%get3A_248, %get3A_249] {strides = array<i32>} : memref<16x640xf32, #tpu.memory_space<vmem>>, vector<16xf32>,
            %mul3A_251 = arith.mulf %get3A_250, %gather3A_199 : vector<16xf32>
            %add3A_252 = arith.constant 112 : i32
            %add3A_253 = vector.broadcast %add3A_252 : i32 to vector<16xi32>
            %add3A_254 = arith.addi %add3A_253, %iota3A : vector<16xi32>
            tpu.vector_store_idx %arg19[%gather3A, %add3A_254], %mul3A_251 {add = true} : memref<128x640xf32, #tpu.memory_space<vmem>>[vector<16xi32>, vector<16xi32>], vector<16xf32>,
            %broadcast_in_dim3A_255 = arith.constant 513 : i32
            %broadcast_in_dim3A_256 = vector.broadcast %broadcast_in_dim3A_255 : i32 to vector<16xi32>
            %gather3A_257 = tpu.vector_load_idx %arg18[%broadcast_in_dim3A_168, %broadcast_in_dim3A_256] : memref<16x640xf32, #tpu.memory_space<vmem>>[vector<16xi32>, vector<16xi32>], vector<16xf32>,
            %get3A_258 = arith.index_cast %scan3A_166 : i32 to index
            %get3A_259 = arith.constant 128 : index
            %get3A_260 = tpu.vector_load %arg18[%get3A_258, %get3A_259] {strides = array<i32>} : memref<16x640xf32, #tpu.memory_space<vmem>>, vector<16xf32>,
            %mul3A_261 = arith.mulf %get3A_260, %gather3A_257 : vector<16xf32>
            %add3A_262 = arith.constant 128 : i32
            %add3A_263 = vector.broadcast %add3A_262 : i32 to vector<16xi32>
            %add3A_264 = arith.addi %add3A_263, %iota3A : vector<16xi32>
            tpu.vector_store_idx %arg19[%gather3A, %add3A_264], %mul3A_261 {add = true} : memref<128x640xf32, #tpu.memory_space<vmem>>[vector<16xi32>, vector<16xi32>], vector<16xf32>,
            %get3A_265 = arith.index_cast %scan3A_166 : i32 to index
            %get3A_266 = arith.constant 144 : index
            %get3A_267 = tpu.vector_load %arg18[%get3A_265, %get3A_266] {strides = array<i32>} : memref<16x640xf32, #tpu.memory_space<vmem>>, vector<16xf32>,
            %mul3A_268 = arith.mulf %get3A_267, %gather3A_257 : vector<16xf32>
            %add3A_269 = arith.constant 144 : i32
            %add3A_270 = vector.broadcast %add3A_269 : i32 to vector<16xi32>
            %add3A_271 = arith.addi %add3A_270, %iota3A : vector<16xi32>
            tpu.vector_store_idx %arg19[%gather3A, %add3A_271], %mul3A_268 {add = true} : memref<128x640xf32, #tpu.memory_space<vmem>>[vector<16xi32>, vector<16xi32>], vector<16xf32>,
            %get3A_272 = arith.index_cast %scan3A_166 : i32 to index
            %get3A_273 = arith.constant 160 : index
            %get3A_274 = tpu.vector_load %arg18[%get3A_272, %get3A_273] {strides = array<i32>} : memref<16x640xf32, #tpu.memory_space<vmem>>, vector<16xf32>,
            %mul3A_275 = arith.mulf %get3A_274, %gather3A_257 : vector<16xf32>
            %add3A_276 = arith.constant 160 : i32
            %add3A_277 = vector.broadcast %add3A_276 : i32 to vector<16xi32>
            %add3A_278 = arith.addi %add3A_277, %iota3A : vector<16xi32>
            tpu.vector_store_idx %arg19[%gather3A, %add3A_278], %mul3A_275 {add = true} : memref<128x640xf32, #tpu.memory_space<vmem>>[vector<16xi32>, vector<16xi32>], vector<16xf32>,
            %get3A_279 = arith.index_cast %scan3A_166 : i32 to index
            %get3A_280 = arith.constant 176 : index
            %get3A_281 = tpu.vector_load %arg18[%get3A_279, %get3A_280] {strides = array<i32>} : memref<16x640xf32, #tpu.memory_space<vmem>>, vector<16xf32>,
            %mul3A_282 = arith.mulf %get3A_281, %gather3A_257 : vector<16xf32>
            %add3A_283 = arith.constant 176 : i32
            %add3A_284 = vector.broadcast %add3A_283 : i32 to vector<16xi32>
            %add3A_285 = arith.addi %add3A_284, %iota3A : vector<16xi32>
            tpu.vector_store_idx %arg19[%gather3A, %add3A_285], %mul3A_282 {add = true} : memref<128x640xf32, #tpu.memory_space<vmem>>[vector<16xi32>, vector<16xi32>], vector<16xf32>,
            %get3A_286 = arith.index_cast %scan3A_166 : i32 to index
            %get3A_287 = arith.constant 192 : index
            %get3A_288 = tpu.vector_load %arg18[%get3A_286, %get3A_287] {strides = array<i32>} : memref<16x640xf32, #tpu.memory_space<vmem>>, vector<16xf32>,
            %mul3A_289 = arith.mulf %get3A_288, %gather3A_257 : vector<16xf32>
            %add3A_290 = arith.constant 192 : i32
            %add3A_291 = vector.broadcast %add3A_290 : i32 to vector<16xi32>
            %add3A_292 = arith.addi %add3A_291, %iota3A : vector<16xi32>
            tpu.vector_store_idx %arg19[%gather3A, %add3A_292], %mul3A_289 {add = true} : memref<128x640xf32, #tpu.memory_space<vmem>>[vector<16xi32>, vector<16xi32>], vector<16xf32>,
            %get3A_293 = arith.index_cast %scan3A_166 : i32 to index
            %get3A_294 = arith.constant 208 : index
            %get3A_295 = tpu.vector_load %arg18[%get3A_293, %get3A_294] {strides = array<i32>} : memref<16x640xf32, #tpu.memory_space<vmem>>, vector<16xf32>,
            %mul3A_296 = arith.mulf %get3A_295, %gather3A_257 : vector<16xf32>
            %add3A_297 = arith.constant 208 : i32
            %add3A_298 = vector.broadcast %add3A_297 : i32 to vector<16xi32>
            %add3A_299 = arith.addi %add3A_298, %iota3A : vector<16xi32>
            tpu.vector_store_idx %arg19[%gather3A, %add3A_299], %mul3A_296 {add = true} : memref<128x640xf32, #tpu.memory_space<vmem>>[vector<16xi32>, vector<16xi32>], vector<16xf32>,
            %get3A_300 = arith.index_cast %scan3A_166 : i32 to index
            %get3A_301 = arith.constant 224 : index
            %get3A_302 = tpu.vector_load %arg18[%get3A_300, %get3A_301] {strides = array<i32>} : memref<16x640xf32, #tpu.memory_space<vmem>>, vector<16xf32>,
            %mul3A_303 = arith.mulf %get3A_302, %gather3A_257 : vector<16xf32>
            %add3A_304 = arith.constant 224 : i32
            %add3A_305 = vector.broadcast %add3A_304 : i32 to vector<16xi32>
            %add3A_306 = arith.addi %add3A_305, %iota3A : vector<16xi32>
            tpu.vector_store_idx %arg19[%gather3A, %add3A_306], %mul3A_303 {add = true} : memref<128x640xf32, #tpu.memory_space<vmem>>[vector<16xi32>, vector<16xi32>], vector<16xf32>,
            %get3A_307 = arith.index_cast %scan3A_166 : i32 to index
            %get3A_308 = arith.constant 240 : index
            %get3A_309 = tpu.vector_load %arg18[%get3A_307, %get3A_308] {strides = array<i32>} : memref<16x640xf32, #tpu.memory_space<vmem>>, vector<16xf32>,
            %mul3A_310 = arith.mulf %get3A_309, %gather3A_257 : vector<16xf32>
            %add3A_311 = arith.constant 240 : i32
            %add3A_312 = vector.broadcast %add3A_311 : i32 to vector<16xi32>
            %add3A_313 = arith.addi %add3A_312, %iota3A : vector<16xi32>
            tpu.vector_store_idx %arg19[%gather3A, %add3A_313], %mul3A_310 {add = true} : memref<128x640xf32, #tpu.memory_space<vmem>>[vector<16xi32>, vector<16xi32>], vector<16xf32>,
            %broadcast_in_dim3A_314 = arith.constant 514 : i32
            %broadcast_in_dim3A_315 = vector.broadcast %broadcast_in_dim3A_314 : i32 to vector<16xi32>
            %gather3A_316 = tpu.vector_load_idx %arg18[%broadcast_in_dim3A_168, %broadcast_in_dim3A_315] : memref<16x640xf32, #tpu.memory_space<vmem>>[vector<16xi32>, vector<16xi32>], vector<16xf32>,
            %get3A_317 = arith.index_cast %scan3A_166 : i32 to index
            %get3A_318 = arith.constant 256 : index
            %get3A_319 = tpu.vector_load %arg18[%get3A_317, %get3A_318] {strides = array<i32>} : memref<16x640xf32, #tpu.memory_space<vmem>>, vector<16xf32>,
            %mul3A_320 = arith.mulf %get3A_319, %gather3A_316 : vector<16xf32>
            %add3A_321 = arith.constant 256 : i32
            %add3A_322 = vector.broadcast %add3A_321 : i32 to vector<16xi32>
            %add3A_323 = arith.addi %add3A_322, %iota3A : vector<16xi32>
            tpu.vector_store_idx %arg19[%gather3A, %add3A_323], %mul3A_320 {add = true} : memref<128x640xf32, #tpu.memory_space<vmem>>[vector<16xi32>, vector<16xi32>], vector<16xf32>,
            %get3A_324 = arith.index_cast %scan3A_166 : i32 to index
            %get3A_325 = arith.constant 272 : index
            %get3A_326 = tpu.vector_load %arg18[%get3A_324, %get3A_325] {strides = array<i32>} : memref<16x640xf32, #tpu.memory_space<vmem>>, vector<16xf32>,
            %mul3A_327 = arith.mulf %get3A_326, %gather3A_316 : vector<16xf32>
            %add3A_328 = arith.constant 272 : i32
            %add3A_329 = vector.broadcast %add3A_328 : i32 to vector<16xi32>
            %add3A_330 = arith.addi %add3A_329, %iota3A : vector<16xi32>
            tpu.vector_store_idx %arg19[%gather3A, %add3A_330], %mul3A_327 {add = true} : memref<128x640xf32, #tpu.memory_space<vmem>>[vector<16xi32>, vector<16xi32>], vector<16xf32>,
            %get3A_331 = arith.index_cast %scan3A_166 : i32 to index
            %get3A_332 = arith.constant 288 : index
            %get3A_333 = tpu.vector_load %arg18[%get3A_331, %get3A_332] {strides = array<i32>} : memref<16x640xf32, #tpu.memory_space<vmem>>, vector<16xf32>,
            %mul3A_334 = arith.mulf %get3A_333, %gather3A_316 : vector<16xf32>
            %add3A_335 = arith.constant 288 : i32
            %add3A_336 = vector.broadcast %add3A_335 : i32 to vector<16xi32>
            %add3A_337 = arith.addi %add3A_336, %iota3A : vector<16xi32>
            tpu.vector_store_idx %arg19[%gather3A, %add3A_337], %mul3A_334 {add = true} : memref<128x640xf32, #tpu.memory_space<vmem>>[vector<16xi32>, vector<16xi32>], vector<16xf32>,
            %get3A_338 = arith.index_cast %scan3A_166 : i32 to index
            %get3A_339 = arith.constant 304 : index
            %get3A_340 = tpu.vector_load %arg18[%get3A_338, %get3A_339] {strides = array<i32>} : memref<16x640xf32, #tpu.memory_space<vmem>>, vector<16xf32>,
            %mul3A_341 = arith.mulf %get3A_340, %gather3A_316 : vector<16xf32>
            %add3A_342 = arith.constant 304 : i32
            %add3A_343 = vector.broadcast %add3A_342 : i32 to vector<16xi32>
            %add3A_344 = arith.addi %add3A_343, %iota3A : vector<16xi32>
            tpu.vector_store_idx %arg19[%gather3A, %add3A_344], %mul3A_341 {add = true} : memref<128x640xf32, #tpu.memory_space<vmem>>[vector<16xi32>, vector<16xi32>], vector<16xf32>,
            %get3A_345 = arith.index_cast %scan3A_166 : i32 to index
            %get3A_346 = arith.constant 320 : index
            %get3A_347 = tpu.vector_load %arg18[%get3A_345, %get3A_346] {strides = array<i32>} : memref<16x640xf32, #tpu.memory_space<vmem>>, vector<16xf32>,
            %mul3A_348 = arith.mulf %get3A_347, %gather3A_316 : vector<16xf32>
            %add3A_349 = arith.constant 320 : i32
            %add3A_350 = vector.broadcast %add3A_349 : i32 to vector<16xi32>
            %add3A_351 = arith.addi %add3A_350, %iota3A : vector<16xi32>
            tpu.vector_store_idx %arg19[%gather3A, %add3A_351], %mul3A_348 {add = true} : memref<128x640xf32, #tpu.memory_space<vmem>>[vector<16xi32>, vector<16xi32>], vector<16xf32>,
            %get3A_352 = arith.index_cast %scan3A_166 : i32 to index
            %get3A_353 = arith.constant 336 : index
            %get3A_354 = tpu.vector_load %arg18[%get3A_352, %get3A_353] {strides = array<i32>} : memref<16x640xf32, #tpu.memory_space<vmem>>, vector<16xf32>,
            %mul3A_355 = arith.mulf %get3A_354, %gather3A_316 : vector<16xf32>
            %add3A_356 = arith.constant 336 : i32
            %add3A_357 = vector.broadcast %add3A_356 : i32 to vector<16xi32>
            %add3A_358 = arith.addi %add3A_357, %iota3A : vector<16xi32>
            tpu.vector_store_idx %arg19[%gather3A, %add3A_358], %mul3A_355 {add = true} : memref<128x640xf32, #tpu.memory_space<vmem>>[vector<16xi32>, vector<16xi32>], vector<16xf32>,
            %get3A_359 = arith.index_cast %scan3A_166 : i32 to index
            %get3A_360 = arith.constant 352 : index
            %get3A_361 = tpu.vector_load %arg18[%get3A_359, %get3A_360] {strides = array<i32>} : memref<16x640xf32, #tpu.memory_space<vmem>>, vector<16xf32>,
            %mul3A_362 = arith.mulf %get3A_361, %gather3A_316 : vector<16xf32>
            %add3A_363 = arith.constant 352 : i32
            %add3A_364 = vector.broadcast %add3A_363 : i32 to vector<16xi32>
            %add3A_365 = arith.addi %add3A_364, %iota3A : vector<16xi32>
            tpu.vector_store_idx %arg19[%gather3A, %add3A_365], %mul3A_362 {add = true} : memref<128x640xf32, #tpu.memory_space<vmem>>[vector<16xi32>, vector<16xi32>], vector<16xf32>,
            %get3A_366 = arith.index_cast %scan3A_166 : i32 to index
            %get3A_367 = arith.constant 368 : index
            %get3A_368 = tpu.vector_load %arg18[%get3A_366, %get3A_367] {strides = array<i32>} : memref<16x640xf32, #tpu.memory_space<vmem>>, vector<16xf32>,
            %mul3A_369 = arith.mulf %get3A_368, %gather3A_316 : vector<16xf32>
            %add3A_370 = arith.constant 368 : i32
            %add3A_371 = vector.broadcast %add3A_370 : i32 to vector<16xi32>
            %add3A_372 = arith.addi %add3A_371, %iota3A : vector<16xi32>
            tpu.vector_store_idx %arg19[%gather3A, %add3A_372], %mul3A_369 {add = true} : memref<128x640xf32, #tpu.memory_space<vmem>>[vector<16xi32>, vector<16xi32>], vector<16xf32>,
            %broadcast_in_dim3A_373 = arith.constant 515 : i32
            %broadcast_in_dim3A_374 = vector.broadcast %broadcast_in_dim3A_373 : i32 to vector<16xi32>
            %gather3A_375 = tpu.vector_load_idx %arg18[%broadcast_in_dim3A_168, %broadcast_in_dim3A_374] : memref<16x640xf32, #tpu.memory_space<vmem>>[vector<16xi32>, vector<16xi32>], vector<16xf32>,
            %get3A_376 = arith.index_cast %scan3A_166 : i32 to index
            %get3A_377 = arith.constant 384 : index
            %get3A_378 = tpu.vector_load %arg18[%get3A_376, %get3A_377] {strides = array<i32>} : memref<16x640xf32, #tpu.memory_space<vmem>>, vector<16xf32>,
            %mul3A_379 = arith.mulf %get3A_378, %gather3A_375 : vector<16xf32>
            %add3A_380 = arith.constant 384 : i32
            %add3A_381 = vector.broadcast %add3A_380 : i32 to vector<16xi32>
            %add3A_382 = arith.addi %add3A_381, %iota3A : vector<16xi32>
            tpu.vector_store_idx %arg19[%gather3A, %add3A_382], %mul3A_379 {add = true} : memref<128x640xf32, #tpu.memory_space<vmem>>[vector<16xi32>, vector<16xi32>], vector<16xf32>,
            %get3A_383 = arith.index_cast %scan3A_166 : i32 to index
            %get3A_384 = arith.constant 400 : index
            %get3A_385 = tpu.vector_load %arg18[%get3A_383, %get3A_384] {strides = array<i32>} : memref<16x640xf32, #tpu.memory_space<vmem>>, vector<16xf32>,
            %mul3A_386 = arith.mulf %get3A_385, %gather3A_375 : vector<16xf32>
            %add3A_387 = arith.constant 400 : i32
            %add3A_388 = vector.broadcast %add3A_387 : i32 to vector<16xi32>
            %add3A_389 = arith.addi %add3A_388, %iota3A : vector<16xi32>
            tpu.vector_store_idx %arg19[%gather3A, %add3A_389], %mul3A_386 {add = true} : memref<128x640xf32, #tpu.memory_space<vmem>>[vector<16xi32>, vector<16xi32>], vector<16xf32>,
            %get3A_390 = arith.index_cast %scan3A_166 : i32 to index
            %get3A_391 = arith.constant 416 : index
            %get3A_392 = tpu.vector_load %arg18[%get3A_390, %get3A_391] {strides = array<i32>} : memref<16x640xf32, #tpu.memory_space<vmem>>, vector<16xf32>,
            %mul3A_393 = arith.mulf %get3A_392, %gather3A_375 : vector<16xf32>
            %add3A_394 = arith.constant 416 : i32
            %add3A_395 = vector.broadcast %add3A_394 : i32 to vector<16xi32>
            %add3A_396 = arith.addi %add3A_395, %iota3A : vector<16xi32>
            tpu.vector_store_idx %arg19[%gather3A, %add3A_396], %mul3A_393 {add = true} : memref<128x640xf32, #tpu.memory_space<vmem>>[vector<16xi32>, vector<16xi32>], vector<16xf32>,
            %get3A_397 = arith.index_cast %scan3A_166 : i32 to index
            %get3A_398 = arith.constant 432 : index
            %get3A_399 = tpu.vector_load %arg18[%get3A_397, %get3A_398] {strides = array<i32>} : memref<16x640xf32, #tpu.memory_space<vmem>>, vector<16xf32>,
            %mul3A_400 = arith.mulf %get3A_399, %gather3A_375 : vector<16xf32>
            %add3A_401 = arith.constant 432 : i32
            %add3A_402 = vector.broadcast %add3A_401 : i32 to vector<16xi32>
            %add3A_403 = arith.addi %add3A_402, %iota3A : vector<16xi32>
            tpu.vector_store_idx %arg19[%gather3A, %add3A_403], %mul3A_400 {add = true} : memref<128x640xf32, #tpu.memory_space<vmem>>[vector<16xi32>, vector<16xi32>], vector<16xf32>,
            %get3A_404 = arith.index_cast %scan3A_166 : i32 to index
            %get3A_405 = arith.constant 448 : index
            %get3A_406 = tpu.vector_load %arg18[%get3A_404, %get3A_405] {strides = array<i32>} : memref<16x640xf32, #tpu.memory_space<vmem>>, vector<16xf32>,
            %mul3A_407 = arith.mulf %get3A_406, %gather3A_375 : vector<16xf32>
            %add3A_408 = arith.constant 448 : i32
            %add3A_409 = vector.broadcast %add3A_408 : i32 to vector<16xi32>
            %add3A_410 = arith.addi %add3A_409, %iota3A : vector<16xi32>
            tpu.vector_store_idx %arg19[%gather3A, %add3A_410], %mul3A_407 {add = true} : memref<128x640xf32, #tpu.memory_space<vmem>>[vector<16xi32>, vector<16xi32>], vector<16xf32>,
            %get3A_411 = arith.index_cast %scan3A_166 : i32 to index
            %get3A_412 = arith.constant 464 : index
            %get3A_413 = tpu.vector_load %arg18[%get3A_411, %get3A_412] {strides = array<i32>} : memref<16x640xf32, #tpu.memory_space<vmem>>, vector<16xf32>,
            %mul3A_414 = arith.mulf %get3A_413, %gather3A_375 : vector<16xf32>
            %add3A_415 = arith.constant 464 : i32
            %add3A_416 = vector.broadcast %add3A_415 : i32 to vector<16xi32>
            %add3A_417 = arith.addi %add3A_416, %iota3A : vector<16xi32>
            tpu.vector_store_idx %arg19[%gather3A, %add3A_417], %mul3A_414 {add = true} : memref<128x640xf32, #tpu.memory_space<vmem>>[vector<16xi32>, vector<16xi32>], vector<16xf32>,
            %get3A_418 = arith.index_cast %scan3A_166 : i32 to index
            %get3A_419 = arith.constant 480 : index
            %get3A_420 = tpu.vector_load %arg18[%get3A_418, %get3A_419] {strides = array<i32>} : memref<16x640xf32, #tpu.memory_space<vmem>>, vector<16xf32>,
            %mul3A_421 = arith.mulf %get3A_420, %gather3A_375 : vector<16xf32>
            %add3A_422 = arith.constant 480 : i32
            %add3A_423 = vector.broadcast %add3A_422 : i32 to vector<16xi32>
            %add3A_424 = arith.addi %add3A_423, %iota3A : vector<16xi32>
            tpu.vector_store_idx %arg19[%gather3A, %add3A_424], %mul3A_421 {add = true} : memref<128x640xf32, #tpu.memory_space<vmem>>[vector<16xi32>, vector<16xi32>], vector<16xf32>,
            %get3A_425 = arith.index_cast %scan3A_166 : i32 to index
            %get3A_426 = arith.constant 496 : index
            %get3A_427 = tpu.vector_load %arg18[%get3A_425, %get3A_426] {strides = array<i32>} : memref<16x640xf32, #tpu.memory_space<vmem>>, vector<16xf32>,
            %mul3A_428 = arith.mulf %get3A_427, %gather3A_375 : vector<16xf32>
            %add3A_429 = arith.constant 496 : i32
            %add3A_430 = vector.broadcast %add3A_429 : i32 to vector<16xi32>
            %add3A_431 = arith.addi %add3A_430, %iota3A : vector<16xi32>
            tpu.vector_store_idx %arg19[%gather3A, %add3A_431], %mul3A_428 {add = true} : memref<128x640xf32, #tpu.memory_space<vmem>>[vector<16xi32>, vector<16xi32>], vector<16xf32>,
            %scan3A_432 = arith.constant 0 : i32
            scf.yield %scan3A_432 : i32
          }
          %scan3A_159 = arith.constant 16 : i32
          %add3A_160 = arith.constant 2 : i32
          %add3A_161 = arith.addi %add3A_142, %add3A_160 : i32
          %lt3A_162 = arith.cmpi slt, %add3A_161, %select_n3A : i32
          %convert_element_type3A_163 = arith.extui %lt3A_162 : i1 to i32
          %cond3A_164 = arith.constant 0 : i32
          %cond3A_165 = arith.cmpi ne, %convert_element_type3A_163, %cond3A_164 : i32
          scf.if %cond3A_165 {
            %add3A_166 = arith.constant 2 : i32
            %add3A_167 = arith.addi %add3A_142, %add3A_166 : i32
            %mul3A_168 = arith.constant 16 : i32
            %mul3A_169 = arith.muli %add3A_167, %mul3A_168 : i32
            %dma_start3A = tpu.memref_slice %arg14[%mul3A_169] : memref<3072xi32, #tpu.memory_space<vmem>> -> memref<16xi32, #tpu.memory_space<vmem>>
            %dma_start3A_170 = arith.constant 0 : i32
            %dma_start3A_171 = arith.constant 0 : i32
            %dma_start3A_172 = tpu.memref_slice %arg2[%dma_start3A_170, %dma_start3A_171] : memref<40000x640xf32, #tpu.memory_space<hbm>> -> memref<40000x640xf32, #tpu.memory_space<hbm>>
            tpu.enqueue_indirect_dma source(%dma_start3A_172 : memref<40000x640xf32, #tpu.memory_space<hbm>>) target(%arg18 : memref<16x640xf32, #tpu.memory_space<vmem>>) offsets(%dma_start3A : memref<16xi32, #tpu.memory_space<vmem>>) semaphore(%arg25 : memref<!tpu.dma_semaphore, #tpu.memory_space<semaphore_mem>>)
          } else {
          }
        } else {
        }
        %while3A_147 = arith.constant 0 : i32
        scf.yield %while3A_147 : i32
      }
      %scan3A_121 = arith.constant 0 : i32
      %scan3A_122 = arith.constant 0 : i32
      %scan3A_123 = arith.constant 15 : i32
      %scan3A_124 = arith.addi %scan3A_122, %scan3A_123 : i32
      %scan3A_125 = arith.constant 1 : i32
      %scan3A_126 = scf.for %scan3A_130 = %scan3A_122 to %scan3A_124 step %scan3A_125 iter_args(%scan3A_131 = %scan3A_121) -> (i32)  : i32 {
        %add3A_132 = arith.addi %add3A, %mul3A_48 : i32
        %mul3A_133 = arith.constant 8 : i32
        %mul3A_134 = arith.muli %scan3A_130, %mul3A_133 : i32
        %add3A_135 = arith.addi %add3A_132, %mul3A_134 : i32
        %lt3A = arith.constant 40000 : i32
        %lt3A_136 = arith.cmpi slt, %add3A_135, %lt3A : i32
        %convert_element_type3A_137 = arith.extui %lt3A_136 : i1 to i32
        %cond3A_138 = arith.constant 0 : i32
        %cond3A_139 = arith.cmpi ne, %convert_element_type3A_137, %cond3A_138 : i32
        scf.if %cond3A_139 {
          %scan3A_141 = arith.constant 0 : i32
          %scan3A_142 = arith.constant 0 : i32
          %scan3A_143 = arith.constant 8 : i32
          %scan3A_144 = arith.addi %scan3A_142, %scan3A_143 : i32
          %scan3A_145 = arith.constant 1 : i32
          %scan3A_146 = scf.for %scan3A_148 = %scan3A_142 to %scan3A_144 step %scan3A_145 iter_args(%scan3A_149 = %scan3A_141) -> (i32)  : i32 {
            %mul3A_150 = arith.constant 8 : i32
            %mul3A_151 = arith.muli %scan3A_130, %mul3A_150 : i32
            %add3A_152 = arith.addi %mul3A_151, %scan3A_148 : i32
            %broadcast_in_dim3A_153 = vector.broadcast %add3A_152 : i32 to vector<16xi32>
            %broadcast_in_dim3A_154 = arith.constant 512 : i32
            %broadcast_in_dim3A_155 = vector.broadcast %broadcast_in_dim3A_154 : i32 to vector<16xi32>
            %gather3A = tpu.vector_load_idx %arg19[%broadcast_in_dim3A_153, %broadcast_in_dim3A_155] : memref<128x640xf32, #tpu.memory_space<vmem>>[vector<16xi32>, vector<16xi32>], vector<16xf32>,
            %add3A_156 = arith.constant 1.000000e-16 : f32
            %add3A_157 = vector.broadcast %add3A_156 : f32 to vector<16xf32>
            %add3A_158 = arith.addf %gather3A, %add3A_157 : vector<16xf32>
            %div3A_159 = arith.constant 1.000000e+00 : f32
            %div3A_160 = vector.broadcast %div3A_159 : f32 to vector<16xf32>
            %div3A_161 = arith.divf %div3A_160, %add3A_158 : vector<16xf32>
            %broadcast_in_dim3A_162 = arith.constant 513 : i32
            %broadcast_in_dim3A_163 = vector.broadcast %broadcast_in_dim3A_162 : i32 to vector<16xi32>
            %gather3A_164 = tpu.vector_load_idx %arg19[%broadcast_in_dim3A_153, %broadcast_in_dim3A_163] : memref<128x640xf32, #tpu.memory_space<vmem>>[vector<16xi32>, vector<16xi32>], vector<16xf32>,
            %add3A_165 = arith.constant 1.000000e-16 : f32
            %add3A_166 = vector.broadcast %add3A_165 : f32 to vector<16xf32>
            %add3A_167 = arith.addf %gather3A_164, %add3A_166 : vector<16xf32>
            %div3A_168 = arith.constant 1.000000e+00 : f32
            %div3A_169 = vector.broadcast %div3A_168 : f32 to vector<16xf32>
            %div3A_170 = arith.divf %div3A_169, %add3A_167 : vector<16xf32>
            %broadcast_in_dim3A_171 = arith.constant 514 : i32
            %broadcast_in_dim3A_172 = vector.broadcast %broadcast_in_dim3A_171 : i32 to vector<16xi32>
            %gather3A_173 = tpu.vector_load_idx %arg19[%broadcast_in_dim3A_153, %broadcast_in_dim3A_172] : memref<128x640xf32, #tpu.memory_space<vmem>>[vector<16xi32>, vector<16xi32>], vector<16xf32>,
            %add3A_174 = arith.constant 1.000000e-16 : f32
            %add3A_175 = vector.broadcast %add3A_174 : f32 to vector<16xf32>
            %add3A_176 = arith.addf %gather3A_173, %add3A_175 : vector<16xf32>
            %div3A_177 = arith.constant 1.000000e+00 : f32
            %div3A_178 = vector.broadcast %div3A_177 : f32 to vector<16xf32>
            %div3A_179 = arith.divf %div3A_178, %add3A_176 : vector<16xf32>
            %broadcast_in_dim3A_180 = arith.constant 515 : i32
            %broadcast_in_dim3A_181 = vector.broadcast %broadcast_in_dim3A_180 : i32 to vector<16xi32>
            %gather3A_182 = tpu.vector_load_idx %arg19[%broadcast_in_dim3A_153, %broadcast_in_dim3A_181] : memref<128x640xf32, #tpu.memory_space<vmem>>[vector<16xi32>, vector<16xi32>], vector<16xf32>,
            %add3A_183 = arith.constant 1.000000e-16 : f32
            %add3A_184 = vector.broadcast %add3A_183 : f32 to vector<16xf32>
            %add3A_185 = arith.addf %gather3A_182, %add3A_184 : vector<16xf32>
            %div3A_186 = arith.constant 1.000000e+00 : f32
            %div3A_187 = vector.broadcast %div3A_186 : f32 to vector<16xf32>
            %div3A_188 = arith.divf %div3A_187, %add3A_185 : vector<16xf32>
            %get3A = arith.index_cast %add3A_152 : i32 to index
            %get3A_189 = arith.constant 0 : index
            %get3A_190 = tpu.vector_load %arg19[%get3A, %get3A_189] {strides = array<i32>} : memref<128x640xf32, #tpu.memory_space<vmem>>, vector<16xf32>,
            %mul3A_191 = arith.mulf %get3A_190, %div3A_161 : vector<16xf32>
            %get3A_192 = arith.index_cast %add3A_152 : i32 to index
            %get3A_193 = arith.constant 128 : index
            %get3A_194 = tpu.vector_load %arg19[%get3A_192, %get3A_193] {strides = array<i32>} : memref<128x640xf32, #tpu.memory_space<vmem>>, vector<16xf32>,
            %mul3A_195 = arith.mulf %get3A_194, %div3A_170 : vector<16xf32>
            %add3A_196 = arith.addf %mul3A_191, %mul3A_195 : vector<16xf32>
            %get3A_197 = arith.index_cast %add3A_152 : i32 to index
            %get3A_198 = arith.constant 256 : index
            %get3A_199 = tpu.vector_load %arg19[%get3A_197, %get3A_198] {strides = array<i32>} : memref<128x640xf32, #tpu.memory_space<vmem>>, vector<16xf32>,
            %mul3A_200 = arith.mulf %get3A_199, %div3A_179 : vector<16xf32>
            %add3A_201 = arith.addf %add3A_196, %mul3A_200 : vector<16xf32>
            %get3A_202 = arith.index_cast %add3A_152 : i32 to index
            %get3A_203 = arith.constant 384 : index
            %get3A_204 = tpu.vector_load %arg19[%get3A_202, %get3A_203] {strides = array<i32>} : memref<128x640xf32, #tpu.memory_space<vmem>>, vector<16xf32>,
            %mul3A_205 = arith.mulf %get3A_204, %div3A_188 : vector<16xf32>
            %add3A_206 = arith.addf %add3A_201, %mul3A_205 : vector<16xf32>
            %mul3A_207 = arith.constant 2.500000e-01 : f32
            %mul3A_208 = vector.broadcast %mul3A_207 : f32 to vector<16xf32>
            %mul3A_209 = arith.mulf %add3A_206, %mul3A_208 : vector<16xf32>
            %get3A_210 = arith.constant 0 : index
            %get3A_211 = tpu.vector_load %arg21[%get3A_210] {strides = array<i32>} : memref<128xf32, #tpu.memory_space<vmem>>, vector<16xf32>,
            %add3A_212 = arith.addf %mul3A_209, %get3A_211 : vector<16xf32>
            %swap3A = arith.index_cast %scan3A_148 : i32 to index
            %swap3A_213 = arith.constant 0 : index
            %swap3A_214 = tpu.vector_load %arg20[%swap3A, %swap3A_213] {strides = array<i32>} : memref<8x128xf32, #tpu.memory_space<vmem>>, vector<16xf32>,
            tpu.vector_store %arg20[%swap3A, %swap3A_213], %add3A_212 {strides = array<i32>} : memref<8x128xf32, #tpu.memory_space<vmem>>, vector<16xf32>,
            %get3A_215 = arith.index_cast %add3A_152 : i32 to index
            %get3A_216 = arith.constant 16 : index
            %get3A_217 = tpu.vector_load %arg19[%get3A_215, %get3A_216] {strides = array<i32>} : memref<128x640xf32, #tpu.memory_space<vmem>>, vector<16xf32>,
            %mul3A_218 = arith.mulf %get3A_217, %div3A_161 : vector<16xf32>
            %get3A_219 = arith.index_cast %add3A_152 : i32 to index
            %get3A_220 = arith.constant 144 : index
            %get3A_221 = tpu.vector_load %arg19[%get3A_219, %get3A_220] {strides = array<i32>} : memref<128x640xf32, #tpu.memory_space<vmem>>, vector<16xf32>,
            %mul3A_222 = arith.mulf %get3A_221, %div3A_170 : vector<16xf32>
            %add3A_223 = arith.addf %mul3A_218, %mul3A_222 : vector<16xf32>
            %get3A_224 = arith.index_cast %add3A_152 : i32 to index
            %get3A_225 = arith.constant 272 : index
            %get3A_226 = tpu.vector_load %arg19[%get3A_224, %get3A_225] {strides = array<i32>} : memref<128x640xf32, #tpu.memory_space<vmem>>, vector<16xf32>,
            %mul3A_227 = arith.mulf %get3A_226, %div3A_179 : vector<16xf32>
            %add3A_228 = arith.addf %add3A_223, %mul3A_227 : vector<16xf32>
            %get3A_229 = arith.index_cast %add3A_152 : i32 to index
            %get3A_230 = arith.constant 400 : index
            %get3A_231 = tpu.vector_load %arg19[%get3A_229, %get3A_230] {strides = array<i32>} : memref<128x640xf32, #tpu.memory_space<vmem>>, vector<16xf32>,
            %mul3A_232 = arith.mulf %get3A_231, %div3A_188 : vector<16xf32>
            %add3A_233 = arith.addf %add3A_228, %mul3A_232 : vector<16xf32>
            %mul3A_234 = arith.constant 2.500000e-01 : f32
            %mul3A_235 = vector.broadcast %mul3A_234 : f32 to vector<16xf32>
            %mul3A_236 = arith.mulf %add3A_233, %mul3A_235 : vector<16xf32>
            %get3A_237 = arith.constant 16 : index
            %get3A_238 = tpu.vector_load %arg21[%get3A_237] {strides = array<i32>} : memref<128xf32, #tpu.memory_space<vmem>>, vector<16xf32>,
            %add3A_239 = arith.addf %mul3A_236, %get3A_238 : vector<16xf32>
            %swap3A_240 = arith.index_cast %scan3A_148 : i32 to index
            %swap3A_241 = arith.constant 16 : index
            %swap3A_242 = tpu.vector_load %arg20[%swap3A_240, %swap3A_241] {strides = array<i32>} : memref<8x128xf32, #tpu.memory_space<vmem>>, vector<16xf32>,
            tpu.vector_store %arg20[%swap3A_240, %swap3A_241], %add3A_239 {strides = array<i32>} : memref<8x128xf32, #tpu.memory_space<vmem>>, vector<16xf32>,
            %get3A_243 = arith.index_cast %add3A_152 : i32 to index
            %get3A_244 = arith.constant 32 : index
            %get3A_245 = tpu.vector_load %arg19[%get3A_243, %get3A_244] {strides = array<i32>} : memref<128x640xf32, #tpu.memory_space<vmem>>, vector<16xf32>,
            %mul3A_246 = arith.mulf %get3A_245, %div3A_161 : vector<16xf32>
            %get3A_247 = arith.index_cast %add3A_152 : i32 to index
            %get3A_248 = arith.constant 160 : index
            %get3A_249 = tpu.vector_load %arg19[%get3A_247, %get3A_248] {strides = array<i32>} : memref<128x640xf32, #tpu.memory_space<vmem>>, vector<16xf32>,
            %mul3A_250 = arith.mulf %get3A_249, %div3A_170 : vector<16xf32>
            %add3A_251 = arith.addf %mul3A_246, %mul3A_250 : vector<16xf32>
            %get3A_252 = arith.index_cast %add3A_152 : i32 to index
            %get3A_253 = arith.constant 288 : index
            %get3A_254 = tpu.vector_load %arg19[%get3A_252, %get3A_253] {strides = array<i32>} : memref<128x640xf32, #tpu.memory_space<vmem>>, vector<16xf32>,
            %mul3A_255 = arith.mulf %get3A_254, %div3A_179 : vector<16xf32>
            %add3A_256 = arith.addf %add3A_251, %mul3A_255 : vector<16xf32>
            %get3A_257 = arith.index_cast %add3A_152 : i32 to index
            %get3A_258 = arith.constant 416 : index
            %get3A_259 = tpu.vector_load %arg19[%get3A_257, %get3A_258] {strides = array<i32>} : memref<128x640xf32, #tpu.memory_space<vmem>>, vector<16xf32>,
            %mul3A_260 = arith.mulf %get3A_259, %div3A_188 : vector<16xf32>
            %add3A_261 = arith.addf %add3A_256, %mul3A_260 : vector<16xf32>
            %mul3A_262 = arith.constant 2.500000e-01 : f32
            %mul3A_263 = vector.broadcast %mul3A_262 : f32 to vector<16xf32>
            %mul3A_264 = arith.mulf %add3A_261, %mul3A_263 : vector<16xf32>
            %get3A_265 = arith.constant 32 : index
            %get3A_266 = tpu.vector_load %arg21[%get3A_265] {strides = array<i32>} : memref<128xf32, #tpu.memory_space<vmem>>, vector<16xf32>,
            %add3A_267 = arith.addf %mul3A_264, %get3A_266 : vector<16xf32>
            %swap3A_268 = arith.index_cast %scan3A_148 : i32 to index
            %swap3A_269 = arith.constant 32 : index
            %swap3A_270 = tpu.vector_load %arg20[%swap3A_268, %swap3A_269] {strides = array<i32>} : memref<8x128xf32, #tpu.memory_space<vmem>>, vector<16xf32>,
            tpu.vector_store %arg20[%swap3A_268, %swap3A_269], %add3A_267 {strides = array<i32>} : memref<8x128xf32, #tpu.memory_space<vmem>>, vector<16xf32>,
            %get3A_271 = arith.index_cast %add3A_152 : i32 to index
            %get3A_272 = arith.constant 48 : index
            %get3A_273 = tpu.vector_load %arg19[%get3A_271, %get3A_272] {strides = array<i32>} : memref<128x640xf32, #tpu.memory_space<vmem>>, vector<16xf32>,
            %mul3A_274 = arith.mulf %get3A_273, %div3A_161 : vector<16xf32>
            %get3A_275 = arith.index_cast %add3A_152 : i32 to index
            %get3A_276 = arith.constant 176 : index
            %get3A_277 = tpu.vector_load %arg19[%get3A_275, %get3A_276] {strides = array<i32>} : memref<128x640xf32, #tpu.memory_space<vmem>>, vector<16xf32>,
            %mul3A_278 = arith.mulf %get3A_277, %div3A_170 : vector<16xf32>
            %add3A_279 = arith.addf %mul3A_274, %mul3A_278 : vector<16xf32>
            %get3A_280 = arith.index_cast %add3A_152 : i32 to index
            %get3A_281 = arith.constant 304 : index
            %get3A_282 = tpu.vector_load %arg19[%get3A_280, %get3A_281] {strides = array<i32>} : memref<128x640xf32, #tpu.memory_space<vmem>>, vector<16xf32>,
            %mul3A_283 = arith.mulf %get3A_282, %div3A_179 : vector<16xf32>
            %add3A_284 = arith.addf %add3A_279, %mul3A_283 : vector<16xf32>
            %get3A_285 = arith.index_cast %add3A_152 : i32 to index
            %get3A_286 = arith.constant 432 : index
            %get3A_287 = tpu.vector_load %arg19[%get3A_285, %get3A_286] {strides = array<i32>} : memref<128x640xf32, #tpu.memory_space<vmem>>, vector<16xf32>,
            %mul3A_288 = arith.mulf %get3A_287, %div3A_188 : vector<16xf32>
            %add3A_289 = arith.addf %add3A_284, %mul3A_288 : vector<16xf32>
            %mul3A_290 = arith.constant 2.500000e-01 : f32
            %mul3A_291 = vector.broadcast %mul3A_290 : f32 to vector<16xf32>
            %mul3A_292 = arith.mulf %add3A_289, %mul3A_291 : vector<16xf32>
            %get3A_293 = arith.constant 48 : index
            %get3A_294 = tpu.vector_load %arg21[%get3A_293] {strides = array<i32>} : memref<128xf32, #tpu.memory_space<vmem>>, vector<16xf32>,
            %add3A_295 = arith.addf %mul3A_292, %get3A_294 : vector<16xf32>
            %swap3A_296 = arith.index_cast %scan3A_148 : i32 to index
            %swap3A_297 = arith.constant 48 : index
            %swap3A_298 = tpu.vector_load %arg20[%swap3A_296, %swap3A_297] {strides = array<i32>} : memref<8x128xf32, #tpu.memory_space<vmem>>, vector<16xf32>,
            tpu.vector_store %arg20[%swap3A_296, %swap3A_297], %add3A_295 {strides = array<i32>} : memref<8x128xf32, #tpu.memory_space<vmem>>, vector<16xf32>,
            %get3A_299 = arith.index_cast %add3A_152 : i32 to index
            %get3A_300 = arith.constant 64 : index
            %get3A_301 = tpu.vector_load %arg19[%get3A_299, %get3A_300] {strides = array<i32>} : memref<128x640xf32, #tpu.memory_space<vmem>>, vector<16xf32>,
            %mul3A_302 = arith.mulf %get3A_301, %div3A_161 : vector<16xf32>
            %get3A_303 = arith.index_cast %add3A_152 : i32 to index
            %get3A_304 = arith.constant 192 : index
            %get3A_305 = tpu.vector_load %arg19[%get3A_303, %get3A_304] {strides = array<i32>} : memref<128x640xf32, #tpu.memory_space<vmem>>, vector<16xf32>,
            %mul3A_306 = arith.mulf %get3A_305, %div3A_170 : vector<16xf32>
            %add3A_307 = arith.addf %mul3A_302, %mul3A_306 : vector<16xf32>
            %get3A_308 = arith.index_cast %add3A_152 : i32 to index
            %get3A_309 = arith.constant 320 : index
            %get3A_310 = tpu.vector_load %arg19[%get3A_308, %get3A_309] {strides = array<i32>} : memref<128x640xf32, #tpu.memory_space<vmem>>, vector<16xf32>,
            %mul3A_311 = arith.mulf %get3A_310, %div3A_179 : vector<16xf32>
            %add3A_312 = arith.addf %add3A_307, %mul3A_311 : vector<16xf32>
            %get3A_313 = arith.index_cast %add3A_152 : i32 to index
            %get3A_314 = arith.constant 448 : index
            %get3A_315 = tpu.vector_load %arg19[%get3A_313, %get3A_314] {strides = array<i32>} : memref<128x640xf32, #tpu.memory_space<vmem>>, vector<16xf32>,
            %mul3A_316 = arith.mulf %get3A_315, %div3A_188 : vector<16xf32>
            %add3A_317 = arith.addf %add3A_312, %mul3A_316 : vector<16xf32>
            %mul3A_318 = arith.constant 2.500000e-01 : f32
            %mul3A_319 = vector.broadcast %mul3A_318 : f32 to vector<16xf32>
            %mul3A_320 = arith.mulf %add3A_317, %mul3A_319 : vector<16xf32>
            %get3A_321 = arith.constant 64 : index
            %get3A_322 = tpu.vector_load %arg21[%get3A_321] {strides = array<i32>} : memref<128xf32, #tpu.memory_space<vmem>>, vector<16xf32>,
            %add3A_323 = arith.addf %mul3A_320, %get3A_322 : vector<16xf32>
            %swap3A_324 = arith.index_cast %scan3A_148 : i32 to index
            %swap3A_325 = arith.constant 64 : index
            %swap3A_326 = tpu.vector_load %arg20[%swap3A_324, %swap3A_325] {strides = array<i32>} : memref<8x128xf32, #tpu.memory_space<vmem>>, vector<16xf32>,
            tpu.vector_store %arg20[%swap3A_324, %swap3A_325], %add3A_323 {strides = array<i32>} : memref<8x128xf32, #tpu.memory_space<vmem>>, vector<16xf32>,
            %get3A_327 = arith.index_cast %add3A_152 : i32 to index
            %get3A_328 = arith.constant 80 : index
            %get3A_329 = tpu.vector_load %arg19[%get3A_327, %get3A_328] {strides = array<i32>} : memref<128x640xf32, #tpu.memory_space<vmem>>, vector<16xf32>,
            %mul3A_330 = arith.mulf %get3A_329, %div3A_161 : vector<16xf32>
            %get3A_331 = arith.index_cast %add3A_152 : i32 to index
            %get3A_332 = arith.constant 208 : index
            %get3A_333 = tpu.vector_load %arg19[%get3A_331, %get3A_332] {strides = array<i32>} : memref<128x640xf32, #tpu.memory_space<vmem>>, vector<16xf32>,
            %mul3A_334 = arith.mulf %get3A_333, %div3A_170 : vector<16xf32>
            %add3A_335 = arith.addf %mul3A_330, %mul3A_334 : vector<16xf32>
            %get3A_336 = arith.index_cast %add3A_152 : i32 to index
            %get3A_337 = arith.constant 336 : index
            %get3A_338 = tpu.vector_load %arg19[%get3A_336, %get3A_337] {strides = array<i32>} : memref<128x640xf32, #tpu.memory_space<vmem>>, vector<16xf32>,
            %mul3A_339 = arith.mulf %get3A_338, %div3A_179 : vector<16xf32>
            %add3A_340 = arith.addf %add3A_335, %mul3A_339 : vector<16xf32>
            %get3A_341 = arith.index_cast %add3A_152 : i32 to index
            %get3A_342 = arith.constant 464 : index
            %get3A_343 = tpu.vector_load %arg19[%get3A_341, %get3A_342] {strides = array<i32>} : memref<128x640xf32, #tpu.memory_space<vmem>>, vector<16xf32>,
            %mul3A_344 = arith.mulf %get3A_343, %div3A_188 : vector<16xf32>
            %add3A_345 = arith.addf %add3A_340, %mul3A_344 : vector<16xf32>
            %mul3A_346 = arith.constant 2.500000e-01 : f32
            %mul3A_347 = vector.broadcast %mul3A_346 : f32 to vector<16xf32>
            %mul3A_348 = arith.mulf %add3A_345, %mul3A_347 : vector<16xf32>
            %get3A_349 = arith.constant 80 : index
            %get3A_350 = tpu.vector_load %arg21[%get3A_349] {strides = array<i32>} : memref<128xf32, #tpu.memory_space<vmem>>, vector<16xf32>,
            %add3A_351 = arith.addf %mul3A_348, %get3A_350 : vector<16xf32>
            %swap3A_352 = arith.index_cast %scan3A_148 : i32 to index
            %swap3A_353 = arith.constant 80 : index
            %swap3A_354 = tpu.vector_load %arg20[%swap3A_352, %swap3A_353] {strides = array<i32>} : memref<8x128xf32, #tpu.memory_space<vmem>>, vector<16xf32>,
            tpu.vector_store %arg20[%swap3A_352, %swap3A_353], %add3A_351 {strides = array<i32>} : memref<8x128xf32, #tpu.memory_space<vmem>>, vector<16xf32>,
            %get3A_355 = arith.index_cast %add3A_152 : i32 to index
            %get3A_356 = arith.constant 96 : index
            %get3A_357 = tpu.vector_load %arg19[%get3A_355, %get3A_356] {strides = array<i32>} : memref<128x640xf32, #tpu.memory_space<vmem>>, vector<16xf32>,
            %mul3A_358 = arith.mulf %get3A_357, %div3A_161 : vector<16xf32>
            %get3A_359 = arith.index_cast %add3A_152 : i32 to index
            %get3A_360 = arith.constant 224 : index
            %get3A_361 = tpu.vector_load %arg19[%get3A_359, %get3A_360] {strides = array<i32>} : memref<128x640xf32, #tpu.memory_space<vmem>>, vector<16xf32>,
            %mul3A_362 = arith.mulf %get3A_361, %div3A_170 : vector<16xf32>
            %add3A_363 = arith.addf %mul3A_358, %mul3A_362 : vector<16xf32>
            %get3A_364 = arith.index_cast %add3A_152 : i32 to index
            %get3A_365 = arith.constant 352 : index
            %get3A_366 = tpu.vector_load %arg19[%get3A_364, %get3A_365] {strides = array<i32>} : memref<128x640xf32, #tpu.memory_space<vmem>>, vector<16xf32>,
            %mul3A_367 = arith.mulf %get3A_366, %div3A_179 : vector<16xf32>
            %add3A_368 = arith.addf %add3A_363, %mul3A_367 : vector<16xf32>
            %get3A_369 = arith.index_cast %add3A_152 : i32 to index
            %get3A_370 = arith.constant 480 : index
            %get3A_371 = tpu.vector_load %arg19[%get3A_369, %get3A_370] {strides = array<i32>} : memref<128x640xf32, #tpu.memory_space<vmem>>, vector<16xf32>,
            %mul3A_372 = arith.mulf %get3A_371, %div3A_188 : vector<16xf32>
            %add3A_373 = arith.addf %add3A_368, %mul3A_372 : vector<16xf32>
            %mul3A_374 = arith.constant 2.500000e-01 : f32
            %mul3A_375 = vector.broadcast %mul3A_374 : f32 to vector<16xf32>
            %mul3A_376 = arith.mulf %add3A_373, %mul3A_375 : vector<16xf32>
            %get3A_377 = arith.constant 96 : index
            %get3A_378 = tpu.vector_load %arg21[%get3A_377] {strides = array<i32>} : memref<128xf32, #tpu.memory_space<vmem>>, vector<16xf32>,
            %add3A_379 = arith.addf %mul3A_376, %get3A_378 : vector<16xf32>
            %swap3A_380 = arith.index_cast %scan3A_148 : i32 to index
            %swap3A_381 = arith.constant 96 : index
            %swap3A_382 = tpu.vector_load %arg20[%swap3A_380, %swap3A_381] {strides = array<i32>} : memref<8x128xf32, #tpu.memory_space<vmem>>, vector<16xf32>,
            tpu.vector_store %arg20[%swap3A_380, %swap3A_381], %add3A_379 {strides = array<i32>} : memref<8x128xf32, #tpu.memory_space<vmem>>, vector<16xf32>,
            %get3A_383 = arith.index_cast %add3A_152 : i32 to index
            %get3A_384 = arith.constant 112 : index
            %get3A_385 = tpu.vector_load %arg19[%get3A_383, %get3A_384] {strides = array<i32>} : memref<128x640xf32, #tpu.memory_space<vmem>>, vector<16xf32>,
            %mul3A_386 = arith.mulf %get3A_385, %div3A_161 : vector<16xf32>
            %get3A_387 = arith.index_cast %add3A_152 : i32 to index
            %get3A_388 = arith.constant 240 : index
            %get3A_389 = tpu.vector_load %arg19[%get3A_387, %get3A_388] {strides = array<i32>} : memref<128x640xf32, #tpu.memory_space<vmem>>, vector<16xf32>,
            %mul3A_390 = arith.mulf %get3A_389, %div3A_170 : vector<16xf32>
            %add3A_391 = arith.addf %mul3A_386, %mul3A_390 : vector<16xf32>
            %get3A_392 = arith.index_cast %add3A_152 : i32 to index
            %get3A_393 = arith.constant 368 : index
            %get3A_394 = tpu.vector_load %arg19[%get3A_392, %get3A_393] {strides = array<i32>} : memref<128x640xf32, #tpu.memory_space<vmem>>, vector<16xf32>,
            %mul3A_395 = arith.mulf %get3A_394, %div3A_179 : vector<16xf32>
            %add3A_396 = arith.addf %add3A_391, %mul3A_395 : vector<16xf32>
            %get3A_397 = arith.index_cast %add3A_152 : i32 to index
            %get3A_398 = arith.constant 496 : index
            %get3A_399 = tpu.vector_load %arg19[%get3A_397, %get3A_398] {strides = array<i32>} : memref<128x640xf32, #tpu.memory_space<vmem>>, vector<16xf32>,
            %mul3A_400 = arith.mulf %get3A_399, %div3A_188 : vector<16xf32>
            %add3A_401 = arith.addf %add3A_396, %mul3A_400 : vector<16xf32>
            %mul3A_402 = arith.constant 2.500000e-01 : f32
            %mul3A_403 = vector.broadcast %mul3A_402 : f32 to vector<16xf32>
            %mul3A_404 = arith.mulf %add3A_401, %mul3A_403 : vector<16xf32>
            %get3A_405 = arith.constant 112 : index
            %get3A_406 = tpu.vector_load %arg21[%get3A_405] {strides = array<i32>} : memref<128xf32, #tpu.memory_space<vmem>>, vector<16xf32>,
            %add3A_407 = arith.addf %mul3A_404, %get3A_406 : vector<16xf32>
            %swap3A_408 = arith.index_cast %scan3A_148 : i32 to index
            %swap3A_409 = arith.constant 112 : index
            %swap3A_410 = tpu.vector_load %arg20[%swap3A_408, %swap3A_409] {strides = array<i32>} : memref<8x128xf32, #tpu.memory_space<vmem>>, vector<16xf32>,
            tpu.vector_store %arg20[%swap3A_408, %swap3A_409], %add3A_407 {strides = array<i32>} : memref<8x128xf32, #tpu.memory_space<vmem>>, vector<16xf32>,
            %scan3A_411 = arith.constant 0 : i32
            scf.yield %scan3A_411 : i32
          }
          %scan3A_147 = arith.constant 8 : i32
          "tpu.region"() ({
            %run_scoped3A = tpu.sem_alloc : memref<!tpu.dma_semaphore, #tpu.memory_space<semaphore_mem>>
            %dma_start3A = arith.constant 0 : i32
            %dma_start3A_148 = tpu.memref_slice %arg7[%add3A_135, %dma_start3A] : memref<40000x128xf32, #tpu.memory_space<hbm>> -> memref<8x128xf32, #tpu.memory_space<hbm>>
            %dma_start3A_149 = arith.constant 0 : i32
            %dma_start3A_150 = tpu.memref_slice %arg7[%add3A_135, %dma_start3A_149] : memref<40000x128xf32, #tpu.memory_space<hbm>> -> memref<8x128xf32, #tpu.memory_space<hbm>>
            tpu.enqueue_dma source(%arg20 : memref<8x128xf32, #tpu.memory_space<vmem>>) target(%dma_start3A_150 : memref<8x128xf32, #tpu.memory_space<hbm>>) target_semaphore(%run_scoped3A : memref<!tpu.dma_semaphore, #tpu.memory_space<semaphore_mem>>)
            %dma_wait3A = arith.constant 0 : i32
            %dma_wait3A_151 = tpu.memref_slice %arg7[%add3A_135, %dma_wait3A] : memref<40000x128xf32, #tpu.memory_space<hbm>> -> memref<8x128xf32, #tpu.memory_space<hbm>>
            %dma_wait3A_152 = arith.constant 0 : i32
            %dma_wait3A_153 = tpu.memref_slice %arg7[%add3A_135, %dma_wait3A_152] : memref<40000x128xf32, #tpu.memory_space<hbm>> -> memref<8x128xf32, #tpu.memory_space<hbm>>
            tpu.wait_dma2 semaphore(%run_scoped3A : memref<!tpu.dma_semaphore, #tpu.memory_space<semaphore_mem>>) src(%arg20 : memref<8x128xf32, #tpu.memory_space<vmem>>) dst(%dma_wait3A_153 : memref<8x128xf32, #tpu.memory_space<hbm>>)
            tpu.yield
          }) : () -> ()
        } else {
        }
        %scan3A_140 = arith.constant 0 : i32
        scf.yield %scan3A_140 : i32
      }
      %scan3A_127 = arith.constant 15 : i32
      %barrier3A_128 = arith.constant 0 : index
      tpu.barrier barrier_id(%barrier3A_128)
      %scan3A_129 = arith.constant 0 : i32
      scf.yield %scan3A_129 : i32
    }
    %scan3A_8 = arith.constant 11 : i32
    return
  }
}

module attributes {stable_mosaic.version = 14 : i64} {
  func.func @_tc_body(%arg0: i32, %arg1: memref<512x128xf32, #tpu.memory_space<vmem>>, %arg2: memref<128x512xf32, #tpu.memory_space<vmem>>, %arg3: memref<4x128xf32, #tpu.memory_space<vmem>>, %arg4: memref<4x128xf32, #tpu.memory_space<vmem>>, %arg5: memref<512x640xf32, #tpu.memory_space<vmem>>, %arg6: memref<512x4xf32, #tpu.memory_space<vmem>>) attributes {dimension_semantics = [#tpu.dimension_semantics<arbitrary>], iteration_bounds = array<i64: 79>, scalar_prefetch = 0 : i64, scratch_operands = 0 : i64, tpu.core_type = #tpu.core_type<tc>, window_params = [{transform_indices = @transform_0, window_bounds = array<i64: 512, 128>}, {pipeline_mode = #tpu.pipeline_mode<synchronous>, transform_indices = @transform_1, window_bounds = array<i64: 128, 512>}, {pipeline_mode = #tpu.pipeline_mode<synchronous>, transform_indices = @transform_2, window_bounds = array<i64: 4, 128>}, {pipeline_mode = #tpu.pipeline_mode<synchronous>, transform_indices = @transform_3, window_bounds = array<i64: 4, 128>}, {transform_indices = @transform_4, window_bounds = array<i64: 512, 640>}, {transform_indices = @transform_5, window_bounds = array<i64: 512, 4>}]} {
    %get3A = arith.constant 0 : index
    %get3A_0 = arith.constant 0 : index
    %get3A_1 = vector.load %arg1[%get3A, %get3A_0] : memref<512x128xf32, #tpu.memory_space<vmem>>, vector<512x128xf32>
    %get3A_2 = arith.constant 0 : index
    %get3A_3 = arith.constant 0 : index
    %get3A_4 = vector.load %arg2[%get3A_2, %get3A_3] : memref<128x512xf32, #tpu.memory_space<vmem>>, vector<128x512xf32>
    %dot_general3A = arith.constant dense<0.000000e+00> : vector<512x512xf32>
    %dot_general3A_5 = tpu.matmul %get3A_1, %get3A_4, %dot_general3A {dimension_numbers = #tpu.dot_dimension_numbers<[1], [0], [0], [1], [0, 0, 1, 1], [], []>, transpose_lhs_hint = false} : vector<512x128xf32>, vector<128x512xf32>, vector<512x512xf32> -> vector<512x512xf32>
    %swap3A = arith.constant 0 : index
    %swap3A_6 = arith.constant 0 : index
    %swap3A_7 = vector.load %arg5[%swap3A, %swap3A_6] : memref<512x640xf32, #tpu.memory_space<vmem>>, vector<512x512xf32>
    tpu.vector_store %arg5[%swap3A, %swap3A_6], %dot_general3A_5 {strides = array<i32>} : memref<512x640xf32, #tpu.memory_space<vmem>>, vector<512x512xf32>,
    %broadcast_in_dim3A = arith.constant 0.000000e+00 : f32
    %broadcast_in_dim3A_8 = vector.broadcast %broadcast_in_dim3A : f32 to vector<512x128xf32>
    %swap3A_9 = arith.constant 0 : index
    %swap3A_10 = arith.constant 512 : index
    %swap3A_11 = vector.load %arg5[%swap3A_9, %swap3A_10] : memref<512x640xf32, #tpu.memory_space<vmem>>, vector<512x128xf32>
    tpu.vector_store %arg5[%swap3A_9, %swap3A_10], %broadcast_in_dim3A_8 {strides = array<i32>} : memref<512x640xf32, #tpu.memory_space<vmem>>, vector<512x128xf32>,
    %slice3A = vector.extract_strided_slice %dot_general3A_5 {offsets = [0, 0], sizes = [512, 128], strides = [1, 1]} : vector<512x512xf32> to vector<512x128xf32>
    %get3A_12 = arith.constant 0 : index
    %get3A_13 = arith.constant 0 : index
    %get3A_14 = vector.load %arg3[%get3A_12, %get3A_13] : memref<4x128xf32, #tpu.memory_space<vmem>>, vector<1x128xf32>
    %mul3A = vector.broadcast %get3A_14 : vector<1x128xf32> to vector<512x128xf32>
    %mul3A_15 = arith.mulf %slice3A, %mul3A : vector<512x128xf32>
    %reduce_sum3A = arith.constant dense<0.000000e+00> : vector<512xf32>
    %reduce_sum3A_16 = vector.multi_reduction <add>, %mul3A_15, %reduce_sum3A [1] : vector<512x128xf32> to vector<512xf32>
    %broadcast_in_dim3A_17 = vector.shape_cast %reduce_sum3A_16 : vector<512xf32> to vector<512x1xf32>
    %swap3A_18 = arith.constant 0 : index
    %swap3A_19 = arith.constant 520 : index
    %swap3A_20 = vector.load %arg5[%swap3A_18, %swap3A_19] : memref<512x640xf32, #tpu.memory_space<vmem>>, vector<512x1xf32>
    tpu.vector_store %arg5[%swap3A_18, %swap3A_19], %broadcast_in_dim3A_17 {strides = array<i32>} : memref<512x640xf32, #tpu.memory_space<vmem>>, vector<512x1xf32>,
    %get3A_21 = arith.constant 0 : index
    %get3A_22 = arith.constant 0 : index
    %get3A_23 = vector.load %arg4[%get3A_21, %get3A_22] : memref<4x128xf32, #tpu.memory_space<vmem>>, vector<1x128xf32>
    %mul3A_24 = vector.broadcast %get3A_23 : vector<1x128xf32> to vector<512x128xf32>
    %mul3A_25 = arith.mulf %slice3A, %mul3A_24 : vector<512x128xf32>
    %reduce_sum3A_26 = arith.constant dense<0.000000e+00> : vector<512xf32>
    %reduce_sum3A_27 = vector.multi_reduction <add>, %mul3A_25, %reduce_sum3A_26 [1] : vector<512x128xf32> to vector<512xf32>
    %broadcast_in_dim3A_28 = vector.shape_cast %reduce_sum3A_27 : vector<512xf32> to vector<512x1xf32>
    %swap3A_29 = arith.constant 0 : index
    %swap3A_30 = arith.constant 0 : index
    %swap3A_31 = vector.load %arg6[%swap3A_29, %swap3A_30] : memref<512x4xf32, #tpu.memory_space<vmem>>, vector<512x1xf32>
    tpu.vector_store %arg6[%swap3A_29, %swap3A_30], %broadcast_in_dim3A_28 {strides = array<i32>} : memref<512x4xf32, #tpu.memory_space<vmem>>, vector<512x1xf32>,
    %slice3A_32 = vector.extract_strided_slice %dot_general3A_5 {offsets = [0, 128], sizes = [512, 128], strides = [1, 1]} : vector<512x512xf32> to vector<512x128xf32>
    %get3A_33 = arith.constant 1 : index
    %get3A_34 = arith.constant 0 : index
    %get3A_35 = vector.load %arg3[%get3A_33, %get3A_34] : memref<4x128xf32, #tpu.memory_space<vmem>>, vector<1x128xf32>
    %mul3A_36 = vector.broadcast %get3A_35 : vector<1x128xf32> to vector<512x128xf32>
    %mul3A_37 = arith.mulf %slice3A_32, %mul3A_36 : vector<512x128xf32>
    %reduce_sum3A_38 = arith.constant dense<0.000000e+00> : vector<512xf32>
    %reduce_sum3A_39 = vector.multi_reduction <add>, %mul3A_37, %reduce_sum3A_38 [1] : vector<512x128xf32> to vector<512xf32>
    %broadcast_in_dim3A_40 = vector.shape_cast %reduce_sum3A_39 : vector<512xf32> to vector<512x1xf32>
    %swap3A_41 = arith.constant 0 : index
    %swap3A_42 = arith.constant 521 : index
    %swap3A_43 = vector.load %arg5[%swap3A_41, %swap3A_42] : memref<512x640xf32, #tpu.memory_space<vmem>>, vector<512x1xf32>
    tpu.vector_store %arg5[%swap3A_41, %swap3A_42], %broadcast_in_dim3A_40 {strides = array<i32>} : memref<512x640xf32, #tpu.memory_space<vmem>>, vector<512x1xf32>,
    %get3A_44 = arith.constant 1 : index
    %get3A_45 = arith.constant 0 : index
    %get3A_46 = vector.load %arg4[%get3A_44, %get3A_45] : memref<4x128xf32, #tpu.memory_space<vmem>>, vector<1x128xf32>
    %mul3A_47 = vector.broadcast %get3A_46 : vector<1x128xf32> to vector<512x128xf32>
    %mul3A_48 = arith.mulf %slice3A_32, %mul3A_47 : vector<512x128xf32>
    %reduce_sum3A_49 = arith.constant dense<0.000000e+00> : vector<512xf32>
    %reduce_sum3A_50 = vector.multi_reduction <add>, %mul3A_48, %reduce_sum3A_49 [1] : vector<512x128xf32> to vector<512xf32>
    %broadcast_in_dim3A_51 = vector.shape_cast %reduce_sum3A_50 : vector<512xf32> to vector<512x1xf32>
    %swap3A_52 = arith.constant 0 : index
    %swap3A_53 = arith.constant 1 : index
    %swap3A_54 = vector.load %arg6[%swap3A_52, %swap3A_53] : memref<512x4xf32, #tpu.memory_space<vmem>>, vector<512x1xf32>
    tpu.vector_store %arg6[%swap3A_52, %swap3A_53], %broadcast_in_dim3A_51 {strides = array<i32>} : memref<512x4xf32, #tpu.memory_space<vmem>>, vector<512x1xf32>,
    %slice3A_55 = vector.extract_strided_slice %dot_general3A_5 {offsets = [0, 256], sizes = [512, 128], strides = [1, 1]} : vector<512x512xf32> to vector<512x128xf32>
    %get3A_56 = arith.constant 2 : index
    %get3A_57 = arith.constant 0 : index
    %get3A_58 = vector.load %arg3[%get3A_56, %get3A_57] : memref<4x128xf32, #tpu.memory_space<vmem>>, vector<1x128xf32>
    %mul3A_59 = vector.broadcast %get3A_58 : vector<1x128xf32> to vector<512x128xf32>
    %mul3A_60 = arith.mulf %slice3A_55, %mul3A_59 : vector<512x128xf32>
    %reduce_sum3A_61 = arith.constant dense<0.000000e+00> : vector<512xf32>
    %reduce_sum3A_62 = vector.multi_reduction <add>, %mul3A_60, %reduce_sum3A_61 [1] : vector<512x128xf32> to vector<512xf32>
    %broadcast_in_dim3A_63 = vector.shape_cast %reduce_sum3A_62 : vector<512xf32> to vector<512x1xf32>
    %swap3A_64 = arith.constant 0 : index
    %swap3A_65 = arith.constant 522 : index
    %swap3A_66 = vector.load %arg5[%swap3A_64, %swap3A_65] : memref<512x640xf32, #tpu.memory_space<vmem>>, vector<512x1xf32>
    tpu.vector_store %arg5[%swap3A_64, %swap3A_65], %broadcast_in_dim3A_63 {strides = array<i32>} : memref<512x640xf32, #tpu.memory_space<vmem>>, vector<512x1xf32>,
    %get3A_67 = arith.constant 2 : index
    %get3A_68 = arith.constant 0 : index
    %get3A_69 = vector.load %arg4[%get3A_67, %get3A_68] : memref<4x128xf32, #tpu.memory_space<vmem>>, vector<1x128xf32>
    %mul3A_70 = vector.broadcast %get3A_69 : vector<1x128xf32> to vector<512x128xf32>
    %mul3A_71 = arith.mulf %slice3A_55, %mul3A_70 : vector<512x128xf32>
    %reduce_sum3A_72 = arith.constant dense<0.000000e+00> : vector<512xf32>
    %reduce_sum3A_73 = vector.multi_reduction <add>, %mul3A_71, %reduce_sum3A_72 [1] : vector<512x128xf32> to vector<512xf32>
    %broadcast_in_dim3A_74 = vector.shape_cast %reduce_sum3A_73 : vector<512xf32> to vector<512x1xf32>
    %swap3A_75 = arith.constant 0 : index
    %swap3A_76 = arith.constant 2 : index
    %swap3A_77 = vector.load %arg6[%swap3A_75, %swap3A_76] : memref<512x4xf32, #tpu.memory_space<vmem>>, vector<512x1xf32>
    tpu.vector_store %arg6[%swap3A_75, %swap3A_76], %broadcast_in_dim3A_74 {strides = array<i32>} : memref<512x4xf32, #tpu.memory_space<vmem>>, vector<512x1xf32>,
    %slice3A_78 = vector.extract_strided_slice %dot_general3A_5 {offsets = [0, 384], sizes = [512, 128], strides = [1, 1]} : vector<512x512xf32> to vector<512x128xf32>
    %get3A_79 = arith.constant 3 : index
    %get3A_80 = arith.constant 0 : index
    %get3A_81 = vector.load %arg3[%get3A_79, %get3A_80] : memref<4x128xf32, #tpu.memory_space<vmem>>, vector<1x128xf32>
    %mul3A_82 = vector.broadcast %get3A_81 : vector<1x128xf32> to vector<512x128xf32>
    %mul3A_83 = arith.mulf %slice3A_78, %mul3A_82 : vector<512x128xf32>
    %reduce_sum3A_84 = arith.constant dense<0.000000e+00> : vector<512xf32>
    %reduce_sum3A_85 = vector.multi_reduction <add>, %mul3A_83, %reduce_sum3A_84 [1] : vector<512x128xf32> to vector<512xf32>
    %broadcast_in_dim3A_86 = vector.shape_cast %reduce_sum3A_85 : vector<512xf32> to vector<512x1xf32>
    %swap3A_87 = arith.constant 0 : index
    %swap3A_88 = arith.constant 523 : index
    %swap3A_89 = vector.load %arg5[%swap3A_87, %swap3A_88] : memref<512x640xf32, #tpu.memory_space<vmem>>, vector<512x1xf32>
    tpu.vector_store %arg5[%swap3A_87, %swap3A_88], %broadcast_in_dim3A_86 {strides = array<i32>} : memref<512x640xf32, #tpu.memory_space<vmem>>, vector<512x1xf32>,
    %get3A_90 = arith.constant 3 : index
    %get3A_91 = arith.constant 0 : index
    %get3A_92 = vector.load %arg4[%get3A_90, %get3A_91] : memref<4x128xf32, #tpu.memory_space<vmem>>, vector<1x128xf32>
    %mul3A_93 = vector.broadcast %get3A_92 : vector<1x128xf32> to vector<512x128xf32>
    %mul3A_94 = arith.mulf %slice3A_78, %mul3A_93 : vector<512x128xf32>
    %reduce_sum3A_95 = arith.constant dense<0.000000e+00> : vector<512xf32>
    %reduce_sum3A_96 = vector.multi_reduction <add>, %mul3A_94, %reduce_sum3A_95 [1] : vector<512x128xf32> to vector<512xf32>
    %broadcast_in_dim3A_97 = vector.shape_cast %reduce_sum3A_96 : vector<512xf32> to vector<512x1xf32>
    %swap3A_98 = arith.constant 0 : index
    %swap3A_99 = arith.constant 3 : index
    %swap3A_100 = vector.load %arg6[%swap3A_98, %swap3A_99] : memref<512x4xf32, #tpu.memory_space<vmem>>, vector<512x1xf32>
    tpu.vector_store %arg6[%swap3A_98, %swap3A_99], %broadcast_in_dim3A_97 {strides = array<i32>} : memref<512x4xf32, #tpu.memory_space<vmem>>, vector<512x1xf32>,
    return
  }
  func.func @transform_0(%arg0: i32) -> (i32, i32) {
    %c0_i32 = arith.constant 0 : i32
    %c0_i32_0 = arith.constant 0 : i32
    return %arg0, %c0_i32 : i32, i32
  }
  func.func @transform_1(%arg0: i32) -> (i32, i32) {
    %c0_i32 = arith.constant 0 : i32
    %c0_i32_0 = arith.constant 0 : i32
    %c0_i32_1 = arith.constant 0 : i32
    return %c0_i32, %c0_i32_0 : i32, i32
  }
  func.func @transform_2(%arg0: i32) -> (i32, i32) {
    %c0_i32 = arith.constant 0 : i32
    %c0_i32_0 = arith.constant 0 : i32
    %c0_i32_1 = arith.constant 0 : i32
    return %c0_i32, %c0_i32_0 : i32, i32
  }
  func.func @transform_3(%arg0: i32) -> (i32, i32) {
    %c0_i32 = arith.constant 0 : i32
    %c0_i32_0 = arith.constant 0 : i32
    %c0_i32_1 = arith.constant 0 : i32
    return %c0_i32, %c0_i32_0 : i32, i32
  }
  func.func @transform_4(%arg0: i32) -> (i32, i32) {
    %c0_i32 = arith.constant 0 : i32
    %c0_i32_0 = arith.constant 0 : i32
    return %arg0, %c0_i32 : i32, i32
  }
  func.func @transform_5(%arg0: i32) -> (i32, i32) {
    %c0_i32 = arith.constant 0 : i32
    %c0_i32_0 = arith.constant 0 : i32
    return %arg0, %c0_i32 : i32, i32
  }
}

</mosaic_0001>

<sc_bundles>
// kernel: kernel.4.cloned.1.call-start
scs
__scs_entry_jumppad:
0x0: {  	(pc) =	sbr.rel $0x88, $3  }
0x1: {  	(tag) =	ssettag $0x0;
	lr =	simm.s32 $0x1  }
0x2: {  	[smem:$0x3F9B] =	sst lr;
	_ =	strace $0xD0000000  }
0x3: {  	_ = 	snop  }
0x4: {  	_ = 	snop  }
0x5: {  	_ = 	snop  }
0x6: {  	_ = 	snop  }
0x7: {  	_ = 	snop  }
__scs_overlays_trampoline_lowered:
0x8: {  	[smem:$0x3FAA] =	sst s0  }
0x9: {  	[smem:$0x3FAB] =	sst s1  }
0xa: {  	[smem:$0x3FAC] =	sst s2  }
0xb: {  	[smem:$0x3FAD] =	sst s3  }
0xc: {  	[smem:$0x3FAE] =	sst s4  }
0xd: {  	[smem:$0x3FAF] =	sst s5  }
0xe: {  	[smem:$0x3FB0] =	sst s6  }
0xf: {  	[smem:$0x3FB1] =	sst s7  }
0x10: {  	[smem:$0x3FB2] =	sst s8  }
0x11: {  	[smem:$0x3FB3] =	sst s9;
	s0 =	simm.s32 @!p0 $0x0  }
0x12: {  	s1 =	sld [smem:$0x3F99];
	s0 =	simm.s32 @p0 $0x1  }
0x13: {  	[smem:$0x3FB4] =	sst s0;
	s0 =	simm.s32 @!p1 $0x0  }
0x14: {  	s2 =	sld [smem:$0x3F98];
	s0 =	simm.s32 @p1 $0x1  }
0x15: {  	[smem:$0x3FB5] =	sst s0;
	s0 =	simm.s32 @!p2 $0x0  }
0x16: {  	s3 =	sld [smem:$0x3FDB];
	s0 =	simm.s32 @p2 $0x1  }
0x17: {  	s4 =	simm.s32 $0x1BF5;
	[smem:$0x3FB7] =	sst s0  }
0x18: {  	s0 =	sld [smem:$0x3F9A];
	_ =	swait.ge [sflag:s4], $0x0  }
0x19: {  	s7 =	sld [smem:$0x3F9B]  }
0x1a: {  	s8 =	sadd.s32 $0xFFFFE003, lr  }
0x1b: {  	s9 =	sadd.s32 $0xFFFFFEF7, lr;
	s5 =	simm.s32 $0xFFFFFFFF;
	p2 =	slt.u32 s8, $0xFFFFF086  }
0x1c: {  	p1 =	slt.u32 s9, $0xF7A;
	s5 =	simm.s32 @!p2 $0x0  }
0x1d: {  	s5 =	simm.s32 @p1 $0x1;
	p0 =	seq.s32 s7, s2  }
0x1e: {  	s7 =	smul.u32 @!p0 $0xF7A, s2;
	p2 =	seq.s32 @!p0 s5, $0x0  }
0x1f: {  	s9 =	smul.u32 $0xF7A, s1;
	s8 =	simm.s32 @!p0 $0x1BF5;
	p2 =	por !p2, p0  }
0x20: {  	[sflag:s8] =	ssyncset.s32 @!p0 $0xFFFFF086;
	s6 =	sadd.s32 @!p0 s3, s7;
	s7 =	simm.s32 @!p0 $0x108  }
0x21: {  	s3 =	sadd.s32 s3, s9;
	s6 =	sadd.s32 @!p0 $0x88, s6;
	s7 =	simm.s32 @p2 $0x1082  }
0x22: {  	[simem:s7], [sflag:s8] =	dma.local @!p0 [hbm:s6], $0xF7A  }
0x23: {  	s9 =	sor.u32 $0xD0000000, s2;
	s6 =	simm.s32 $0x108;
	_ =	swait.ge @!p0 [sflag:s8], $0x0  }
0x24: {  	s3 =	sadd.s32 $0x88, s3;
	s6 =	simm.s32 @!p1 $0x1082;
	[sflag:s4] =	ssyncset.s32 $0xFFFFF086  }
0x25: {  	[simem:s6], [sflag:s4] =	dma.local [hbm:s3], $0xF7A  }
0x26: {  	[smem:$0x3F9B] =	sst s1;
	(tag) =	ssettag s2;
	_ =	strace s9  }
0x27: {  	s1 =	sld [smem:$0x3FAB]  }
0x28: {  	s2 =	sld [smem:$0x3FAC]  }
0x29: {  	s4 =	sld [smem:$0x3FAE]  }
0x2a: {  	p0 =	seq.s32 s5, $0x0;
	s5 =	sld [smem:$0x3FAF]  }
0x2b: {  	s6 =	sld [smem:$0x3FB0]  }
0x2c: {  	s7 =	sld [smem:$0x3FB1]  }
0x2d: {  	s3 =	simm.s32 $0x108;
	s8 =	sld [smem:$0x3FB2]  }
0x2e: {  	s3 =	simm.s32 @!p0 $0x1082;
	s9 =	sld [smem:$0x3FB3]  }
0x2f: {  	lr =	sadd.s32 s0, s3;
	s0 =	sld [smem:$0x3FAA]  }
0x30: {  	s3 =	sld [smem:$0x3FAD]  }
0x31: {  	[smem:$0x3FB6] =	sst s10  }
0x32: {  	s10 =	sld [smem:$0x3FB4];
	_ =	sdelay $0x3  }
0x33: {  	p0 =	seq.s32 s10, $0x1;
	s10 =	sld [smem:$0x3FB6];
	_ =	sdelay $0x3  }
0x34: {  	[smem:$0x3FB6] =	sst s10  }
0x35: {  	s10 =	sld [smem:$0x3FB5];
	_ =	sdelay $0x3  }
0x36: {  	p1 =	seq.s32 s10, $0x1;
	s10 =	sld [smem:$0x3FB6];
	_ =	sdelay $0x3  }
0x37: {  	[smem:$0x3FB6] =	sst s10  }
0x38: {  	s10 =	sld [smem:$0x3FB7]  }
0x39: {  	_ = 	snop;
	(pc) =	sbr.ind lr, $3  }
0x3a: {  	_ = 	snop  }
0x3b: {  	_ = 	snop  }
0x3c: {  	p2 =	seq.s32 s10, $0x1;
	s10 =	sld [smem:$0x3FB6]  }
0x3d: {  	_ =	shalt  }
0x3e: {  	_ =	shalt  }
0x3f: {  	_ =	shalt  }
0x40: {  	_ =	shalt  }
0x41: {  	_ =	shalt  }
0x42: {  	_ =	shalt  }
0x43: {  	_ =	shalt  }
0x44: {  	_ =	shalt  }
0x45: {  	_ =	shalt  }
0x46: {  	_ =	shalt  }
0x47: {  	_ =	shalt  }
0x48: {  	_ =	shalt  }
0x49: {  	_ =	shalt  }
0x4a: {  	_ =	shalt  }
0x4b: {  	_ =	shalt  }
0x4c: {  	_ =	shalt  }
0x4d: {  	_ =	shalt  }
0x4e: {  	_ =	shalt  }
0x4f: {  	_ =	shalt  }
0x50: {  	_ =	shalt  }
0x51: {  	_ =	shalt  }
0x52: {  	_ =	shalt  }
0x53: {  	_ =	shalt  }
0x54: {  	_ =	shalt  }
0x55: {  	_ =	shalt  }
0x56: {  	_ =	shalt  }
0x57: {  	_ =	shalt  }
0x58: {  	_ =	shalt  }
0x59: {  	_ =	shalt  }
0x5a: {  	_ =	shalt  }
0x5b: {  	_ =	shalt  }
0x5c: {  	_ =	shalt  }
0x5d: {  	_ =	shalt  }
0x5e: {  	_ =	shalt  }
0x5f: {  	_ =	shalt  }
0x60: {  	_ =	shalt  }
0x61: {  	_ =	shalt  }
0x62: {  	_ =	shalt  }
0x63: {  	_ =	shalt  }
0x64: {  	_ =	shalt  }
0x65: {  	_ =	shalt  }
0x66: {  	_ =	shalt  }
0x67: {  	_ =	shalt  }
0x68: {  	_ =	shalt  }
0x69: {  	_ =	shalt  }
0x6a: {  	_ =	shalt  }
0x6b: {  	_ =	shalt  }
0x6c: {  	_ =	shalt  }
0x6d: {  	_ =	shalt  }
0x6e: {  	_ =	shalt  }
0x6f: {  	_ =	shalt  }
0x70: {  	_ =	shalt  }
0x71: {  	_ =	shalt  }
0x72: {  	_ =	shalt  }
0x73: {  	_ =	shalt  }
0x74: {  	_ =	shalt  }
0x75: {  	_ =	shalt  }
0x76: {  	_ =	shalt  }
0x77: {  	_ =	shalt  }
0x78: {  	_ =	shalt  }
0x79: {  	_ =	shalt  }
0x7a: {  	_ =	shalt  }
0x7b: {  	_ =	shalt  }
0x7c: {  	_ =	shalt  }
0x7d: {  	_ =	shalt  }
0x7e: {  	_ =	shalt  }
0x7f: {  	_ =	shalt  }
0x80: {  	_ =	shalt  }
0x81: {  	_ =	shalt  }
0x82: {  	_ =	shalt  }
0x83: {  	_ =	shalt  }
0x84: {  	_ =	shalt  }
0x85: {  	_ =	shalt  }
0x86: {  	_ =	shalt  }
0x87: {  	_ =	shalt  }
.Lfunc_end0:
.L_simem_size_0:
called_computation_lowered:
.L_overlay_start_0:
0x88: {  	s2 =	sld [smem:$0x3FD9]  }
0x89: {  	s3 =	sld [smem:$0x3FFE];
	_ =	sdelay $0x1  }
0x8a: {  	s1 =	srdreg.scid  }
0x8b: {  	s0 =	sand.u32 $0x1, s1  }
0x8c: {  	s17 =	sshll.u32 s0, $0xA;
	s2 =	sadd.s32 s3, s2  }
0x8d: {  	s2 =	sadd.s32 s2, s17  }
0x8e: {  	[smem:$0x3FC2] =	sst s2  }
0x8f: {  	_ = 	snop  }
0x90: {  	s2 =	sld [smem:$0x3FC4]  }
0x91: {  	s18 =	sld [smem:$0x3FD0];
	(tm) =	ssettm $0x1  }
0x92: {  	s4 =	sld [smem:$0x3FFB];
	_ =	sdelay $0x3  }
0x93: {  	_ =	strace s4  }
0x94: {  	s4 =	sld [smem:$0x3FFC];
	_ =	sdelay $0x3  }
0x95: {  	_ =	strace s4  }
0x96: {  	s4 =	sld [smem:$0x3FFD];
	_ =	sdelay $0x3  }
0x97: {  	_ =	strace s4  }
0x98: {  	_ =	strace $0x8FFFFFFF  }
0x99: {  	s19 =	sld [smem:$0x3FDB];
	_ =	sdelay $0x1  }
0x9a: {  	s5 =	simm.s32 $_scs_section_size  }
0x9b: {  	s6 =	simm.s32 $_size__tile_overlayer_lowered;
	s7 =	simm.s32 $_tile_overlayer_lowered  }
0x9c: {  	s22 =	simm.s32 $0x1BFF;
	s21 =	sshll.u32 s7, $0x1;
	s4 =	sadd.s32 s5, s19  }
0x9d: {  	s8 =	simm.s32 $0x0;
	s20 =	sshll.u32 s6, $0x1;
	s6 =	sadd.s32 s21, s4  }
0x9e: {  	[timem:s8], [sflag:s22] =	dma.local [hbm:s6], s20  }
0x9f: {  	_ =	swait.ge [sflag:s22], s20  }
0xa0: {  	s5 =	ssub.s32 $0x0, s20;
	[sflag:s22] =	ssyncset.done $0x0  }
0xa1: {  	[sflag:s22] =	ssyncadd.s32 s5;
	_ =	sdelay $0x1  }
0xa2: {  	s23 =	simm.s32 $0x1B8B  }
0xa3: {  	_ =	swait.ge [sflag:s23], $0x1  }
0xa4: {  	[sflag:s23] =	ssyncset.done $0x0  }
0xa5: {  	s25 =	simm.s32 $0x1B8E;
	s24 =	sld [smem:$0x3FFE];
	[sflag:s23] =	ssyncadd.s32 $0xFFFFFFFF  }
0xa6: {  	s26 =	simm.s32 $execute0_lowered;
	[smem:$0x3FD2] =	sst s25  }
0xa7: {  	s6 =	sshll.u32 s26, $0x1;
	_ =	strace $0x80000046;
	[dreg:$0x1] =	wrdreg $0xFFFFFFFF  }
0xa8: {  	s28 =	simm.s32 $_size_execute0_lowered;
	s4 =	sadd.s32 s4, s6;
	[dreg:$0x0] =	wrdreg $0x0  }
0xa9: {  	s6 =	sshll.u32 s28, $0x1;
	[dreg:$0x2] =	wrdreg s4  }
0xaa: {  	[dreg:$0x3] =	wrdreg s6  }
0xab: {  	[dreg:$0x4] =	wrdreg $0xC0  }
0xac: {  	_ =	task [dreg:s8], $0x5FFFF  }
0xad: {  	[dreg:$0x1] =	wrdreg $0xFFFFFFFF  }
0xae: {  	[dreg:$0x0] =	wrdreg $0x60  }
0xaf: {  	[dreg:$0x2] =	wrdreg s24  }
0xb0: {  	[dreg:$0x3] =	wrdreg s2  }
0xb1: {  	[dreg:$0x4] =	wrdreg s18  }
0xb2: {  	[dreg:$0x5] =	wrdreg $0x1DC800  }
0xb3: {  	[dreg:$0x6] =	wrdreg $0x1EC800  }
0xb4: {  	[dreg:$0x7] =	wrdreg $0x9  }
0xb5: {  	_ =	task.clear_ibuf [dreg:s8], $0x8FFFF;
	_ =	strace $0x90000046  }
0xb6: {  	s29 =	simm.s32 $0x9;
	_ =	strace $0x80000048  }
0xb7: {  	_ =	swait.ge [sflag:s29], $0x1  }
0xb8: {  	[sflag:s29] =	ssyncadd.s32 $0xFFFFFFFF  }
0xb9: {  	_ =	strace $0x90000048  }
0xba: {  	_ =	sfence  }
0xbb: {  	s30 =	sld [smem:$0x0];
	_ =	sdelay $0x2  }
0xbc: {  	s31 =	sshll.u32 s1, $0xD;
	s1 =	sshrl.u32 s1, $0x2  }
0xbd: {  	s3 =	sand.u32 $0x4000, s31;
	s1 =	sadd.s32 s1, s30  }
0xbe: {  	s0 =	sor.u32 s3, s0;
	s1 =	sshll.u32 s1, $0x11  }
0xbf: {  	s0 =	sor.u32 s1, s0  }
0xc0: {  	s0 =	sadd.s32 $0x8F2B, s0  }
0xc1: {  	[sflag:s0] =	ssyncadd.remote.s32 $0x1  }
0xc2: {  	_ =	sfence.sel $0xFFFF  }
0xc3: {  	[dreg:$0x0] =	wrdreg $0xFFFFFFFF;
	(pc) =	sbr.abs _section_cstart, $3  }
0xc4: {  	[dreg:$0x1] =	wrdreg $0xFFFFFFFF  }
0xc5: {  	_ =	task.clear_ibuf [dreg:s8], $0x2FFFF;
	_ =	strace $0x9FFFFFFF  }
0xc6: {  	(tm) =	ssettm $0x7FFFFFFF  }
0xc7: {  	_ =	shalt  }
tec
execute0_lowered:
.L_overlay_start_1:
0x0: {  	(tag) =	ssettag $0x1  }
0x1: {  	s0 =	rddreg [dreg:$0x0]  }
0x2: {  	s4 =	rddreg [dreg:$0x3];
	s6 =	stileid.u32  }
0x3: {  	s5 =	rddreg [dreg:$0x4];
	s2 =	simm.s32 $0x0;
	s22 =	srdreg.scid  }
0x4: {  	v1 =	vimm.f32 $0.0e+00;
	v2 =	vlaneseq.u32;
	v3 =	vimm.s32 $0x0;
	s21 =	simm.s32 $0x300;
	s28 =	simm.s32 $0x2E00;
	s29 =	simm.s32 $0x3A00  }
0x5: {  	v4 =	vimm.s32 $0x780;
	v6 =	vimm.s32 $0x78;
	s31 =	simm.s32 $0x4800;
	s1 =	smul.u32 $0x78, s6;
	[smem:$0x7FF] =	sst s2;
	v5 =	vand.u32 $0x3, v2  }
0x6: {  	s20 =	simm.s32 $0x3;
	s8 =	sadd.s32 $0x2A600, s0;
	s23 =	sadd.s32 $0x337A00, s0;
	v8 =	vor.u32 $0x10, v2;
	v9 =	vor.u32 $0x20, v2;
	v10 =	vor.u32 $0x30, v2  }
0x7: {  	s10 =	sadd.s32 $0x600, s0;
	s11 =	sadd.s32 $0x15600, s0;
	v11 =	vor.u32 $0x40, v2;
	s25 =	sshll.u32 s6, $0xC;
	v12 =	vor.u32 $0x50, v2;
	v13 =	vor.u32 $0x60, v2  }
0x8: {  	v14 =	vor.u32 $0x70, v2;
	s13 =	smul.u32 $0xA800, s6;
	v15 =	vor.u32 $0x400, v2;
	v16 =	vor.u32 $0x410, v2;
	s16 =	sadd.s32 $0x2A700, s0;
	s17 =	sadd.s32 $0x2A800, s0  }
0x9: {  	v17 =	vor.u32 $0x420, v2;
	v18 =	vor.u32 $0x430, v2;
	s26 =	sadd.s32 s25, s4;
	[dreg:$0x6] =	wrdreg s1;
	v0 =	vmov s1;
	s1 =	sand.u32 $0x1, s22  }
0xa: {  	v19 =	vor.u32 $0x440, v2;
	v20 =	vor.u32 $0x450, v2;
	v21 =	vor.u32 $0x460, v2;
	s22 =	simm.s32 $0x600;
	_ =	strace $0x80000047;
	[dreg:$0x7] =	wrdreg s23  }
0xb: {  	v22 =	vor.u32 $0x470, v2;
	v23 =	vor.u32 $0x800, v2;
	v24 =	vor.u32 $0x810, v2;
	s24 =	ssub.s32 $0x2, s1;
	s1 =	smul.u32 $0x780, s1;
	[dreg:$0x9] =	wrdreg s26  }
.Ltmp0:
0xc: {  	v25 =	vor.u32 $0x820, v2;
	v26 =	vor.u32 $0x830, v2;
	v27 =	vor.u32 $0x840, v2;
	s23 =	simm.s32 $0x1600;
	s3 =	sshrl.u32 s24, $0x1;
	(pc) =	sbr.rel .LBB2_1-.Ltmp0, $4  }
0xd: {  	v28 =	vor.u32 $0x850, v2;
	v29 =	vor.u32 $0x860, v2;
	v30 =	vor.u32 $0x870, v2;
	s26 =	simm.s32 $0x2A00;
	[dreg:$0x8] =	wrdreg s1;
	s2 =	ssub.s32 s24, s3  }
0xe: {  	v31 =	vor.u32 $0xC00, v2;
	v32 =	vor.u32 $0xC10, v2;
	v33 =	vor.u32 $0xC20, v2;
	s1 =	sadd.s32 s25, s5;
	s24 =	simm.s32 $0x4600;
	s25 =	simm.s32 $0x2600  }
0xf: {  	v34 =	vor.u32 $0xC30, v2;
	v35 =	vor.u32 $0xC40, v2;
	v36 =	vor.u32 $0xC50, v2;
	s3 =	simm.s32 $0x0;
	[dreg:$0xa] =	wrdreg s1;
	s30 =	smax.u32 s2, $0x1  }
0x10: {  	v37 =	vor.u32 $0xC60, v2;
	v38 =	vor.u32 $0xC70, v2;
	v7 =	vor.u32 $0x8, v5;
	s1 =	simm.s32 $0x9800;
	s2 =	simm.s32 $0x7000;
	[dreg:$0xb] =	wrdreg s30  }
.LBB2_35:
0x11: {  	s3 =	rddreg [dreg:$0xc]  }
0x12: {  	s0 =	rddreg [dreg:$0xb];
	s3 =	sadd.s32 $0x1, s3  }
0x13: {  	p0 =	sne.s32 s3, s0  }
.Ltmp1:
0x14: {  	_ = 	snop;
	(pc) =	sbr.rel @!p0 .LBB2_36-.Ltmp1, $1  }
0x15: {  	_ =	sdelay $0x3  }
.LBB2_1:
0x16: {  	[dreg:$0xc] =	wrdreg s3  }
0x17: {  	s0 =	rddreg [dreg:$0x1]  }
.Ltmp2:
0x18: {  	s30 =	simm.s32 $0x0;
	s6 =	simm.s32 $0x1DC00;
	(pc) =	sbr.rel .LBB2_2-.Ltmp2, $4  }
0x19: {  	[tilespmem:s6], [sflag:$0x3] =	stream.linear.gather [hbm4b:s0+s30], $0x80, $0x38;
	[tilespmem:$0x1FC80] =	vst v63  }
0x1a: {  	_ =	swait.ge [sflag:s20], $0x80  }
0x1b: {  	[sflag:s20] =	ssyncset.done $0x0  }
0x1c: {  	s0 =	simm.s32 $0x0;
	[sflag:s20] =	ssyncadd.s32 $0xFFFFFF80  }
.LBB2_34:
0x1d: {  	s0 =	rddreg [dreg:$0xd]  }
0x1e: {  	s0 =	sadd.s32 $0x1, s0  }
0x1f: {  	p0 =	sne.s32 s0, $0xB  }
.Ltmp3:
0x20: {  	_ = 	snop;
	(pc) =	sbr.rel @!p0 .LBB2_35-.Ltmp3, $2  }
0x21: {  	_ =	sdelay $0x1  }
0x22: {  	[bflag:$0x0] =	sbarrier.arrive $0xFFFF;
	_ =	sdelay $0x1  }
.LBB2_2:
0x23: {  	s3 =	simm.s32 $0x0  }
0x24: {  	s3 =	smul.u32 $0x5000, s3  }
0x25: {  	s6 =	simm.s32 $0x0  }
0x26: {  	s7 =	sand.u32 $0x380, s6;
	s3 =	sshra.s32 s3, $0x2  }
0x27: {  	s3 =	sor.u32 s7, s3  }
0x28: {  	[tilespmem:s3+$0xA870] =	vst v1  }
0x29: {  	[tilespmem:s3+$0x9800] =	vst v1  }
0x2a: {  	[tilespmem:s3+$0x9810] =	vst v1  }
0x2b: {  	[tilespmem:s3+$0x9820] =	vst v1  }
0x2c: {  	[tilespmem:s3+$0x9830] =	vst v1  }
0x2d: {  	[tilespmem:s3+$0x9840] =	vst v1  }
0x2e: {  	[tilespmem:s3+$0x9850] =	vst v1  }
0x2f: {  	[tilespmem:s3+$0x9860] =	vst v1  }
0x30: {  	[tilespmem:s3+$0x9870] =	vst v1  }
0x31: {  	[tilespmem:s3+$0x9C00] =	vst v1  }
0x32: {  	[tilespmem:s3+$0x9C10] =	vst v1  }
0x33: {  	[tilespmem:s3+$0x9C20] =	vst v1  }
0x34: {  	[tilespmem:s3+$0x9C30] =	vst v1  }
0x35: {  	[tilespmem:s3+$0x9C40] =	vst v1  }
0x36: {  	[tilespmem:s3+$0x9C50] =	vst v1  }
0x37: {  	[tilespmem:s3+$0x9C60] =	vst v1  }
0x38: {  	[tilespmem:s3+$0x9C70] =	vst v1  }
0x39: {  	[tilespmem:s3+$0xA000] =	vst v1  }
0x3a: {  	[tilespmem:s3+$0xA010] =	vst v1  }
0x3b: {  	[tilespmem:s3+$0xA020] =	vst v1  }
0x3c: {  	[tilespmem:s3+$0xA030] =	vst v1  }
0x3d: {  	[tilespmem:s3+$0xA040] =	vst v1  }
0x3e: {  	[tilespmem:s3+$0xA050] =	vst v1  }
0x3f: {  	[tilespmem:s3+$0xA060] =	vst v1  }
0x40: {  	[tilespmem:s3+$0xA070] =	vst v1  }
0x41: {  	[tilespmem:s3+$0xA400] =	vst v1  }
0x42: {  	[tilespmem:s3+$0xA410] =	vst v1  }
0x43: {  	[tilespmem:s3+$0xA420] =	vst v1  }
0x44: {  	[tilespmem:s3+$0xA430] =	vst v1  }
0x45: {  	[tilespmem:s3+$0xA440] =	vst v1  }
0x46: {  	[tilespmem:s3+$0xA450] =	vst v1  }
0x47: {  	[tilespmem:s3+$0xA460] =	vst v1  }
0x48: {  	[tilespmem:s3+$0xA470] =	vst v1  }
0x49: {  	[tilespmem:s3+$0xA800] =	vst v1  }
0x4a: {  	[tilespmem:s3+$0xA810] =	vst v1  }
0x4b: {  	s9 =	simm.s32 $0x0;
	s7 =	simm.s32 $0x2;
	[tilespmem:s3+$0xA820] =	vst v1  }
.LBB2_3:
0x4c: {  	p0 =	seq.s32 s7, $0x7F;
	s9 =	smul.u32 $0x5000, s9;
	[tilespmem:s3+$0xA830] =	vst v1  }
0x4d: {  	s6 =	sadd.s32 $0x80, s6;
	[tilespmem:s3+$0xA840] =	vst v1  }
0x4e: {  	s12 =	sand.u32 $0x380, s6;
	s9 =	sshra.s32 s9, $0x2;
	[tilespmem:s3+$0xA850] =	vst v1  }
0x4f: {  	[tilespmem:s3+$0xA860] =	vst v1;
	s3 =	sor.u32 s12, s9  }
0x50: {  	[tilespmem:s3+$0xA870] =	vst v1  }
0x51: {  	[tilespmem:s3+$0x9800] =	vst v1  }
0x52: {  	[tilespmem:s3+$0x9810] =	vst v1  }
0x53: {  	[tilespmem:s3+$0x9820] =	vst v1  }
0x54: {  	[tilespmem:s3+$0x9830] =	vst v1  }
0x55: {  	[tilespmem:s3+$0x9840] =	vst v1  }
0x56: {  	[tilespmem:s3+$0x9850] =	vst v1  }
0x57: {  	[tilespmem:s3+$0x9860] =	vst v1  }
0x58: {  	[tilespmem:s3+$0x9870] =	vst v1  }
0x59: {  	[tilespmem:s3+$0x9C00] =	vst v1  }
0x5a: {  	[tilespmem:s3+$0x9C10] =	vst v1  }
0x5b: {  	[tilespmem:s3+$0x9C20] =	vst v1  }
0x5c: {  	[tilespmem:s3+$0x9C30] =	vst v1  }
0x5d: {  	[tilespmem:s3+$0x9C40] =	vst v1  }
0x5e: {  	[tilespmem:s3+$0x9C50] =	vst v1  }
0x5f: {  	[tilespmem:s3+$0x9C60] =	vst v1  }
0x60: {  	[tilespmem:s3+$0x9C70] =	vst v1  }
0x61: {  	[tilespmem:s3+$0xA000] =	vst v1  }
0x62: {  	[tilespmem:s3+$0xA010] =	vst v1  }
0x63: {  	[tilespmem:s3+$0xA020] =	vst v1  }
0x64: {  	[tilespmem:s3+$0xA030] =	vst v1  }
0x65: {  	[tilespmem:s3+$0xA040] =	vst v1  }
0x66: {  	[tilespmem:s3+$0xA050] =	vst v1  }
0x67: {  	[tilespmem:s3+$0xA060] =	vst v1  }
0x68: {  	[tilespmem:s3+$0xA070] =	vst v1  }
0x69: {  	[tilespmem:s3+$0xA400] =	vst v1  }
0x6a: {  	[tilespmem:s3+$0xA410] =	vst v1  }
0x6b: {  	[tilespmem:s3+$0xA420] =	vst v1  }
0x6c: {  	[tilespmem:s3+$0xA430] =	vst v1  }
0x6d: {  	[tilespmem:s3+$0xA440] =	vst v1  }
0x6e: {  	[tilespmem:s3+$0xA450] =	vst v1  }
.Ltmp4:
0x6f: {  	[tilespmem:s3+$0xA460] =	vst v1;
	(pc) =	sbr.rel @!p0 .LBB2_3-.Ltmp4, $4  }
0x70: {  	[tilespmem:s3+$0xA470] =	vst v1  }
0x71: {  	[tilespmem:s3+$0xA800] =	vst v1  }
0x72: {  	[tilespmem:s3+$0xA810] =	vst v1  }
0x73: {  	s9 =	sshrl.u32 s7, $0x3;
	s7 =	sadd.s32 $0x1, s7;
	[tilespmem:s3+$0xA820] =	vst v1  }
0x74: {  	s7 =	smul.u32 $0x5000, s9;
	[tilespmem:s3+$0xA830] =	vst v1  }
0x75: {  	[tilespmem:s3+$0xA840] =	vst v1;
	s6 =	sadd.s32 $0x80, s6  }
0x76: {  	[tilespmem:s3+$0xA850] =	vst v1;
	s6 =	sand.u32 $0x380, s6;
	s7 =	sshra.s32 s7, $0x2  }
0x77: {  	[tilespmem:s3+$0xA860] =	vst v1;
	s6 =	sor.u32 s6, s7  }
0x78: {  	[tilespmem:s6+$0xA870] =	vst v1  }
0x79: {  	[tilespmem:s6+$0x9800] =	vst v1  }
0x7a: {  	[tilespmem:s6+$0x9810] =	vst v1  }
0x7b: {  	[tilespmem:s6+$0x9820] =	vst v1  }
0x7c: {  	[tilespmem:s6+$0x9830] =	vst v1  }
0x7d: {  	[tilespmem:s6+$0x9840] =	vst v1  }
0x7e: {  	[tilespmem:s6+$0x9850] =	vst v1  }
0x7f: {  	[tilespmem:s6+$0x9860] =	vst v1  }
0x80: {  	[tilespmem:s6+$0x9870] =	vst v1  }
0x81: {  	[tilespmem:s6+$0x9C00] =	vst v1  }
0x82: {  	[tilespmem:s6+$0x9C10] =	vst v1  }
0x83: {  	[tilespmem:s6+$0x9C20] =	vst v1  }
0x84: {  	[tilespmem:s6+$0x9C30] =	vst v1  }
0x85: {  	[tilespmem:s6+$0x9C40] =	vst v1  }
0x86: {  	[tilespmem:s6+$0x9C50] =	vst v1  }
0x87: {  	[tilespmem:s6+$0x9C60] =	vst v1  }
0x88: {  	[tilespmem:s6+$0x9C70] =	vst v1  }
0x89: {  	[tilespmem:s6+$0xA000] =	vst v1  }
0x8a: {  	[tilespmem:s6+$0xA010] =	vst v1  }
0x8b: {  	[tilespmem:s6+$0xA020] =	vst v1  }
0x8c: {  	[tilespmem:s6+$0xA030] =	vst v1  }
0x8d: {  	[tilespmem:s6+$0xA040] =	vst v1  }
0x8e: {  	[tilespmem:s6+$0xA050] =	vst v1  }
0x8f: {  	[tilespmem:s6+$0xA060] =	vst v1  }
0x90: {  	[tilespmem:s6+$0xA070] =	vst v1  }
0x91: {  	[tilespmem:s6+$0xA400] =	vst v1  }
0x92: {  	[tilespmem:s6+$0xA410] =	vst v1  }
0x93: {  	[tilespmem:s6+$0xA420] =	vst v1  }
0x94: {  	[tilespmem:s6+$0xA430] =	vst v1  }
0x95: {  	[tilespmem:s6+$0xA440] =	vst v1  }
0x96: {  	[tilespmem:s6+$0xA450] =	vst v1  }
0x97: {  	[tilespmem:s6+$0xA460] =	vst v1  }
0x98: {  	[tilespmem:s6+$0xA470] =	vst v1  }
0x99: {  	[tilespmem:s6+$0xA800] =	vst v1  }
0x9a: {  	[tilespmem:s6+$0xA810] =	vst v1  }
0x9b: {  	[tilespmem:s6+$0xA820] =	vst v1  }
0x9c: {  	[tilespmem:s6+$0xA830] =	vst v1  }
0x9d: {  	[tilespmem:s6+$0xA840] =	vst v1  }
0x9e: {  	[tilespmem:s6+$0xA850] =	vst v1  }
0x9f: {  	s3 =	simm.s32 $0x0;
	[tilespmem:s6+$0xA860] =	vst v1;
	s6 =	simm.s32 $0x200  }
.LBB2_5:
0xa0: {  	p0 =	seq.s32 s6, $0x3E00;
	[tilespmem:s3+$0x1670] =	vst v4  }
0xa1: {  	[tilespmem:s3+$0x600] =	vst v3  }
0xa2: {  	[tilespmem:s3+$0x1600] =	vst v4  }
0xa3: {  	[tilespmem:s3+$0x610] =	vst v3  }
0xa4: {  	[tilespmem:s3+$0x1610] =	vst v4  }
0xa5: {  	[tilespmem:s3+$0x620] =	vst v3  }
0xa6: {  	[tilespmem:s3+$0x1620] =	vst v4  }
0xa7: {  	[tilespmem:s3+$0x630] =	vst v3  }
0xa8: {  	[tilespmem:s3+$0x1630] =	vst v4  }
0xa9: {  	[tilespmem:s3+$0x640] =	vst v3  }
0xaa: {  	[tilespmem:s3+$0x1640] =	vst v4  }
.Ltmp5:
0xab: {  	[tilespmem:s3+$0x650] =	vst v3;
	(pc) =	sbr.rel @!p0 .LBB2_5-.Ltmp5, $4  }
0xac: {  	[tilespmem:s3+$0x1650] =	vst v4  }
0xad: {  	[tilespmem:s3+$0x660] =	vst v3  }
0xae: {  	[tilespmem:s3+$0x1660] =	vst v4  }
0xaf: {  	[tilespmem:s3+$0x670] =	vst v3;
	s3 =	sshra.s32 s6, $0x2;
	s6 =	sadd.s32 $0x200, s6  }
0xb0: {  	[tilespmem:s3+$0x1670] =	vst v4  }
0xb1: {  	[tilespmem:s3+$0x600] =	vst v3  }
0xb2: {  	[tilespmem:s3+$0x1600] =	vst v4  }
0xb3: {  	[tilespmem:s3+$0x610] =	vst v3  }
0xb4: {  	[tilespmem:s3+$0x1610] =	vst v4  }
0xb5: {  	[tilespmem:s3+$0x620] =	vst v3  }
0xb6: {  	[tilespmem:s3+$0x1620] =	vst v4  }
0xb7: {  	[tilespmem:s3+$0x630] =	vst v3  }
0xb8: {  	[tilespmem:s3+$0x1630] =	vst v4  }
0xb9: {  	[tilespmem:s3+$0x640] =	vst v3  }
0xba: {  	[tilespmem:s3+$0x1640] =	vst v4  }
0xbb: {  	[tilespmem:s3+$0x650] =	vst v3  }
0xbc: {  	[tilespmem:s3+$0x1650] =	vst v4  }
0xbd: {  	[tilespmem:s3+$0x660] =	vst v3;
	s19 =	smul.u32 $0xF00, s0  }
0xbe: {  	[tilespmem:s3+$0x1660] =	vst v4;
	s30 =	rddreg [dreg:$0x8]  }
0xbf: {  	[tilespmem:s3+$0x670] =	vst v3;
	[dreg:$0xd] =	wrdreg s0;
	s3 =	sadd.s32 s30, s19  }
0xc0: {  	s6 =	simm.s32 $0x0;
	s9 =	simm.s32 $0x0;
	s7 =	simm.s32 $0x0;
	v39 =	vmov s3  }
.LBB2_7:
0xc1: {  	s12 =	smul.u32 $0x2A0, s7;
	_ =	sdelay $0x1  }
0xc2: {  	s12 =	sadd.s32 s13, s12  }
0xc3: {  	s12 =	sshrl.u32 s12, $0x3  }
0xc4: {  	s14 =	sadd.s32 s10, s12  }
0xc5: {  	[tilespmem:s6], [sflag:$0x3] =	stream.linear.gather [hbm4b:s14+s6], $0x2A0, $0x38;
	[tilespmem:$0x1FC80] =	vst v63  }
0xc6: {  	_ =	swait.ge [sflag:s20], $0x2A0  }
0xc7: {  	[sflag:s20] =	ssyncset.done $0x0  }
0xc8: {  	s12 =	sadd.s32 s11, s12;
	[sflag:s20] =	ssyncadd.s32 $0xFFFFFD60  }
0xc9: {  	[tilespmem:s21], [sflag:$0x3] =	stream.linear.gather [hbm4b:s12+s6], $0x2A0, $0x38;
	[tilespmem:$0x1FC80] =	vst v63  }
0xca: {  	_ =	swait.ge [sflag:s20], $0x2A0  }
0xcb: {  	[sflag:s20] =	ssyncset.done $0x0  }
0xcc: {  	s30 =	simm.s32 $0x0;
	[sflag:s20] =	ssyncadd.s32 $0xFFFFFD60  }
0xcd: {  	v40 =	vld [tilespmem:s30+$0x300];
	_ =	sdelay $0x4  }
0xce: {  	v40 =	vsub.s32 v40, v39  }
0xcf: {  	vm0 =	vlt.u32 v40, $0x780  }
0xd0: {  	v41 =	vsel vm0, $0x1, v3  }
0xd1: {  	(xrf0) =	vadd.scan.msk.s32 $0xffff, v41;
	_ =	sdelay $0x2  }
0xd2: {  	v63 =	vmov s9  }
0xd3: {  	v41 =	vadd.s32 $0xFFFFFFFF, v63  }
0xd4: {  	v41 =	vbroadcast v41, $0x0  }
0xd5: {  	v42, _, _ =	vpop (xrf0)  }
0xd6: {  	v41 =	vadd.s32 v42, v41;
	(v2sf) =	vpush v42, $0xF  }
0xd7: {  	vm1 =	vlt.s32 v41, $0x1000  }
0xd8: {  	vm0 =	vmand vm0, vm1  }
0xd9: {  	v43 =	vld [tilespmem:s30+$0x0];
	_ =	sdelay $0x4  }
0xda: {  	[tilespmem:v41+s22+$0x0] =	vst.idx.msk vm0, v43  }
0xdb: {  	s14 =	simm.s32 $0x80;
	s12 =	simm.s32 $0x10;
	[tilespmem:v41+s23+$0x0] =	vst.idx.msk vm0, v40  }
.LBB2_8:
0xdc: {  	p0 =	sne.s32 s14, $0xA40;
	v40 =	vld [tilespmem:s12+$0x300];
	_ =	sdelay $0x4  }
0xdd: {  	v40 =	vsub.s32 v40, v39;
	s15 =	spop (v2sf)  }
0xde: {  	vm0 =	vlt.u32 v40, $0x780;
	s9 =	sadd.s32 s9, s15  }
0xdf: {  	v41 =	vsel vm0, $0x1, v3;
	v42 =	vmov s9  }
0xe0: {  	v42 =	vadd.s32 $0xFFFFFFFF, v42;
	(xrf0) =	vadd.scan.msk.s32 $0xffff, v41  }
0xe1: {  	v41 =	vbroadcast v42, $0x0;
	_ =	sdelay $0x4  }
0xe2: {  	v42, _, _ =	vpop (xrf0)  }
0xe3: {  	v41 =	vadd.s32 v42, v41;
	(v2sf) =	vpush v42, $0xF  }
0xe4: {  	vm1 =	vlt.s32 v41, $0x1000  }
0xe5: {  	vm0 =	vmand vm0, vm1  }
0xe6: {  	v42 =	vld [tilespmem:s12+$0x0];
	_ =	sdelay $0x1  }
.Ltmp6:
0xe7: {  	(pc) =	sbr.rel @p0 .LBB2_8-.Ltmp6, $3  }
0xe8: {  	_ =	sdelay $0x1  }
0xe9: {  	[tilespmem:v41+s22+$0x0] =	vst.idx.msk vm0, v42  }
0xea: {  	s12 =	sshra.s32 s14, $0x2;
	s14 =	sadd.s32 $0x40, s14;
	[tilespmem:v41+s23+$0x0] =	vst.idx.msk vm0, v40  }
0xeb: {  	v40 =	vld [tilespmem:s12+$0x300];
	_ =	sdelay $0x4  }
0xec: {  	v40 =	vsub.s32 v40, v39  }
0xed: {  	vm0 =	vlt.u32 v40, $0x780  }
0xee: {  	v41 =	vsel vm0, $0x1, v3  }
0xef: {  	(xrf0) =	vadd.scan.msk.s32 $0xffff, v41;
	_ =	sdelay $0x5  }
0xf0: {  	v41, _, _ =	vpop (xrf0)  }
0xf1: {  	(v2sf) =	vpush v41, $0xF  }
0xf2: {  	s14 =	spop (v2sf)  }
0xf3: {  	s9 =	sadd.s32 s9, s14  }
0xf4: {  	v42 =	vmov s9  }
0xf5: {  	v42 =	vadd.s32 $0xFFFFFFFF, v42  }
0xf6: {  	v42 =	vbroadcast v42, $0x0;
	_ =	sdelay $0x1  }
0xf7: {  	v41 =	vadd.s32 v41, v42  }
0xf8: {  	vm1 =	vlt.s32 v41, $0x1000  }
0xf9: {  	vm0 =	vmand vm0, vm1  }
0xfa: {  	v63 =	vld [tilespmem:s12+$0x0];
	s7 =	sadd.s32 $0x1, s7  }
0xfb: {  	p0 =	sne.s32 s7, $0x40  }
.Ltmp7:
0xfc: {  	_ = 	snop;
	(pc) =	sbr.rel @p0 .LBB2_7-.Ltmp7, $3  }
0xfd: {  	_ =	sdelay $0x1  }
0xfe: {  	[tilespmem:v41+s22+$0x0] =	vst.idx.msk vm0, v63;
	s30 =	spop (v2sf)  }
0xff: {  	[tilespmem:v41+s23+$0x0] =	vst.idx.msk vm0, v40;
	s9 =	sadd.s32 s9, s30  }
0x100: {  	s0 =	rddreg [dreg:$0x9]  }
0x101: {  	[spmem:s0] =	stream.linear.scatter [tilespmem:s22], [sflag:$0x3], $0x1000, $0x38;
	[tilespmem:$0x1FC80] =	vst v63  }
0x102: {  	_ =	swait.ge [sflag:s20], $0x1000  }
0x103: {  	[sflag:s20] =	ssyncset.done $0x0  }
0x104: {  	s18 =	rddreg [dreg:$0xa];
	[sflag:s20] =	ssyncadd.s32 $0xFFFFF000  }
0x105: {  	[spmem:s18] =	stream.linear.scatter [tilespmem:s23], [sflag:$0x3], $0x1000, $0x38;
	[tilespmem:$0x1FC80] =	vst v63  }
0x106: {  	_ =	swait.ge [sflag:s20], $0x1000  }
0x107: {  	s19 =	rddreg [dreg:$0x6]  }
0x108: {  	s6 =	sadd.s32 s19, s3  }
0x109: {  	[sflag:s20] =	ssyncset.done $0x0;
	s30 =	rddreg [dreg:$0x7];
	s3 =	sshrl.u32 s6, $0x1  }
0x10a: {  	[sflag:s20] =	ssyncadd.s32 $0xFFFFF000;
	s7 =	sadd.s32 s30, s3;
	s3 =	simm.s32 $0x0  }
0x10b: {  	[tilespmem:s24], [sflag:$0x3] =	stream.linear.gather [hbm4b:s7+s3], $0x200, $0x38;
	[tilespmem:$0x1FC80] =	vst v63  }
0x10c: {  	_ =	swait.ge [sflag:s20], $0x200  }
0x10d: {  	[sflag:s20] =	ssyncset.done $0x0  }
0x10e: {  	[sflag:s20] =	ssyncadd.s32 $0xFFFFFE00  }
0x10f: {  	s9 =	simm.s32 $0x0;
	s7 =	simm.s32 $0x40;
	[bflag:$0x0] =	sbarrier.arrive $0xFFFF  }
.LBB2_11:
0x110: {  	p0 =	sne.s32 s7, $0x2FC0;
	[tilespmem:s9+$0x2E00] =	vst v3;
	s12 =	smov.u32 s7;
	s7 =	sadd.s32 $0x40, s7  }
.Ltmp8:
0x111: {  	[tilespmem:s9+$0x3A00] =	vst v6;
	(pc) =	sbr.rel @p0 .LBB2_11-.Ltmp8, $2  }
0x112: {  	_ =	sdelay $0x2  }
0x113: {  	s9 =	sshra.s32 s12, $0x2  }
0x114: {  	[tilespmem:s9+$0x2E00] =	vst v3  }
0x115: {  	[tilespmem:s9+$0x3A00] =	vst v6;
	s7 =	simm.s32 $0x0  }
.LBB2_13:
0x116: {  	s9 =	sshll.u32 s7, $0xC;
	s12 =	simm.s32 $0x0  }
.LBB2_14:
0x117: {  	s14 =	sshll.u32 s12, $0xA  }
0x118: {  	s14 =	sadd.s32 s9, s14  }
0x119: {  	s15 =	sadd.s32 s14, s4  }
0x11a: {  	[tilespmem:s25], [sflag:$0x3] =	stream.linear.gather [spmem:s15], $0x400, $0x38;
	[tilespmem:$0x1FC80] =	vst v63  }
0x11b: {  	_ =	swait.ge [sflag:s20], $0x400  }
0x11c: {  	[sflag:s20] =	ssyncset.done $0x0  }
0x11d: {  	s14 =	sadd.s32 s14, s5;
	[sflag:s20] =	ssyncadd.s32 $0xFFFFFC00  }
0x11e: {  	[tilespmem:s26], [sflag:$0x3] =	stream.linear.gather [spmem:s14], $0x400, $0x38;
	[tilespmem:$0x1FC80] =	vst v63  }
0x11f: {  	_ =	swait.ge [sflag:s20], $0x400  }
0x120: {  	[sflag:s20] =	ssyncset.done $0x0  }
0x121: {  	s30 =	simm.s32 $0x0;
	[sflag:s20] =	ssyncadd.s32 $0xFFFFFC00  }
0x122: {  	v39 =	vld [tilespmem:s30+$0x2A00];
	_ =	sdelay $0x4  }
0x123: {  	v39 =	vsub.s32 v39, v0  }
0x124: {  	vm0 =	vlt.u32 v39, $0x78  }
0x125: {  	v40 =	vsel vm0, $0x1, v3  }
0x126: {  	(xrf0) =	vadd.scan.msk.s32 $0xffff, v40;
	_ =	sdelay $0x2  }
0x127: {  	v63 =	vmov s3  }
0x128: {  	v40 =	vadd.s32 $0xFFFFFFFF, v63  }
0x129: {  	v40 =	vbroadcast v40, $0x0  }
0x12a: {  	v41, _, _ =	vpop (xrf0)  }
0x12b: {  	v40 =	vadd.s32 v41, v40;
	(v2sf) =	vpush v41, $0xF  }
0x12c: {  	vm1 =	vlt.s32 v40, $0xC00  }
0x12d: {  	vm0 =	vmand vm0, vm1  }
0x12e: {  	v42 =	vld [tilespmem:s30+$0x2600];
	_ =	sdelay $0x4  }
0x12f: {  	[tilespmem:v40+s28+$0x0] =	vst.idx.msk vm0, v42  }
0x130: {  	s15 =	simm.s32 $0x80;
	s14 =	simm.s32 $0x10;
	[tilespmem:v40+s29+$0x0] =	vst.idx.msk vm0, v39  }
.LBB2_15:
0x131: {  	p0 =	sne.s32 s15, $0xFC0;
	v39 =	vld [tilespmem:s14+$0x2A00];
	_ =	sdelay $0x4  }
0x132: {  	v39 =	vsub.s32 v39, v0;
	s18 =	spop (v2sf)  }
0x133: {  	vm0 =	vlt.u32 v39, $0x78;
	s3 =	sadd.s32 s3, s18  }
0x134: {  	v40 =	vsel vm0, $0x1, v3;
	v41 =	vmov s3  }
0x135: {  	v41 =	vadd.s32 $0xFFFFFFFF, v41;
	(xrf0) =	vadd.scan.msk.s32 $0xffff, v40  }
0x136: {  	v40 =	vbroadcast v41, $0x0;
	_ =	sdelay $0x4  }
0x137: {  	v41, _, _ =	vpop (xrf0)  }
0x138: {  	v40 =	vadd.s32 v41, v40;
	(v2sf) =	vpush v41, $0xF  }
0x139: {  	vm1 =	vlt.s32 v40, $0xC00  }
0x13a: {  	vm0 =	vmand vm0, vm1  }
0x13b: {  	v41 =	vld [tilespmem:s14+$0x2600];
	_ =	sdelay $0x1  }
.Ltmp9:
0x13c: {  	(pc) =	sbr.rel @p0 .LBB2_15-.Ltmp9, $3  }
0x13d: {  	_ =	sdelay $0x1  }
0x13e: {  	[tilespmem:v40+s28+$0x0] =	vst.idx.msk vm0, v41  }
0x13f: {  	s14 =	sshra.s32 s15, $0x2;
	s15 =	sadd.s32 $0x40, s15;
	[tilespmem:v40+s29+$0x0] =	vst.idx.msk vm0, v39  }
0x140: {  	v39 =	vld [tilespmem:s14+$0x2A00];
	_ =	sdelay $0x4  }
0x141: {  	v39 =	vsub.s32 v39, v0  }
0x142: {  	vm0 =	vlt.u32 v39, $0x78  }
0x143: {  	v40 =	vsel vm0, $0x1, v3  }
0x144: {  	(xrf0) =	vadd.scan.msk.s32 $0xffff, v40;
	_ =	sdelay $0x5  }
0x145: {  	v40, _, _ =	vpop (xrf0)  }
0x146: {  	(v2sf) =	vpush v40, $0xF  }
0x147: {  	s15 =	spop (v2sf)  }
0x148: {  	s3 =	sadd.s32 s3, s15  }
0x149: {  	v41 =	vmov s3  }
0x14a: {  	v41 =	vadd.s32 $0xFFFFFFFF, v41  }
0x14b: {  	v41 =	vbroadcast v41, $0x0;
	_ =	sdelay $0x1  }
0x14c: {  	v40 =	vadd.s32 v40, v41  }
0x14d: {  	vm1 =	vlt.s32 v40, $0xC00  }
0x14e: {  	vm0 =	vmand vm0, vm1  }
0x14f: {  	v63 =	vld [tilespmem:s14+$0x2600];
	s12 =	sadd.s32 $0x1, s12  }
0x150: {  	p0 =	sne.s32 s12, $0x4  }
.Ltmp10:
0x151: {  	_ = 	snop;
	(pc) =	sbr.rel @p0 .LBB2_14-.Ltmp10, $3  }
0x152: {  	_ =	sdelay $0x1  }
0x153: {  	[tilespmem:v40+s28+$0x0] =	vst.idx.msk vm0, v63;
	s30 =	spop (v2sf)  }
0x154: {  	[tilespmem:v40+s29+$0x0] =	vst.idx.msk vm0, v39;
	s3 =	sadd.s32 s3, s30  }
0x155: {  	s7 =	sadd.s32 $0x1, s7  }
0x156: {  	p0 =	sne.s32 s7, $0x10  }
.Ltmp11:
0x157: {  	_ = 	snop;
	(pc) =	sbr.rel @p0 .LBB2_13-.Ltmp11, $1  }
0x158: {  	_ =	sdelay $0x3  }
0x159: {  	p0 =	slt.s32 s3, $0xC00  }
0x15a: {  	p1 =	slt.s32 s3, $0xFFFFFFF2;
	s3 =	simm.s32 @!p0 $0xC00  }
0x15b: {  	s3 =	sadd.s32 $0xF, s3  }
0x15c: {  	s7 =	sand.u32 $0xF, s3  }
0x15d: {  	s9 =	sshra.s32 s3, $0x1F;
	p4 =	sne.s32 s7, $0x0  }
0x15e: {  	s15 =	sshrl.u32 s9, $0x1C;
	p0 =	por !p1, !p4  }
0x15f: {  	s7 =	simm.s32 $0x1;
	s3 =	sadd.s32 s15, s3;
	p0 =	por !p0, !p0  }
0x160: {  	s3 =	sshra.s32 s3, $0x4;
	s7 =	simm.s32 @!p0 $0x0  }
0x161: {  	s9 =	ssub.s32 s3, s7  }
0x162: {  	p0 =	slt.s32 s9, $0x1  }
0x163: {  	v39 =	vld @!p0 [tilespmem:$0x2E00];
	_ =	sdelay $0x4  }
0x164: {  	v40 =	vshrl.u32 @!p0 v39, $0x3  }
0x165: {  	v40 =	vmul.u32 @!p0 $0x28, v40  }
0x166: {  	v41 =	vlaneseq.u32 @!p0;
	v39 =	vand.u32 @!p0 $0x7, v39  }
0x167: {  	v42 =	vshrl.u32 @!p0 v41, $0x3;
	v39 =	vor.u32 @!p0 v39, v40;
	v40 =	vand.u32 @!p0 $0x7, v41  }
0x168: {  	v42 =	vmul.u32 @!p0 $0x8, v42;
	v40 =	vperm.xlane @!p0 v39, v40;
	_ =	sdelay $0x1  }
0x169: {  	v40 =	vadd.s32 @!p0 v42, v40;
	_ =	sdelay $0x2  }
0x16a: {  	v41 =	vor.u32 @!p0 $0x8, v41  }
0x16b: {  	vm0 =	vmmov @!p0 $0xffff;
	s3 =	simm.s32 @!p0 $0x0;
	s7 =	simm.s32 @!p0 $0x4800;
	v39 =	vperm.xlane @!p0 v39, v41  }
0x16c: {  	[tilespmem:s7], [sflag:$0x1] =	stream.indirect_vreg.gather @!p0 [hbm4b:s8+s3], $0x80, v40, vm0, $0xb8;
	[tilespmem:$0x1FC80] =	vst v63  }
0x16d: {  	v39 =	vadd.s32 @!p0 v42, v39;
	s7 =	simm.s32 @!p0 $0x5000  }
0x16e: {  	[tilespmem:s7], [sflag:$0x1] =	stream.indirect_vreg.gather @!p0 [hbm4b:s16+s3], $0x80, v40, vm0, $0xb8;
	[tilespmem:$0x1FC80] =	vst v63  }
0x16f: {  	vm1 =	vmmov @!p0 $0xff;
	s7 =	simm.s32 @!p0 $0x5800  }
0x170: {  	[tilespmem:s7], [sflag:$0x1] =	stream.indirect_vreg.gather @!p0 [hbm4b:s17+s3], $0x80, v40, vm1, $0xb8;
	[tilespmem:$0x1FC80] =	vst v63  }
0x171: {  	s7 =	simm.s32 @!p0 $0x5C00  }
0x172: {  	[tilespmem:s7], [sflag:$0x1] =	stream.indirect_vreg.gather @!p0 [hbm4b:s8+s3], $0x80, v39, vm0, $0xb8;
	[tilespmem:$0x1FC80] =	vst v63  }
0x173: {  	s7 =	simm.s32 @!p0 $0x6400  }
0x174: {  	[tilespmem:s7], [sflag:$0x1] =	stream.indirect_vreg.gather @!p0 [hbm4b:s16+s3], $0x80, v39, vm0, $0xb8;
	[tilespmem:$0x1FC80] =	vst v63  }
0x175: {  	p1 =	seq.s32 @!p0 s9, $0x1;
	s7 =	simm.s32 @!p0 $0x6C00  }
0x176: {  	[tilespmem:s7], [sflag:$0x1] =	stream.indirect_vreg.gather @!p0 [hbm4b:s17+s3], $0x80, v39, vm1, $0xb8;
	[tilespmem:$0x1FC80] =	vst v63  }
0x177: {  	p0 =	por p1, p0  }
0x178: {  	v39 =	vld @!p0 [tilespmem:$0x2E10];
	_ =	sdelay $0x4  }
0x179: {  	v40 =	vshrl.u32 @!p0 v39, $0x3  }
0x17a: {  	v40 =	vmul.u32 @!p0 $0x28, v40  }
0x17b: {  	v41 =	vlaneseq.u32 @!p0;
	v39 =	vand.u32 @!p0 $0x7, v39  }
0x17c: {  	v42 =	vshrl.u32 @!p0 v41, $0x3;
	v39 =	vor.u32 @!p0 v39, v40;
	v40 =	vand.u32 @!p0 $0x7, v41  }
0x17d: {  	v42 =	vmul.u32 @!p0 $0x8, v42;
	v40 =	vperm.xlane @!p0 v39, v40;
	_ =	sdelay $0x1  }
0x17e: {  	v40 =	vadd.s32 @!p0 v42, v40;
	_ =	sdelay $0x2  }
0x17f: {  	v41 =	vor.u32 @!p0 $0x8, v41  }
0x180: {  	vm0 =	vmmov @!p0 $0xffff;
	s3 =	simm.s32 @!p0 $0x0;
	s7 =	simm.s32 @!p0 $0x7000;
	v39 =	vperm.xlane @!p0 v39, v41  }
0x181: {  	[tilespmem:s7], [sflag:$0x2] =	stream.indirect_vreg.gather @!p0 [hbm4b:s8+s3], $0x80, v40, vm0, $0xb8;
	[tilespmem:$0x1FC80] =	vst v63  }
0x182: {  	v39 =	vadd.s32 @!p0 v42, v39;
	s7 =	simm.s32 @!p0 $0x7800  }
0x183: {  	[tilespmem:s7], [sflag:$0x2] =	stream.indirect_vreg.gather @!p0 [hbm4b:s16+s3], $0x80, v40, vm0, $0xb8;
	[tilespmem:$0x1FC80] =	vst v63  }
0x184: {  	vm1 =	vmmov @!p0 $0xff;
	s7 =	simm.s32 @!p0 $0x8000  }
0x185: {  	[tilespmem:s7], [sflag:$0x2] =	stream.indirect_vreg.gather @!p0 [hbm4b:s17+s3], $0x80, v40, vm1, $0xb8;
	[tilespmem:$0x1FC80] =	vst v63  }
0x186: {  	s18 =	sadd.s32 $0x1, s9;
	s7 =	simm.s32 @!p0 $0x8400  }
0x187: {  	[tilespmem:s7], [sflag:$0x2] =	stream.indirect_vreg.gather @!p0 [hbm4b:s8+s3], $0x80, v39, vm0, $0xb8;
	[tilespmem:$0x1FC80] =	vst v63  }
0x188: {  	s19 =	sand.u32 $0x1, s18;
	s7 =	simm.s32 @!p0 $0x8C00  }
0x189: {  	[tilespmem:s7], [sflag:$0x2] =	stream.indirect_vreg.gather @!p0 [hbm4b:s16+s3], $0x80, v39, vm0, $0xb8;
	[tilespmem:$0x1FC80] =	vst v63  }
0x18a: {  	p5 =	slt.s32 s9, $0x0;
	p6 =	seq.s32 s19, $0x1;
	s7 =	simm.s32 @!p0 $0x9400  }
0x18b: {  	[tilespmem:s7], [sflag:$0x2] =	stream.indirect_vreg.gather @!p0 [hbm4b:s17+s3], $0x80, v39, vm1, $0xb8;
	[tilespmem:$0x1FC80] =	vst v63  }
0x18c: {  	s30 =	sshrl.u32 s18, $0x1F;
	p0 =	por !p5, !p6  }
0x18d: {  	s3 =	sadd.s32 s30, s18;
	s7 =	simm.s32 $0x1;
	p0 =	por !p0, !p0  }
0x18e: {  	s3 =	sshra.s32 s3, $0x1;
	s7 =	simm.s32 @!p0 $0x0  }
0x18f: {  	s12 =	ssub.s32 s3, s7  }
0x190: {  	p0 =	slt.s32 s12, $0x1  }
.Ltmp12:
0x191: {  	_ = 	snop;
	(pc) =	sbr.rel @!p0 .LBB2_19-.Ltmp12, $2  }
0x192: {  	_ =	sdelay $0x2  }
0x193: {  	s14 =	simm.s32 $0x0  }
.LBB2_28:
.Ltmp13:
0x194: {  	(pc) =	sbr.rel .LBB2_29-.Ltmp13, $2  }
0x195: {  	_ =	sdelay $0x2  }
0x196: {  	s3 =	simm.s32 $0x0;
	s7 =	simm.s32 $0xA470;
	s9 =	simm.s32 $0x0  }
.LBB2_33:
0x197: {  	s9 =	sadd.s32 $0x1, s9  }
0x198: {  	p0 =	sne.s32 s9, $0xF  }
.Ltmp14:
0x199: {  	_ = 	snop;
	(pc) =	sbr.rel @!p0 .LBB2_34-.Ltmp14, $2  }
0x19a: {  	_ =	sdelay $0x2  }
0x19b: {  	s3 =	sadd.s32 $0x8, s3;
	s7 =	sadd.s32 $0x1400, s7  }
.LBB2_29:
0x19c: {  	s0 =	sshll.u32 s9, $0x3  }
0x19d: {  	s12 =	sadd.s32 s6, s0  }
0x19e: {  	p0 =	sgt.u32 s12, $0x9C3F  }
.Ltmp15:
0x19f: {  	_ = 	snop;
	(pc) =	sbr.rel @p0 .LBB2_33-.Ltmp15, $1  }
0x1a0: {  	_ =	sdelay $0x3  }
0x1a1: {  	v39 =	vmov s3  }
0x1a2: {  	v40 =	vshrl.u32 v39, $0x3  }
0x1a3: {  	v39 =	vshll.u32 v39, $0x7;
	v40 =	vmul.u32 $0x1400, v40  }
0x1a4: {  	v39 =	vand.u32 $0x380, v39  }
0x1a5: {  	v39 =	vor.u32 v39, v40  }
0x1a6: {  	v40 =	vadd.s32 $0x1000, v39  }
0x1a7: {  	v41 =	vor.u32 $0x1, v40;
	_ =	sdelay $0x3  }
0x1a8: {  	v42 =	vor.u32 $0x2, v40  }
0x1a9: {  	v41 =	vld.idx.msk [tilespmem:v41+s1+$0x0], $0xffff  }
0x1aa: {  	v39 =	vadd.s32 $0x1003, v39;
	v40 =	vld.idx.msk [tilespmem:v40+s1+$0x0], $0xffff;
	_ =	sdelay $0x2  }
0x1ab: {  	v42 =	vld.idx.msk [tilespmem:v42+s1+$0x0], $0xffff  }
0x1ac: {  	v41 =	vadd.f32 $1.000000020e-16, v41  }
0x1ad: {  	v39 =	vld.idx.msk [tilespmem:v39+s1+$0x0], $0xffff;
	v40 =	vadd.f32 $1.000000020e-16, v40  }
0x1ae: {  	(erf) = vrcp.f32 v41  }
0x1af: {  	(erf) = vrcp.f32 v40  }
0x1b0: {  	v56 =	vadd.f32 $1.000000020e-16, v42;
	_ =	sdelay $0x1  }
0x1b1: {  	v39 =	vadd.f32 $1.000000020e-16, v39;
	(erf) = vrcp.f32 v56  }
0x1b2: {  	s15 =	sadd.s32 $0x0, s7  }
0x1b3: {  	v58 =	vld [tilespmem:s15+$0xFFFFF390];
	(erf) = vrcp.f32 v39  }
0x1b4: {  	v57 =	vld [tilespmem:s15+$0xFFFFF790];
	_ =	sdelay $0x1  }
0x1b5: {  	v59 =	vld [tilespmem:s15+$0xFFFFFB90];
	v48 =	vpop (erf)  }
0x1b6: {  	v43 =	vpop (erf)  }
0x1b7: {  	v60 =	vld [tilespmem:s15+$0xFFFFFF90];
	v39 =	vmul.f32 v58, v43  }
0x1b8: {  	v44 =	vmul.f32 v57, v48  }
0x1b9: {  	v40 =	vpop (erf)  }
0x1ba: {  	v41 =	vmul.f32 v59, v40;
	v44 =	vadd.f32 v44, v39  }
0x1bb: {  	v39 =	vpop (erf)  }
0x1bc: {  	v41 =	vadd.f32 v41, v44;
	v42 =	vmul.f32 v60, v39  }
0x1bd: {  	v61 =	vld [tilespmem:$0x1DC00]  }
0x1be: {  	v41 =	vadd.f32 v42, v41;
	_ =	sdelay $0x1  }
0x1bf: {  	v41 =	vmul.f32 $2.500000000e-01, v41;
	_ =	sdelay $0x1  }
0x1c0: {  	v41 =	vadd.f32 v41, v61  }
0x1c1: {  	s14 =	simm.s32 $0x0  }
0x1c2: {  	[tilespmem:s14+$0x1D800] =	vst v41  }
0x1c3: {  	v41 =	vld [tilespmem:s15+$0xFFFFF3A0]  }
0x1c4: {  	v62 =	vld [tilespmem:s15+$0xFFFFF7A0];
	_ =	sdelay $0x1  }
0x1c5: {  	v63 =	vld [tilespmem:s15+$0xFFFFFBA0];
	_ =	sdelay $0x1  }
0x1c6: {  	v45 =	vld [tilespmem:s15+$0xFFFFFFA0]  }
0x1c7: {  	v41 =	vmul.f32 v41, v43;
	v42 =	vmul.f32 v62, v48;
	_ =	sdelay $0x1  }
0x1c8: {  	v47 =	vmul.f32 v63, v40;
	v41 =	vadd.f32 v42, v41;
	_ =	sdelay $0x1  }
0x1c9: {  	v49 =	vmul.f32 v45, v39;
	v41 =	vadd.f32 v47, v41  }
0x1ca: {  	v50 =	vld [tilespmem:$0x1DC10]  }
0x1cb: {  	v41 =	vadd.f32 v49, v41;
	_ =	sdelay $0x1  }
0x1cc: {  	v41 =	vmul.f32 $2.500000000e-01, v41;
	_ =	sdelay $0x1  }
0x1cd: {  	v41 =	vadd.f32 v41, v50;
	_ =	sdelay $0x1  }
0x1ce: {  	[tilespmem:s14+$0x1D810] =	vst v41  }
0x1cf: {  	v41 =	vld [tilespmem:s15+$0xFFFFF3B0]  }
0x1d0: {  	v51 =	vld [tilespmem:s15+$0xFFFFF7B0];
	_ =	sdelay $0x1  }
0x1d1: {  	v52 =	vld [tilespmem:s15+$0xFFFFFBB0];
	_ =	sdelay $0x1  }
0x1d2: {  	v53 =	vld [tilespmem:s15+$0xFFFFFFB0]  }
0x1d3: {  	v41 =	vmul.f32 v41, v43;
	v42 =	vmul.f32 v51, v48;
	_ =	sdelay $0x1  }
0x1d4: {  	v54 =	vmul.f32 v52, v40;
	v41 =	vadd.f32 v42, v41;
	_ =	sdelay $0x1  }
0x1d5: {  	v55 =	vmul.f32 v53, v39;
	v41 =	vadd.f32 v54, v41  }
0x1d6: {  	v56 =	vld [tilespmem:$0x1DC20]  }
0x1d7: {  	v41 =	vadd.f32 v55, v41;
	_ =	sdelay $0x1  }
0x1d8: {  	v41 =	vmul.f32 $2.500000000e-01, v41;
	_ =	sdelay $0x1  }
0x1d9: {  	v41 =	vadd.f32 v41, v56;
	_ =	sdelay $0x1  }
0x1da: {  	[tilespmem:s14+$0x1D820] =	vst v41  }
0x1db: {  	v41 =	vld [tilespmem:s15+$0xFFFFF3C0]  }
0x1dc: {  	v57 =	vld [tilespmem:s15+$0xFFFFF7C0];
	_ =	sdelay $0x1  }
0x1dd: {  	v58 =	vld [tilespmem:s15+$0xFFFFFBC0];
	_ =	sdelay $0x1  }
0x1de: {  	v59 =	vld [tilespmem:s15+$0xFFFFFFC0]  }
0x1df: {  	v41 =	vmul.f32 v41, v43;
	v42 =	vmul.f32 v57, v48;
	_ =	sdelay $0x1  }
0x1e0: {  	v60 =	vmul.f32 v58, v40;
	v41 =	vadd.f32 v42, v41;
	_ =	sdelay $0x1  }
0x1e1: {  	v61 =	vmul.f32 v59, v39;
	v41 =	vadd.f32 v60, v41  }
0x1e2: {  	v62 =	vld [tilespmem:$0x1DC30]  }
0x1e3: {  	v41 =	vadd.f32 v61, v41;
	_ =	sdelay $0x1  }
0x1e4: {  	v41 =	vmul.f32 $2.500000000e-01, v41;
	_ =	sdelay $0x1  }
0x1e5: {  	v41 =	vadd.f32 v41, v62;
	_ =	sdelay $0x1  }
0x1e6: {  	[tilespmem:s14+$0x1D830] =	vst v41  }
0x1e7: {  	v41 =	vld [tilespmem:s15+$0xFFFFF3D0]  }
0x1e8: {  	v63 =	vld [tilespmem:s15+$0xFFFFF7D0];
	_ =	sdelay $0x1  }
0x1e9: {  	v49 =	vld [tilespmem:s15+$0xFFFFFBD0];
	_ =	sdelay $0x1  }
0x1ea: {  	v50 =	vld [tilespmem:s15+$0xFFFFFFD0]  }
0x1eb: {  	v41 =	vmul.f32 v41, v43;
	v42 =	vmul.f32 v63, v48;
	_ =	sdelay $0x1  }
0x1ec: {  	v51 =	vmul.f32 v49, v40;
	v41 =	vadd.f32 v42, v41;
	_ =	sdelay $0x1  }
0x1ed: {  	v52 =	vmul.f32 v50, v39;
	v41 =	vadd.f32 v51, v41  }
0x1ee: {  	v53 =	vld [tilespmem:$0x1DC40]  }
0x1ef: {  	v41 =	vadd.f32 v52, v41;
	_ =	sdelay $0x1  }
0x1f0: {  	v41 =	vmul.f32 $2.500000000e-01, v41;
	_ =	sdelay $0x1  }
0x1f1: {  	v41 =	vadd.f32 v41, v53;
	_ =	sdelay $0x1  }
0x1f2: {  	[tilespmem:s14+$0x1D840] =	vst v41  }
0x1f3: {  	v41 =	vld [tilespmem:s15+$0xFFFFF7E0]  }
0x1f4: {  	v54 =	vld [tilespmem:s15+$0xFFFFF3E0];
	_ =	sdelay $0x1  }
0x1f5: {  	v55 =	vld [tilespmem:s15+$0xFFFFFBE0];
	_ =	sdelay $0x1  }
0x1f6: {  	v56 =	vld [tilespmem:s15+$0xFFFFFFE0]  }
0x1f7: {  	v41 =	vmul.f32 v41, v48;
	v42 =	vmul.f32 v54, v43;
	_ =	sdelay $0x1  }
0x1f8: {  	v44 =	vmul.f32 v55, v40;
	v41 =	vadd.f32 v41, v42;
	_ =	sdelay $0x1  }
0x1f9: {  	v57 =	vmul.f32 v56, v39;
	v41 =	vadd.f32 v44, v41  }
0x1fa: {  	v58 =	vld [tilespmem:$0x1DC50]  }
0x1fb: {  	v41 =	vadd.f32 v57, v41;
	_ =	sdelay $0x1  }
0x1fc: {  	v41 =	vmul.f32 $2.500000000e-01, v41;
	_ =	sdelay $0x1  }
0x1fd: {  	v41 =	vadd.f32 v41, v58;
	_ =	sdelay $0x1  }
0x1fe: {  	[tilespmem:s14+$0x1D850] =	vst v41  }
0x1ff: {  	v41 =	vld [tilespmem:s15+$0xFFFFF3F0]  }
0x200: {  	v59 =	vld [tilespmem:s15+$0xFFFFF7F0];
	_ =	sdelay $0x1  }
0x201: {  	v60 =	vld [tilespmem:s15+$0xFFFFFBF0];
	_ =	sdelay $0x1  }
0x202: {  	v61 =	vld [tilespmem:s15+$0xFFFFFFF0]  }
0x203: {  	v41 =	vmul.f32 v41, v43;
	v42 =	vmul.f32 v59, v48;
	_ =	sdelay $0x1  }
0x204: {  	v44 =	vmul.f32 v60, v40;
	v41 =	vadd.f32 v42, v41;
	_ =	sdelay $0x1  }
0x205: {  	v62 =	vmul.f32 v61, v39;
	v41 =	vadd.f32 v44, v41  }
0x206: {  	v63 =	vld [tilespmem:$0x1DC60]  }
0x207: {  	v41 =	vadd.f32 v62, v41;
	_ =	sdelay $0x1  }
0x208: {  	v41 =	vmul.f32 $2.500000000e-01, v41;
	_ =	sdelay $0x1  }
0x209: {  	v41 =	vadd.f32 v41, v63;
	_ =	sdelay $0x1  }
0x20a: {  	[tilespmem:s14+$0x1D860] =	vst v41  }
0x20b: {  	v41 =	vld [tilespmem:s15+$0xFFFFF400]  }
0x20c: {  	v49 =	vld [tilespmem:s15+$0xFFFFF800]  }
0x20d: {  	v45 =	vld [tilespmem:s15+$0xFFFFFC00]  }
0x20e: {  	s18 =	sadd.s32 $0x1, s3;
	v44 =	vld [tilespmem:s15+$0x0]  }
0x20f: {  	v46 =	vmov s18  }
0x210: {  	v47 =	vshrl.u32 v46, $0x3  }
0x211: {  	s19 =	simm.s32 $0x400;
	v46 =	vshll.u32 v46, $0x7;
	s15 =	simm.s32 $0x200;
	v42 =	vmul.f32 v41, v43;
	v43 =	vld [tilespmem:$0x1DC70];
	v41 =	vmul.f32 v49, v48  }
.LBB2_31:
0x212: {  	p0 =	sne.s32 s19, $0xE00;
	v47 =	vmul.u32 $0x1400, v47;
	v40 =	vmul.f32 v45, v40;
	s0 =	smov.u32 s19;
	s19 =	sadd.s32 $0x200, s19  }
0x213: {  	v45 =	vand.u32 $0x380, v46;
	v41 =	vadd.f32 v41, v42;
	v39 =	vmul.f32 v44, v39  }
0x214: {  	v42 =	vor.u32 v45, v47  }
0x215: {  	v44 =	vadd.s32 $0x1000, v42;
	v40 =	vadd.f32 v40, v41  }
0x216: {  	v41 =	vor.u32 $0x1, v44;
	v45 =	vor.u32 $0x2, v44  }
0x217: {  	v39 =	vadd.f32 v39, v40;
	_ =	sdelay $0x1  }
0x218: {  	v39 =	vmul.f32 $2.500000000e-01, v39;
	_ =	sdelay $0x1  }
0x219: {  	v40 =	vadd.s32 $0x1003, v42;
	v39 =	vadd.f32 v39, v43;
	_ =	sdelay $0x1  }
0x21a: {  	[tilespmem:s14+$0x1D870] =	vst v39  }
0x21b: {  	v39 =	vld.idx.msk [tilespmem:v41+s1+$0x0], $0xffff  }
0x21c: {  	v41 =	vld.idx.msk [tilespmem:v44+s1+$0x0], $0xffff  }
0x21d: {  	v40 =	vld.idx.msk [tilespmem:v40+s1+$0x0], $0xffff  }
0x21e: {  	v42 =	vld.idx.msk [tilespmem:v45+s1+$0x0], $0xffff;
	_ =	sdelay $0x2  }
0x21f: {  	v39 =	vadd.f32 $1.000000020e-16, v39  }
0x220: {  	v41 =	vadd.f32 $1.000000020e-16, v41  }
0x221: {  	v40 =	vadd.f32 $1.000000020e-16, v40;
	(erf) = vrcp.f32 v39  }
0x222: {  	v39 =	vadd.f32 $1.000000020e-16, v42;
	(erf) = vrcp.f32 v41;
	_ =	sdelay $0x1  }
0x223: {  	s14 =	sshra.s32 s15, $0x2;
	s15 =	smov.u32 s0;
	(erf) = vrcp.f32 v39  }
0x224: {  	s30 =	sadd.s32 s14, s7  }
0x225: {  	v39 =	vld [tilespmem:s30+$0xFFFFF790];
	(erf) = vrcp.f32 v40  }
0x226: {  	v40 =	vld [tilespmem:s30+$0xFFFFF390];
	_ =	sdelay $0x1  }
0x227: {  	v43 =	vld [tilespmem:s30+$0xFFFFFB90]  }
0x228: {  	v41 =	vpop (erf)  }
0x229: {  	v44 =	vld [tilespmem:s30+$0xFFFFFF90];
	v42 =	vpop (erf)  }
0x22a: {  	v46 =	vmul.f32 v39, v41;
	v45 =	vmul.f32 v40, v42  }
0x22b: {  	v40 =	vpop (erf)  }
0x22c: {  	v45 =	vadd.f32 v46, v45;
	v43 =	vmul.f32 v43, v40  }
0x22d: {  	v39 =	vpop (erf)  }
0x22e: {  	v43 =	vadd.f32 v43, v45;
	v44 =	vmul.f32 v44, v39  }
0x22f: {  	v45 =	vld [tilespmem:$0x1DC00]  }
0x230: {  	v43 =	vadd.f32 v44, v43;
	_ =	sdelay $0x1  }
0x231: {  	v43 =	vmul.f32 $2.500000000e-01, v43;
	_ =	sdelay $0x1  }
0x232: {  	v43 =	vadd.f32 v43, v45;
	_ =	sdelay $0x1  }
0x233: {  	[tilespmem:s14+$0x1D800] =	vst v43  }
0x234: {  	v43 =	vld [tilespmem:s30+$0xFFFFF3A0]  }
0x235: {  	v44 =	vld [tilespmem:s30+$0xFFFFF7A0];
	_ =	sdelay $0x1  }
0x236: {  	v45 =	vld [tilespmem:s30+$0xFFFFFBA0];
	_ =	sdelay $0x1  }
0x237: {  	v43 =	vmul.f32 v43, v42;
	v46 =	vld [tilespmem:s30+$0xFFFFFFA0]  }
0x238: {  	v44 =	vmul.f32 v44, v41;
	_ =	sdelay $0x1  }
0x239: {  	v43 =	vadd.f32 v44, v43;
	v44 =	vmul.f32 v45, v40;
	_ =	sdelay $0x1  }
0x23a: {  	v43 =	vadd.f32 v44, v43;
	v44 =	vmul.f32 v46, v39  }
0x23b: {  	v45 =	vld [tilespmem:$0x1DC10]  }
0x23c: {  	v43 =	vadd.f32 v44, v43;
	_ =	sdelay $0x1  }
0x23d: {  	v43 =	vmul.f32 $2.500000000e-01, v43;
	_ =	sdelay $0x1  }
0x23e: {  	v43 =	vadd.f32 v43, v45;
	_ =	sdelay $0x1  }
0x23f: {  	[tilespmem:s14+$0x1D810] =	vst v43  }
0x240: {  	v43 =	vld [tilespmem:s30+$0xFFFFF3B0]  }
0x241: {  	v44 =	vld [tilespmem:s30+$0xFFFFF7B0];
	_ =	sdelay $0x1  }
0x242: {  	v45 =	vld [tilespmem:s30+$0xFFFFFBB0];
	_ =	sdelay $0x1  }
0x243: {  	v43 =	vmul.f32 v43, v42;
	v46 =	vld [tilespmem:s30+$0xFFFFFFB0]  }
0x244: {  	v44 =	vmul.f32 v44, v41;
	_ =	sdelay $0x1  }
0x245: {  	v43 =	vadd.f32 v44, v43;
	v44 =	vmul.f32 v45, v40;
	_ =	sdelay $0x1  }
0x246: {  	v43 =	vadd.f32 v44, v43;
	v44 =	vmul.f32 v46, v39  }
0x247: {  	v45 =	vld [tilespmem:$0x1DC20]  }
0x248: {  	v43 =	vadd.f32 v44, v43;
	_ =	sdelay $0x1  }
0x249: {  	v43 =	vmul.f32 $2.500000000e-01, v43;
	_ =	sdelay $0x1  }
0x24a: {  	v43 =	vadd.f32 v43, v45;
	_ =	sdelay $0x1  }
0x24b: {  	[tilespmem:s14+$0x1D820] =	vst v43  }
0x24c: {  	v43 =	vld [tilespmem:s30+$0xFFFFF3C0]  }
0x24d: {  	v44 =	vld [tilespmem:s30+$0xFFFFF7C0];
	_ =	sdelay $0x1  }
0x24e: {  	v45 =	vld [tilespmem:s30+$0xFFFFFBC0];
	_ =	sdelay $0x1  }
0x24f: {  	v43 =	vmul.f32 v43, v42;
	v46 =	vld [tilespmem:s30+$0xFFFFFFC0]  }
0x250: {  	v44 =	vmul.f32 v44, v41;
	_ =	sdelay $0x1  }
0x251: {  	v43 =	vadd.f32 v44, v43;
	v44 =	vmul.f32 v45, v40;
	_ =	sdelay $0x1  }
0x252: {  	v43 =	vadd.f32 v44, v43;
	v44 =	vmul.f32 v46, v39  }
0x253: {  	v45 =	vld [tilespmem:$0x1DC30]  }
0x254: {  	v43 =	vadd.f32 v44, v43;
	_ =	sdelay $0x1  }
0x255: {  	v43 =	vmul.f32 $2.500000000e-01, v43;
	_ =	sdelay $0x1  }
0x256: {  	v43 =	vadd.f32 v43, v45;
	_ =	sdelay $0x1  }
0x257: {  	[tilespmem:s14+$0x1D830] =	vst v43  }
0x258: {  	v43 =	vld [tilespmem:s30+$0xFFFFF3D0]  }
0x259: {  	v44 =	vld [tilespmem:s30+$0xFFFFF7D0];
	_ =	sdelay $0x1  }
0x25a: {  	v45 =	vld [tilespmem:s30+$0xFFFFFBD0];
	_ =	sdelay $0x1  }
0x25b: {  	v43 =	vmul.f32 v43, v42;
	v46 =	vld [tilespmem:s30+$0xFFFFFFD0]  }
0x25c: {  	v44 =	vmul.f32 v44, v41;
	_ =	sdelay $0x1  }
0x25d: {  	v43 =	vadd.f32 v44, v43;
	v44 =	vmul.f32 v45, v40;
	_ =	sdelay $0x1  }
0x25e: {  	v43 =	vadd.f32 v44, v43;
	v44 =	vmul.f32 v46, v39  }
0x25f: {  	v45 =	vld [tilespmem:$0x1DC40]  }
0x260: {  	v43 =	vadd.f32 v44, v43;
	_ =	sdelay $0x1  }
0x261: {  	v43 =	vmul.f32 $2.500000000e-01, v43;
	_ =	sdelay $0x1  }
0x262: {  	v43 =	vadd.f32 v43, v45;
	_ =	sdelay $0x1  }
0x263: {  	[tilespmem:s14+$0x1D840] =	vst v43  }
0x264: {  	v43 =	vld [tilespmem:s30+$0xFFFFF7E0]  }
0x265: {  	v44 =	vld [tilespmem:s30+$0xFFFFF3E0]  }
0x266: {  	v45 =	vld [tilespmem:s30+$0xFFFFFBE0]  }
0x267: {  	v46 =	vld [tilespmem:s30+$0xFFFFFFE0]  }
0x268: {  	v47 =	vld [tilespmem:$0x1DC50]  }
0x269: {  	v43 =	vmul.f32 v43, v41  }
0x26a: {  	v44 =	vmul.f32 v44, v42  }
0x26b: {  	v45 =	vmul.f32 v45, v40  }
0x26c: {  	v43 =	vadd.f32 v43, v44;
	v44 =	vmul.f32 v46, v39;
	_ =	sdelay $0x1  }
0x26d: {  	v43 =	vadd.f32 v45, v43;
	_ =	sdelay $0x1  }
0x26e: {  	v43 =	vadd.f32 v44, v43;
	_ =	sdelay $0x1  }
0x26f: {  	v43 =	vmul.f32 $2.500000000e-01, v43;
	_ =	sdelay $0x1  }
0x270: {  	v43 =	vadd.f32 v43, v47;
	_ =	sdelay $0x1  }
0x271: {  	[tilespmem:s14+$0x1D850] =	vst v43  }
0x272: {  	v43 =	vld [tilespmem:s30+$0xFFFFF3F0]  }
0x273: {  	v44 =	vld [tilespmem:s30+$0xFFFFF7F0]  }
0x274: {  	v45 =	vld [tilespmem:s30+$0xFFFFFBF0]  }
0x275: {  	v46 =	vld [tilespmem:s30+$0xFFFFFFF0]  }
0x276: {  	v47 =	vld [tilespmem:$0x1DC60]  }
0x277: {  	v43 =	vmul.f32 v43, v42  }
0x278: {  	v44 =	vmul.f32 v44, v41  }
0x279: {  	v45 =	vmul.f32 v45, v40  }
0x27a: {  	v43 =	vadd.f32 v44, v43;
	v44 =	vmul.f32 v46, v39;
	_ =	sdelay $0x1  }
0x27b: {  	v43 =	vadd.f32 v45, v43;
	_ =	sdelay $0x1  }
0x27c: {  	v43 =	vadd.f32 v44, v43;
	_ =	sdelay $0x1  }
0x27d: {  	v43 =	vmul.f32 $2.500000000e-01, v43;
	_ =	sdelay $0x1  }
0x27e: {  	v43 =	vadd.f32 v43, v47;
	_ =	sdelay $0x1  }
0x27f: {  	[tilespmem:s14+$0x1D860] =	vst v43  }
0x280: {  	v46 =	vld [tilespmem:s30+$0xFFFFF400]  }
0x281: {  	v48 =	vld [tilespmem:s30+$0xFFFFF800]  }
.Ltmp16:
0x282: {  	v45 =	vld [tilespmem:s30+$0xFFFFFC00];
	(pc) =	sbr.rel @p0 .LBB2_31-.Ltmp16, $4  }
0x283: {  	v44 =	vld [tilespmem:s30+$0x0]  }
0x284: {  	s18 =	sadd.s32 $0x1, s18;
	v43 =	vld [tilespmem:$0x1DC70]  }
0x285: {  	v49 =	vmov s18;
	v42 =	vmul.f32 v46, v42  }
0x286: {  	v47 =	vshrl.u32 v49, $0x3;
	v46 =	vshll.u32 v49, $0x7;
	v41 =	vmul.f32 v48, v41  }
0x287: {  	_ = 	snop  }
0x288: {  	v40 =	vmul.f32 v45, v40;
	v41 =	vadd.f32 v41, v42;
	_ =	sdelay $0x1  }
0x289: {  	v63 =	vmul.u32 $0x1400, v47;
	v39 =	vmul.f32 v44, v39;
	v40 =	vadd.f32 v40, v41  }
0x28a: {  	v45 =	vand.u32 $0x380, v46  }
0x28b: {  	v41 =	vor.u32 v45, v63;
	v39 =	vadd.f32 v39, v40  }
0x28c: {  	v46 =	vadd.s32 $0x1000, v41  }
0x28d: {  	v47 =	vor.u32 $0x1, v46;
	v39 =	vmul.f32 $2.500000000e-01, v39;
	_ =	sdelay $0x1  }
0x28e: {  	v39 =	vadd.f32 v39, v43  }
0x28f: {  	v48 =	vor.u32 $0x2, v46  }
0x290: {  	[tilespmem:s14+$0x1D870] =	vst v39  }
0x291: {  	v49 =	vadd.s32 $0x1003, v41;
	v50 =	vld.idx.msk [tilespmem:v47+s1+$0x0], $0xffff  }
0x292: {  	v40 =	vld.idx.msk [tilespmem:v46+s1+$0x0], $0xffff;
	_ =	sdelay $0x1  }
0x293: {  	v51 =	vld.idx.msk [tilespmem:v48+s1+$0x0], $0xffff;
	_ =	sdelay $0x1  }
0x294: {  	v39 =	vld.idx.msk [tilespmem:v49+s1+$0x0], $0xffff;
	v41 =	vadd.f32 $1.000000020e-16, v50  }
0x295: {  	v40 =	vadd.f32 $1.000000020e-16, v40  }
0x296: {  	(erf) = vrcp.f32 v41  }
0x297: {  	v52 =	vadd.f32 $1.000000020e-16, v51;
	(erf) = vrcp.f32 v40;
	_ =	sdelay $0x1  }
0x298: {  	s30 =	sshra.s32 s15, $0x2;
	v39 =	vadd.f32 $1.000000020e-16, v39;
	(erf) = vrcp.f32 v52  }
0x299: {  	s15 =	sadd.s32 s30, s7  }
0x29a: {  	v53 =	vld [tilespmem:s15+$0xFFFFF790];
	(erf) = vrcp.f32 v39  }
0x29b: {  	v54 =	vld [tilespmem:s15+$0xFFFFF390];
	_ =	sdelay $0x1  }
0x29c: {  	v55 =	vld [tilespmem:s15+$0xFFFFFB90]  }
0x29d: {  	v42 =	vpop (erf)  }
0x29e: {  	v56 =	vld [tilespmem:s15+$0xFFFFFF90];
	v44 =	vpop (erf)  }
0x29f: {  	v40 =	vmul.f32 v53, v42;
	v39 =	vmul.f32 v54, v44  }
0x2a0: {  	v45 =	vpop (erf)  }
0x2a1: {  	v57 =	vmul.f32 v55, v45;
	v39 =	vadd.f32 v40, v39  }
0x2a2: {  	v41 =	vpop (erf)  }
0x2a3: {  	v58 =	vmul.f32 v56, v41;
	v39 =	vadd.f32 v57, v39  }
0x2a4: {  	v59 =	vld [tilespmem:$0x1DC00]  }
0x2a5: {  	v39 =	vadd.f32 v58, v39;
	_ =	sdelay $0x1  }
0x2a6: {  	v39 =	vmul.f32 $2.500000000e-01, v39;
	_ =	sdelay $0x1  }
0x2a7: {  	v39 =	vadd.f32 v39, v59;
	_ =	sdelay $0x1  }
0x2a8: {  	[tilespmem:s30+$0x1D800] =	vst v39  }
0x2a9: {  	v39 =	vld [tilespmem:s15+$0xFFFFF3A0]  }
0x2aa: {  	v60 =	vld [tilespmem:s15+$0xFFFFF7A0];
	_ =	sdelay $0x1  }
0x2ab: {  	v61 =	vld [tilespmem:s15+$0xFFFFFBA0];
	_ =	sdelay $0x1  }
0x2ac: {  	v62 =	vld [tilespmem:s15+$0xFFFFFFA0]  }
0x2ad: {  	v39 =	vmul.f32 v39, v44;
	v40 =	vmul.f32 v60, v42;
	_ =	sdelay $0x1  }
0x2ae: {  	v63 =	vmul.f32 v61, v45;
	v39 =	vadd.f32 v40, v39;
	_ =	sdelay $0x1  }
0x2af: {  	v46 =	vmul.f32 v62, v41;
	v39 =	vadd.f32 v63, v39  }
0x2b0: {  	v47 =	vld [tilespmem:$0x1DC10]  }
0x2b1: {  	v39 =	vadd.f32 v46, v39;
	_ =	sdelay $0x1  }
0x2b2: {  	v39 =	vmul.f32 $2.500000000e-01, v39;
	_ =	sdelay $0x1  }
0x2b3: {  	v39 =	vadd.f32 v39, v47;
	_ =	sdelay $0x1  }
0x2b4: {  	[tilespmem:s30+$0x1D810] =	vst v39  }
0x2b5: {  	v39 =	vld [tilespmem:s15+$0xFFFFF3B0]  }
0x2b6: {  	v48 =	vld [tilespmem:s15+$0xFFFFF7B0];
	_ =	sdelay $0x1  }
0x2b7: {  	v49 =	vld [tilespmem:s15+$0xFFFFFBB0];
	_ =	sdelay $0x1  }
0x2b8: {  	v50 =	vld [tilespmem:s15+$0xFFFFFFB0]  }
0x2b9: {  	v39 =	vmul.f32 v39, v44;
	v40 =	vmul.f32 v48, v42;
	_ =	sdelay $0x1  }
0x2ba: {  	v51 =	vmul.f32 v49, v45;
	v39 =	vadd.f32 v40, v39;
	_ =	sdelay $0x1  }
0x2bb: {  	v52 =	vmul.f32 v50, v41;
	v39 =	vadd.f32 v51, v39  }
0x2bc: {  	v53 =	vld [tilespmem:$0x1DC20]  }
0x2bd: {  	v39 =	vadd.f32 v52, v39;
	_ =	sdelay $0x1  }
0x2be: {  	v39 =	vmul.f32 $2.500000000e-01, v39;
	_ =	sdelay $0x1  }
0x2bf: {  	v39 =	vadd.f32 v39, v53;
	_ =	sdelay $0x1  }
0x2c0: {  	[tilespmem:s30+$0x1D820] =	vst v39  }
0x2c1: {  	v39 =	vld [tilespmem:s15+$0xFFFFF3C0]  }
0x2c2: {  	v54 =	vld [tilespmem:s15+$0xFFFFF7C0];
	_ =	sdelay $0x1  }
0x2c3: {  	v55 =	vld [tilespmem:s15+$0xFFFFFBC0];
	_ =	sdelay $0x1  }
0x2c4: {  	v56 =	vld [tilespmem:s15+$0xFFFFFFC0]  }
0x2c5: {  	v39 =	vmul.f32 v39, v44;
	v40 =	vmul.f32 v54, v42;
	_ =	sdelay $0x1  }
0x2c6: {  	v57 =	vmul.f32 v55, v45;
	v39 =	vadd.f32 v40, v39;
	_ =	sdelay $0x1  }
0x2c7: {  	v58 =	vmul.f32 v56, v41;
	v39 =	vadd.f32 v57, v39  }
0x2c8: {  	v59 =	vld [tilespmem:$0x1DC30]  }
0x2c9: {  	v39 =	vadd.f32 v58, v39;
	_ =	sdelay $0x1  }
0x2ca: {  	v39 =	vmul.f32 $2.500000000e-01, v39;
	_ =	sdelay $0x1  }
0x2cb: {  	v39 =	vadd.f32 v39, v59;
	_ =	sdelay $0x1  }
0x2cc: {  	[tilespmem:s30+$0x1D830] =	vst v39  }
0x2cd: {  	v39 =	vld [tilespmem:s15+$0xFFFFF3D0]  }
0x2ce: {  	v60 =	vld [tilespmem:s15+$0xFFFFF7D0];
	_ =	sdelay $0x1  }
0x2cf: {  	v61 =	vld [tilespmem:s15+$0xFFFFFBD0];
	_ =	sdelay $0x1  }
0x2d0: {  	v62 =	vld [tilespmem:s15+$0xFFFFFFD0]  }
0x2d1: {  	v39 =	vmul.f32 v39, v44;
	v40 =	vmul.f32 v60, v42;
	_ =	sdelay $0x1  }
0x2d2: {  	v63 =	vmul.f32 v61, v45;
	v39 =	vadd.f32 v40, v39;
	_ =	sdelay $0x1  }
0x2d3: {  	v46 =	vmul.f32 v62, v41;
	v39 =	vadd.f32 v63, v39  }
0x2d4: {  	v47 =	vld [tilespmem:$0x1DC40]  }
0x2d5: {  	v39 =	vadd.f32 v46, v39;
	_ =	sdelay $0x1  }
0x2d6: {  	v39 =	vmul.f32 $2.500000000e-01, v39;
	_ =	sdelay $0x1  }
0x2d7: {  	v39 =	vadd.f32 v39, v47;
	_ =	sdelay $0x1  }
0x2d8: {  	[tilespmem:s30+$0x1D840] =	vst v39  }
0x2d9: {  	v39 =	vld [tilespmem:s15+$0xFFFFF7E0]  }
0x2da: {  	v48 =	vld [tilespmem:s15+$0xFFFFF3E0];
	_ =	sdelay $0x1  }
0x2db: {  	v49 =	vld [tilespmem:s15+$0xFFFFFBE0];
	_ =	sdelay $0x1  }
0x2dc: {  	v50 =	vld [tilespmem:s15+$0xFFFFFFE0]  }
0x2dd: {  	v39 =	vmul.f32 v39, v42;
	v40 =	vmul.f32 v48, v44;
	_ =	sdelay $0x1  }
0x2de: {  	v43 =	vmul.f32 v49, v45;
	v39 =	vadd.f32 v39, v40;
	_ =	sdelay $0x1  }
0x2df: {  	v51 =	vmul.f32 v50, v41;
	v39 =	vadd.f32 v43, v39  }
0x2e0: {  	v52 =	vld [tilespmem:$0x1DC50]  }
0x2e1: {  	v39 =	vadd.f32 v51, v39;
	_ =	sdelay $0x1  }
0x2e2: {  	v39 =	vmul.f32 $2.500000000e-01, v39;
	_ =	sdelay $0x1  }
0x2e3: {  	v39 =	vadd.f32 v39, v52;
	_ =	sdelay $0x1  }
0x2e4: {  	[tilespmem:s30+$0x1D850] =	vst v39  }
0x2e5: {  	v39 =	vld [tilespmem:s15+$0xFFFFF3F0]  }
0x2e6: {  	v53 =	vld [tilespmem:s15+$0xFFFFF7F0];
	_ =	sdelay $0x1  }
0x2e7: {  	v54 =	vld [tilespmem:s15+$0xFFFFFBF0];
	_ =	sdelay $0x1  }
0x2e8: {  	v55 =	vld [tilespmem:s15+$0xFFFFFFF0]  }
0x2e9: {  	v39 =	vmul.f32 v39, v44;
	v40 =	vmul.f32 v53, v42;
	_ =	sdelay $0x1  }
0x2ea: {  	v43 =	vmul.f32 v54, v45;
	v39 =	vadd.f32 v40, v39;
	_ =	sdelay $0x1  }
0x2eb: {  	v56 =	vmul.f32 v55, v41;
	v39 =	vadd.f32 v43, v39  }
0x2ec: {  	v57 =	vld [tilespmem:$0x1DC60]  }
0x2ed: {  	v39 =	vadd.f32 v56, v39;
	_ =	sdelay $0x1  }
0x2ee: {  	v39 =	vmul.f32 $2.500000000e-01, v39;
	_ =	sdelay $0x1  }
0x2ef: {  	v39 =	vadd.f32 v39, v57;
	_ =	sdelay $0x1  }
0x2f0: {  	[tilespmem:s30+$0x1D860] =	vst v39  }
0x2f1: {  	v39 =	vld [tilespmem:s15+$0xFFFFF400]  }
0x2f2: {  	v58 =	vld [tilespmem:s15+$0xFFFFF800];
	_ =	sdelay $0x1  }
0x2f3: {  	v59 =	vld [tilespmem:s15+$0xFFFFFC00];
	_ =	sdelay $0x1  }
0x2f4: {  	v60 =	vld [tilespmem:s15+$0x0]  }
0x2f5: {  	v39 =	vmul.f32 v39, v44;
	v40 =	vmul.f32 v58, v42;
	_ =	sdelay $0x1  }
0x2f6: {  	v61 =	vmul.f32 v59, v45;
	v39 =	vadd.f32 v40, v39;
	_ =	sdelay $0x1  }
0x2f7: {  	v62 =	vmul.f32 v60, v41;
	v39 =	vadd.f32 v61, v39  }
0x2f8: {  	v63 =	vld [tilespmem:$0x1DC70]  }
0x2f9: {  	v39 =	vadd.f32 v62, v39;
	_ =	sdelay $0x1  }
0x2fa: {  	v39 =	vmul.f32 $2.500000000e-01, v39;
	_ =	sdelay $0x1  }
0x2fb: {  	v39 =	vadd.f32 v39, v63  }
0x2fc: {  	s0 =	sshll.u32 s12, $0x4;
	s18 =	rddreg [dreg:$0x2];
	s19 =	simm.s32 $0x0  }
.Ltmp17:
0x2fd: {  	s0 =	sadd.s32 s18, s0;
	[tilespmem:s30+$0x1D870] =	vst v39;
	s30 =	simm.s32 $0x1D800;
	(pc) =	sbr.rel .LBB2_33-.Ltmp17, $4  }
0x2fe: {  	[hbm4b:s0+s19] =	stream.linear.scatter [tilespmem:s30], [sflag:$0x3], $0x400, $0x38;
	[tilespmem:$0x1FC80] =	vst v63  }
0x2ff: {  	_ =	swait.ge [sflag:s20], $0x400  }
0x300: {  	[sflag:s20] =	ssyncset.done $0x0  }
0x301: {  	[sflag:s20] =	ssyncadd.s32 $0xFFFFFC00  }
.LBB2_27:
0x302: {  	s14 =	sadd.s32 $0x1, s14  }
0x303: {  	p0 =	sne.s32 s14, s12  }
.Ltmp18:
0x304: {  	_ = 	snop;
	(pc) =	sbr.rel @!p0 .LBB2_28-.Ltmp18, $1  }
0x305: {  	_ =	sdelay $0x3  }
.LBB2_19:
0x306: {  	s15 =	sshll.u32 s14, $0x1  }
0x307: {  	p0 =	sge.s32 s15, s9  }
.Ltmp19:
0x308: {  	_ = 	snop;
	(pc) =	sbr.rel @p0 .LBB2_23-.Ltmp19, $1  }
0x309: {  	_ =	sdelay $0x3  }
0x30a: {  	s7 =	sshll.u32 s14, $0x5  }
0x30b: {  	s3 =	sadd.s32 $0x0, s7  }
0x30c: {  	v39 =	vmov s3  }
0x30d: {  	s0 =	simm.s32 $0x1  }
0x30e: {  	_ =	swait.ge [sflag:s0], $0x2800  }
0x30f: {  	[sflag:s0] =	ssyncset.done $0x0;
	s3 =	simm.s32 $0x0  }
0x310: {  	[sflag:s0] =	ssyncadd.s32 $0xFFFFD800;
	v40 =	vmov s3  }
0x311: {  	v41 =	vshrl.u32 v40, $0x3;
	v39 =	vld.idx.msk [tilespmem:v39+s29+$0x0], $0xffff  }
0x312: {  	v40 =	vshll.u32 v40, $0x7;
	v41 =	vmul.u32 $0x1400, v41  }
0x313: {  	v40 =	vand.u32 $0x380, v40  }
0x314: {  	v40 =	vor.u32 v40, v41  }
0x315: {  	v41 =	vadd.s32 $0x1000, v40  }
0x316: {  	v42 =	vor.u32 v7, v41;
	v43 =	vshll.u32 v39, $0x2  }
0x317: {  	v43 =	vor.u32 v5, v43;
	_ =	sdelay $0x3  }
0x318: {  	v42 =	vld.idx.msk [tilespmem:v42+s31+$0x0], $0xffff  }
0x319: {  	v43 =	vld.idx.msk [tilespmem:v43+s24+$0x0], $0xffff;
	_ =	sdelay $0x4  }
0x31a: {  	v42 =	vadd.f32 v43, v42;
	_ =	sdelay $0x1  }
0x31b: {  	v43 =	vmul.f32 $2.000000030e-01, v42;
	_ =	sdelay $0x1  }
0x31c: {  	v42 =	vmax.f32 v42, v43  }
0x31d: {  	v42 =	vmul.f32 $1.442695020e+00, v42;
	_ =	sdelay $0x1  }
0x31e: {  	(erf) = vpow2.f32 v42  }
0x31f: {  	v62 =	vshrl.u32 v39, $0x3  }
0x320: {  	v39 =	vshll.u32 v39, $0x7;
	v42 =	vmul.u32 $0x1400, v62  }
0x321: {  	v39 =	vand.u32 $0x380, v39  }
0x322: {  	v39 =	vor.u32 v39, v42  }
0x323: {  	s18 =	simm.s32 $0x0;
	v42 =	vor.u32 v2, v39  }
0x324: {  	s18 =	smul.u32 $0x5000, s18;
	v63 =	vadd.s32 $0x1000, v42;
	_ =	sdelay $0x1  }
0x325: {  	s19 =	sand.u32 $0x380, s3;
	s18 =	sshra.s32 s18, $0x2  }
0x326: {  	s18 =	sor.u32 s19, s18;
	v44 =	vpop (erf)  }
0x327: {  	[tilespmem:s18+$0x5800] =	vst v44  }
0x328: {  	[tilespmem:v63+s1+$0x0] =	vst.idx.add.f32.msk $0xffff, v44  }
0x329: {  	v43 =	vld.idx.msk [tilespmem:v41+s31+$0x0], $0xffff  }
0x32a: {  	v44 =	vld [tilespmem:s18+$0x4800];
	_ =	sdelay $0x4  }
0x32b: {  	v44 =	vmul.f32 v44, v43;
	_ =	sdelay $0x1  }
0x32c: {  	[tilespmem:v42+s1+$0x0] =	vst.idx.add.f32.msk $0xffff, v44  }
0x32d: {  	v42 =	vld [tilespmem:s18+$0x4810];
	_ =	sdelay $0x1  }
0x32e: {  	v48 =	vor.u32 v8, v39;
	_ =	sdelay $0x2  }
0x32f: {  	v42 =	vmul.f32 v42, v43;
	_ =	sdelay $0x1  }
0x330: {  	[tilespmem:v48+s1+$0x0] =	vst.idx.add.f32.msk $0xffff, v42  }
0x331: {  	v42 =	vld [tilespmem:s18+$0x4820];
	_ =	sdelay $0x1  }
0x332: {  	v49 =	vor.u32 v9, v39;
	_ =	sdelay $0x2  }
0x333: {  	v42 =	vmul.f32 v42, v43;
	_ =	sdelay $0x1  }
0x334: {  	[tilespmem:v49+s1+$0x0] =	vst.idx.add.f32.msk $0xffff, v42  }
0x335: {  	v42 =	vld [tilespmem:s18+$0x4830];
	_ =	sdelay $0x1  }
0x336: {  	v50 =	vor.u32 v10, v39;
	_ =	sdelay $0x2  }
0x337: {  	v42 =	vmul.f32 v42, v43;
	_ =	sdelay $0x1  }
0x338: {  	[tilespmem:v50+s1+$0x0] =	vst.idx.add.f32.msk $0xffff, v42  }
0x339: {  	v42 =	vld [tilespmem:s18+$0x4840];
	_ =	sdelay $0x1  }
0x33a: {  	v51 =	vor.u32 v11, v39;
	_ =	sdelay $0x2  }
0x33b: {  	v42 =	vmul.f32 v42, v43;
	_ =	sdelay $0x1  }
0x33c: {  	[tilespmem:v51+s1+$0x0] =	vst.idx.add.f32.msk $0xffff, v42  }
0x33d: {  	v42 =	vld [tilespmem:s18+$0x4850];
	_ =	sdelay $0x1  }
0x33e: {  	v52 =	vor.u32 v12, v39;
	_ =	sdelay $0x2  }
0x33f: {  	v42 =	vmul.f32 v42, v43;
	_ =	sdelay $0x1  }
0x340: {  	[tilespmem:v52+s1+$0x0] =	vst.idx.add.f32.msk $0xffff, v42  }
0x341: {  	v42 =	vld [tilespmem:s18+$0x4860];
	_ =	sdelay $0x1  }
0x342: {  	v53 =	vor.u32 v13, v39;
	_ =	sdelay $0x2  }
0x343: {  	v42 =	vmul.f32 v42, v43;
	_ =	sdelay $0x1  }
0x344: {  	[tilespmem:v53+s1+$0x0] =	vst.idx.add.f32.msk $0xffff, v42  }
0x345: {  	v42 =	vld [tilespmem:s18+$0x4870];
	_ =	sdelay $0x1  }
0x346: {  	v54 =	vor.u32 v14, v39  }
0x347: {  	v45 =	vor.u32 $0x1, v41;
	_ =	sdelay $0x1  }
0x348: {  	v42 =	vmul.f32 v42, v43;
	_ =	sdelay $0x1  }
0x349: {  	[tilespmem:v54+s1+$0x0] =	vst.idx.add.f32.msk $0xffff, v42  }
0x34a: {  	v42 =	vld.idx.msk [tilespmem:v45+s31+$0x0], $0xffff  }
0x34b: {  	v55 =	vld [tilespmem:s18+$0x4C00];
	_ =	sdelay $0x1  }
0x34c: {  	v56 =	vadd.s32 v15, v39;
	_ =	sdelay $0x2  }
0x34d: {  	v43 =	vmul.f32 v55, v42;
	_ =	sdelay $0x1  }
0x34e: {  	[tilespmem:v56+s1+$0x0] =	vst.idx.add.f32.msk $0xffff, v43  }
0x34f: {  	v43 =	vld [tilespmem:s18+$0x4C10];
	_ =	sdelay $0x1  }
0x350: {  	v57 =	vadd.s32 v16, v39;
	_ =	sdelay $0x2  }
0x351: {  	v43 =	vmul.f32 v43, v42;
	_ =	sdelay $0x1  }
0x352: {  	[tilespmem:v57+s1+$0x0] =	vst.idx.add.f32.msk $0xffff, v43  }
0x353: {  	v43 =	vld [tilespmem:s18+$0x4C20];
	_ =	sdelay $0x1  }
0x354: {  	v58 =	vadd.s32 v17, v39;
	_ =	sdelay $0x2  }
0x355: {  	v43 =	vmul.f32 v43, v42;
	_ =	sdelay $0x1  }
0x356: {  	[tilespmem:v58+s1+$0x0] =	vst.idx.add.f32.msk $0xffff, v43  }
0x357: {  	v43 =	vld [tilespmem:s18+$0x4C30];
	_ =	sdelay $0x1  }
0x358: {  	v59 =	vadd.s32 v18, v39;
	_ =	sdelay $0x2  }
0x359: {  	v43 =	vmul.f32 v43, v42;
	_ =	sdelay $0x1  }
0x35a: {  	[tilespmem:v59+s1+$0x0] =	vst.idx.add.f32.msk $0xffff, v43  }
0x35b: {  	v43 =	vld [tilespmem:s18+$0x4C40];
	_ =	sdelay $0x1  }
0x35c: {  	v60 =	vadd.s32 v19, v39;
	_ =	sdelay $0x2  }
0x35d: {  	v43 =	vmul.f32 v43, v42;
	_ =	sdelay $0x1  }
0x35e: {  	[tilespmem:v60+s1+$0x0] =	vst.idx.add.f32.msk $0xffff, v43  }
0x35f: {  	v43 =	vld [tilespmem:s18+$0x4C50];
	_ =	sdelay $0x1  }
0x360: {  	v61 =	vadd.s32 v20, v39;
	_ =	sdelay $0x2  }
0x361: {  	v43 =	vmul.f32 v43, v42;
	_ =	sdelay $0x1  }
0x362: {  	[tilespmem:v61+s1+$0x0] =	vst.idx.add.f32.msk $0xffff, v43  }
0x363: {  	v43 =	vld [tilespmem:s18+$0x4C60];
	_ =	sdelay $0x1  }
0x364: {  	v62 =	vadd.s32 v21, v39;
	_ =	sdelay $0x2  }
0x365: {  	v43 =	vmul.f32 v43, v42;
	_ =	sdelay $0x1  }
0x366: {  	[tilespmem:v62+s1+$0x0] =	vst.idx.add.f32.msk $0xffff, v43  }
0x367: {  	v43 =	vld [tilespmem:s18+$0x4C70];
	_ =	sdelay $0x1  }
0x368: {  	v63 =	vadd.s32 v22, v39  }
0x369: {  	v41 =	vor.u32 $0x2, v41;
	_ =	sdelay $0x1  }
0x36a: {  	v42 =	vmul.f32 v43, v42;
	_ =	sdelay $0x1  }
0x36b: {  	[tilespmem:v63+s1+$0x0] =	vst.idx.add.f32.msk $0xffff, v42  }
0x36c: {  	v41 =	vld.idx.msk [tilespmem:v41+s31+$0x0], $0xffff  }
0x36d: {  	v42 =	vld [tilespmem:s18+$0x5000];
	_ =	sdelay $0x1  }
0x36e: {  	v48 =	vadd.s32 v23, v39;
	_ =	sdelay $0x2  }
0x36f: {  	v42 =	vmul.f32 v42, v41;
	_ =	sdelay $0x1  }
0x370: {  	[tilespmem:v48+s1+$0x0] =	vst.idx.add.f32.msk $0xffff, v42  }
0x371: {  	v42 =	vld [tilespmem:s18+$0x5010];
	_ =	sdelay $0x1  }
0x372: {  	v49 =	vadd.s32 v24, v39;
	_ =	sdelay $0x2  }
0x373: {  	v42 =	vmul.f32 v42, v41;
	_ =	sdelay $0x1  }
0x374: {  	[tilespmem:v49+s1+$0x0] =	vst.idx.add.f32.msk $0xffff, v42  }
0x375: {  	v42 =	vld [tilespmem:s18+$0x5020];
	_ =	sdelay $0x1  }
0x376: {  	v50 =	vadd.s32 v25, v39;
	_ =	sdelay $0x2  }
0x377: {  	v42 =	vmul.f32 v42, v41;
	_ =	sdelay $0x1  }
0x378: {  	[tilespmem:v50+s1+$0x0] =	vst.idx.add.f32.msk $0xffff, v42  }
0x379: {  	v42 =	vld [tilespmem:s18+$0x5030];
	_ =	sdelay $0x1  }
0x37a: {  	v51 =	vadd.s32 v26, v39;
	_ =	sdelay $0x2  }
0x37b: {  	v42 =	vmul.f32 v42, v41;
	_ =	sdelay $0x1  }
0x37c: {  	[tilespmem:v51+s1+$0x0] =	vst.idx.add.f32.msk $0xffff, v42  }
0x37d: {  	v42 =	vld [tilespmem:s18+$0x5040];
	_ =	sdelay $0x1  }
0x37e: {  	v52 =	vadd.s32 v27, v39;
	_ =	sdelay $0x2  }
0x37f: {  	v42 =	vmul.f32 v42, v41;
	_ =	sdelay $0x1  }
0x380: {  	[tilespmem:v52+s1+$0x0] =	vst.idx.add.f32.msk $0xffff, v42  }
0x381: {  	v42 =	vld [tilespmem:s18+$0x5050];
	_ =	sdelay $0x1  }
0x382: {  	v53 =	vadd.s32 v28, v39;
	_ =	sdelay $0x2  }
0x383: {  	v42 =	vmul.f32 v42, v41;
	_ =	sdelay $0x1  }
0x384: {  	[tilespmem:v53+s1+$0x0] =	vst.idx.add.f32.msk $0xffff, v42  }
0x385: {  	v42 =	vld [tilespmem:s18+$0x5060];
	_ =	sdelay $0x1  }
0x386: {  	v54 =	vadd.s32 v29, v39;
	_ =	sdelay $0x2  }
0x387: {  	v42 =	vmul.f32 v42, v41;
	_ =	sdelay $0x1  }
0x388: {  	[tilespmem:v54+s1+$0x0] =	vst.idx.add.f32.msk $0xffff, v42  }
0x389: {  	v42 =	vld [tilespmem:s18+$0x5070];
	_ =	sdelay $0x1  }
0x38a: {  	v55 =	vadd.s32 v30, v39  }
0x38b: {  	v40 =	vadd.s32 $0x1003, v40;
	_ =	sdelay $0x1  }
0x38c: {  	v41 =	vmul.f32 v42, v41;
	_ =	sdelay $0x1  }
0x38d: {  	[tilespmem:v55+s1+$0x0] =	vst.idx.add.f32.msk $0xffff, v41  }
0x38e: {  	v41 =	vld.idx.msk [tilespmem:v40+s31+$0x0], $0xffff  }
0x38f: {  	v56 =	vld [tilespmem:s18+$0x5400];
	_ =	sdelay $0x1  }
0x390: {  	v57 =	vadd.s32 v31, v39;
	_ =	sdelay $0x2  }
0x391: {  	v40 =	vmul.f32 v56, v41;
	_ =	sdelay $0x1  }
0x392: {  	[tilespmem:v57+s1+$0x0] =	vst.idx.add.f32.msk $0xffff, v40  }
0x393: {  	v40 =	vld [tilespmem:s18+$0x5410];
	_ =	sdelay $0x1  }
0x394: {  	v58 =	vadd.s32 v32, v39;
	_ =	sdelay $0x2  }
0x395: {  	v40 =	vmul.f32 v40, v41;
	_ =	sdelay $0x1  }
0x396: {  	[tilespmem:v58+s1+$0x0] =	vst.idx.add.f32.msk $0xffff, v40  }
0x397: {  	v40 =	vld [tilespmem:s18+$0x5420];
	_ =	sdelay $0x1  }
0x398: {  	v59 =	vadd.s32 v33, v39;
	_ =	sdelay $0x2  }
0x399: {  	v40 =	vmul.f32 v40, v41;
	_ =	sdelay $0x1  }
0x39a: {  	[tilespmem:v59+s1+$0x0] =	vst.idx.add.f32.msk $0xffff, v40  }
0x39b: {  	v40 =	vld [tilespmem:s18+$0x5430];
	_ =	sdelay $0x1  }
0x39c: {  	v60 =	vadd.s32 v34, v39;
	_ =	sdelay $0x2  }
0x39d: {  	v40 =	vmul.f32 v40, v41;
	_ =	sdelay $0x1  }
0x39e: {  	[tilespmem:v60+s1+$0x0] =	vst.idx.add.f32.msk $0xffff, v40  }
0x39f: {  	v40 =	vld [tilespmem:s18+$0x5440];
	_ =	sdelay $0x1  }
0x3a0: {  	v61 =	vadd.s32 v35, v39;
	_ =	sdelay $0x2  }
0x3a1: {  	v40 =	vmul.f32 v40, v41;
	_ =	sdelay $0x1  }
0x3a2: {  	[tilespmem:v61+s1+$0x0] =	vst.idx.add.f32.msk $0xffff, v40  }
0x3a3: {  	v40 =	vld [tilespmem:s18+$0x5450];
	_ =	sdelay $0x1  }
0x3a4: {  	v62 =	vadd.s32 v36, v39;
	_ =	sdelay $0x2  }
0x3a5: {  	v40 =	vmul.f32 v40, v41;
	_ =	sdelay $0x1  }
0x3a6: {  	[tilespmem:v62+s1+$0x0] =	vst.idx.add.f32.msk $0xffff, v40  }
0x3a7: {  	v40 =	vld [tilespmem:s18+$0x5460];
	_ =	sdelay $0x1  }
0x3a8: {  	v63 =	vadd.s32 v37, v39;
	_ =	sdelay $0x2  }
0x3a9: {  	v40 =	vmul.f32 v40, v41;
	_ =	sdelay $0x1  }
0x3aa: {  	[tilespmem:v63+s1+$0x0] =	vst.idx.add.f32.msk $0xffff, v40  }
0x3ab: {  	v42 =	vld [tilespmem:s18+$0x5470];
	_ =	sdelay $0x1  }
0x3ac: {  	s30 =	sadd.s32 $0x1, s7;
	v40 =	vadd.s32 v38, v39  }
0x3ad: {  	v39 =	vmov s30;
	_ =	sdelay $0x1  }
0x3ae: {  	s19 =	simm.s32 $0x1;
	s18 =	simm.s32 $0x2;
	v41 =	vmul.f32 v42, v41  }
.LBB2_21:
0x3af: {  	p0 =	sne.s32 s18, $0xF  }
0x3b0: {  	s3 =	sadd.s32 $0x80, s3;
	s30 =	smov.u32 s18;
	s18 =	sadd.s32 $0x1, s18;
	[tilespmem:v40+s1+$0x0] =	vst.idx.add.f32.msk $0xffff, v41  }
0x3b1: {  	v40 =	vmov s19;
	v39 =	vld.idx.msk [tilespmem:v39+s29+$0x0], $0xffff  }
0x3b2: {  	v41 =	vshrl.u32 v40, $0x3;
	v40 =	vshll.u32 v40, $0x7  }
0x3b3: {  	v41 =	vmul.u32 $0x1400, v41  }
0x3b4: {  	v40 =	vand.u32 $0x380, v40  }
0x3b5: {  	v40 =	vor.u32 v40, v41  }
0x3b6: {  	v41 =	vadd.s32 $0x1000, v40  }
0x3b7: {  	v42 =	vor.u32 v7, v41;
	v43 =	vshll.u32 v39, $0x2;
	v44 =	vshrl.u32 v39, $0x3  }
0x3b8: {  	v39 =	vshll.u32 v39, $0x7;
	v43 =	vor.u32 v5, v43;
	v44 =	vmul.u32 $0x1400, v44  }
0x3b9: {  	v39 =	vand.u32 $0x380, v39  }
0x3ba: {  	v39 =	vor.u32 v39, v44;
	_ =	sdelay $0x1  }
0x3bb: {  	v42 =	vld.idx.msk [tilespmem:v42+s31+$0x0], $0xffff  }
0x3bc: {  	v43 =	vld.idx.msk [tilespmem:v43+s24+$0x0], $0xffff;
	_ =	sdelay $0x5  }
0x3bd: {  	v42 =	vadd.f32 v43, v42;
	_ =	sdelay $0x1  }
0x3be: {  	v43 =	vmul.f32 $2.000000030e-01, v42;
	_ =	sdelay $0x1  }
0x3bf: {  	v42 =	vmax.f32 v42, v43  }
0x3c0: {  	v42 =	vmul.f32 $1.442695020e+00, v42;
	_ =	sdelay $0x1  }
0x3c1: {  	(erf) = vpow2.f32 v42;
	_ =	sdelay $0x4  }
0x3c2: {  	s0 =	sshrl.u32 s19, $0x3;
	s19 =	smov.u32 s30;
	v42 =	vor.u32 v2, v39  }
0x3c3: {  	s0 =	smul.u32 $0x5000, s0;
	v43 =	vadd.s32 $0x1000, v42;
	_ =	sdelay $0x1  }
0x3c4: {  	s30 =	sand.u32 $0x380, s3;
	s0 =	sshra.s32 s0, $0x2  }
0x3c5: {  	s30 =	sor.u32 s30, s0;
	v44 =	vpop (erf)  }
0x3c6: {  	[tilespmem:s30+$0x5800] =	vst v44  }
0x3c7: {  	[tilespmem:v43+s1+$0x0] =	vst.idx.add.f32.msk $0xffff, v44  }
0x3c8: {  	v43 =	vld.idx.msk [tilespmem:v41+s31+$0x0], $0xffff  }
0x3c9: {  	v44 =	vld [tilespmem:s30+$0x4800];
	_ =	sdelay $0x4  }
0x3ca: {  	v44 =	vmul.f32 v44, v43;
	_ =	sdelay $0x1  }
0x3cb: {  	[tilespmem:v42+s1+$0x0] =	vst.idx.add.f32.msk $0xffff, v44  }
0x3cc: {  	v42 =	vld [tilespmem:s30+$0x4810];
	_ =	sdelay $0x1  }
0x3cd: {  	v44 =	vor.u32 v8, v39;
	_ =	sdelay $0x2  }
0x3ce: {  	v42 =	vmul.f32 v42, v43;
	_ =	sdelay $0x1  }
0x3cf: {  	[tilespmem:v44+s1+$0x0] =	vst.idx.add.f32.msk $0xffff, v42  }
0x3d0: {  	v42 =	vld [tilespmem:s30+$0x4820];
	_ =	sdelay $0x1  }
0x3d1: {  	v44 =	vor.u32 v9, v39;
	_ =	sdelay $0x2  }
0x3d2: {  	v42 =	vmul.f32 v42, v43;
	_ =	sdelay $0x1  }
0x3d3: {  	[tilespmem:v44+s1+$0x0] =	vst.idx.add.f32.msk $0xffff, v42  }
0x3d4: {  	v42 =	vld [tilespmem:s30+$0x4830];
	_ =	sdelay $0x1  }
0x3d5: {  	v44 =	vor.u32 v10, v39;
	_ =	sdelay $0x2  }
0x3d6: {  	v42 =	vmul.f32 v42, v43;
	_ =	sdelay $0x1  }
0x3d7: {  	[tilespmem:v44+s1+$0x0] =	vst.idx.add.f32.msk $0xffff, v42  }
0x3d8: {  	v42 =	vld [tilespmem:s30+$0x4840];
	_ =	sdelay $0x1  }
0x3d9: {  	v44 =	vor.u32 v11, v39;
	_ =	sdelay $0x2  }
0x3da: {  	v42 =	vmul.f32 v42, v43;
	_ =	sdelay $0x1  }
0x3db: {  	[tilespmem:v44+s1+$0x0] =	vst.idx.add.f32.msk $0xffff, v42  }
0x3dc: {  	v42 =	vld [tilespmem:s30+$0x4850];
	_ =	sdelay $0x1  }
0x3dd: {  	v44 =	vor.u32 v12, v39;
	_ =	sdelay $0x2  }
0x3de: {  	v42 =	vmul.f32 v42, v43;
	_ =	sdelay $0x1  }
0x3df: {  	[tilespmem:v44+s1+$0x0] =	vst.idx.add.f32.msk $0xffff, v42  }
0x3e0: {  	v42 =	vld [tilespmem:s30+$0x4860];
	_ =	sdelay $0x1  }
0x3e1: {  	v44 =	vor.u32 v13, v39;
	_ =	sdelay $0x2  }
0x3e2: {  	v42 =	vmul.f32 v42, v43;
	_ =	sdelay $0x1  }
0x3e3: {  	[tilespmem:v44+s1+$0x0] =	vst.idx.add.f32.msk $0xffff, v42  }
0x3e4: {  	v42 =	vld [tilespmem:s30+$0x4870];
	_ =	sdelay $0x1  }
0x3e5: {  	v44 =	vor.u32 v14, v39  }
0x3e6: {  	v45 =	vor.u32 $0x1, v41;
	_ =	sdelay $0x1  }
0x3e7: {  	v42 =	vmul.f32 v42, v43;
	_ =	sdelay $0x1  }
0x3e8: {  	[tilespmem:v44+s1+$0x0] =	vst.idx.add.f32.msk $0xffff, v42  }
0x3e9: {  	v42 =	vld.idx.msk [tilespmem:v45+s31+$0x0], $0xffff  }
0x3ea: {  	v43 =	vld [tilespmem:s30+$0x4C00];
	_ =	sdelay $0x1  }
0x3eb: {  	v44 =	vadd.s32 v15, v39;
	_ =	sdelay $0x2  }
0x3ec: {  	v43 =	vmul.f32 v43, v42;
	_ =	sdelay $0x1  }
0x3ed: {  	[tilespmem:v44+s1+$0x0] =	vst.idx.add.f32.msk $0xffff, v43  }
0x3ee: {  	v43 =	vld [tilespmem:s30+$0x4C10];
	_ =	sdelay $0x1  }
0x3ef: {  	v44 =	vadd.s32 v16, v39;
	_ =	sdelay $0x2  }
0x3f0: {  	v43 =	vmul.f32 v43, v42;
	_ =	sdelay $0x1  }
0x3f1: {  	[tilespmem:v44+s1+$0x0] =	vst.idx.add.f32.msk $0xffff, v43  }
0x3f2: {  	v43 =	vld [tilespmem:s30+$0x4C20];
	_ =	sdelay $0x1  }
0x3f3: {  	v44 =	vadd.s32 v17, v39;
	_ =	sdelay $0x2  }
0x3f4: {  	v43 =	vmul.f32 v43, v42;
	_ =	sdelay $0x1  }
0x3f5: {  	[tilespmem:v44+s1+$0x0] =	vst.idx.add.f32.msk $0xffff, v43  }
0x3f6: {  	v43 =	vld [tilespmem:s30+$0x4C30];
	_ =	sdelay $0x1  }
0x3f7: {  	v44 =	vadd.s32 v18, v39;
	_ =	sdelay $0x2  }
0x3f8: {  	v43 =	vmul.f32 v43, v42;
	_ =	sdelay $0x1  }
0x3f9: {  	[tilespmem:v44+s1+$0x0] =	vst.idx.add.f32.msk $0xffff, v43  }
0x3fa: {  	v43 =	vld [tilespmem:s30+$0x4C40];
	_ =	sdelay $0x1  }
0x3fb: {  	v44 =	vadd.s32 v19, v39;
	_ =	sdelay $0x2  }
0x3fc: {  	v43 =	vmul.f32 v43, v42;
	_ =	sdelay $0x1  }
0x3fd: {  	[tilespmem:v44+s1+$0x0] =	vst.idx.add.f32.msk $0xffff, v43  }
0x3fe: {  	v43 =	vld [tilespmem:s30+$0x4C50];
	_ =	sdelay $0x1  }
0x3ff: {  	v44 =	vadd.s32 v20, v39;
	_ =	sdelay $0x2  }
0x400: {  	v43 =	vmul.f32 v43, v42;
	_ =	sdelay $0x1  }
0x401: {  	[tilespmem:v44+s1+$0x0] =	vst.idx.add.f32.msk $0xffff, v43  }
0x402: {  	v43 =	vld [tilespmem:s30+$0x4C60];
	_ =	sdelay $0x1  }
0x403: {  	v44 =	vadd.s32 v21, v39;
	_ =	sdelay $0x2  }
0x404: {  	v43 =	vmul.f32 v43, v42;
	_ =	sdelay $0x1  }
0x405: {  	[tilespmem:v44+s1+$0x0] =	vst.idx.add.f32.msk $0xffff, v43  }
0x406: {  	v43 =	vld [tilespmem:s30+$0x4C70];
	_ =	sdelay $0x1  }
0x407: {  	v44 =	vadd.s32 v22, v39  }
0x408: {  	v41 =	vor.u32 $0x2, v41;
	_ =	sdelay $0x1  }
0x409: {  	v42 =	vmul.f32 v43, v42;
	_ =	sdelay $0x1  }
0x40a: {  	[tilespmem:v44+s1+$0x0] =	vst.idx.add.f32.msk $0xffff, v42  }
0x40b: {  	v41 =	vld.idx.msk [tilespmem:v41+s31+$0x0], $0xffff  }
0x40c: {  	v42 =	vld [tilespmem:s30+$0x5000];
	_ =	sdelay $0x1  }
0x40d: {  	v43 =	vadd.s32 v23, v39;
	_ =	sdelay $0x2  }
0x40e: {  	v42 =	vmul.f32 v42, v41;
	_ =	sdelay $0x1  }
0x40f: {  	[tilespmem:v43+s1+$0x0] =	vst.idx.add.f32.msk $0xffff, v42  }
0x410: {  	v42 =	vld [tilespmem:s30+$0x5010];
	_ =	sdelay $0x1  }
0x411: {  	v43 =	vadd.s32 v24, v39;
	_ =	sdelay $0x2  }
0x412: {  	v42 =	vmul.f32 v42, v41;
	_ =	sdelay $0x1  }
0x413: {  	[tilespmem:v43+s1+$0x0] =	vst.idx.add.f32.msk $0xffff, v42  }
0x414: {  	v42 =	vld [tilespmem:s30+$0x5020];
	_ =	sdelay $0x1  }
0x415: {  	v43 =	vadd.s32 v25, v39;
	_ =	sdelay $0x2  }
0x416: {  	v42 =	vmul.f32 v42, v41;
	_ =	sdelay $0x1  }
0x417: {  	[tilespmem:v43+s1+$0x0] =	vst.idx.add.f32.msk $0xffff, v42  }
0x418: {  	v42 =	vld [tilespmem:s30+$0x5030];
	_ =	sdelay $0x1  }
0x419: {  	v43 =	vadd.s32 v26, v39;
	_ =	sdelay $0x2  }
0x41a: {  	v42 =	vmul.f32 v42, v41;
	_ =	sdelay $0x1  }
0x41b: {  	[tilespmem:v43+s1+$0x0] =	vst.idx.add.f32.msk $0xffff, v42  }
0x41c: {  	v42 =	vld [tilespmem:s30+$0x5040];
	_ =	sdelay $0x1  }
0x41d: {  	v43 =	vadd.s32 v27, v39;
	_ =	sdelay $0x2  }
0x41e: {  	v42 =	vmul.f32 v42, v41;
	_ =	sdelay $0x1  }
0x41f: {  	[tilespmem:v43+s1+$0x0] =	vst.idx.add.f32.msk $0xffff, v42  }
0x420: {  	v42 =	vld [tilespmem:s30+$0x5050];
	_ =	sdelay $0x1  }
0x421: {  	v43 =	vadd.s32 v28, v39;
	_ =	sdelay $0x2  }
0x422: {  	v42 =	vmul.f32 v42, v41;
	_ =	sdelay $0x1  }
0x423: {  	[tilespmem:v43+s1+$0x0] =	vst.idx.add.f32.msk $0xffff, v42  }
0x424: {  	v42 =	vld [tilespmem:s30+$0x5060];
	_ =	sdelay $0x1  }
0x425: {  	v43 =	vadd.s32 v29, v39;
	_ =	sdelay $0x2  }
0x426: {  	v42 =	vmul.f32 v42, v41;
	_ =	sdelay $0x1  }
0x427: {  	[tilespmem:v43+s1+$0x0] =	vst.idx.add.f32.msk $0xffff, v42  }
0x428: {  	v42 =	vld [tilespmem:s30+$0x5070];
	_ =	sdelay $0x1  }
0x429: {  	v43 =	vadd.s32 v30, v39  }
0x42a: {  	v40 =	vadd.s32 $0x1003, v40;
	_ =	sdelay $0x1  }
0x42b: {  	v41 =	vmul.f32 v42, v41;
	_ =	sdelay $0x1  }
0x42c: {  	[tilespmem:v43+s1+$0x0] =	vst.idx.add.f32.msk $0xffff, v41  }
0x42d: {  	v41 =	vld.idx.msk [tilespmem:v40+s31+$0x0], $0xffff  }
0x42e: {  	v40 =	vld [tilespmem:s30+$0x5400];
	_ =	sdelay $0x1  }
0x42f: {  	v42 =	vadd.s32 v31, v39;
	_ =	sdelay $0x2  }
0x430: {  	v40 =	vmul.f32 v40, v41;
	_ =	sdelay $0x1  }
0x431: {  	[tilespmem:v42+s1+$0x0] =	vst.idx.add.f32.msk $0xffff, v40  }
0x432: {  	v40 =	vld [tilespmem:s30+$0x5410];
	_ =	sdelay $0x1  }
0x433: {  	v42 =	vadd.s32 v32, v39;
	_ =	sdelay $0x2  }
0x434: {  	v40 =	vmul.f32 v40, v41;
	_ =	sdelay $0x1  }
0x435: {  	[tilespmem:v42+s1+$0x0] =	vst.idx.add.f32.msk $0xffff, v40  }
0x436: {  	v40 =	vld [tilespmem:s30+$0x5420];
	_ =	sdelay $0x1  }
0x437: {  	v42 =	vadd.s32 v33, v39;
	_ =	sdelay $0x2  }
0x438: {  	v40 =	vmul.f32 v40, v41;
	_ =	sdelay $0x1  }
0x439: {  	[tilespmem:v42+s1+$0x0] =	vst.idx.add.f32.msk $0xffff, v40  }
0x43a: {  	v40 =	vld [tilespmem:s30+$0x5430];
	_ =	sdelay $0x1  }
0x43b: {  	v42 =	vadd.s32 v34, v39;
	_ =	sdelay $0x2  }
0x43c: {  	v40 =	vmul.f32 v40, v41;
	_ =	sdelay $0x1  }
0x43d: {  	[tilespmem:v42+s1+$0x0] =	vst.idx.add.f32.msk $0xffff, v40  }
0x43e: {  	v40 =	vld [tilespmem:s30+$0x5440];
	_ =	sdelay $0x1  }
0x43f: {  	v42 =	vadd.s32 v35, v39;
	_ =	sdelay $0x2  }
0x440: {  	v40 =	vmul.f32 v40, v41;
	_ =	sdelay $0x1  }
0x441: {  	[tilespmem:v42+s1+$0x0] =	vst.idx.add.f32.msk $0xffff, v40  }
0x442: {  	v40 =	vld [tilespmem:s30+$0x5450];
	_ =	sdelay $0x1  }
0x443: {  	v42 =	vadd.s32 v36, v39;
	_ =	sdelay $0x2  }
0x444: {  	v40 =	vmul.f32 v40, v41;
	_ =	sdelay $0x1  }
0x445: {  	[tilespmem:v42+s1+$0x0] =	vst.idx.add.f32.msk $0xffff, v40  }
0x446: {  	v40 =	vld [tilespmem:s30+$0x5460];
	_ =	sdelay $0x1  }
0x447: {  	v42 =	vadd.s32 v37, v39;
	_ =	sdelay $0x2  }
0x448: {  	v40 =	vmul.f32 v40, v41;
	_ =	sdelay $0x1  }
0x449: {  	[tilespmem:v42+s1+$0x0] =	vst.idx.add.f32.msk $0xffff, v40  }
0x44a: {  	v42 =	vld [tilespmem:s30+$0x5470]  }
.Ltmp20:
0x44b: {  	(pc) =	sbr.rel @p0 .LBB2_21-.Ltmp20, $3  }
0x44c: {  	s0 =	sadd.s32 s7, s19;
	v40 =	vadd.s32 v38, v39  }
0x44d: {  	v39 =	vmov s0;
	_ =	sdelay $0x1  }
0x44e: {  	v41 =	vmul.f32 v42, v41  }
0x44f: {  	_ =	sdelay $0x3  }
0x450: {  	v45 =	vmov s19;
	[tilespmem:v40+s1+$0x0] =	vst.idx.add.f32.msk $0xffff, v41  }
0x451: {  	v46 =	vshrl.u32 v45, $0x3;
	v39 =	vld.idx.msk [tilespmem:v39+s29+$0x0], $0xffff  }
0x452: {  	v40 =	vshll.u32 v45, $0x7;
	v41 =	vmul.u32 $0x1400, v46  }
0x453: {  	v40 =	vand.u32 $0x380, v40  }
0x454: {  	v40 =	vor.u32 v40, v41  }
0x455: {  	v41 =	vadd.s32 $0x1000, v40  }
0x456: {  	v42 =	vor.u32 v7, v41;
	v43 =	vshll.u32 v39, $0x2  }
0x457: {  	v43 =	vor.u32 v5, v43;
	_ =	sdelay $0x3  }
0x458: {  	v42 =	vld.idx.msk [tilespmem:v42+s31+$0x0], $0xffff  }
0x459: {  	v43 =	vld.idx.msk [tilespmem:v43+s24+$0x0], $0xffff;
	_ =	sdelay $0x4  }
0x45a: {  	v42 =	vadd.f32 v43, v42;
	_ =	sdelay $0x1  }
0x45b: {  	v43 =	vmul.f32 $2.000000030e-01, v42;
	_ =	sdelay $0x1  }
0x45c: {  	v42 =	vmax.f32 v42, v43  }
0x45d: {  	v42 =	vmul.f32 $1.442695020e+00, v42;
	_ =	sdelay $0x1  }
0x45e: {  	(erf) = vpow2.f32 v42  }
0x45f: {  	v47 =	vshrl.u32 v39, $0x3  }
0x460: {  	v39 =	vshll.u32 v39, $0x7;
	v42 =	vmul.u32 $0x1400, v47  }
0x461: {  	v39 =	vand.u32 $0x380, v39  }
0x462: {  	v39 =	vor.u32 v39, v42  }
0x463: {  	s0 =	sshrl.u32 s19, $0x3;
	v42 =	vor.u32 v2, v39  }
0x464: {  	s0 =	smul.u32 $0x5000, s0;
	v48 =	vadd.s32 $0x1000, v42  }
0x465: {  	s3 =	sadd.s32 $0x80, s3  }
0x466: {  	s3 =	sand.u32 $0x380, s3;
	s0 =	sshra.s32 s0, $0x2  }
0x467: {  	s3 =	sor.u32 s3, s0;
	v44 =	vpop (erf)  }
0x468: {  	[tilespmem:s3+$0x5800] =	vst v44  }
0x469: {  	[tilespmem:v48+s1+$0x0] =	vst.idx.add.f32.msk $0xffff, v44  }
0x46a: {  	v43 =	vld.idx.msk [tilespmem:v41+s31+$0x0], $0xffff  }
0x46b: {  	v44 =	vld [tilespmem:s3+$0x4800];
	_ =	sdelay $0x4  }
0x46c: {  	v44 =	vmul.f32 v44, v43;
	_ =	sdelay $0x1  }
0x46d: {  	[tilespmem:v42+s1+$0x0] =	vst.idx.add.f32.msk $0xffff, v44  }
0x46e: {  	v42 =	vld [tilespmem:s3+$0x4810];
	_ =	sdelay $0x1  }
0x46f: {  	v49 =	vor.u32 v8, v39;
	_ =	sdelay $0x2  }
0x470: {  	v42 =	vmul.f32 v42, v43;
	_ =	sdelay $0x1  }
0x471: {  	[tilespmem:v49+s1+$0x0] =	vst.idx.add.f32.msk $0xffff, v42  }
0x472: {  	v42 =	vld [tilespmem:s3+$0x4820];
	_ =	sdelay $0x1  }
0x473: {  	v50 =	vor.u32 v9, v39;
	_ =	sdelay $0x2  }
0x474: {  	v42 =	vmul.f32 v42, v43;
	_ =	sdelay $0x1  }
0x475: {  	[tilespmem:v50+s1+$0x0] =	vst.idx.add.f32.msk $0xffff, v42  }
0x476: {  	v42 =	vld [tilespmem:s3+$0x4830];
	_ =	sdelay $0x1  }
0x477: {  	v51 =	vor.u32 v10, v39;
	_ =	sdelay $0x2  }
0x478: {  	v42 =	vmul.f32 v42, v43;
	_ =	sdelay $0x1  }
0x479: {  	[tilespmem:v51+s1+$0x0] =	vst.idx.add.f32.msk $0xffff, v42  }
0x47a: {  	v42 =	vld [tilespmem:s3+$0x4840];
	_ =	sdelay $0x1  }
0x47b: {  	v52 =	vor.u32 v11, v39;
	_ =	sdelay $0x2  }
0x47c: {  	v42 =	vmul.f32 v42, v43;
	_ =	sdelay $0x1  }
0x47d: {  	[tilespmem:v52+s1+$0x0] =	vst.idx.add.f32.msk $0xffff, v42  }
0x47e: {  	v42 =	vld [tilespmem:s3+$0x4850];
	_ =	sdelay $0x1  }
0x47f: {  	v53 =	vor.u32 v12, v39;
	_ =	sdelay $0x2  }
0x480: {  	v42 =	vmul.f32 v42, v43;
	_ =	sdelay $0x1  }
0x481: {  	[tilespmem:v53+s1+$0x0] =	vst.idx.add.f32.msk $0xffff, v42  }
0x482: {  	v42 =	vld [tilespmem:s3+$0x4860];
	_ =	sdelay $0x1  }
0x483: {  	v54 =	vor.u32 v13, v39;
	_ =	sdelay $0x2  }
0x484: {  	v42 =	vmul.f32 v42, v43;
	_ =	sdelay $0x1  }
0x485: {  	[tilespmem:v54+s1+$0x0] =	vst.idx.add.f32.msk $0xffff, v42  }
0x486: {  	v42 =	vld [tilespmem:s3+$0x4870];
	_ =	sdelay $0x1  }
0x487: {  	v55 =	vor.u32 v14, v39  }
0x488: {  	v45 =	vor.u32 $0x1, v41;
	_ =	sdelay $0x1  }
0x489: {  	v42 =	vmul.f32 v42, v43;
	_ =	sdelay $0x1  }
0x48a: {  	[tilespmem:v55+s1+$0x0] =	vst.idx.add.f32.msk $0xffff, v42  }
0x48b: {  	v42 =	vld.idx.msk [tilespmem:v45+s31+$0x0], $0xffff  }
0x48c: {  	v56 =	vld [tilespmem:s3+$0x4C00];
	_ =	sdelay $0x1  }
0x48d: {  	v57 =	vadd.s32 v15, v39;
	_ =	sdelay $0x2  }
0x48e: {  	v43 =	vmul.f32 v56, v42;
	_ =	sdelay $0x1  }
0x48f: {  	[tilespmem:v57+s1+$0x0] =	vst.idx.add.f32.msk $0xffff, v43  }
0x490: {  	v43 =	vld [tilespmem:s3+$0x4C10];
	_ =	sdelay $0x1  }
0x491: {  	v58 =	vadd.s32 v16, v39;
	_ =	sdelay $0x2  }
0x492: {  	v43 =	vmul.f32 v43, v42;
	_ =	sdelay $0x1  }
0x493: {  	[tilespmem:v58+s1+$0x0] =	vst.idx.add.f32.msk $0xffff, v43  }
0x494: {  	v43 =	vld [tilespmem:s3+$0x4C20];
	_ =	sdelay $0x1  }
0x495: {  	v59 =	vadd.s32 v17, v39;
	_ =	sdelay $0x2  }
0x496: {  	v43 =	vmul.f32 v43, v42;
	_ =	sdelay $0x1  }
0x497: {  	[tilespmem:v59+s1+$0x0] =	vst.idx.add.f32.msk $0xffff, v43  }
0x498: {  	v43 =	vld [tilespmem:s3+$0x4C30];
	_ =	sdelay $0x1  }
0x499: {  	v60 =	vadd.s32 v18, v39;
	_ =	sdelay $0x2  }
0x49a: {  	v43 =	vmul.f32 v43, v42;
	_ =	sdelay $0x1  }
0x49b: {  	[tilespmem:v60+s1+$0x0] =	vst.idx.add.f32.msk $0xffff, v43  }
0x49c: {  	v43 =	vld [tilespmem:s3+$0x4C40];
	_ =	sdelay $0x1  }
0x49d: {  	v61 =	vadd.s32 v19, v39;
	_ =	sdelay $0x2  }
0x49e: {  	v43 =	vmul.f32 v43, v42;
	_ =	sdelay $0x1  }
0x49f: {  	[tilespmem:v61+s1+$0x0] =	vst.idx.add.f32.msk $0xffff, v43  }
0x4a0: {  	v43 =	vld [tilespmem:s3+$0x4C50];
	_ =	sdelay $0x1  }
0x4a1: {  	v62 =	vadd.s32 v20, v39;
	_ =	sdelay $0x2  }
0x4a2: {  	v43 =	vmul.f32 v43, v42;
	_ =	sdelay $0x1  }
0x4a3: {  	[tilespmem:v62+s1+$0x0] =	vst.idx.add.f32.msk $0xffff, v43  }
0x4a4: {  	v43 =	vld [tilespmem:s3+$0x4C60];
	_ =	sdelay $0x1  }
0x4a5: {  	v63 =	vadd.s32 v21, v39;
	_ =	sdelay $0x2  }
0x4a6: {  	v43 =	vmul.f32 v43, v42;
	_ =	sdelay $0x1  }
0x4a7: {  	[tilespmem:v63+s1+$0x0] =	vst.idx.add.f32.msk $0xffff, v43  }
0x4a8: {  	v43 =	vld [tilespmem:s3+$0x4C70];
	_ =	sdelay $0x1  }
0x4a9: {  	v48 =	vadd.s32 v22, v39  }
0x4aa: {  	v41 =	vor.u32 $0x2, v41;
	_ =	sdelay $0x1  }
0x4ab: {  	v42 =	vmul.f32 v43, v42;
	_ =	sdelay $0x1  }
0x4ac: {  	[tilespmem:v48+s1+$0x0] =	vst.idx.add.f32.msk $0xffff, v42  }
0x4ad: {  	v41 =	vld.idx.msk [tilespmem:v41+s31+$0x0], $0xffff  }
0x4ae: {  	v42 =	vld [tilespmem:s3+$0x5000];
	_ =	sdelay $0x1  }
0x4af: {  	v49 =	vadd.s32 v23, v39;
	_ =	sdelay $0x2  }
0x4b0: {  	v42 =	vmul.f32 v42, v41;
	_ =	sdelay $0x1  }
0x4b1: {  	[tilespmem:v49+s1+$0x0] =	vst.idx.add.f32.msk $0xffff, v42  }
0x4b2: {  	v42 =	vld [tilespmem:s3+$0x5010];
	_ =	sdelay $0x1  }
0x4b3: {  	v50 =	vadd.s32 v24, v39;
	_ =	sdelay $0x2  }
0x4b4: {  	v42 =	vmul.f32 v42, v41;
	_ =	sdelay $0x1  }
0x4b5: {  	[tilespmem:v50+s1+$0x0] =	vst.idx.add.f32.msk $0xffff, v42  }
0x4b6: {  	v42 =	vld [tilespmem:s3+$0x5020];
	_ =	sdelay $0x1  }
0x4b7: {  	v51 =	vadd.s32 v25, v39;
	_ =	sdelay $0x2  }
0x4b8: {  	v42 =	vmul.f32 v42, v41;
	_ =	sdelay $0x1  }
0x4b9: {  	[tilespmem:v51+s1+$0x0] =	vst.idx.add.f32.msk $0xffff, v42  }
0x4ba: {  	v42 =	vld [tilespmem:s3+$0x5030];
	_ =	sdelay $0x1  }
0x4bb: {  	v52 =	vadd.s32 v26, v39;
	_ =	sdelay $0x2  }
0x4bc: {  	v42 =	vmul.f32 v42, v41;
	_ =	sdelay $0x1  }
0x4bd: {  	[tilespmem:v52+s1+$0x0] =	vst.idx.add.f32.msk $0xffff, v42  }
0x4be: {  	v42 =	vld [tilespmem:s3+$0x5040];
	_ =	sdelay $0x1  }
0x4bf: {  	v53 =	vadd.s32 v27, v39;
	_ =	sdelay $0x2  }
0x4c0: {  	v42 =	vmul.f32 v42, v41;
	_ =	sdelay $0x1  }
0x4c1: {  	[tilespmem:v53+s1+$0x0] =	vst.idx.add.f32.msk $0xffff, v42  }
0x4c2: {  	v42 =	vld [tilespmem:s3+$0x5050];
	_ =	sdelay $0x1  }
0x4c3: {  	v54 =	vadd.s32 v28, v39;
	_ =	sdelay $0x2  }
0x4c4: {  	v42 =	vmul.f32 v42, v41;
	_ =	sdelay $0x1  }
0x4c5: {  	[tilespmem:v54+s1+$0x0] =	vst.idx.add.f32.msk $0xffff, v42  }
0x4c6: {  	v42 =	vld [tilespmem:s3+$0x5060];
	_ =	sdelay $0x1  }
0x4c7: {  	v55 =	vadd.s32 v29, v39;
	_ =	sdelay $0x2  }
0x4c8: {  	v42 =	vmul.f32 v42, v41;
	_ =	sdelay $0x1  }
0x4c9: {  	[tilespmem:v55+s1+$0x0] =	vst.idx.add.f32.msk $0xffff, v42  }
0x4ca: {  	v42 =	vld [tilespmem:s3+$0x5070];
	_ =	sdelay $0x1  }
0x4cb: {  	v56 =	vadd.s32 v30, v39  }
0x4cc: {  	v40 =	vadd.s32 $0x1003, v40;
	_ =	sdelay $0x1  }
0x4cd: {  	v41 =	vmul.f32 v42, v41;
	_ =	sdelay $0x1  }
0x4ce: {  	[tilespmem:v56+s1+$0x0] =	vst.idx.add.f32.msk $0xffff, v41  }
0x4cf: {  	v40 =	vld.idx.msk [tilespmem:v40+s31+$0x0], $0xffff  }
0x4d0: {  	v41 =	vld [tilespmem:s3+$0x5400];
	_ =	sdelay $0x1  }
0x4d1: {  	v57 =	vadd.s32 v31, v39;
	_ =	sdelay $0x2  }
0x4d2: {  	v41 =	vmul.f32 v41, v40;
	_ =	sdelay $0x1  }
0x4d3: {  	[tilespmem:v57+s1+$0x0] =	vst.idx.add.f32.msk $0xffff, v41  }
0x4d4: {  	v41 =	vld [tilespmem:s3+$0x5410];
	_ =	sdelay $0x1  }
0x4d5: {  	v58 =	vadd.s32 v32, v39;
	_ =	sdelay $0x2  }
0x4d6: {  	v41 =	vmul.f32 v41, v40;
	_ =	sdelay $0x1  }
0x4d7: {  	[tilespmem:v58+s1+$0x0] =	vst.idx.add.f32.msk $0xffff, v41  }
0x4d8: {  	v41 =	vld [tilespmem:s3+$0x5420];
	_ =	sdelay $0x1  }
0x4d9: {  	v59 =	vadd.s32 v33, v39;
	_ =	sdelay $0x2  }
0x4da: {  	v41 =	vmul.f32 v41, v40;
	_ =	sdelay $0x1  }
0x4db: {  	[tilespmem:v59+s1+$0x0] =	vst.idx.add.f32.msk $0xffff, v41  }
0x4dc: {  	v41 =	vld [tilespmem:s3+$0x5430];
	_ =	sdelay $0x1  }
0x4dd: {  	v60 =	vadd.s32 v34, v39;
	_ =	sdelay $0x2  }
0x4de: {  	v41 =	vmul.f32 v41, v40;
	_ =	sdelay $0x1  }
0x4df: {  	[tilespmem:v60+s1+$0x0] =	vst.idx.add.f32.msk $0xffff, v41  }
0x4e0: {  	v41 =	vld [tilespmem:s3+$0x5440];
	_ =	sdelay $0x1  }
0x4e1: {  	v61 =	vadd.s32 v35, v39;
	_ =	sdelay $0x2  }
0x4e2: {  	v41 =	vmul.f32 v41, v40;
	_ =	sdelay $0x1  }
0x4e3: {  	[tilespmem:v61+s1+$0x0] =	vst.idx.add.f32.msk $0xffff, v41  }
0x4e4: {  	v41 =	vld [tilespmem:s3+$0x5450];
	_ =	sdelay $0x1  }
0x4e5: {  	v62 =	vadd.s32 v36, v39;
	_ =	sdelay $0x2  }
0x4e6: {  	v41 =	vmul.f32 v41, v40;
	_ =	sdelay $0x1  }
0x4e7: {  	[tilespmem:v62+s1+$0x0] =	vst.idx.add.f32.msk $0xffff, v41  }
0x4e8: {  	v41 =	vld [tilespmem:s3+$0x5460];
	_ =	sdelay $0x1  }
0x4e9: {  	v63 =	vadd.s32 v37, v39;
	_ =	sdelay $0x2  }
0x4ea: {  	v41 =	vmul.f32 v41, v40;
	_ =	sdelay $0x1  }
0x4eb: {  	[tilespmem:v63+s1+$0x0] =	vst.idx.add.f32.msk $0xffff, v41  }
0x4ec: {  	v41 =	vld [tilespmem:s3+$0x5470];
	_ =	sdelay $0x1  }
0x4ed: {  	v39 =	vadd.s32 v38, v39;
	_ =	sdelay $0x1  }
0x4ee: {  	s0 =	sadd.s32 $0x2, s15  }
0x4ef: {  	p0 =	sge.s32 s0, s9;
	v40 =	vmul.f32 v41, v40  }
0x4f0: {  	s0 =	sshll.u32 @!p0 s0, $0x6  }
0x4f1: {  	s0 =	sshra.s32 @!p0 s0, $0x2;
	[tilespmem:v39+s1+$0x0] =	vst.idx.add.f32.msk $0xffff, v40  }
0x4f2: {  	v39 =	vld @!p0 [tilespmem:s0+$0x2E00];
	_ =	sdelay $0x4  }
0x4f3: {  	v40 =	vshrl.u32 @!p0 v39, $0x3  }
0x4f4: {  	v40 =	vmul.u32 @!p0 $0x28, v40  }
0x4f5: {  	v41 =	vlaneseq.u32 @!p0;
	v39 =	vand.u32 @!p0 $0x7, v39  }
0x4f6: {  	v42 =	vshrl.u32 @!p0 v41, $0x3;
	v39 =	vor.u32 @!p0 v39, v40;
	v40 =	vand.u32 @!p0 $0x7, v41  }
0x4f7: {  	v42 =	vmul.u32 @!p0 $0x8, v42;
	v40 =	vperm.xlane @!p0 v39, v40;
	_ =	sdelay $0x1  }
0x4f8: {  	v40 =	vadd.s32 @!p0 v42, v40;
	_ =	sdelay $0x2  }
0x4f9: {  	v41 =	vor.u32 @!p0 $0x8, v41  }
0x4fa: {  	vm0 =	vmmov @!p0 $0xffff;
	s3 =	simm.s32 @!p0 $0x4800;
	s0 =	simm.s32 @!p0 $0x0;
	v39 =	vperm.xlane @!p0 v39, v41  }
0x4fb: {  	[tilespmem:s3], [sflag:$0x1] =	stream.indirect_vreg.gather @!p0 [hbm4b:s8+s0], $0x80, v40, vm0, $0xb8;
	[tilespmem:$0x1FC80] =	vst v63  }
0x4fc: {  	v39 =	vadd.s32 @!p0 v42, v39;
	s3 =	simm.s32 @!p0 $0x5000  }
0x4fd: {  	[tilespmem:s3], [sflag:$0x1] =	stream.indirect_vreg.gather @!p0 [hbm4b:s16+s0], $0x80, v40, vm0, $0xb8;
	[tilespmem:$0x1FC80] =	vst v63  }
0x4fe: {  	vm1 =	vmmov @!p0 $0xff;
	s3 =	simm.s32 @!p0 $0x5800  }
0x4ff: {  	[tilespmem:s3], [sflag:$0x1] =	stream.indirect_vreg.gather @!p0 [hbm4b:s17+s0], $0x80, v40, vm1, $0xb8;
	[tilespmem:$0x1FC80] =	vst v63  }
0x500: {  	s3 =	simm.s32 @!p0 $0x5C00  }
0x501: {  	[tilespmem:s3], [sflag:$0x1] =	stream.indirect_vreg.gather @!p0 [hbm4b:s8+s0], $0x80, v39, vm0, $0xb8;
	[tilespmem:$0x1FC80] =	vst v63  }
0x502: {  	s3 =	simm.s32 @!p0 $0x6400  }
0x503: {  	[tilespmem:s3], [sflag:$0x1] =	stream.indirect_vreg.gather @!p0 [hbm4b:s16+s0], $0x80, v39, vm0, $0xb8;
	[tilespmem:$0x1FC80] =	vst v63  }
0x504: {  	s3 =	simm.s32 @!p0 $0x6C00  }
0x505: {  	[tilespmem:s3], [sflag:$0x1] =	stream.indirect_vreg.gather @!p0 [hbm4b:s17+s0], $0x80, v39, vm1, $0xb8;
	[tilespmem:$0x1FC80] =	vst v63  }
.LBB2_23:
0x506: {  	s3 =	sor.u32 $0x1, s15  }
0x507: {  	p0 =	sge.s32 s3, s9  }
.Ltmp21:
0x508: {  	_ = 	snop;
	(pc) =	sbr.rel @p0 .LBB2_27-.Ltmp21, $1  }
0x509: {  	_ =	sdelay $0x3  }
0x50a: {  	s7 =	sshll.u32 s3, $0x4  }
0x50b: {  	s0 =	sadd.s32 $0x0, s7  }
0x50c: {  	v39 =	vmov s0  }
0x50d: {  	s18 =	simm.s32 $0x2  }
0x50e: {  	_ =	swait.ge [sflag:s18], $0x2800  }
0x50f: {  	s3 =	simm.s32 $0x0;
	[sflag:s18] =	ssyncset.done $0x0  }
0x510: {  	v40 =	vmov s3;
	[sflag:s18] =	ssyncadd.s32 $0xFFFFD800  }
0x511: {  	v41 =	vshrl.u32 v40, $0x3;
	v39 =	vld.idx.msk [tilespmem:v39+s29+$0x0], $0xffff  }
0x512: {  	v40 =	vshll.u32 v40, $0x7;
	v41 =	vmul.u32 $0x1400, v41  }
0x513: {  	v40 =	vand.u32 $0x380, v40  }
0x514: {  	v40 =	vor.u32 v40, v41  }
0x515: {  	v41 =	vadd.s32 $0x1000, v40  }
0x516: {  	v42 =	vor.u32 v7, v41;
	v43 =	vshll.u32 v39, $0x2  }
0x517: {  	v43 =	vor.u32 v5, v43;
	_ =	sdelay $0x3  }
0x518: {  	v42 =	vld.idx.msk [tilespmem:v42+s2+$0x0], $0xffff  }
0x519: {  	v43 =	vld.idx.msk [tilespmem:v43+s24+$0x0], $0xffff;
	_ =	sdelay $0x4  }
0x51a: {  	v42 =	vadd.f32 v43, v42;
	_ =	sdelay $0x1  }
0x51b: {  	v43 =	vmul.f32 $2.000000030e-01, v42;
	_ =	sdelay $0x1  }
0x51c: {  	v42 =	vmax.f32 v42, v43  }
0x51d: {  	v42 =	vmul.f32 $1.442695020e+00, v42;
	_ =	sdelay $0x1  }
0x51e: {  	(erf) = vpow2.f32 v42  }
0x51f: {  	v62 =	vshrl.u32 v39, $0x3  }
0x520: {  	v39 =	vshll.u32 v39, $0x7;
	v42 =	vmul.u32 $0x1400, v62  }
0x521: {  	v39 =	vand.u32 $0x380, v39  }
0x522: {  	v39 =	vor.u32 v39, v42  }
0x523: {  	s19 =	simm.s32 $0x0;
	v42 =	vor.u32 v2, v39  }
0x524: {  	s0 =	smul.u32 $0x5000, s19;
	v63 =	vadd.s32 $0x1000, v42;
	_ =	sdelay $0x1  }
0x525: {  	s18 =	sand.u32 $0x380, s3;
	s0 =	sshra.s32 s0, $0x2  }
0x526: {  	s18 =	sor.u32 s18, s0;
	v44 =	vpop (erf)  }
0x527: {  	[tilespmem:s18+$0x8000] =	vst v44  }
0x528: {  	[tilespmem:v63+s1+$0x0] =	vst.idx.add.f32.msk $0xffff, v44  }
0x529: {  	v43 =	vld.idx.msk [tilespmem:v41+s2+$0x0], $0xffff  }
0x52a: {  	v44 =	vld [tilespmem:s18+$0x7000];
	_ =	sdelay $0x4  }
0x52b: {  	v44 =	vmul.f32 v44, v43;
	_ =	sdelay $0x1  }
0x52c: {  	[tilespmem:v42+s1+$0x0] =	vst.idx.add.f32.msk $0xffff, v44  }
0x52d: {  	v42 =	vld [tilespmem:s18+$0x7010];
	_ =	sdelay $0x1  }
0x52e: {  	v48 =	vor.u32 v8, v39;
	_ =	sdelay $0x2  }
0x52f: {  	v42 =	vmul.f32 v42, v43;
	_ =	sdelay $0x1  }
0x530: {  	[tilespmem:v48+s1+$0x0] =	vst.idx.add.f32.msk $0xffff, v42  }
0x531: {  	v42 =	vld [tilespmem:s18+$0x7020];
	_ =	sdelay $0x1  }
0x532: {  	v49 =	vor.u32 v9, v39;
	_ =	sdelay $0x2  }
0x533: {  	v42 =	vmul.f32 v42, v43;
	_ =	sdelay $0x1  }
0x534: {  	[tilespmem:v49+s1+$0x0] =	vst.idx.add.f32.msk $0xffff, v42  }
0x535: {  	v42 =	vld [tilespmem:s18+$0x7030];
	_ =	sdelay $0x1  }
0x536: {  	v50 =	vor.u32 v10, v39;
	_ =	sdelay $0x2  }
0x537: {  	v42 =	vmul.f32 v42, v43;
	_ =	sdelay $0x1  }
0x538: {  	[tilespmem:v50+s1+$0x0] =	vst.idx.add.f32.msk $0xffff, v42  }
0x539: {  	v42 =	vld [tilespmem:s18+$0x7040];
	_ =	sdelay $0x1  }
0x53a: {  	v51 =	vor.u32 v11, v39;
	_ =	sdelay $0x2  }
0x53b: {  	v42 =	vmul.f32 v42, v43;
	_ =	sdelay $0x1  }
0x53c: {  	[tilespmem:v51+s1+$0x0] =	vst.idx.add.f32.msk $0xffff, v42  }
0x53d: {  	v42 =	vld [tilespmem:s18+$0x7050];
	_ =	sdelay $0x1  }
0x53e: {  	v52 =	vor.u32 v12, v39;
	_ =	sdelay $0x2  }
0x53f: {  	v42 =	vmul.f32 v42, v43;
	_ =	sdelay $0x1  }
0x540: {  	[tilespmem:v52+s1+$0x0] =	vst.idx.add.f32.msk $0xffff, v42  }
0x541: {  	v42 =	vld [tilespmem:s18+$0x7060];
	_ =	sdelay $0x1  }
0x542: {  	v53 =	vor.u32 v13, v39;
	_ =	sdelay $0x2  }
0x543: {  	v42 =	vmul.f32 v42, v43;
	_ =	sdelay $0x1  }
0x544: {  	[tilespmem:v53+s1+$0x0] =	vst.idx.add.f32.msk $0xffff, v42  }
0x545: {  	v42 =	vld [tilespmem:s18+$0x7070];
	_ =	sdelay $0x1  }
0x546: {  	v54 =	vor.u32 v14, v39  }
0x547: {  	v45 =	vor.u32 $0x1, v41;
	_ =	sdelay $0x1  }
0x548: {  	v42 =	vmul.f32 v42, v43;
	_ =	sdelay $0x1  }
0x549: {  	[tilespmem:v54+s1+$0x0] =	vst.idx.add.f32.msk $0xffff, v42  }
0x54a: {  	v42 =	vld.idx.msk [tilespmem:v45+s2+$0x0], $0xffff  }
0x54b: {  	v55 =	vld [tilespmem:s18+$0x7400];
	_ =	sdelay $0x1  }
0x54c: {  	v56 =	vadd.s32 v15, v39;
	_ =	sdelay $0x2  }
0x54d: {  	v43 =	vmul.f32 v55, v42;
	_ =	sdelay $0x1  }
0x54e: {  	[tilespmem:v56+s1+$0x0] =	vst.idx.add.f32.msk $0xffff, v43  }
0x54f: {  	v43 =	vld [tilespmem:s18+$0x7410];
	_ =	sdelay $0x1  }
0x550: {  	v57 =	vadd.s32 v16, v39;
	_ =	sdelay $0x2  }
0x551: {  	v43 =	vmul.f32 v43, v42;
	_ =	sdelay $0x1  }
0x552: {  	[tilespmem:v57+s1+$0x0] =	vst.idx.add.f32.msk $0xffff, v43  }
0x553: {  	v43 =	vld [tilespmem:s18+$0x7420];
	_ =	sdelay $0x1  }
0x554: {  	v58 =	vadd.s32 v17, v39;
	_ =	sdelay $0x2  }
0x555: {  	v43 =	vmul.f32 v43, v42;
	_ =	sdelay $0x1  }
0x556: {  	[tilespmem:v58+s1+$0x0] =	vst.idx.add.f32.msk $0xffff, v43  }
0x557: {  	v43 =	vld [tilespmem:s18+$0x7430];
	_ =	sdelay $0x1  }
0x558: {  	v59 =	vadd.s32 v18, v39;
	_ =	sdelay $0x2  }
0x559: {  	v43 =	vmul.f32 v43, v42;
	_ =	sdelay $0x1  }
0x55a: {  	[tilespmem:v59+s1+$0x0] =	vst.idx.add.f32.msk $0xffff, v43  }
0x55b: {  	v43 =	vld [tilespmem:s18+$0x7440];
	_ =	sdelay $0x1  }
0x55c: {  	v60 =	vadd.s32 v19, v39;
	_ =	sdelay $0x2  }
0x55d: {  	v43 =	vmul.f32 v43, v42;
	_ =	sdelay $0x1  }
0x55e: {  	[tilespmem:v60+s1+$0x0] =	vst.idx.add.f32.msk $0xffff, v43  }
0x55f: {  	v43 =	vld [tilespmem:s18+$0x7450];
	_ =	sdelay $0x1  }
0x560: {  	v61 =	vadd.s32 v20, v39;
	_ =	sdelay $0x2  }
0x561: {  	v43 =	vmul.f32 v43, v42;
	_ =	sdelay $0x1  }
0x562: {  	[tilespmem:v61+s1+$0x0] =	vst.idx.add.f32.msk $0xffff, v43  }
0x563: {  	v43 =	vld [tilespmem:s18+$0x7460];
	_ =	sdelay $0x1  }
0x564: {  	v62 =	vadd.s32 v21, v39;
	_ =	sdelay $0x2  }
0x565: {  	v43 =	vmul.f32 v43, v42;
	_ =	sdelay $0x1  }
0x566: {  	[tilespmem:v62+s1+$0x0] =	vst.idx.add.f32.msk $0xffff, v43  }
0x567: {  	v43 =	vld [tilespmem:s18+$0x7470];
	_ =	sdelay $0x1  }
0x568: {  	v63 =	vadd.s32 v22, v39  }
0x569: {  	v41 =	vor.u32 $0x2, v41;
	_ =	sdelay $0x1  }
0x56a: {  	v42 =	vmul.f32 v43, v42;
	_ =	sdelay $0x1  }
0x56b: {  	[tilespmem:v63+s1+$0x0] =	vst.idx.add.f32.msk $0xffff, v42  }
0x56c: {  	v41 =	vld.idx.msk [tilespmem:v41+s2+$0x0], $0xffff  }
0x56d: {  	v42 =	vld [tilespmem:s18+$0x7800];
	_ =	sdelay $0x1  }
0x56e: {  	v48 =	vadd.s32 v23, v39;
	_ =	sdelay $0x2  }
0x56f: {  	v42 =	vmul.f32 v42, v41;
	_ =	sdelay $0x1  }
0x570: {  	[tilespmem:v48+s1+$0x0] =	vst.idx.add.f32.msk $0xffff, v42  }
0x571: {  	v42 =	vld [tilespmem:s18+$0x7810];
	_ =	sdelay $0x1  }
0x572: {  	v49 =	vadd.s32 v24, v39;
	_ =	sdelay $0x2  }
0x573: {  	v42 =	vmul.f32 v42, v41;
	_ =	sdelay $0x1  }
0x574: {  	[tilespmem:v49+s1+$0x0] =	vst.idx.add.f32.msk $0xffff, v42  }
0x575: {  	v42 =	vld [tilespmem:s18+$0x7820];
	_ =	sdelay $0x1  }
0x576: {  	v50 =	vadd.s32 v25, v39;
	_ =	sdelay $0x2  }
0x577: {  	v42 =	vmul.f32 v42, v41;
	_ =	sdelay $0x1  }
0x578: {  	[tilespmem:v50+s1+$0x0] =	vst.idx.add.f32.msk $0xffff, v42  }
0x579: {  	v42 =	vld [tilespmem:s18+$0x7830];
	_ =	sdelay $0x1  }
0x57a: {  	v51 =	vadd.s32 v26, v39;
	_ =	sdelay $0x2  }
0x57b: {  	v42 =	vmul.f32 v42, v41;
	_ =	sdelay $0x1  }
0x57c: {  	[tilespmem:v51+s1+$0x0] =	vst.idx.add.f32.msk $0xffff, v42  }
0x57d: {  	v42 =	vld [tilespmem:s18+$0x7840];
	_ =	sdelay $0x1  }
0x57e: {  	v52 =	vadd.s32 v27, v39;
	_ =	sdelay $0x2  }
0x57f: {  	v42 =	vmul.f32 v42, v41;
	_ =	sdelay $0x1  }
0x580: {  	[tilespmem:v52+s1+$0x0] =	vst.idx.add.f32.msk $0xffff, v42  }
0x581: {  	v42 =	vld [tilespmem:s18+$0x7850];
	_ =	sdelay $0x1  }
0x582: {  	v53 =	vadd.s32 v28, v39;
	_ =	sdelay $0x2  }
0x583: {  	v42 =	vmul.f32 v42, v41;
	_ =	sdelay $0x1  }
0x584: {  	[tilespmem:v53+s1+$0x0] =	vst.idx.add.f32.msk $0xffff, v42  }
0x585: {  	v42 =	vld [tilespmem:s18+$0x7860];
	_ =	sdelay $0x1  }
0x586: {  	v54 =	vadd.s32 v29, v39;
	_ =	sdelay $0x2  }
0x587: {  	v42 =	vmul.f32 v42, v41;
	_ =	sdelay $0x1  }
0x588: {  	[tilespmem:v54+s1+$0x0] =	vst.idx.add.f32.msk $0xffff, v42  }
0x589: {  	v42 =	vld [tilespmem:s18+$0x7870];
	_ =	sdelay $0x1  }
0x58a: {  	v55 =	vadd.s32 v30, v39  }
0x58b: {  	v40 =	vadd.s32 $0x1003, v40;
	_ =	sdelay $0x1  }
0x58c: {  	v41 =	vmul.f32 v42, v41;
	_ =	sdelay $0x1  }
0x58d: {  	[tilespmem:v55+s1+$0x0] =	vst.idx.add.f32.msk $0xffff, v41  }
0x58e: {  	v41 =	vld.idx.msk [tilespmem:v40+s2+$0x0], $0xffff  }
0x58f: {  	v56 =	vld [tilespmem:s18+$0x7C00];
	_ =	sdelay $0x1  }
0x590: {  	v57 =	vadd.s32 v31, v39;
	_ =	sdelay $0x2  }
0x591: {  	v40 =	vmul.f32 v56, v41;
	_ =	sdelay $0x1  }
0x592: {  	[tilespmem:v57+s1+$0x0] =	vst.idx.add.f32.msk $0xffff, v40  }
0x593: {  	v40 =	vld [tilespmem:s18+$0x7C10];
	_ =	sdelay $0x1  }
0x594: {  	v58 =	vadd.s32 v32, v39;
	_ =	sdelay $0x2  }
0x595: {  	v40 =	vmul.f32 v40, v41;
	_ =	sdelay $0x1  }
0x596: {  	[tilespmem:v58+s1+$0x0] =	vst.idx.add.f32.msk $0xffff, v40  }
0x597: {  	v40 =	vld [tilespmem:s18+$0x7C20];
	_ =	sdelay $0x1  }
0x598: {  	v59 =	vadd.s32 v33, v39;
	_ =	sdelay $0x2  }
0x599: {  	v40 =	vmul.f32 v40, v41;
	_ =	sdelay $0x1  }
0x59a: {  	[tilespmem:v59+s1+$0x0] =	vst.idx.add.f32.msk $0xffff, v40  }
0x59b: {  	v40 =	vld [tilespmem:s18+$0x7C30];
	_ =	sdelay $0x1  }
0x59c: {  	v60 =	vadd.s32 v34, v39;
	_ =	sdelay $0x2  }
0x59d: {  	v40 =	vmul.f32 v40, v41;
	_ =	sdelay $0x1  }
0x59e: {  	[tilespmem:v60+s1+$0x0] =	vst.idx.add.f32.msk $0xffff, v40  }
0x59f: {  	v40 =	vld [tilespmem:s18+$0x7C40];
	_ =	sdelay $0x1  }
0x5a0: {  	v61 =	vadd.s32 v35, v39;
	_ =	sdelay $0x2  }
0x5a1: {  	v40 =	vmul.f32 v40, v41;
	_ =	sdelay $0x1  }
0x5a2: {  	[tilespmem:v61+s1+$0x0] =	vst.idx.add.f32.msk $0xffff, v40  }
0x5a3: {  	v40 =	vld [tilespmem:s18+$0x7C50];
	_ =	sdelay $0x1  }
0x5a4: {  	v62 =	vadd.s32 v36, v39;
	_ =	sdelay $0x2  }
0x5a5: {  	v40 =	vmul.f32 v40, v41;
	_ =	sdelay $0x1  }
0x5a6: {  	[tilespmem:v62+s1+$0x0] =	vst.idx.add.f32.msk $0xffff, v40  }
0x5a7: {  	v40 =	vld [tilespmem:s18+$0x7C60];
	_ =	sdelay $0x1  }
0x5a8: {  	v63 =	vadd.s32 v37, v39;
	_ =	sdelay $0x2  }
0x5a9: {  	v40 =	vmul.f32 v40, v41;
	_ =	sdelay $0x1  }
0x5aa: {  	[tilespmem:v63+s1+$0x0] =	vst.idx.add.f32.msk $0xffff, v40  }
0x5ab: {  	v42 =	vld [tilespmem:s18+$0x7C70];
	_ =	sdelay $0x1  }
0x5ac: {  	s30 =	sadd.s32 $0x1, s7;
	v40 =	vadd.s32 v38, v39  }
0x5ad: {  	v39 =	vmov s30;
	_ =	sdelay $0x1  }
0x5ae: {  	s19 =	simm.s32 $0x1;
	s18 =	simm.s32 $0x2;
	v41 =	vmul.f32 v42, v41  }
.LBB2_25:
0x5af: {  	p0 =	sne.s32 s18, $0xF  }
0x5b0: {  	s3 =	sadd.s32 $0x80, s3;
	s0 =	smov.u32 s18;
	s18 =	sadd.s32 $0x1, s18;
	[tilespmem:v40+s1+$0x0] =	vst.idx.add.f32.msk $0xffff, v41  }
0x5b1: {  	v40 =	vmov s19;
	v39 =	vld.idx.msk [tilespmem:v39+s29+$0x0], $0xffff  }
0x5b2: {  	v41 =	vshrl.u32 v40, $0x3;
	v40 =	vshll.u32 v40, $0x7  }
0x5b3: {  	v41 =	vmul.u32 $0x1400, v41  }
0x5b4: {  	v40 =	vand.u32 $0x380, v40  }
0x5b5: {  	v40 =	vor.u32 v40, v41  }
0x5b6: {  	v41 =	vadd.s32 $0x1000, v40  }
0x5b7: {  	v42 =	vor.u32 v7, v41;
	v43 =	vshll.u32 v39, $0x2;
	v44 =	vshrl.u32 v39, $0x3  }
0x5b8: {  	v39 =	vshll.u32 v39, $0x7;
	v43 =	vor.u32 v5, v43;
	v44 =	vmul.u32 $0x1400, v44  }
0x5b9: {  	v39 =	vand.u32 $0x380, v39  }
0x5ba: {  	v39 =	vor.u32 v39, v44;
	_ =	sdelay $0x1  }
0x5bb: {  	v42 =	vld.idx.msk [tilespmem:v42+s2+$0x0], $0xffff  }
0x5bc: {  	v43 =	vld.idx.msk [tilespmem:v43+s24+$0x0], $0xffff;
	_ =	sdelay $0x5  }
0x5bd: {  	v42 =	vadd.f32 v43, v42;
	_ =	sdelay $0x1  }
0x5be: {  	v43 =	vmul.f32 $2.000000030e-01, v42;
	_ =	sdelay $0x1  }
0x5bf: {  	v42 =	vmax.f32 v42, v43  }
0x5c0: {  	v42 =	vmul.f32 $1.442695020e+00, v42;
	_ =	sdelay $0x1  }
0x5c1: {  	(erf) = vpow2.f32 v42;
	_ =	sdelay $0x4  }
0x5c2: {  	s30 =	sshrl.u32 s19, $0x3;
	s19 =	smov.u32 s0;
	v42 =	vor.u32 v2, v39  }
0x5c3: {  	s0 =	smul.u32 $0x5000, s30;
	v43 =	vadd.s32 $0x1000, v42;
	_ =	sdelay $0x1  }
0x5c4: {  	s30 =	sand.u32 $0x380, s3;
	s0 =	sshra.s32 s0, $0x2  }
0x5c5: {  	s30 =	sor.u32 s30, s0;
	v44 =	vpop (erf)  }
0x5c6: {  	[tilespmem:s30+$0x8000] =	vst v44  }
0x5c7: {  	[tilespmem:v43+s1+$0x0] =	vst.idx.add.f32.msk $0xffff, v44  }
0x5c8: {  	v43 =	vld.idx.msk [tilespmem:v41+s2+$0x0], $0xffff  }
0x5c9: {  	v44 =	vld [tilespmem:s30+$0x7000];
	_ =	sdelay $0x4  }
0x5ca: {  	v44 =	vmul.f32 v44, v43;
	_ =	sdelay $0x1  }
0x5cb: {  	[tilespmem:v42+s1+$0x0] =	vst.idx.add.f32.msk $0xffff, v44  }
0x5cc: {  	v42 =	vld [tilespmem:s30+$0x7010];
	_ =	sdelay $0x1  }
0x5cd: {  	v44 =	vor.u32 v8, v39;
	_ =	sdelay $0x2  }
0x5ce: {  	v42 =	vmul.f32 v42, v43;
	_ =	sdelay $0x1  }
0x5cf: {  	[tilespmem:v44+s1+$0x0] =	vst.idx.add.f32.msk $0xffff, v42  }
0x5d0: {  	v42 =	vld [tilespmem:s30+$0x7020];
	_ =	sdelay $0x1  }
0x5d1: {  	v44 =	vor.u32 v9, v39;
	_ =	sdelay $0x2  }
0x5d2: {  	v42 =	vmul.f32 v42, v43;
	_ =	sdelay $0x1  }
0x5d3: {  	[tilespmem:v44+s1+$0x0] =	vst.idx.add.f32.msk $0xffff, v42  }
0x5d4: {  	v42 =	vld [tilespmem:s30+$0x7030];
	_ =	sdelay $0x1  }
0x5d5: {  	v44 =	vor.u32 v10, v39;
	_ =	sdelay $0x2  }
0x5d6: {  	v42 =	vmul.f32 v42, v43;
	_ =	sdelay $0x1  }
0x5d7: {  	[tilespmem:v44+s1+$0x0] =	vst.idx.add.f32.msk $0xffff, v42  }
0x5d8: {  	v42 =	vld [tilespmem:s30+$0x7040];
	_ =	sdelay $0x1  }
0x5d9: {  	v44 =	vor.u32 v11, v39;
	_ =	sdelay $0x2  }
0x5da: {  	v42 =	vmul.f32 v42, v43;
	_ =	sdelay $0x1  }
0x5db: {  	[tilespmem:v44+s1+$0x0] =	vst.idx.add.f32.msk $0xffff, v42  }
0x5dc: {  	v42 =	vld [tilespmem:s30+$0x7050];
	_ =	sdelay $0x1  }
0x5dd: {  	v44 =	vor.u32 v12, v39;
	_ =	sdelay $0x2  }
0x5de: {  	v42 =	vmul.f32 v42, v43;
	_ =	sdelay $0x1  }
0x5df: {  	[tilespmem:v44+s1+$0x0] =	vst.idx.add.f32.msk $0xffff, v42  }
0x5e0: {  	v42 =	vld [tilespmem:s30+$0x7060];
	_ =	sdelay $0x1  }
0x5e1: {  	v44 =	vor.u32 v13, v39;
	_ =	sdelay $0x2  }
0x5e2: {  	v42 =	vmul.f32 v42, v43;
	_ =	sdelay $0x1  }
0x5e3: {  	[tilespmem:v44+s1+$0x0] =	vst.idx.add.f32.msk $0xffff, v42  }
0x5e4: {  	v42 =	vld [tilespmem:s30+$0x7070];
	_ =	sdelay $0x1  }
0x5e5: {  	v44 =	vor.u32 v14, v39  }
0x5e6: {  	v45 =	vor.u32 $0x1, v41;
	_ =	sdelay $0x1  }
0x5e7: {  	v42 =	vmul.f32 v42, v43;
	_ =	sdelay $0x1  }
0x5e8: {  	[tilespmem:v44+s1+$0x0] =	vst.idx.add.f32.msk $0xffff, v42  }
0x5e9: {  	v42 =	vld.idx.msk [tilespmem:v45+s2+$0x0], $0xffff  }
0x5ea: {  	v43 =	vld [tilespmem:s30+$0x7400];
	_ =	sdelay $0x1  }
0x5eb: {  	v44 =	vadd.s32 v15, v39;
	_ =	sdelay $0x2  }
0x5ec: {  	v43 =	vmul.f32 v43, v42;
	_ =	sdelay $0x1  }
0x5ed: {  	[tilespmem:v44+s1+$0x0] =	vst.idx.add.f32.msk $0xffff, v43  }
0x5ee: {  	v43 =	vld [tilespmem:s30+$0x7410];
	_ =	sdelay $0x1  }
0x5ef: {  	v44 =	vadd.s32 v16, v39;
	_ =	sdelay $0x2  }
0x5f0: {  	v43 =	vmul.f32 v43, v42;
	_ =	sdelay $0x1  }
0x5f1: {  	[tilespmem:v44+s1+$0x0] =	vst.idx.add.f32.msk $0xffff, v43  }
0x5f2: {  	v43 =	vld [tilespmem:s30+$0x7420];
	_ =	sdelay $0x1  }
0x5f3: {  	v44 =	vadd.s32 v17, v39;
	_ =	sdelay $0x2  }
0x5f4: {  	v43 =	vmul.f32 v43, v42;
	_ =	sdelay $0x1  }
0x5f5: {  	[tilespmem:v44+s1+$0x0] =	vst.idx.add.f32.msk $0xffff, v43  }
0x5f6: {  	v43 =	vld [tilespmem:s30+$0x7430];
	_ =	sdelay $0x1  }
0x5f7: {  	v44 =	vadd.s32 v18, v39;
	_ =	sdelay $0x2  }
0x5f8: {  	v43 =	vmul.f32 v43, v42;
	_ =	sdelay $0x1  }
0x5f9: {  	[tilespmem:v44+s1+$0x0] =	vst.idx.add.f32.msk $0xffff, v43  }
0x5fa: {  	v43 =	vld [tilespmem:s30+$0x7440];
	_ =	sdelay $0x1  }
0x5fb: {  	v44 =	vadd.s32 v19, v39;
	_ =	sdelay $0x2  }
0x5fc: {  	v43 =	vmul.f32 v43, v42;
	_ =	sdelay $0x1  }
0x5fd: {  	[tilespmem:v44+s1+$0x0] =	vst.idx.add.f32.msk $0xffff, v43  }
0x5fe: {  	v43 =	vld [tilespmem:s30+$0x7450];
	_ =	sdelay $0x1  }
0x5ff: {  	v44 =	vadd.s32 v20, v39;
	_ =	sdelay $0x2  }
0x600: {  	v43 =	vmul.f32 v43, v42;
	_ =	sdelay $0x1  }
0x601: {  	[tilespmem:v44+s1+$0x0] =	vst.idx.add.f32.msk $0xffff, v43  }
0x602: {  	v43 =	vld [tilespmem:s30+$0x7460];
	_ =	sdelay $0x1  }
0x603: {  	v44 =	vadd.s32 v21, v39;
	_ =	sdelay $0x2  }
0x604: {  	v43 =	vmul.f32 v43, v42;
	_ =	sdelay $0x1  }
0x605: {  	[tilespmem:v44+s1+$0x0] =	vst.idx.add.f32.msk $0xffff, v43  }
0x606: {  	v43 =	vld [tilespmem:s30+$0x7470];
	_ =	sdelay $0x1  }
0x607: {  	v44 =	vadd.s32 v22, v39  }
0x608: {  	v41 =	vor.u32 $0x2, v41;
	_ =	sdelay $0x1  }
0x609: {  	v42 =	vmul.f32 v43, v42;
	_ =	sdelay $0x1  }
0x60a: {  	[tilespmem:v44+s1+$0x0] =	vst.idx.add.f32.msk $0xffff, v42  }
0x60b: {  	v41 =	vld.idx.msk [tilespmem:v41+s2+$0x0], $0xffff  }
0x60c: {  	v42 =	vld [tilespmem:s30+$0x7800];
	_ =	sdelay $0x1  }
0x60d: {  	v43 =	vadd.s32 v23, v39;
	_ =	sdelay $0x2  }
0x60e: {  	v42 =	vmul.f32 v42, v41;
	_ =	sdelay $0x1  }
0x60f: {  	[tilespmem:v43+s1+$0x0] =	vst.idx.add.f32.msk $0xffff, v42  }
0x610: {  	v42 =	vld [tilespmem:s30+$0x7810];
	_ =	sdelay $0x1  }
0x611: {  	v43 =	vadd.s32 v24, v39;
	_ =	sdelay $0x2  }
0x612: {  	v42 =	vmul.f32 v42, v41;
	_ =	sdelay $0x1  }
0x613: {  	[tilespmem:v43+s1+$0x0] =	vst.idx.add.f32.msk $0xffff, v42  }
0x614: {  	v42 =	vld [tilespmem:s30+$0x7820];
	_ =	sdelay $0x1  }
0x615: {  	v43 =	vadd.s32 v25, v39;
	_ =	sdelay $0x2  }
0x616: {  	v42 =	vmul.f32 v42, v41;
	_ =	sdelay $0x1  }
0x617: {  	[tilespmem:v43+s1+$0x0] =	vst.idx.add.f32.msk $0xffff, v42  }
0x618: {  	v42 =	vld [tilespmem:s30+$0x7830];
	_ =	sdelay $0x1  }
0x619: {  	v43 =	vadd.s32 v26, v39;
	_ =	sdelay $0x2  }
0x61a: {  	v42 =	vmul.f32 v42, v41;
	_ =	sdelay $0x1  }
0x61b: {  	[tilespmem:v43+s1+$0x0] =	vst.idx.add.f32.msk $0xffff, v42  }
0x61c: {  	v42 =	vld [tilespmem:s30+$0x7840];
	_ =	sdelay $0x1  }
0x61d: {  	v43 =	vadd.s32 v27, v39;
	_ =	sdelay $0x2  }
0x61e: {  	v42 =	vmul.f32 v42, v41;
	_ =	sdelay $0x1  }
0x61f: {  	[tilespmem:v43+s1+$0x0] =	vst.idx.add.f32.msk $0xffff, v42  }
0x620: {  	v42 =	vld [tilespmem:s30+$0x7850];
	_ =	sdelay $0x1  }
0x621: {  	v43 =	vadd.s32 v28, v39;
	_ =	sdelay $0x2  }
0x622: {  	v42 =	vmul.f32 v42, v41;
	_ =	sdelay $0x1  }
0x623: {  	[tilespmem:v43+s1+$0x0] =	vst.idx.add.f32.msk $0xffff, v42  }
0x624: {  	v42 =	vld [tilespmem:s30+$0x7860];
	_ =	sdelay $0x1  }
0x625: {  	v43 =	vadd.s32 v29, v39;
	_ =	sdelay $0x2  }
0x626: {  	v42 =	vmul.f32 v42, v41;
	_ =	sdelay $0x1  }
0x627: {  	[tilespmem:v43+s1+$0x0] =	vst.idx.add.f32.msk $0xffff, v42  }
0x628: {  	v42 =	vld [tilespmem:s30+$0x7870];
	_ =	sdelay $0x1  }
0x629: {  	v43 =	vadd.s32 v30, v39  }
0x62a: {  	v40 =	vadd.s32 $0x1003, v40;
	_ =	sdelay $0x1  }
0x62b: {  	v41 =	vmul.f32 v42, v41;
	_ =	sdelay $0x1  }
0x62c: {  	[tilespmem:v43+s1+$0x0] =	vst.idx.add.f32.msk $0xffff, v41  }
0x62d: {  	v41 =	vld.idx.msk [tilespmem:v40+s2+$0x0], $0xffff  }
0x62e: {  	v40 =	vld [tilespmem:s30+$0x7C00];
	_ =	sdelay $0x1  }
0x62f: {  	v42 =	vadd.s32 v31, v39;
	_ =	sdelay $0x2  }
0x630: {  	v40 =	vmul.f32 v40, v41;
	_ =	sdelay $0x1  }
0x631: {  	[tilespmem:v42+s1+$0x0] =	vst.idx.add.f32.msk $0xffff, v40  }
0x632: {  	v40 =	vld [tilespmem:s30+$0x7C10];
	_ =	sdelay $0x1  }
0x633: {  	v42 =	vadd.s32 v32, v39;
	_ =	sdelay $0x2  }
0x634: {  	v40 =	vmul.f32 v40, v41;
	_ =	sdelay $0x1  }
0x635: {  	[tilespmem:v42+s1+$0x0] =	vst.idx.add.f32.msk $0xffff, v40  }
0x636: {  	v40 =	vld [tilespmem:s30+$0x7C20];
	_ =	sdelay $0x1  }
0x637: {  	v42 =	vadd.s32 v33, v39;
	_ =	sdelay $0x2  }
0x638: {  	v40 =	vmul.f32 v40, v41;
	_ =	sdelay $0x1  }
0x639: {  	[tilespmem:v42+s1+$0x0] =	vst.idx.add.f32.msk $0xffff, v40  }
0x63a: {  	v40 =	vld [tilespmem:s30+$0x7C30];
	_ =	sdelay $0x1  }
0x63b: {  	v42 =	vadd.s32 v34, v39;
	_ =	sdelay $0x2  }
0x63c: {  	v40 =	vmul.f32 v40, v41;
	_ =	sdelay $0x1  }
0x63d: {  	[tilespmem:v42+s1+$0x0] =	vst.idx.add.f32.msk $0xffff, v40  }
0x63e: {  	v40 =	vld [tilespmem:s30+$0x7C40];
	_ =	sdelay $0x1  }
0x63f: {  	v42 =	vadd.s32 v35, v39;
	_ =	sdelay $0x2  }
0x640: {  	v40 =	vmul.f32 v40, v41;
	_ =	sdelay $0x1  }
0x641: {  	[tilespmem:v42+s1+$0x0] =	vst.idx.add.f32.msk $0xffff, v40  }
0x642: {  	v40 =	vld [tilespmem:s30+$0x7C50];
	_ =	sdelay $0x1  }
0x643: {  	v42 =	vadd.s32 v36, v39;
	_ =	sdelay $0x2  }
0x644: {  	v40 =	vmul.f32 v40, v41;
	_ =	sdelay $0x1  }
0x645: {  	[tilespmem:v42+s1+$0x0] =	vst.idx.add.f32.msk $0xffff, v40  }
0x646: {  	v40 =	vld [tilespmem:s30+$0x7C60];
	_ =	sdelay $0x1  }
0x647: {  	v42 =	vadd.s32 v37, v39;
	_ =	sdelay $0x2  }
0x648: {  	v40 =	vmul.f32 v40, v41;
	_ =	sdelay $0x1  }
0x649: {  	[tilespmem:v42+s1+$0x0] =	vst.idx.add.f32.msk $0xffff, v40  }
0x64a: {  	v42 =	vld [tilespmem:s30+$0x7C70]  }
.Ltmp22:
0x64b: {  	(pc) =	sbr.rel @p0 .LBB2_25-.Ltmp22, $3  }
0x64c: {  	s0 =	sadd.s32 s7, s19;
	v40 =	vadd.s32 v38, v39  }
0x64d: {  	v39 =	vmov s0;
	_ =	sdelay $0x1  }
0x64e: {  	v41 =	vmul.f32 v42, v41  }
0x64f: {  	_ =	sdelay $0x3  }
0x650: {  	v45 =	vmov s19;
	[tilespmem:v40+s1+$0x0] =	vst.idx.add.f32.msk $0xffff, v41  }
0x651: {  	v46 =	vshrl.u32 v45, $0x3;
	v39 =	vld.idx.msk [tilespmem:v39+s29+$0x0], $0xffff  }
0x652: {  	v40 =	vshll.u32 v45, $0x7;
	v41 =	vmul.u32 $0x1400, v46  }
0x653: {  	v40 =	vand.u32 $0x380, v40  }
0x654: {  	v40 =	vor.u32 v40, v41  }
0x655: {  	v41 =	vadd.s32 $0x1000, v40  }
0x656: {  	v42 =	vor.u32 v7, v41;
	v43 =	vshll.u32 v39, $0x2  }
0x657: {  	v43 =	vor.u32 v5, v43;
	_ =	sdelay $0x3  }
0x658: {  	v42 =	vld.idx.msk [tilespmem:v42+s2+$0x0], $0xffff  }
0x659: {  	v43 =	vld.idx.msk [tilespmem:v43+s24+$0x0], $0xffff;
	_ =	sdelay $0x4  }
0x65a: {  	v42 =	vadd.f32 v43, v42;
	_ =	sdelay $0x1  }
0x65b: {  	v43 =	vmul.f32 $2.000000030e-01, v42;
	_ =	sdelay $0x1  }
0x65c: {  	v42 =	vmax.f32 v42, v43  }
0x65d: {  	v42 =	vmul.f32 $1.442695020e+00, v42;
	_ =	sdelay $0x1  }
0x65e: {  	(erf) = vpow2.f32 v42  }
0x65f: {  	v47 =	vshrl.u32 v39, $0x3  }
0x660: {  	v39 =	vshll.u32 v39, $0x7;
	v42 =	vmul.u32 $0x1400, v47  }
0x661: {  	v39 =	vand.u32 $0x380, v39  }
0x662: {  	v39 =	vor.u32 v39, v42  }
0x663: {  	s0 =	sshrl.u32 s19, $0x3;
	v42 =	vor.u32 v2, v39  }
0x664: {  	s0 =	smul.u32 $0x5000, s0;
	v48 =	vadd.s32 $0x1000, v42  }
0x665: {  	s3 =	sadd.s32 $0x80, s3  }
0x666: {  	s3 =	sand.u32 $0x380, s3;
	s0 =	sshra.s32 s0, $0x2  }
0x667: {  	s3 =	sor.u32 s3, s0;
	v44 =	vpop (erf)  }
0x668: {  	[tilespmem:s3+$0x8000] =	vst v44  }
0x669: {  	[tilespmem:v48+s1+$0x0] =	vst.idx.add.f32.msk $0xffff, v44  }
0x66a: {  	v43 =	vld.idx.msk [tilespmem:v41+s2+$0x0], $0xffff  }
0x66b: {  	v44 =	vld [tilespmem:s3+$0x7000];
	_ =	sdelay $0x4  }
0x66c: {  	v44 =	vmul.f32 v44, v43;
	_ =	sdelay $0x1  }
0x66d: {  	[tilespmem:v42+s1+$0x0] =	vst.idx.add.f32.msk $0xffff, v44  }
0x66e: {  	v42 =	vld [tilespmem:s3+$0x7010];
	_ =	sdelay $0x1  }
0x66f: {  	v49 =	vor.u32 v8, v39;
	_ =	sdelay $0x2  }
0x670: {  	v42 =	vmul.f32 v42, v43;
	_ =	sdelay $0x1  }
0x671: {  	[tilespmem:v49+s1+$0x0] =	vst.idx.add.f32.msk $0xffff, v42  }
0x672: {  	v42 =	vld [tilespmem:s3+$0x7020];
	_ =	sdelay $0x1  }
0x673: {  	v50 =	vor.u32 v9, v39;
	_ =	sdelay $0x2  }
0x674: {  	v42 =	vmul.f32 v42, v43;
	_ =	sdelay $0x1  }
0x675: {  	[tilespmem:v50+s1+$0x0] =	vst.idx.add.f32.msk $0xffff, v42  }
0x676: {  	v42 =	vld [tilespmem:s3+$0x7030];
	_ =	sdelay $0x1  }
0x677: {  	v51 =	vor.u32 v10, v39;
	_ =	sdelay $0x2  }
0x678: {  	v42 =	vmul.f32 v42, v43;
	_ =	sdelay $0x1  }
0x679: {  	[tilespmem:v51+s1+$0x0] =	vst.idx.add.f32.msk $0xffff, v42  }
0x67a: {  	v42 =	vld [tilespmem:s3+$0x7040];
	_ =	sdelay $0x1  }
0x67b: {  	v52 =	vor.u32 v11, v39;
	_ =	sdelay $0x2  }
0x67c: {  	v42 =	vmul.f32 v42, v43;
	_ =	sdelay $0x1  }
0x67d: {  	[tilespmem:v52+s1+$0x0] =	vst.idx.add.f32.msk $0xffff, v42  }
0x67e: {  	v42 =	vld [tilespmem:s3+$0x7050];
	_ =	sdelay $0x1  }
0x67f: {  	v53 =	vor.u32 v12, v39;
	_ =	sdelay $0x2  }
0x680: {  	v42 =	vmul.f32 v42, v43;
	_ =	sdelay $0x1  }
0x681: {  	[tilespmem:v53+s1+$0x0] =	vst.idx.add.f32.msk $0xffff, v42  }
0x682: {  	v42 =	vld [tilespmem:s3+$0x7060];
	_ =	sdelay $0x1  }
0x683: {  	v54 =	vor.u32 v13, v39;
	_ =	sdelay $0x2  }
0x684: {  	v42 =	vmul.f32 v42, v43;
	_ =	sdelay $0x1  }
0x685: {  	[tilespmem:v54+s1+$0x0] =	vst.idx.add.f32.msk $0xffff, v42  }
0x686: {  	v42 =	vld [tilespmem:s3+$0x7070];
	_ =	sdelay $0x1  }
0x687: {  	v55 =	vor.u32 v14, v39  }
0x688: {  	v45 =	vor.u32 $0x1, v41;
	_ =	sdelay $0x1  }
0x689: {  	v42 =	vmul.f32 v42, v43;
	_ =	sdelay $0x1  }
0x68a: {  	[tilespmem:v55+s1+$0x0] =	vst.idx.add.f32.msk $0xffff, v42  }
0x68b: {  	v42 =	vld.idx.msk [tilespmem:v45+s2+$0x0], $0xffff  }
0x68c: {  	v56 =	vld [tilespmem:s3+$0x7400];
	_ =	sdelay $0x1  }
0x68d: {  	v57 =	vadd.s32 v15, v39;
	_ =	sdelay $0x2  }
0x68e: {  	v43 =	vmul.f32 v56, v42;
	_ =	sdelay $0x1  }
0x68f: {  	[tilespmem:v57+s1+$0x0] =	vst.idx.add.f32.msk $0xffff, v43  }
0x690: {  	v43 =	vld [tilespmem:s3+$0x7410];
	_ =	sdelay $0x1  }
0x691: {  	v58 =	vadd.s32 v16, v39;
	_ =	sdelay $0x2  }
0x692: {  	v43 =	vmul.f32 v43, v42;
	_ =	sdelay $0x1  }
0x693: {  	[tilespmem:v58+s1+$0x0] =	vst.idx.add.f32.msk $0xffff, v43  }
0x694: {  	v43 =	vld [tilespmem:s3+$0x7420];
	_ =	sdelay $0x1  }
0x695: {  	v59 =	vadd.s32 v17, v39;
	_ =	sdelay $0x2  }
0x696: {  	v43 =	vmul.f32 v43, v42;
	_ =	sdelay $0x1  }
0x697: {  	[tilespmem:v59+s1+$0x0] =	vst.idx.add.f32.msk $0xffff, v43  }
0x698: {  	v43 =	vld [tilespmem:s3+$0x7430];
	_ =	sdelay $0x1  }
0x699: {  	v60 =	vadd.s32 v18, v39;
	_ =	sdelay $0x2  }
0x69a: {  	v43 =	vmul.f32 v43, v42;
	_ =	sdelay $0x1  }
0x69b: {  	[tilespmem:v60+s1+$0x0] =	vst.idx.add.f32.msk $0xffff, v43  }
0x69c: {  	v43 =	vld [tilespmem:s3+$0x7440];
	_ =	sdelay $0x1  }
0x69d: {  	v61 =	vadd.s32 v19, v39;
	_ =	sdelay $0x2  }
0x69e: {  	v43 =	vmul.f32 v43, v42;
	_ =	sdelay $0x1  }
0x69f: {  	[tilespmem:v61+s1+$0x0] =	vst.idx.add.f32.msk $0xffff, v43  }
0x6a0: {  	v43 =	vld [tilespmem:s3+$0x7450];
	_ =	sdelay $0x1  }
0x6a1: {  	v62 =	vadd.s32 v20, v39;
	_ =	sdelay $0x2  }
0x6a2: {  	v43 =	vmul.f32 v43, v42;
	_ =	sdelay $0x1  }
0x6a3: {  	[tilespmem:v62+s1+$0x0] =	vst.idx.add.f32.msk $0xffff, v43  }
0x6a4: {  	v43 =	vld [tilespmem:s3+$0x7460];
	_ =	sdelay $0x1  }
0x6a5: {  	v63 =	vadd.s32 v21, v39;
	_ =	sdelay $0x2  }
0x6a6: {  	v43 =	vmul.f32 v43, v42;
	_ =	sdelay $0x1  }
0x6a7: {  	[tilespmem:v63+s1+$0x0] =	vst.idx.add.f32.msk $0xffff, v43  }
0x6a8: {  	v43 =	vld [tilespmem:s3+$0x7470];
	_ =	sdelay $0x1  }
0x6a9: {  	v48 =	vadd.s32 v22, v39  }
0x6aa: {  	v41 =	vor.u32 $0x2, v41;
	_ =	sdelay $0x1  }
0x6ab: {  	v42 =	vmul.f32 v43, v42;
	_ =	sdelay $0x1  }
0x6ac: {  	[tilespmem:v48+s1+$0x0] =	vst.idx.add.f32.msk $0xffff, v42  }
0x6ad: {  	v41 =	vld.idx.msk [tilespmem:v41+s2+$0x0], $0xffff  }
0x6ae: {  	v42 =	vld [tilespmem:s3+$0x7800];
	_ =	sdelay $0x1  }
0x6af: {  	v49 =	vadd.s32 v23, v39;
	_ =	sdelay $0x2  }
0x6b0: {  	v42 =	vmul.f32 v42, v41;
	_ =	sdelay $0x1  }
0x6b1: {  	[tilespmem:v49+s1+$0x0] =	vst.idx.add.f32.msk $0xffff, v42  }
0x6b2: {  	v42 =	vld [tilespmem:s3+$0x7810];
	_ =	sdelay $0x1  }
0x6b3: {  	v50 =	vadd.s32 v24, v39;
	_ =	sdelay $0x2  }
0x6b4: {  	v42 =	vmul.f32 v42, v41;
	_ =	sdelay $0x1  }
0x6b5: {  	[tilespmem:v50+s1+$0x0] =	vst.idx.add.f32.msk $0xffff, v42  }
0x6b6: {  	v42 =	vld [tilespmem:s3+$0x7820];
	_ =	sdelay $0x1  }
0x6b7: {  	v51 =	vadd.s32 v25, v39;
	_ =	sdelay $0x2  }
0x6b8: {  	v42 =	vmul.f32 v42, v41;
	_ =	sdelay $0x1  }
0x6b9: {  	[tilespmem:v51+s1+$0x0] =	vst.idx.add.f32.msk $0xffff, v42  }
0x6ba: {  	v42 =	vld [tilespmem:s3+$0x7830];
	_ =	sdelay $0x1  }
0x6bb: {  	v52 =	vadd.s32 v26, v39;
	_ =	sdelay $0x2  }
0x6bc: {  	v42 =	vmul.f32 v42, v41;
	_ =	sdelay $0x1  }
0x6bd: {  	[tilespmem:v52+s1+$0x0] =	vst.idx.add.f32.msk $0xffff, v42  }
0x6be: {  	v42 =	vld [tilespmem:s3+$0x7840];
	_ =	sdelay $0x1  }
0x6bf: {  	v53 =	vadd.s32 v27, v39;
	_ =	sdelay $0x2  }
0x6c0: {  	v42 =	vmul.f32 v42, v41;
	_ =	sdelay $0x1  }
0x6c1: {  	[tilespmem:v53+s1+$0x0] =	vst.idx.add.f32.msk $0xffff, v42  }
0x6c2: {  	v42 =	vld [tilespmem:s3+$0x7850];
	_ =	sdelay $0x1  }
0x6c3: {  	v54 =	vadd.s32 v28, v39;
	_ =	sdelay $0x2  }
0x6c4: {  	v42 =	vmul.f32 v42, v41;
	_ =	sdelay $0x1  }
0x6c5: {  	[tilespmem:v54+s1+$0x0] =	vst.idx.add.f32.msk $0xffff, v42  }
0x6c6: {  	v42 =	vld [tilespmem:s3+$0x7860];
	_ =	sdelay $0x1  }
0x6c7: {  	v55 =	vadd.s32 v29, v39;
	_ =	sdelay $0x2  }
0x6c8: {  	v42 =	vmul.f32 v42, v41;
	_ =	sdelay $0x1  }
0x6c9: {  	[tilespmem:v55+s1+$0x0] =	vst.idx.add.f32.msk $0xffff, v42  }
0x6ca: {  	v42 =	vld [tilespmem:s3+$0x7870];
	_ =	sdelay $0x1  }
0x6cb: {  	v56 =	vadd.s32 v30, v39  }
0x6cc: {  	v40 =	vadd.s32 $0x1003, v40;
	_ =	sdelay $0x1  }
0x6cd: {  	v41 =	vmul.f32 v42, v41;
	_ =	sdelay $0x1  }
0x6ce: {  	[tilespmem:v56+s1+$0x0] =	vst.idx.add.f32.msk $0xffff, v41  }
0x6cf: {  	v40 =	vld.idx.msk [tilespmem:v40+s2+$0x0], $0xffff  }
0x6d0: {  	v41 =	vld [tilespmem:s3+$0x7C00];
	_ =	sdelay $0x1  }
0x6d1: {  	v57 =	vadd.s32 v31, v39;
	_ =	sdelay $0x2  }
0x6d2: {  	v41 =	vmul.f32 v41, v40;
	_ =	sdelay $0x1  }
0x6d3: {  	[tilespmem:v57+s1+$0x0] =	vst.idx.add.f32.msk $0xffff, v41  }
0x6d4: {  	v41 =	vld [tilespmem:s3+$0x7C10];
	_ =	sdelay $0x1  }
0x6d5: {  	v58 =	vadd.s32 v32, v39;
	_ =	sdelay $0x2  }
0x6d6: {  	v41 =	vmul.f32 v41, v40;
	_ =	sdelay $0x1  }
0x6d7: {  	[tilespmem:v58+s1+$0x0] =	vst.idx.add.f32.msk $0xffff, v41  }
0x6d8: {  	v41 =	vld [tilespmem:s3+$0x7C20];
	_ =	sdelay $0x1  }
0x6d9: {  	v59 =	vadd.s32 v33, v39;
	_ =	sdelay $0x2  }
0x6da: {  	v41 =	vmul.f32 v41, v40;
	_ =	sdelay $0x1  }
0x6db: {  	[tilespmem:v59+s1+$0x0] =	vst.idx.add.f32.msk $0xffff, v41  }
0x6dc: {  	v41 =	vld [tilespmem:s3+$0x7C30];
	_ =	sdelay $0x1  }
0x6dd: {  	v60 =	vadd.s32 v34, v39;
	_ =	sdelay $0x2  }
0x6de: {  	v41 =	vmul.f32 v41, v40;
	_ =	sdelay $0x1  }
0x6df: {  	[tilespmem:v60+s1+$0x0] =	vst.idx.add.f32.msk $0xffff, v41  }
0x6e0: {  	v41 =	vld [tilespmem:s3+$0x7C40];
	_ =	sdelay $0x1  }
0x6e1: {  	v61 =	vadd.s32 v35, v39;
	_ =	sdelay $0x2  }
0x6e2: {  	v41 =	vmul.f32 v41, v40;
	_ =	sdelay $0x1  }
0x6e3: {  	[tilespmem:v61+s1+$0x0] =	vst.idx.add.f32.msk $0xffff, v41  }
0x6e4: {  	v41 =	vld [tilespmem:s3+$0x7C50];
	_ =	sdelay $0x1  }
0x6e5: {  	v62 =	vadd.s32 v36, v39;
	_ =	sdelay $0x2  }
0x6e6: {  	v41 =	vmul.f32 v41, v40;
	_ =	sdelay $0x1  }
0x6e7: {  	[tilespmem:v62+s1+$0x0] =	vst.idx.add.f32.msk $0xffff, v41  }
0x6e8: {  	v41 =	vld [tilespmem:s3+$0x7C60];
	_ =	sdelay $0x1  }
0x6e9: {  	v63 =	vadd.s32 v37, v39;
	_ =	sdelay $0x2  }
0x6ea: {  	v41 =	vmul.f32 v41, v40;
	_ =	sdelay $0x1  }
0x6eb: {  	[tilespmem:v63+s1+$0x0] =	vst.idx.add.f32.msk $0xffff, v41  }
0x6ec: {  	v41 =	vld [tilespmem:s3+$0x7C70];
	_ =	sdelay $0x1  }
0x6ed: {  	v39 =	vadd.s32 v38, v39;
	_ =	sdelay $0x1  }
0x6ee: {  	s0 =	sadd.s32 $0x3, s15  }
0x6ef: {  	p0 =	sge.s32 s0, s9;
	v40 =	vmul.f32 v41, v40  }
0x6f0: {  	s0 =	sshll.u32 @!p0 s0, $0x6  }
0x6f1: {  	s0 =	sshra.s32 @!p0 s0, $0x2;
	[tilespmem:v39+s1+$0x0] =	vst.idx.add.f32.msk $0xffff, v40  }
0x6f2: {  	v39 =	vld @!p0 [tilespmem:s0+$0x2E00];
	_ =	sdelay $0x4  }
0x6f3: {  	v40 =	vshrl.u32 @!p0 v39, $0x3  }
0x6f4: {  	v40 =	vmul.u32 @!p0 $0x28, v40  }
0x6f5: {  	v41 =	vlaneseq.u32 @!p0;
	v39 =	vand.u32 @!p0 $0x7, v39  }
0x6f6: {  	v42 =	vshrl.u32 @!p0 v41, $0x3;
	v39 =	vor.u32 @!p0 v39, v40;
	v40 =	vand.u32 @!p0 $0x7, v41  }
0x6f7: {  	v42 =	vmul.u32 @!p0 $0x8, v42;
	v40 =	vperm.xlane @!p0 v39, v40;
	_ =	sdelay $0x1  }
0x6f8: {  	v40 =	vadd.s32 @!p0 v42, v40;
	_ =	sdelay $0x2  }
0x6f9: {  	v41 =	vor.u32 @!p0 $0x8, v41  }
0x6fa: {  	vm0 =	vmmov @!p0 $0xffff;
	s3 =	simm.s32 @!p0 $0x7000;
	s0 =	simm.s32 @!p0 $0x0;
	v39 =	vperm.xlane @!p0 v39, v41  }
0x6fb: {  	[tilespmem:s3], [sflag:$0x2] =	stream.indirect_vreg.gather @!p0 [hbm4b:s8+s0], $0x80, v40, vm0, $0xb8;
	[tilespmem:$0x1FC80] =	vst v63  }
0x6fc: {  	v39 =	vadd.s32 @!p0 v42, v39;
	s3 =	simm.s32 @!p0 $0x7800  }
0x6fd: {  	[tilespmem:s3], [sflag:$0x2] =	stream.indirect_vreg.gather @!p0 [hbm4b:s16+s0], $0x80, v40, vm0, $0xb8;
	[tilespmem:$0x1FC80] =	vst v63  }
0x6fe: {  	vm1 =	vmmov @!p0 $0xff;
	s3 =	simm.s32 @!p0 $0x8000  }
0x6ff: {  	[tilespmem:s3], [sflag:$0x2] =	stream.indirect_vreg.gather @!p0 [hbm4b:s17+s0], $0x80, v40, vm1, $0xb8;
	[tilespmem:$0x1FC80] =	vst v63  }
0x700: {  	s3 =	simm.s32 @!p0 $0x8400  }
0x701: {  	[tilespmem:s3], [sflag:$0x2] =	stream.indirect_vreg.gather @!p0 [hbm4b:s8+s0], $0x80, v39, vm0, $0xb8;
	[tilespmem:$0x1FC80] =	vst v63  }
.Ltmp23:
0x702: {  	_ = 	snop;
	(pc) =	sbr.rel .LBB2_27-.Ltmp23, $4  }
0x703: {  	s3 =	simm.s32 @!p0 $0x8C00  }
0x704: {  	[tilespmem:s3], [sflag:$0x2] =	stream.indirect_vreg.gather @!p0 [hbm4b:s16+s0], $0x80, v39, vm0, $0xb8;
	[tilespmem:$0x1FC80] =	vst v63  }
0x705: {  	s3 =	simm.s32 @!p0 $0x9400  }
0x706: {  	[tilespmem:s3], [sflag:$0x2] =	stream.indirect_vreg.gather @!p0 [hbm4b:s17+s0], $0x80, v39, vm1, $0xb8;
	[tilespmem:$0x1FC80] =	vst v63  }
.LBB2_36:
0x707: {  	_ =	sfence.sel $0x180000  }
0x708: {  	[bflag:$0x0] =	sbarrier.arrive $0xFFFF  }
0x709: {  	_ =	strace $0x90000047  }
0x70a: {  	s0 =	stileid.u32;
	[bflag:$0x2] =	sbarrier.arrive $0xFFFF  }
0x70b: {  	p0 =	sne.s32 s0, $0x0;
	s0 =	rddreg [dreg:$0x5]  }
0x70c: {  	s0 =	sadd.s32 @!p0 $0x100000, s0  }
0x70d: {  	[sflag:s0] =	ssyncadd.tile.s32 @!p0 $0x1;
	_ =	shalt  }
.Lfunc_end2:
_tile_overlayer_lowered:
.L_overlay_start_2:
0x70e: {  	(tag) =	ssettag $0x2  }
0x70f: {  	s0 =	rddreg [dreg:$0x0];
	s2 =	stileid.u32  }
0x710: {  	s1 =	rddreg [dreg:$0x1];
	p0 =	sne.s32 s2, $0x0  }
0x711: {  	s3 =	rddreg [dreg:$0x2];
	[bflag:$0x3] =	sbarrier.arrive $0xFFFF;
	s2 =	simm.s32 @!p0 $0x1C03  }
0x712: {  	[timem:s3], [sflag:s2] =	dma.local @!p0 [hbm:s0], s1  }
0x713: {  	s0 =	simm.s32 @!p0 $0x3  }
0x714: {  	_ =	swait.ge @!p0 [sflag:s0], s1  }
0x715: {  	s1 =	ssub.s32 @!p0 $0x0, s1;
	[sflag:s0] =	ssyncset.done @!p0 $0x0  }
0x716: {  	[sflag:s0] =	ssyncadd.s32 @!p0 s1  }
0x717: {  	[bflag:$0x3] =	sbarrier.arrive $0xFFFF  }
0x718: {  	_ =	shalt  }

</sc_bundles>
